<compile_context>
chip_gen: v7x
topology: tpu7x:2x2x1
jax: 0.10.2.dev20260603
libtpu: 0.0.44.dev20260713+nightly
codegen_flags: <defaults>
</compile_context>

<pallas_src>
import functools

import jax
import jax.numpy as jnp
from jax import lax
from jax.experimental import pallas as pl
from jax.experimental.pallas import tpu as pltpu
from jax.experimental.pallas import tpu_sc as plsc

_DEL = 16
_B = 16384
_NLANE = 1000000
_NTILE = 16
_BPT = _B // _NTILE
_NB = 32
_TAIL0 = (_NLANE // 128) * 128
_LAST_FULL_TC = _NLANE // 128 - 1


def _gather_sigmoid(idx, embeddings):
  mesh = plsc.VectorSubcoreMesh(core_axis_name="c", subcore_axis_name="s")

  @functools.partial(
      pl.kernel,
      out_type=jax.ShapeDtypeStruct((_DEL * _B,), jnp.float32),
      mesh=mesh,
      compiler_params=pltpu.CompilerParams(needs_layout_passes=False),
      scratch_types=[
          pltpu.VMEM((_BPT,), jnp.int32),
          pltpu.VMEM((_NB + 1, 8, 128), jnp.float32),
          pltpu.VMEM((8, _BPT), jnp.float32),
          pltpu.SemaphoreType.DMA,
      ],
  )
  def k(t3_hbm, tail_hbm, idx_hbm, out_hbm, idx_v, ring_v, vals_v, sem):
    c = lax.axis_index("c")
    s = lax.axis_index("s")
    base = s * _BPT
    pltpu.sync_copy(idx_hbm.at[pl.ds(base, _BPT)], idx_v)
    pltpu.sync_copy(tail_hbm.at[c], ring_v.at[_NB])

    js16 = lax.iota(jnp.int32, 16) & 7

    def group_vectors(g_start, slot_base):
      i16 = idx_v[pl.ds(g_start, 16)]
      tail = i16 >= _TAIL0
      tc = jnp.minimum(lax.shift_right_logical(i16, 7), _LAST_FULL_TC)
      off16 = tc * 128
      lane16 = jnp.where(tail, i16 - _TAIL0, i16 - off16)
      slotsel16 = jnp.where(tail, _NB, lax.iota(jnp.int32, 16) + slot_base)
      return off16, lane16, slotsel16

    def fire(off16, b, slot):
      off = pl.multiple_of(off16[b], 128)
      pltpu.async_copy(
          t3_hbm.at[c, :, pl.ds(off, 128)], ring_v.at[slot], sem
      )

    def extract(kpos, lane16, slotsel16, b):
      lane = lane16[b]
      slot_sel = slotsel16[b]
      x = plsc.load_gather(
          ring_v,
          [
              jnp.broadcast_to(slot_sel, (16,)),
              js16,
              jnp.broadcast_to(lane, (16,)),
          ],
      )
      y = 1.0 / (1.0 + jnp.exp(-x))
      plsc.store_scatter(
          vals_v, [js16, jnp.broadcast_to(kpos, (16,))], y
      )

    nh = 2
    gs = tuple(group_vectors(16 * h, 16 * h) for h in range(nh))
    for h in range(nh):
      for b in range(16):
        fire(gs[h][0], b, 16 * h + b)

    npairs = _BPT // (16 * nh)

    def body(g, carry):
      nxt0 = jnp.minimum((g + 1) * 16 * nh, _BPT - 16 * nh)
      nxts = tuple(group_vectors(nxt0 + 16 * h, 16 * h) for h in range(nh))
      more = g + 1 < npairs
      for half in range(nh):
        cur = carry[half]
        nxt = nxts[half]
        for b in range(16):
          kpos = g * 16 * nh + half * 16 + b
          slot = half * 16 + b
          pltpu.make_async_copy(
              t3_hbm.at[c, :, pl.ds(0, 128)], ring_v.at[slot], sem
          ).wait()
          extract(kpos, cur[1], cur[2], b)

          @pl.when(more)
          def _():
            fire(nxt[0], b, slot)

      return nxts

    lax.fori_loop(0, npairs, body, gs)

    for js in range(8):
      pltpu.sync_copy(
          vals_v.at[js],
          out_hbm.at[pl.ds((c * 8 + js) * _B + base, _BPT)],
      )

  tail = jnp.pad(embeddings[_TAIL0:], ((0, 128 - (_NLANE - _TAIL0)), (0, 0)))
  return k(embeddings.T.reshape(2, 8, _NLANE), tail.T.reshape(2, 8, 128), idx)


def kernel(idx, embeddings):
  out1d = _gather_sigmoid(idx, embeddings)
  return jnp.transpose(out1d.reshape(_DEL, 1, _B), (2, 0, 1))

# --- scband reference (transcript-rebuilt; emitter-appended) ---
"""Pipeline reference for scband-generator-states-49469433315865 (READ-ONLY COPY).

The authoritative reference and input builder live on the scoring server;
editing this copy changes nothing except your own understanding.
"""

import jax, jax.numpy as jnp
import numpy as np

DAT_NUM = 1000000
DEL_NUM = 16
BATCH = 16384

def setup_inputs(seed: int = 0) -> dict:
    key = jax.random.key(seed)
    k_idx, k_emb = jax.random.split(key)
    idx = jax.random.randint(k_idx, (BATCH,), 0, DAT_NUM, dtype=jnp.int64 if jax.config.jax_enable_x64 else jnp.int32).astype(jnp.int32)
    # nn.Embedding default init: N(0, 1)
    embeddings = jax.random.normal(k_emb, (DAT_NUM, DEL_NUM), dtype=jnp.float32)
    return {"idx": idx, "embeddings": embeddings}

def reference(idx, embeddings):
    # pos_probs = sigmoid(embedding(idx).unsqueeze(2))
    emb = jnp.take(embeddings, idx, axis=0)           # [B, del_num]
    pos_probs = jax.nn.sigmoid(emb)[:, :, None]       # [B, del_num, 1]
    return pos_probs

if __name__ == "__main__":
    import jax
    _d = setup_inputs()
    print(jax.jit(kernel)(*tuple(_d.values())))

</pallas_src>

<mosaic_0001>
#map = affine_map<(d0, d1) -> (0, 0, 0)>
#map1 = affine_map<(d0, d1) -> (0)>
module attributes {stable_mosaic.version = 14 : i64} {
  func.func @k(%arg0: i32, %arg1: i32, %arg2: memref<2x8x1000000xf32, #tpu.memory_space<hbm>>, %arg3: memref<2x8x128xf32, #tpu.memory_space<hbm>>, %arg4: memref<16384xi32, #tpu.memory_space<hbm>>, %arg5: memref<262144xf32, #tpu.memory_space<hbm>>, %arg6: memref<1024xi32, #tpu.memory_space<vmem>>, %arg7: memref<33x8x128xf32, #tpu.memory_space<vmem>>, %arg8: memref<8x1024xf32, #tpu.memory_space<vmem>>, %arg9: memref<!tpu.dma_semaphore, #tpu.memory_space<semaphore_mem>>) attributes {dimension_semantics = [#tpu.dimension_semantics<core_parallel>, #tpu.dimension_semantics<subcore_parallel>], iteration_bounds = array<i64: 2, 16>, scalar_prefetch = 0 : i64, scratch_operands = 4 : i64, tpu.core_type = #tpu.core_type<sc_vector_subcore>, window_params = [{transform_indices = #map}, {transform_indices = #map}, {transform_indices = #map1}, {transform_indices = #map1}]} {
    %mul3A = arith.constant 1024 : i32
    %mul3A_0 = arith.muli %arg1, %mul3A : i32
    "tpu.region"() ({
      %run_scoped3A_687 = tpu.sem_alloc : memref<!tpu.dma_semaphore, #tpu.memory_space<semaphore_mem>>
      %dma_start3A_688 = tpu.memref_slice %arg4[%mul3A_0] : memref<16384xi32, #tpu.memory_space<hbm>> -> memref<1024xi32, #tpu.memory_space<hbm>>
      %dma_start3A_689 = tpu.memref_slice %arg4[%mul3A_0] : memref<16384xi32, #tpu.memory_space<hbm>> -> memref<1024xi32, #tpu.memory_space<hbm>>
      tpu.enqueue_dma source(%dma_start3A_689 : memref<1024xi32, #tpu.memory_space<hbm>>) target(%arg6 : memref<1024xi32, #tpu.memory_space<vmem>>) target_semaphore(%run_scoped3A_687 : memref<!tpu.dma_semaphore, #tpu.memory_space<semaphore_mem>>)
      %dma_wait3A = tpu.memref_slice %arg4[%mul3A_0] : memref<16384xi32, #tpu.memory_space<hbm>> -> memref<1024xi32, #tpu.memory_space<hbm>>
      %dma_wait3A_690 = tpu.memref_slice %arg4[%mul3A_0] : memref<16384xi32, #tpu.memory_space<hbm>> -> memref<1024xi32, #tpu.memory_space<hbm>>
      tpu.wait_dma2 semaphore(%run_scoped3A_687 : memref<!tpu.dma_semaphore, #tpu.memory_space<semaphore_mem>>) src(%dma_wait3A_690 : memref<1024xi32, #tpu.memory_space<hbm>>) dst(%arg6 : memref<1024xi32, #tpu.memory_space<vmem>>)
      tpu.yield
    }) : () -> ()
    %run_scoped3A = arith.constant 32 : i32
    "tpu.region"() ({
      %run_scoped3A_687 = tpu.sem_alloc : memref<!tpu.dma_semaphore, #tpu.memory_space<semaphore_mem>>
      %dma_start3A_688 = arith.constant 0 : i32
      %dma_start3A_689 = arith.constant 0 : i32
      %dma_start3A_690 = tpu.memref_slice %arg7[%run_scoped3A, %dma_start3A_688, %dma_start3A_689] : memref<33x8x128xf32, #tpu.memory_space<vmem>> -> memref<1x8x128xf32, #tpu.memory_space<vmem>>
      %dma_start3A_691 = tpu.memref_squeeze %dma_start3A_690 : memref<1x8x128xf32, #tpu.memory_space<vmem>> -> memref<8x128xf32, #tpu.memory_space<vmem>>
      %dma_start3A_692 = arith.constant 0 : i32
      %dma_start3A_693 = arith.constant 0 : i32
      %dma_start3A_694 = tpu.memref_slice %arg3[%arg0, %dma_start3A_692, %dma_start3A_693] : memref<2x8x128xf32, #tpu.memory_space<hbm>> -> memref<1x8x128xf32, #tpu.memory_space<hbm>>
      %dma_start3A_695 = tpu.memref_squeeze %dma_start3A_694 : memref<1x8x128xf32, #tpu.memory_space<hbm>> -> memref<8x128xf32, #tpu.memory_space<hbm>>
      %dma_start3A_696 = arith.constant 0 : i32
      %dma_start3A_697 = arith.constant 0 : i32
      %dma_start3A_698 = tpu.memref_slice %arg7[%run_scoped3A, %dma_start3A_696, %dma_start3A_697] : memref<33x8x128xf32, #tpu.memory_space<vmem>> -> memref<1x8x128xf32, #tpu.memory_space<vmem>>
      %dma_start3A_699 = tpu.memref_squeeze %dma_start3A_698 : memref<1x8x128xf32, #tpu.memory_space<vmem>> -> memref<8x128xf32, #tpu.memory_space<vmem>>
      %dma_start3A_700 = arith.constant 0 : i32
      %dma_start3A_701 = arith.constant 0 : i32
      %dma_start3A_702 = tpu.memref_slice %arg3[%arg0, %dma_start3A_700, %dma_start3A_701] : memref<2x8x128xf32, #tpu.memory_space<hbm>> -> memref<1x8x128xf32, #tpu.memory_space<hbm>>
      %dma_start3A_703 = tpu.memref_squeeze %dma_start3A_702 : memref<1x8x128xf32, #tpu.memory_space<hbm>> -> memref<8x128xf32, #tpu.memory_space<hbm>>
      tpu.enqueue_dma source(%dma_start3A_703 : memref<8x128xf32, #tpu.memory_space<hbm>>) target(%dma_start3A_699 : memref<8x128xf32, #tpu.memory_space<vmem>>) target_semaphore(%run_scoped3A_687 : memref<!tpu.dma_semaphore, #tpu.memory_space<semaphore_mem>>)
      %dma_wait3A = arith.constant 0 : i32
      %dma_wait3A_704 = arith.constant 0 : i32
      %dma_wait3A_705 = tpu.memref_slice %arg7[%run_scoped3A, %dma_wait3A, %dma_wait3A_704] : memref<33x8x128xf32, #tpu.memory_space<vmem>> -> memref<1x8x128xf32, #tpu.memory_space<vmem>>
      %dma_wait3A_706 = tpu.memref_squeeze %dma_wait3A_705 : memref<1x8x128xf32, #tpu.memory_space<vmem>> -> memref<8x128xf32, #tpu.memory_space<vmem>>
      %dma_wait3A_707 = arith.constant 0 : i32
      %dma_wait3A_708 = arith.constant 0 : i32
      %dma_wait3A_709 = tpu.memref_slice %arg3[%arg0, %dma_wait3A_707, %dma_wait3A_708] : memref<2x8x128xf32, #tpu.memory_space<hbm>> -> memref<1x8x128xf32, #tpu.memory_space<hbm>>
      %dma_wait3A_710 = tpu.memref_squeeze %dma_wait3A_709 : memref<1x8x128xf32, #tpu.memory_space<hbm>> -> memref<8x128xf32, #tpu.memory_space<hbm>>
      %dma_wait3A_711 = arith.constant 0 : i32
      %dma_wait3A_712 = arith.constant 0 : i32
      %dma_wait3A_713 = tpu.memref_slice %arg7[%run_scoped3A, %dma_wait3A_711, %dma_wait3A_712] : memref<33x8x128xf32, #tpu.memory_space<vmem>> -> memref<1x8x128xf32, #tpu.memory_space<vmem>>
      %dma_wait3A_714 = tpu.memref_squeeze %dma_wait3A_713 : memref<1x8x128xf32, #tpu.memory_space<vmem>> -> memref<8x128xf32, #tpu.memory_space<vmem>>
      %dma_wait3A_715 = arith.constant 0 : i32
      %dma_wait3A_716 = arith.constant 0 : i32
      %dma_wait3A_717 = tpu.memref_slice %arg3[%arg0, %dma_wait3A_715, %dma_wait3A_716] : memref<2x8x128xf32, #tpu.memory_space<hbm>> -> memref<1x8x128xf32, #tpu.memory_space<hbm>>
      %dma_wait3A_718 = tpu.memref_squeeze %dma_wait3A_717 : memref<1x8x128xf32, #tpu.memory_space<hbm>> -> memref<8x128xf32, #tpu.memory_space<hbm>>
      tpu.wait_dma2 semaphore(%run_scoped3A_687 : memref<!tpu.dma_semaphore, #tpu.memory_space<semaphore_mem>>) src(%dma_wait3A_718 : memref<8x128xf32, #tpu.memory_space<hbm>>) dst(%dma_wait3A_714 : memref<8x128xf32, #tpu.memory_space<vmem>>)
      tpu.yield
    }) : () -> ()
    %iota3A = tpu.iota {dimensions = array<i32: 0>} : vector<16xi32>
    %and3A = arith.constant 7 : i32
    %and3A_1 = vector.broadcast %and3A : i32 to vector<16xi32>
    %and3A_2 = arith.andi %iota3A, %and3A_1 : vector<16xi32>
    %get3A = arith.constant 0 : index
    %get3A_3 = tpu.vector_load %arg6[%get3A] {strides = array<i32>} : memref<1024xi32, #tpu.memory_space<vmem>>, vector<16xi32>,
    %ge3A = arith.constant 999936 : i32
    %ge3A_4 = vector.broadcast %ge3A : i32 to vector<16xi32>
    %ge3A_5 = arith.cmpi sge, %get3A_3, %ge3A_4 : vector<16xi32>
    %shift_right_logical3A = arith.constant 7 : i32
    %shift_right_logical3A_6 = vector.broadcast %shift_right_logical3A : i32 to vector<16xi32>
    %shift_right_logical3A_7 = arith.shrui %get3A_3, %shift_right_logical3A_6 : vector<16xi32>
    %min3A = arith.constant 7811 : i32
    %min3A_8 = vector.broadcast %min3A : i32 to vector<16xi32>
    %min3A_9 = arith.minsi %shift_right_logical3A_7, %min3A_8 : vector<16xi32>
    %mul3A_10 = arith.constant 128 : i32
    %mul3A_11 = vector.broadcast %mul3A_10 : i32 to vector<16xi32>
    %mul3A_12 = arith.muli %min3A_9, %mul3A_11 : vector<16xi32>
    %sub3A = arith.constant 999936 : i32
    %sub3A_13 = vector.broadcast %sub3A : i32 to vector<16xi32>
    %sub3A_14 = arith.subi %get3A_3, %sub3A_13 : vector<16xi32>
    %sub3A_15 = arith.subi %get3A_3, %mul3A_12 : vector<16xi32>
    %select_n3A = arith.select %ge3A_5, %sub3A_14, %sub3A_15 : vector<16xi1>, vector<16xi32>
    %iota3A_16 = tpu.iota {dimensions = array<i32: 0>} : vector<16xi32>
    %add3A = arith.constant 0 : i32
    %add3A_17 = vector.broadcast %add3A : i32 to vector<16xi32>
    %add3A_18 = arith.addi %iota3A_16, %add3A_17 : vector<16xi32>
    %jit3A = arith.constant 32 : i32
    %broadcast_in_dim3A = vector.broadcast %jit3A : i32 to vector<16xi32>
    %select_n3A_19 = arith.select %ge3A_5, %broadcast_in_dim3A, %add3A_18 : vector<16xi1>, vector<16xi32>
    %get3A_20 = arith.constant 16 : index
    %get3A_21 = tpu.vector_load %arg6[%get3A_20] {strides = array<i32>} : memref<1024xi32, #tpu.memory_space<vmem>>, vector<16xi32>,
    %ge3A_22 = arith.constant 999936 : i32
    %ge3A_23 = vector.broadcast %ge3A_22 : i32 to vector<16xi32>
    %ge3A_24 = arith.cmpi sge, %get3A_21, %ge3A_23 : vector<16xi32>
    %shift_right_logical3A_25 = arith.constant 7 : i32
    %shift_right_logical3A_26 = vector.broadcast %shift_right_logical3A_25 : i32 to vector<16xi32>
    %shift_right_logical3A_27 = arith.shrui %get3A_21, %shift_right_logical3A_26 : vector<16xi32>
    %min3A_28 = arith.constant 7811 : i32
    %min3A_29 = vector.broadcast %min3A_28 : i32 to vector<16xi32>
    %min3A_30 = arith.minsi %shift_right_logical3A_27, %min3A_29 : vector<16xi32>
    %mul3A_31 = arith.constant 128 : i32
    %mul3A_32 = vector.broadcast %mul3A_31 : i32 to vector<16xi32>
    %mul3A_33 = arith.muli %min3A_30, %mul3A_32 : vector<16xi32>
    %sub3A_34 = arith.constant 999936 : i32
    %sub3A_35 = vector.broadcast %sub3A_34 : i32 to vector<16xi32>
    %sub3A_36 = arith.subi %get3A_21, %sub3A_35 : vector<16xi32>
    %sub3A_37 = arith.subi %get3A_21, %mul3A_33 : vector<16xi32>
    %select_n3A_38 = arith.select %ge3A_24, %sub3A_36, %sub3A_37 : vector<16xi1>, vector<16xi32>
    %iota3A_39 = tpu.iota {dimensions = array<i32: 0>} : vector<16xi32>
    %add3A_40 = arith.constant 16 : i32
    %add3A_41 = vector.broadcast %add3A_40 : i32 to vector<16xi32>
    %add3A_42 = arith.addi %iota3A_39, %add3A_41 : vector<16xi32>
    %jit3A_43 = arith.constant 32 : i32
    %broadcast_in_dim3A_44 = vector.broadcast %jit3A_43 : i32 to vector<16xi32>
    %select_n3A_45 = arith.select %ge3A_24, %broadcast_in_dim3A_44, %add3A_42 : vector<16xi1>, vector<16xi32>
    %slice3A = vector.extract_strided_slice %mul3A_12 {offsets = [0], sizes = [1], strides = [1]} : vector<16xi32> to vector<1xi32>
    %squeeze3A = vector.extract %slice3A[0] : i32 from vector<1xi32>
    %multiple_of3A = tpu.assume_multiple %squeeze3A, 128 : i32
    %dma_start3A = arith.constant 0 : i32
    %dma_start3A_46 = arith.constant 0 : i32
    %dma_start3A_47 = arith.constant 0 : i32
    %dma_start3A_48 = tpu.memref_slice %arg7[%dma_start3A, %dma_start3A_46, %dma_start3A_47] : memref<33x8x128xf32, #tpu.memory_space<vmem>> -> memref<1x8x128xf32, #tpu.memory_space<vmem>>
    %dma_start3A_49 = tpu.memref_squeeze %dma_start3A_48 : memref<1x8x128xf32, #tpu.memory_space<vmem>> -> memref<8x128xf32, #tpu.memory_space<vmem>>
    %dma_start3A_50 = arith.constant 0 : i32
    %dma_start3A_51 = tpu.memref_slice %arg2[%arg0, %dma_start3A_50, %multiple_of3A] : memref<2x8x1000000xf32, #tpu.memory_space<hbm>> -> memref<1x8x128xf32, #tpu.memory_space<hbm>>
    %dma_start3A_52 = tpu.memref_squeeze %dma_start3A_51 : memref<1x8x128xf32, #tpu.memory_space<hbm>> -> memref<8x128xf32, #tpu.memory_space<hbm>>
    %dma_start3A_53 = arith.constant 0 : i32
    %dma_start3A_54 = arith.constant 0 : i32
    %dma_start3A_55 = tpu.memref_slice %arg7[%dma_start3A, %dma_start3A_53, %dma_start3A_54] : memref<33x8x128xf32, #tpu.memory_space<vmem>> -> memref<1x8x128xf32, #tpu.memory_space<vmem>>
    %dma_start3A_56 = tpu.memref_squeeze %dma_start3A_55 : memref<1x8x128xf32, #tpu.memory_space<vmem>> -> memref<8x128xf32, #tpu.memory_space<vmem>>
    %dma_start3A_57 = arith.constant 0 : i32
    %dma_start3A_58 = tpu.memref_slice %arg2[%arg0, %dma_start3A_57, %multiple_of3A] : memref<2x8x1000000xf32, #tpu.memory_space<hbm>> -> memref<1x8x128xf32, #tpu.memory_space<hbm>>
    %dma_start3A_59 = tpu.memref_squeeze %dma_start3A_58 : memref<1x8x128xf32, #tpu.memory_space<hbm>> -> memref<8x128xf32, #tpu.memory_space<hbm>>
    tpu.enqueue_dma source(%dma_start3A_59 : memref<8x128xf32, #tpu.memory_space<hbm>>) target(%dma_start3A_56 : memref<8x128xf32, #tpu.memory_space<vmem>>) target_semaphore(%arg9 : memref<!tpu.dma_semaphore, #tpu.memory_space<semaphore_mem>>)
    %slice3A_60 = vector.extract_strided_slice %mul3A_12 {offsets = [1], sizes = [1], strides = [1]} : vector<16xi32> to vector<1xi32>
    %squeeze3A_61 = vector.extract %slice3A_60[0] : i32 from vector<1xi32>
    %multiple_of3A_62 = tpu.assume_multiple %squeeze3A_61, 128 : i32
    %dma_start3A_63 = arith.constant 1 : i32
    %dma_start3A_64 = arith.constant 0 : i32
    %dma_start3A_65 = arith.constant 0 : i32
    %dma_start3A_66 = tpu.memref_slice %arg7[%dma_start3A_63, %dma_start3A_64, %dma_start3A_65] : memref<33x8x128xf32, #tpu.memory_space<vmem>> -> memref<1x8x128xf32, #tpu.memory_space<vmem>>
    %dma_start3A_67 = tpu.memref_squeeze %dma_start3A_66 : memref<1x8x128xf32, #tpu.memory_space<vmem>> -> memref<8x128xf32, #tpu.memory_space<vmem>>
    %dma_start3A_68 = arith.constant 0 : i32
    %dma_start3A_69 = tpu.memref_slice %arg2[%arg0, %dma_start3A_68, %multiple_of3A_62] : memref<2x8x1000000xf32, #tpu.memory_space<hbm>> -> memref<1x8x128xf32, #tpu.memory_space<hbm>>
    %dma_start3A_70 = tpu.memref_squeeze %dma_start3A_69 : memref<1x8x128xf32, #tpu.memory_space<hbm>> -> memref<8x128xf32, #tpu.memory_space<hbm>>
    %dma_start3A_71 = arith.constant 0 : i32
    %dma_start3A_72 = arith.constant 0 : i32
    %dma_start3A_73 = tpu.memref_slice %arg7[%dma_start3A_63, %dma_start3A_71, %dma_start3A_72] : memref<33x8x128xf32, #tpu.memory_space<vmem>> -> memref<1x8x128xf32, #tpu.memory_space<vmem>>
    %dma_start3A_74 = tpu.memref_squeeze %dma_start3A_73 : memref<1x8x128xf32, #tpu.memory_space<vmem>> -> memref<8x128xf32, #tpu.memory_space<vmem>>
    %dma_start3A_75 = arith.constant 0 : i32
    %dma_start3A_76 = tpu.memref_slice %arg2[%arg0, %dma_start3A_75, %multiple_of3A_62] : memref<2x8x1000000xf32, #tpu.memory_space<hbm>> -> memref<1x8x128xf32, #tpu.memory_space<hbm>>
    %dma_start3A_77 = tpu.memref_squeeze %dma_start3A_76 : memref<1x8x128xf32, #tpu.memory_space<hbm>> -> memref<8x128xf32, #tpu.memory_space<hbm>>
    tpu.enqueue_dma source(%dma_start3A_77 : memref<8x128xf32, #tpu.memory_space<hbm>>) target(%dma_start3A_74 : memref<8x128xf32, #tpu.memory_space<vmem>>) target_semaphore(%arg9 : memref<!tpu.dma_semaphore, #tpu.memory_space<semaphore_mem>>)
    %slice3A_78 = vector.extract_strided_slice %mul3A_12 {offsets = [2], sizes = [1], strides = [1]} : vector<16xi32> to vector<1xi32>
    %squeeze3A_79 = vector.extract %slice3A_78[0] : i32 from vector<1xi32>
    %multiple_of3A_80 = tpu.assume_multiple %squeeze3A_79, 128 : i32
    %dma_start3A_81 = arith.constant 2 : i32
    %dma_start3A_82 = arith.constant 0 : i32
    %dma_start3A_83 = arith.constant 0 : i32
    %dma_start3A_84 = tpu.memref_slice %arg7[%dma_start3A_81, %dma_start3A_82, %dma_start3A_83] : memref<33x8x128xf32, #tpu.memory_space<vmem>> -> memref<1x8x128xf32, #tpu.memory_space<vmem>>
    %dma_start3A_85 = tpu.memref_squeeze %dma_start3A_84 : memref<1x8x128xf32, #tpu.memory_space<vmem>> -> memref<8x128xf32, #tpu.memory_space<vmem>>
    %dma_start3A_86 = arith.constant 0 : i32
    %dma_start3A_87 = tpu.memref_slice %arg2[%arg0, %dma_start3A_86, %multiple_of3A_80] : memref<2x8x1000000xf32, #tpu.memory_space<hbm>> -> memref<1x8x128xf32, #tpu.memory_space<hbm>>
    %dma_start3A_88 = tpu.memref_squeeze %dma_start3A_87 : memref<1x8x128xf32, #tpu.memory_space<hbm>> -> memref<8x128xf32, #tpu.memory_space<hbm>>
    %dma_start3A_89 = arith.constant 0 : i32
    %dma_start3A_90 = arith.constant 0 : i32
    %dma_start3A_91 = tpu.memref_slice %arg7[%dma_start3A_81, %dma_start3A_89, %dma_start3A_90] : memref<33x8x128xf32, #tpu.memory_space<vmem>> -> memref<1x8x128xf32, #tpu.memory_space<vmem>>
    %dma_start3A_92 = tpu.memref_squeeze %dma_start3A_91 : memref<1x8x128xf32, #tpu.memory_space<vmem>> -> memref<8x128xf32, #tpu.memory_space<vmem>>
    %dma_start3A_93 = arith.constant 0 : i32
    %dma_start3A_94 = tpu.memref_slice %arg2[%arg0, %dma_start3A_93, %multiple_of3A_80] : memref<2x8x1000000xf32, #tpu.memory_space<hbm>> -> memref<1x8x128xf32, #tpu.memory_space<hbm>>
    %dma_start3A_95 = tpu.memref_squeeze %dma_start3A_94 : memref<1x8x128xf32, #tpu.memory_space<hbm>> -> memref<8x128xf32, #tpu.memory_space<hbm>>
    tpu.enqueue_dma source(%dma_start3A_95 : memref<8x128xf32, #tpu.memory_space<hbm>>) target(%dma_start3A_92 : memref<8x128xf32, #tpu.memory_space<vmem>>) target_semaphore(%arg9 : memref<!tpu.dma_semaphore, #tpu.memory_space<semaphore_mem>>)
    %slice3A_96 = vector.extract_strided_slice %mul3A_12 {offsets = [3], sizes = [1], strides = [1]} : vector<16xi32> to vector<1xi32>
    %squeeze3A_97 = vector.extract %slice3A_96[0] : i32 from vector<1xi32>
    %multiple_of3A_98 = tpu.assume_multiple %squeeze3A_97, 128 : i32
    %dma_start3A_99 = arith.constant 3 : i32
    %dma_start3A_100 = arith.constant 0 : i32
    %dma_start3A_101 = arith.constant 0 : i32
    %dma_start3A_102 = tpu.memref_slice %arg7[%dma_start3A_99, %dma_start3A_100, %dma_start3A_101] : memref<33x8x128xf32, #tpu.memory_space<vmem>> -> memref<1x8x128xf32, #tpu.memory_space<vmem>>
    %dma_start3A_103 = tpu.memref_squeeze %dma_start3A_102 : memref<1x8x128xf32, #tpu.memory_space<vmem>> -> memref<8x128xf32, #tpu.memory_space<vmem>>
    %dma_start3A_104 = arith.constant 0 : i32
    %dma_start3A_105 = tpu.memref_slice %arg2[%arg0, %dma_start3A_104, %multiple_of3A_98] : memref<2x8x1000000xf32, #tpu.memory_space<hbm>> -> memref<1x8x128xf32, #tpu.memory_space<hbm>>
    %dma_start3A_106 = tpu.memref_squeeze %dma_start3A_105 : memref<1x8x128xf32, #tpu.memory_space<hbm>> -> memref<8x128xf32, #tpu.memory_space<hbm>>
    %dma_start3A_107 = arith.constant 0 : i32
    %dma_start3A_108 = arith.constant 0 : i32
    %dma_start3A_109 = tpu.memref_slice %arg7[%dma_start3A_99, %dma_start3A_107, %dma_start3A_108] : memref<33x8x128xf32, #tpu.memory_space<vmem>> -> memref<1x8x128xf32, #tpu.memory_space<vmem>>
    %dma_start3A_110 = tpu.memref_squeeze %dma_start3A_109 : memref<1x8x128xf32, #tpu.memory_space<vmem>> -> memref<8x128xf32, #tpu.memory_space<vmem>>
    %dma_start3A_111 = arith.constant 0 : i32
    %dma_start3A_112 = tpu.memref_slice %arg2[%arg0, %dma_start3A_111, %multiple_of3A_98] : memref<2x8x1000000xf32, #tpu.memory_space<hbm>> -> memref<1x8x128xf32, #tpu.memory_space<hbm>>
    %dma_start3A_113 = tpu.memref_squeeze %dma_start3A_112 : memref<1x8x128xf32, #tpu.memory_space<hbm>> -> memref<8x128xf32, #tpu.memory_space<hbm>>
    tpu.enqueue_dma source(%dma_start3A_113 : memref<8x128xf32, #tpu.memory_space<hbm>>) target(%dma_start3A_110 : memref<8x128xf32, #tpu.memory_space<vmem>>) target_semaphore(%arg9 : memref<!tpu.dma_semaphore, #tpu.memory_space<semaphore_mem>>)
    %slice3A_114 = vector.extract_strided_slice %mul3A_12 {offsets = [4], sizes = [1], strides = [1]} : vector<16xi32> to vector<1xi32>
    %squeeze3A_115 = vector.extract %slice3A_114[0] : i32 from vector<1xi32>
    %multiple_of3A_116 = tpu.assume_multiple %squeeze3A_115, 128 : i32
    %dma_start3A_117 = arith.constant 4 : i32
    %dma_start3A_118 = arith.constant 0 : i32
    %dma_start3A_119 = arith.constant 0 : i32
    %dma_start3A_120 = tpu.memref_slice %arg7[%dma_start3A_117, %dma_start3A_118, %dma_start3A_119] : memref<33x8x128xf32, #tpu.memory_space<vmem>> -> memref<1x8x128xf32, #tpu.memory_space<vmem>>
    %dma_start3A_121 = tpu.memref_squeeze %dma_start3A_120 : memref<1x8x128xf32, #tpu.memory_space<vmem>> -> memref<8x128xf32, #tpu.memory_space<vmem>>
    %dma_start3A_122 = arith.constant 0 : i32
    %dma_start3A_123 = tpu.memref_slice %arg2[%arg0, %dma_start3A_122, %multiple_of3A_116] : memref<2x8x1000000xf32, #tpu.memory_space<hbm>> -> memref<1x8x128xf32, #tpu.memory_space<hbm>>
    %dma_start3A_124 = tpu.memref_squeeze %dma_start3A_123 : memref<1x8x128xf32, #tpu.memory_space<hbm>> -> memref<8x128xf32, #tpu.memory_space<hbm>>
    %dma_start3A_125 = arith.constant 0 : i32
    %dma_start3A_126 = arith.constant 0 : i32
    %dma_start3A_127 = tpu.memref_slice %arg7[%dma_start3A_117, %dma_start3A_125, %dma_start3A_126] : memref<33x8x128xf32, #tpu.memory_space<vmem>> -> memref<1x8x128xf32, #tpu.memory_space<vmem>>
    %dma_start3A_128 = tpu.memref_squeeze %dma_start3A_127 : memref<1x8x128xf32, #tpu.memory_space<vmem>> -> memref<8x128xf32, #tpu.memory_space<vmem>>
    %dma_start3A_129 = arith.constant 0 : i32
    %dma_start3A_130 = tpu.memref_slice %arg2[%arg0, %dma_start3A_129, %multiple_of3A_116] : memref<2x8x1000000xf32, #tpu.memory_space<hbm>> -> memref<1x8x128xf32, #tpu.memory_space<hbm>>
    %dma_start3A_131 = tpu.memref_squeeze %dma_start3A_130 : memref<1x8x128xf32, #tpu.memory_space<hbm>> -> memref<8x128xf32, #tpu.memory_space<hbm>>
    tpu.enqueue_dma source(%dma_start3A_131 : memref<8x128xf32, #tpu.memory_space<hbm>>) target(%dma_start3A_128 : memref<8x128xf32, #tpu.memory_space<vmem>>) target_semaphore(%arg9 : memref<!tpu.dma_semaphore, #tpu.memory_space<semaphore_mem>>)
    %slice3A_132 = vector.extract_strided_slice %mul3A_12 {offsets = [5], sizes = [1], strides = [1]} : vector<16xi32> to vector<1xi32>
    %squeeze3A_133 = vector.extract %slice3A_132[0] : i32 from vector<1xi32>
    %multiple_of3A_134 = tpu.assume_multiple %squeeze3A_133, 128 : i32
    %dma_start3A_135 = arith.constant 5 : i32
    %dma_start3A_136 = arith.constant 0 : i32
    %dma_start3A_137 = arith.constant 0 : i32
    %dma_start3A_138 = tpu.memref_slice %arg7[%dma_start3A_135, %dma_start3A_136, %dma_start3A_137] : memref<33x8x128xf32, #tpu.memory_space<vmem>> -> memref<1x8x128xf32, #tpu.memory_space<vmem>>
    %dma_start3A_139 = tpu.memref_squeeze %dma_start3A_138 : memref<1x8x128xf32, #tpu.memory_space<vmem>> -> memref<8x128xf32, #tpu.memory_space<vmem>>
    %dma_start3A_140 = arith.constant 0 : i32
    %dma_start3A_141 = tpu.memref_slice %arg2[%arg0, %dma_start3A_140, %multiple_of3A_134] : memref<2x8x1000000xf32, #tpu.memory_space<hbm>> -> memref<1x8x128xf32, #tpu.memory_space<hbm>>
    %dma_start3A_142 = tpu.memref_squeeze %dma_start3A_141 : memref<1x8x128xf32, #tpu.memory_space<hbm>> -> memref<8x128xf32, #tpu.memory_space<hbm>>
    %dma_start3A_143 = arith.constant 0 : i32
    %dma_start3A_144 = arith.constant 0 : i32
    %dma_start3A_145 = tpu.memref_slice %arg7[%dma_start3A_135, %dma_start3A_143, %dma_start3A_144] : memref<33x8x128xf32, #tpu.memory_space<vmem>> -> memref<1x8x128xf32, #tpu.memory_space<vmem>>
    %dma_start3A_146 = tpu.memref_squeeze %dma_start3A_145 : memref<1x8x128xf32, #tpu.memory_space<vmem>> -> memref<8x128xf32, #tpu.memory_space<vmem>>
    %dma_start3A_147 = arith.constant 0 : i32
    %dma_start3A_148 = tpu.memref_slice %arg2[%arg0, %dma_start3A_147, %multiple_of3A_134] : memref<2x8x1000000xf32, #tpu.memory_space<hbm>> -> memref<1x8x128xf32, #tpu.memory_space<hbm>>
    %dma_start3A_149 = tpu.memref_squeeze %dma_start3A_148 : memref<1x8x128xf32, #tpu.memory_space<hbm>> -> memref<8x128xf32, #tpu.memory_space<hbm>>
    tpu.enqueue_dma source(%dma_start3A_149 : memref<8x128xf32, #tpu.memory_space<hbm>>) target(%dma_start3A_146 : memref<8x128xf32, #tpu.memory_space<vmem>>) target_semaphore(%arg9 : memref<!tpu.dma_semaphore, #tpu.memory_space<semaphore_mem>>)
    %slice3A_150 = vector.extract_strided_slice %mul3A_12 {offsets = [6], sizes = [1], strides = [1]} : vector<16xi32> to vector<1xi32>
    %squeeze3A_151 = vector.extract %slice3A_150[0] : i32 from vector<1xi32>
    %multiple_of3A_152 = tpu.assume_multiple %squeeze3A_151, 128 : i32
    %dma_start3A_153 = arith.constant 6 : i32
    %dma_start3A_154 = arith.constant 0 : i32
    %dma_start3A_155 = arith.constant 0 : i32
    %dma_start3A_156 = tpu.memref_slice %arg7[%dma_start3A_153, %dma_start3A_154, %dma_start3A_155] : memref<33x8x128xf32, #tpu.memory_space<vmem>> -> memref<1x8x128xf32, #tpu.memory_space<vmem>>
    %dma_start3A_157 = tpu.memref_squeeze %dma_start3A_156 : memref<1x8x128xf32, #tpu.memory_space<vmem>> -> memref<8x128xf32, #tpu.memory_space<vmem>>
    %dma_start3A_158 = arith.constant 0 : i32
    %dma_start3A_159 = tpu.memref_slice %arg2[%arg0, %dma_start3A_158, %multiple_of3A_152] : memref<2x8x1000000xf32, #tpu.memory_space<hbm>> -> memref<1x8x128xf32, #tpu.memory_space<hbm>>
    %dma_start3A_160 = tpu.memref_squeeze %dma_start3A_159 : memref<1x8x128xf32, #tpu.memory_space<hbm>> -> memref<8x128xf32, #tpu.memory_space<hbm>>
    %dma_start3A_161 = arith.constant 0 : i32
    %dma_start3A_162 = arith.constant 0 : i32
    %dma_start3A_163 = tpu.memref_slice %arg7[%dma_start3A_153, %dma_start3A_161, %dma_start3A_162] : memref<33x8x128xf32, #tpu.memory_space<vmem>> -> memref<1x8x128xf32, #tpu.memory_space<vmem>>
    %dma_start3A_164 = tpu.memref_squeeze %dma_start3A_163 : memref<1x8x128xf32, #tpu.memory_space<vmem>> -> memref<8x128xf32, #tpu.memory_space<vmem>>
    %dma_start3A_165 = arith.constant 0 : i32
    %dma_start3A_166 = tpu.memref_slice %arg2[%arg0, %dma_start3A_165, %multiple_of3A_152] : memref<2x8x1000000xf32, #tpu.memory_space<hbm>> -> memref<1x8x128xf32, #tpu.memory_space<hbm>>
    %dma_start3A_167 = tpu.memref_squeeze %dma_start3A_166 : memref<1x8x128xf32, #tpu.memory_space<hbm>> -> memref<8x128xf32, #tpu.memory_space<hbm>>
    tpu.enqueue_dma source(%dma_start3A_167 : memref<8x128xf32, #tpu.memory_space<hbm>>) target(%dma_start3A_164 : memref<8x128xf32, #tpu.memory_space<vmem>>) target_semaphore(%arg9 : memref<!tpu.dma_semaphore, #tpu.memory_space<semaphore_mem>>)
    %slice3A_168 = vector.extract_strided_slice %mul3A_12 {offsets = [7], sizes = [1], strides = [1]} : vector<16xi32> to vector<1xi32>
    %squeeze3A_169 = vector.extract %slice3A_168[0] : i32 from vector<1xi32>
    %multiple_of3A_170 = tpu.assume_multiple %squeeze3A_169, 128 : i32
    %dma_start3A_171 = arith.constant 7 : i32
    %dma_start3A_172 = arith.constant 0 : i32
    %dma_start3A_173 = arith.constant 0 : i32
    %dma_start3A_174 = tpu.memref_slice %arg7[%dma_start3A_171, %dma_start3A_172, %dma_start3A_173] : memref<33x8x128xf32, #tpu.memory_space<vmem>> -> memref<1x8x128xf32, #tpu.memory_space<vmem>>
    %dma_start3A_175 = tpu.memref_squeeze %dma_start3A_174 : memref<1x8x128xf32, #tpu.memory_space<vmem>> -> memref<8x128xf32, #tpu.memory_space<vmem>>
    %dma_start3A_176 = arith.constant 0 : i32
    %dma_start3A_177 = tpu.memref_slice %arg2[%arg0, %dma_start3A_176, %multiple_of3A_170] : memref<2x8x1000000xf32, #tpu.memory_space<hbm>> -> memref<1x8x128xf32, #tpu.memory_space<hbm>>
    %dma_start3A_178 = tpu.memref_squeeze %dma_start3A_177 : memref<1x8x128xf32, #tpu.memory_space<hbm>> -> memref<8x128xf32, #tpu.memory_space<hbm>>
    %dma_start3A_179 = arith.constant 0 : i32
    %dma_start3A_180 = arith.constant 0 : i32
    %dma_start3A_181 = tpu.memref_slice %arg7[%dma_start3A_171, %dma_start3A_179, %dma_start3A_180] : memref<33x8x128xf32, #tpu.memory_space<vmem>> -> memref<1x8x128xf32, #tpu.memory_space<vmem>>
    %dma_start3A_182 = tpu.memref_squeeze %dma_start3A_181 : memref<1x8x128xf32, #tpu.memory_space<vmem>> -> memref<8x128xf32, #tpu.memory_space<vmem>>
    %dma_start3A_183 = arith.constant 0 : i32
    %dma_start3A_184 = tpu.memref_slice %arg2[%arg0, %dma_start3A_183, %multiple_of3A_170] : memref<2x8x1000000xf32, #tpu.memory_space<hbm>> -> memref<1x8x128xf32, #tpu.memory_space<hbm>>
    %dma_start3A_185 = tpu.memref_squeeze %dma_start3A_184 : memref<1x8x128xf32, #tpu.memory_space<hbm>> -> memref<8x128xf32, #tpu.memory_space<hbm>>
    tpu.enqueue_dma source(%dma_start3A_185 : memref<8x128xf32, #tpu.memory_space<hbm>>) target(%dma_start3A_182 : memref<8x128xf32, #tpu.memory_space<vmem>>) target_semaphore(%arg9 : memref<!tpu.dma_semaphore, #tpu.memory_space<semaphore_mem>>)
    %slice3A_186 = vector.extract_strided_slice %mul3A_12 {offsets = [8], sizes = [1], strides = [1]} : vector<16xi32> to vector<1xi32>
    %squeeze3A_187 = vector.extract %slice3A_186[0] : i32 from vector<1xi32>
    %multiple_of3A_188 = tpu.assume_multiple %squeeze3A_187, 128 : i32
    %dma_start3A_189 = arith.constant 8 : i32
    %dma_start3A_190 = arith.constant 0 : i32
    %dma_start3A_191 = arith.constant 0 : i32
    %dma_start3A_192 = tpu.memref_slice %arg7[%dma_start3A_189, %dma_start3A_190, %dma_start3A_191] : memref<33x8x128xf32, #tpu.memory_space<vmem>> -> memref<1x8x128xf32, #tpu.memory_space<vmem>>
    %dma_start3A_193 = tpu.memref_squeeze %dma_start3A_192 : memref<1x8x128xf32, #tpu.memory_space<vmem>> -> memref<8x128xf32, #tpu.memory_space<vmem>>
    %dma_start3A_194 = arith.constant 0 : i32
    %dma_start3A_195 = tpu.memref_slice %arg2[%arg0, %dma_start3A_194, %multiple_of3A_188] : memref<2x8x1000000xf32, #tpu.memory_space<hbm>> -> memref<1x8x128xf32, #tpu.memory_space<hbm>>
    %dma_start3A_196 = tpu.memref_squeeze %dma_start3A_195 : memref<1x8x128xf32, #tpu.memory_space<hbm>> -> memref<8x128xf32, #tpu.memory_space<hbm>>
    %dma_start3A_197 = arith.constant 0 : i32
    %dma_start3A_198 = arith.constant 0 : i32
    %dma_start3A_199 = tpu.memref_slice %arg7[%dma_start3A_189, %dma_start3A_197, %dma_start3A_198] : memref<33x8x128xf32, #tpu.memory_space<vmem>> -> memref<1x8x128xf32, #tpu.memory_space<vmem>>
    %dma_start3A_200 = tpu.memref_squeeze %dma_start3A_199 : memref<1x8x128xf32, #tpu.memory_space<vmem>> -> memref<8x128xf32, #tpu.memory_space<vmem>>
    %dma_start3A_201 = arith.constant 0 : i32
    %dma_start3A_202 = tpu.memref_slice %arg2[%arg0, %dma_start3A_201, %multiple_of3A_188] : memref<2x8x1000000xf32, #tpu.memory_space<hbm>> -> memref<1x8x128xf32, #tpu.memory_space<hbm>>
    %dma_start3A_203 = tpu.memref_squeeze %dma_start3A_202 : memref<1x8x128xf32, #tpu.memory_space<hbm>> -> memref<8x128xf32, #tpu.memory_space<hbm>>
    tpu.enqueue_dma source(%dma_start3A_203 : memref<8x128xf32, #tpu.memory_space<hbm>>) target(%dma_start3A_200 : memref<8x128xf32, #tpu.memory_space<vmem>>) target_semaphore(%arg9 : memref<!tpu.dma_semaphore, #tpu.memory_space<semaphore_mem>>)
    %slice3A_204 = vector.extract_strided_slice %mul3A_12 {offsets = [9], sizes = [1], strides = [1]} : vector<16xi32> to vector<1xi32>
    %squeeze3A_205 = vector.extract %slice3A_204[0] : i32 from vector<1xi32>
    %multiple_of3A_206 = tpu.assume_multiple %squeeze3A_205, 128 : i32
    %dma_start3A_207 = arith.constant 9 : i32
    %dma_start3A_208 = arith.constant 0 : i32
    %dma_start3A_209 = arith.constant 0 : i32
    %dma_start3A_210 = tpu.memref_slice %arg7[%dma_start3A_207, %dma_start3A_208, %dma_start3A_209] : memref<33x8x128xf32, #tpu.memory_space<vmem>> -> memref<1x8x128xf32, #tpu.memory_space<vmem>>
    %dma_start3A_211 = tpu.memref_squeeze %dma_start3A_210 : memref<1x8x128xf32, #tpu.memory_space<vmem>> -> memref<8x128xf32, #tpu.memory_space<vmem>>
    %dma_start3A_212 = arith.constant 0 : i32
    %dma_start3A_213 = tpu.memref_slice %arg2[%arg0, %dma_start3A_212, %multiple_of3A_206] : memref<2x8x1000000xf32, #tpu.memory_space<hbm>> -> memref<1x8x128xf32, #tpu.memory_space<hbm>>
    %dma_start3A_214 = tpu.memref_squeeze %dma_start3A_213 : memref<1x8x128xf32, #tpu.memory_space<hbm>> -> memref<8x128xf32, #tpu.memory_space<hbm>>
    %dma_start3A_215 = arith.constant 0 : i32
    %dma_start3A_216 = arith.constant 0 : i32
    %dma_start3A_217 = tpu.memref_slice %arg7[%dma_start3A_207, %dma_start3A_215, %dma_start3A_216] : memref<33x8x128xf32, #tpu.memory_space<vmem>> -> memref<1x8x128xf32, #tpu.memory_space<vmem>>
    %dma_start3A_218 = tpu.memref_squeeze %dma_start3A_217 : memref<1x8x128xf32, #tpu.memory_space<vmem>> -> memref<8x128xf32, #tpu.memory_space<vmem>>
    %dma_start3A_219 = arith.constant 0 : i32
    %dma_start3A_220 = tpu.memref_slice %arg2[%arg0, %dma_start3A_219, %multiple_of3A_206] : memref<2x8x1000000xf32, #tpu.memory_space<hbm>> -> memref<1x8x128xf32, #tpu.memory_space<hbm>>
    %dma_start3A_221 = tpu.memref_squeeze %dma_start3A_220 : memref<1x8x128xf32, #tpu.memory_space<hbm>> -> memref<8x128xf32, #tpu.memory_space<hbm>>
    tpu.enqueue_dma source(%dma_start3A_221 : memref<8x128xf32, #tpu.memory_space<hbm>>) target(%dma_start3A_218 : memref<8x128xf32, #tpu.memory_space<vmem>>) target_semaphore(%arg9 : memref<!tpu.dma_semaphore, #tpu.memory_space<semaphore_mem>>)
    %slice3A_222 = vector.extract_strided_slice %mul3A_12 {offsets = [10], sizes = [1], strides = [1]} : vector<16xi32> to vector<1xi32>
    %squeeze3A_223 = vector.extract %slice3A_222[0] : i32 from vector<1xi32>
    %multiple_of3A_224 = tpu.assume_multiple %squeeze3A_223, 128 : i32
    %dma_start3A_225 = arith.constant 10 : i32
    %dma_start3A_226 = arith.constant 0 : i32
    %dma_start3A_227 = arith.constant 0 : i32
    %dma_start3A_228 = tpu.memref_slice %arg7[%dma_start3A_225, %dma_start3A_226, %dma_start3A_227] : memref<33x8x128xf32, #tpu.memory_space<vmem>> -> memref<1x8x128xf32, #tpu.memory_space<vmem>>
    %dma_start3A_229 = tpu.memref_squeeze %dma_start3A_228 : memref<1x8x128xf32, #tpu.memory_space<vmem>> -> memref<8x128xf32, #tpu.memory_space<vmem>>
    %dma_start3A_230 = arith.constant 0 : i32
    %dma_start3A_231 = tpu.memref_slice %arg2[%arg0, %dma_start3A_230, %multiple_of3A_224] : memref<2x8x1000000xf32, #tpu.memory_space<hbm>> -> memref<1x8x128xf32, #tpu.memory_space<hbm>>
    %dma_start3A_232 = tpu.memref_squeeze %dma_start3A_231 : memref<1x8x128xf32, #tpu.memory_space<hbm>> -> memref<8x128xf32, #tpu.memory_space<hbm>>
    %dma_start3A_233 = arith.constant 0 : i32
    %dma_start3A_234 = arith.constant 0 : i32
    %dma_start3A_235 = tpu.memref_slice %arg7[%dma_start3A_225, %dma_start3A_233, %dma_start3A_234] : memref<33x8x128xf32, #tpu.memory_space<vmem>> -> memref<1x8x128xf32, #tpu.memory_space<vmem>>
    %dma_start3A_236 = tpu.memref_squeeze %dma_start3A_235 : memref<1x8x128xf32, #tpu.memory_space<vmem>> -> memref<8x128xf32, #tpu.memory_space<vmem>>
    %dma_start3A_237 = arith.constant 0 : i32
    %dma_start3A_238 = tpu.memref_slice %arg2[%arg0, %dma_start3A_237, %multiple_of3A_224] : memref<2x8x1000000xf32, #tpu.memory_space<hbm>> -> memref<1x8x128xf32, #tpu.memory_space<hbm>>
    %dma_start3A_239 = tpu.memref_squeeze %dma_start3A_238 : memref<1x8x128xf32, #tpu.memory_space<hbm>> -> memref<8x128xf32, #tpu.memory_space<hbm>>
    tpu.enqueue_dma source(%dma_start3A_239 : memref<8x128xf32, #tpu.memory_space<hbm>>) target(%dma_start3A_236 : memref<8x128xf32, #tpu.memory_space<vmem>>) target_semaphore(%arg9 : memref<!tpu.dma_semaphore, #tpu.memory_space<semaphore_mem>>)
    %slice3A_240 = vector.extract_strided_slice %mul3A_12 {offsets = [11], sizes = [1], strides = [1]} : vector<16xi32> to vector<1xi32>
    %squeeze3A_241 = vector.extract %slice3A_240[0] : i32 from vector<1xi32>
    %multiple_of3A_242 = tpu.assume_multiple %squeeze3A_241, 128 : i32
    %dma_start3A_243 = arith.constant 11 : i32
    %dma_start3A_244 = arith.constant 0 : i32
    %dma_start3A_245 = arith.constant 0 : i32
    %dma_start3A_246 = tpu.memref_slice %arg7[%dma_start3A_243, %dma_start3A_244, %dma_start3A_245] : memref<33x8x128xf32, #tpu.memory_space<vmem>> -> memref<1x8x128xf32, #tpu.memory_space<vmem>>
    %dma_start3A_247 = tpu.memref_squeeze %dma_start3A_246 : memref<1x8x128xf32, #tpu.memory_space<vmem>> -> memref<8x128xf32, #tpu.memory_space<vmem>>
    %dma_start3A_248 = arith.constant 0 : i32
    %dma_start3A_249 = tpu.memref_slice %arg2[%arg0, %dma_start3A_248, %multiple_of3A_242] : memref<2x8x1000000xf32, #tpu.memory_space<hbm>> -> memref<1x8x128xf32, #tpu.memory_space<hbm>>
    %dma_start3A_250 = tpu.memref_squeeze %dma_start3A_249 : memref<1x8x128xf32, #tpu.memory_space<hbm>> -> memref<8x128xf32, #tpu.memory_space<hbm>>
    %dma_start3A_251 = arith.constant 0 : i32
    %dma_start3A_252 = arith.constant 0 : i32
    %dma_start3A_253 = tpu.memref_slice %arg7[%dma_start3A_243, %dma_start3A_251, %dma_start3A_252] : memref<33x8x128xf32, #tpu.memory_space<vmem>> -> memref<1x8x128xf32, #tpu.memory_space<vmem>>
    %dma_start3A_254 = tpu.memref_squeeze %dma_start3A_253 : memref<1x8x128xf32, #tpu.memory_space<vmem>> -> memref<8x128xf32, #tpu.memory_space<vmem>>
    %dma_start3A_255 = arith.constant 0 : i32
    %dma_start3A_256 = tpu.memref_slice %arg2[%arg0, %dma_start3A_255, %multiple_of3A_242] : memref<2x8x1000000xf32, #tpu.memory_space<hbm>> -> memref<1x8x128xf32, #tpu.memory_space<hbm>>
    %dma_start3A_257 = tpu.memref_squeeze %dma_start3A_256 : memref<1x8x128xf32, #tpu.memory_space<hbm>> -> memref<8x128xf32, #tpu.memory_space<hbm>>
    tpu.enqueue_dma source(%dma_start3A_257 : memref<8x128xf32, #tpu.memory_space<hbm>>) target(%dma_start3A_254 : memref<8x128xf32, #tpu.memory_space<vmem>>) target_semaphore(%arg9 : memref<!tpu.dma_semaphore, #tpu.memory_space<semaphore_mem>>)
    %slice3A_258 = vector.extract_strided_slice %mul3A_12 {offsets = [12], sizes = [1], strides = [1]} : vector<16xi32> to vector<1xi32>
    %squeeze3A_259 = vector.extract %slice3A_258[0] : i32 from vector<1xi32>
    %multiple_of3A_260 = tpu.assume_multiple %squeeze3A_259, 128 : i32
    %dma_start3A_261 = arith.constant 12 : i32
    %dma_start3A_262 = arith.constant 0 : i32
    %dma_start3A_263 = arith.constant 0 : i32
    %dma_start3A_264 = tpu.memref_slice %arg7[%dma_start3A_261, %dma_start3A_262, %dma_start3A_263] : memref<33x8x128xf32, #tpu.memory_space<vmem>> -> memref<1x8x128xf32, #tpu.memory_space<vmem>>
    %dma_start3A_265 = tpu.memref_squeeze %dma_start3A_264 : memref<1x8x128xf32, #tpu.memory_space<vmem>> -> memref<8x128xf32, #tpu.memory_space<vmem>>
    %dma_start3A_266 = arith.constant 0 : i32
    %dma_start3A_267 = tpu.memref_slice %arg2[%arg0, %dma_start3A_266, %multiple_of3A_260] : memref<2x8x1000000xf32, #tpu.memory_space<hbm>> -> memref<1x8x128xf32, #tpu.memory_space<hbm>>
    %dma_start3A_268 = tpu.memref_squeeze %dma_start3A_267 : memref<1x8x128xf32, #tpu.memory_space<hbm>> -> memref<8x128xf32, #tpu.memory_space<hbm>>
    %dma_start3A_269 = arith.constant 0 : i32
    %dma_start3A_270 = arith.constant 0 : i32
    %dma_start3A_271 = tpu.memref_slice %arg7[%dma_start3A_261, %dma_start3A_269, %dma_start3A_270] : memref<33x8x128xf32, #tpu.memory_space<vmem>> -> memref<1x8x128xf32, #tpu.memory_space<vmem>>
    %dma_start3A_272 = tpu.memref_squeeze %dma_start3A_271 : memref<1x8x128xf32, #tpu.memory_space<vmem>> -> memref<8x128xf32, #tpu.memory_space<vmem>>
    %dma_start3A_273 = arith.constant 0 : i32
    %dma_start3A_274 = tpu.memref_slice %arg2[%arg0, %dma_start3A_273, %multiple_of3A_260] : memref<2x8x1000000xf32, #tpu.memory_space<hbm>> -> memref<1x8x128xf32, #tpu.memory_space<hbm>>
    %dma_start3A_275 = tpu.memref_squeeze %dma_start3A_274 : memref<1x8x128xf32, #tpu.memory_space<hbm>> -> memref<8x128xf32, #tpu.memory_space<hbm>>
    tpu.enqueue_dma source(%dma_start3A_275 : memref<8x128xf32, #tpu.memory_space<hbm>>) target(%dma_start3A_272 : memref<8x128xf32, #tpu.memory_space<vmem>>) target_semaphore(%arg9 : memref<!tpu.dma_semaphore, #tpu.memory_space<semaphore_mem>>)
    %slice3A_276 = vector.extract_strided_slice %mul3A_12 {offsets = [13], sizes = [1], strides = [1]} : vector<16xi32> to vector<1xi32>
    %squeeze3A_277 = vector.extract %slice3A_276[0] : i32 from vector<1xi32>
    %multiple_of3A_278 = tpu.assume_multiple %squeeze3A_277, 128 : i32
    %dma_start3A_279 = arith.constant 13 : i32
    %dma_start3A_280 = arith.constant 0 : i32
    %dma_start3A_281 = arith.constant 0 : i32
    %dma_start3A_282 = tpu.memref_slice %arg7[%dma_start3A_279, %dma_start3A_280, %dma_start3A_281] : memref<33x8x128xf32, #tpu.memory_space<vmem>> -> memref<1x8x128xf32, #tpu.memory_space<vmem>>
    %dma_start3A_283 = tpu.memref_squeeze %dma_start3A_282 : memref<1x8x128xf32, #tpu.memory_space<vmem>> -> memref<8x128xf32, #tpu.memory_space<vmem>>
    %dma_start3A_284 = arith.constant 0 : i32
    %dma_start3A_285 = tpu.memref_slice %arg2[%arg0, %dma_start3A_284, %multiple_of3A_278] : memref<2x8x1000000xf32, #tpu.memory_space<hbm>> -> memref<1x8x128xf32, #tpu.memory_space<hbm>>
    %dma_start3A_286 = tpu.memref_squeeze %dma_start3A_285 : memref<1x8x128xf32, #tpu.memory_space<hbm>> -> memref<8x128xf32, #tpu.memory_space<hbm>>
    %dma_start3A_287 = arith.constant 0 : i32
    %dma_start3A_288 = arith.constant 0 : i32
    %dma_start3A_289 = tpu.memref_slice %arg7[%dma_start3A_279, %dma_start3A_287, %dma_start3A_288] : memref<33x8x128xf32, #tpu.memory_space<vmem>> -> memref<1x8x128xf32, #tpu.memory_space<vmem>>
    %dma_start3A_290 = tpu.memref_squeeze %dma_start3A_289 : memref<1x8x128xf32, #tpu.memory_space<vmem>> -> memref<8x128xf32, #tpu.memory_space<vmem>>
    %dma_start3A_291 = arith.constant 0 : i32
    %dma_start3A_292 = tpu.memref_slice %arg2[%arg0, %dma_start3A_291, %multiple_of3A_278] : memref<2x8x1000000xf32, #tpu.memory_space<hbm>> -> memref<1x8x128xf32, #tpu.memory_space<hbm>>
    %dma_start3A_293 = tpu.memref_squeeze %dma_start3A_292 : memref<1x8x128xf32, #tpu.memory_space<hbm>> -> memref<8x128xf32, #tpu.memory_space<hbm>>
    tpu.enqueue_dma source(%dma_start3A_293 : memref<8x128xf32, #tpu.memory_space<hbm>>) target(%dma_start3A_290 : memref<8x128xf32, #tpu.memory_space<vmem>>) target_semaphore(%arg9 : memref<!tpu.dma_semaphore, #tpu.memory_space<semaphore_mem>>)
    %slice3A_294 = vector.extract_strided_slice %mul3A_12 {offsets = [14], sizes = [1], strides = [1]} : vector<16xi32> to vector<1xi32>
    %squeeze3A_295 = vector.extract %slice3A_294[0] : i32 from vector<1xi32>
    %multiple_of3A_296 = tpu.assume_multiple %squeeze3A_295, 128 : i32
    %dma_start3A_297 = arith.constant 14 : i32
    %dma_start3A_298 = arith.constant 0 : i32
    %dma_start3A_299 = arith.constant 0 : i32
    %dma_start3A_300 = tpu.memref_slice %arg7[%dma_start3A_297, %dma_start3A_298, %dma_start3A_299] : memref<33x8x128xf32, #tpu.memory_space<vmem>> -> memref<1x8x128xf32, #tpu.memory_space<vmem>>
    %dma_start3A_301 = tpu.memref_squeeze %dma_start3A_300 : memref<1x8x128xf32, #tpu.memory_space<vmem>> -> memref<8x128xf32, #tpu.memory_space<vmem>>
    %dma_start3A_302 = arith.constant 0 : i32
    %dma_start3A_303 = tpu.memref_slice %arg2[%arg0, %dma_start3A_302, %multiple_of3A_296] : memref<2x8x1000000xf32, #tpu.memory_space<hbm>> -> memref<1x8x128xf32, #tpu.memory_space<hbm>>
    %dma_start3A_304 = tpu.memref_squeeze %dma_start3A_303 : memref<1x8x128xf32, #tpu.memory_space<hbm>> -> memref<8x128xf32, #tpu.memory_space<hbm>>
    %dma_start3A_305 = arith.constant 0 : i32
    %dma_start3A_306 = arith.constant 0 : i32
    %dma_start3A_307 = tpu.memref_slice %arg7[%dma_start3A_297, %dma_start3A_305, %dma_start3A_306] : memref<33x8x128xf32, #tpu.memory_space<vmem>> -> memref<1x8x128xf32, #tpu.memory_space<vmem>>
    %dma_start3A_308 = tpu.memref_squeeze %dma_start3A_307 : memref<1x8x128xf32, #tpu.memory_space<vmem>> -> memref<8x128xf32, #tpu.memory_space<vmem>>
    %dma_start3A_309 = arith.constant 0 : i32
    %dma_start3A_310 = tpu.memref_slice %arg2[%arg0, %dma_start3A_309, %multiple_of3A_296] : memref<2x8x1000000xf32, #tpu.memory_space<hbm>> -> memref<1x8x128xf32, #tpu.memory_space<hbm>>
    %dma_start3A_311 = tpu.memref_squeeze %dma_start3A_310 : memref<1x8x128xf32, #tpu.memory_space<hbm>> -> memref<8x128xf32, #tpu.memory_space<hbm>>
    tpu.enqueue_dma source(%dma_start3A_311 : memref<8x128xf32, #tpu.memory_space<hbm>>) target(%dma_start3A_308 : memref<8x128xf32, #tpu.memory_space<vmem>>) target_semaphore(%arg9 : memref<!tpu.dma_semaphore, #tpu.memory_space<semaphore_mem>>)
    %slice3A_312 = vector.extract_strided_slice %mul3A_12 {offsets = [15], sizes = [1], strides = [1]} : vector<16xi32> to vector<1xi32>
    %squeeze3A_313 = vector.extract %slice3A_312[0] : i32 from vector<1xi32>
    %multiple_of3A_314 = tpu.assume_multiple %squeeze3A_313, 128 : i32
    %dma_start3A_315 = arith.constant 15 : i32
    %dma_start3A_316 = arith.constant 0 : i32
    %dma_start3A_317 = arith.constant 0 : i32
    %dma_start3A_318 = tpu.memref_slice %arg7[%dma_start3A_315, %dma_start3A_316, %dma_start3A_317] : memref<33x8x128xf32, #tpu.memory_space<vmem>> -> memref<1x8x128xf32, #tpu.memory_space<vmem>>
    %dma_start3A_319 = tpu.memref_squeeze %dma_start3A_318 : memref<1x8x128xf32, #tpu.memory_space<vmem>> -> memref<8x128xf32, #tpu.memory_space<vmem>>
    %dma_start3A_320 = arith.constant 0 : i32
    %dma_start3A_321 = tpu.memref_slice %arg2[%arg0, %dma_start3A_320, %multiple_of3A_314] : memref<2x8x1000000xf32, #tpu.memory_space<hbm>> -> memref<1x8x128xf32, #tpu.memory_space<hbm>>
    %dma_start3A_322 = tpu.memref_squeeze %dma_start3A_321 : memref<1x8x128xf32, #tpu.memory_space<hbm>> -> memref<8x128xf32, #tpu.memory_space<hbm>>
    %dma_start3A_323 = arith.constant 0 : i32
    %dma_start3A_324 = arith.constant 0 : i32
    %dma_start3A_325 = tpu.memref_slice %arg7[%dma_start3A_315, %dma_start3A_323, %dma_start3A_324] : memref<33x8x128xf32, #tpu.memory_space<vmem>> -> memref<1x8x128xf32, #tpu.memory_space<vmem>>
    %dma_start3A_326 = tpu.memref_squeeze %dma_start3A_325 : memref<1x8x128xf32, #tpu.memory_space<vmem>> -> memref<8x128xf32, #tpu.memory_space<vmem>>
    %dma_start3A_327 = arith.constant 0 : i32
    %dma_start3A_328 = tpu.memref_slice %arg2[%arg0, %dma_start3A_327, %multiple_of3A_314] : memref<2x8x1000000xf32, #tpu.memory_space<hbm>> -> memref<1x8x128xf32, #tpu.memory_space<hbm>>
    %dma_start3A_329 = tpu.memref_squeeze %dma_start3A_328 : memref<1x8x128xf32, #tpu.memory_space<hbm>> -> memref<8x128xf32, #tpu.memory_space<hbm>>
    tpu.enqueue_dma source(%dma_start3A_329 : memref<8x128xf32, #tpu.memory_space<hbm>>) target(%dma_start3A_326 : memref<8x128xf32, #tpu.memory_space<vmem>>) target_semaphore(%arg9 : memref<!tpu.dma_semaphore, #tpu.memory_space<semaphore_mem>>)
    %slice3A_330 = vector.extract_strided_slice %mul3A_33 {offsets = [0], sizes = [1], strides = [1]} : vector<16xi32> to vector<1xi32>
    %squeeze3A_331 = vector.extract %slice3A_330[0] : i32 from vector<1xi32>
    %multiple_of3A_332 = tpu.assume_multiple %squeeze3A_331, 128 : i32
    %dma_start3A_333 = arith.constant 16 : i32
    %dma_start3A_334 = arith.constant 0 : i32
    %dma_start3A_335 = arith.constant 0 : i32
    %dma_start3A_336 = tpu.memref_slice %arg7[%dma_start3A_333, %dma_start3A_334, %dma_start3A_335] : memref<33x8x128xf32, #tpu.memory_space<vmem>> -> memref<1x8x128xf32, #tpu.memory_space<vmem>>
    %dma_start3A_337 = tpu.memref_squeeze %dma_start3A_336 : memref<1x8x128xf32, #tpu.memory_space<vmem>> -> memref<8x128xf32, #tpu.memory_space<vmem>>
    %dma_start3A_338 = arith.constant 0 : i32
    %dma_start3A_339 = tpu.memref_slice %arg2[%arg0, %dma_start3A_338, %multiple_of3A_332] : memref<2x8x1000000xf32, #tpu.memory_space<hbm>> -> memref<1x8x128xf32, #tpu.memory_space<hbm>>
    %dma_start3A_340 = tpu.memref_squeeze %dma_start3A_339 : memref<1x8x128xf32, #tpu.memory_space<hbm>> -> memref<8x128xf32, #tpu.memory_space<hbm>>
    %dma_start3A_341 = arith.constant 0 : i32
    %dma_start3A_342 = arith.constant 0 : i32
    %dma_start3A_343 = tpu.memref_slice %arg7[%dma_start3A_333, %dma_start3A_341, %dma_start3A_342] : memref<33x8x128xf32, #tpu.memory_space<vmem>> -> memref<1x8x128xf32, #tpu.memory_space<vmem>>
    %dma_start3A_344 = tpu.memref_squeeze %dma_start3A_343 : memref<1x8x128xf32, #tpu.memory_space<vmem>> -> memref<8x128xf32, #tpu.memory_space<vmem>>
    %dma_start3A_345 = arith.constant 0 : i32
    %dma_start3A_346 = tpu.memref_slice %arg2[%arg0, %dma_start3A_345, %multiple_of3A_332] : memref<2x8x1000000xf32, #tpu.memory_space<hbm>> -> memref<1x8x128xf32, #tpu.memory_space<hbm>>
    %dma_start3A_347 = tpu.memref_squeeze %dma_start3A_346 : memref<1x8x128xf32, #tpu.memory_space<hbm>> -> memref<8x128xf32, #tpu.memory_space<hbm>>
    tpu.enqueue_dma source(%dma_start3A_347 : memref<8x128xf32, #tpu.memory_space<hbm>>) target(%dma_start3A_344 : memref<8x128xf32, #tpu.memory_space<vmem>>) target_semaphore(%arg9 : memref<!tpu.dma_semaphore, #tpu.memory_space<semaphore_mem>>)
    %slice3A_348 = vector.extract_strided_slice %mul3A_33 {offsets = [1], sizes = [1], strides = [1]} : vector<16xi32> to vector<1xi32>
    %squeeze3A_349 = vector.extract %slice3A_348[0] : i32 from vector<1xi32>
    %multiple_of3A_350 = tpu.assume_multiple %squeeze3A_349, 128 : i32
    %dma_start3A_351 = arith.constant 17 : i32
    %dma_start3A_352 = arith.constant 0 : i32
    %dma_start3A_353 = arith.constant 0 : i32
    %dma_start3A_354 = tpu.memref_slice %arg7[%dma_start3A_351, %dma_start3A_352, %dma_start3A_353] : memref<33x8x128xf32, #tpu.memory_space<vmem>> -> memref<1x8x128xf32, #tpu.memory_space<vmem>>
    %dma_start3A_355 = tpu.memref_squeeze %dma_start3A_354 : memref<1x8x128xf32, #tpu.memory_space<vmem>> -> memref<8x128xf32, #tpu.memory_space<vmem>>
    %dma_start3A_356 = arith.constant 0 : i32
    %dma_start3A_357 = tpu.memref_slice %arg2[%arg0, %dma_start3A_356, %multiple_of3A_350] : memref<2x8x1000000xf32, #tpu.memory_space<hbm>> -> memref<1x8x128xf32, #tpu.memory_space<hbm>>
    %dma_start3A_358 = tpu.memref_squeeze %dma_start3A_357 : memref<1x8x128xf32, #tpu.memory_space<hbm>> -> memref<8x128xf32, #tpu.memory_space<hbm>>
    %dma_start3A_359 = arith.constant 0 : i32
    %dma_start3A_360 = arith.constant 0 : i32
    %dma_start3A_361 = tpu.memref_slice %arg7[%dma_start3A_351, %dma_start3A_359, %dma_start3A_360] : memref<33x8x128xf32, #tpu.memory_space<vmem>> -> memref<1x8x128xf32, #tpu.memory_space<vmem>>
    %dma_start3A_362 = tpu.memref_squeeze %dma_start3A_361 : memref<1x8x128xf32, #tpu.memory_space<vmem>> -> memref<8x128xf32, #tpu.memory_space<vmem>>
    %dma_start3A_363 = arith.constant 0 : i32
    %dma_start3A_364 = tpu.memref_slice %arg2[%arg0, %dma_start3A_363, %multiple_of3A_350] : memref<2x8x1000000xf32, #tpu.memory_space<hbm>> -> memref<1x8x128xf32, #tpu.memory_space<hbm>>
    %dma_start3A_365 = tpu.memref_squeeze %dma_start3A_364 : memref<1x8x128xf32, #tpu.memory_space<hbm>> -> memref<8x128xf32, #tpu.memory_space<hbm>>
    tpu.enqueue_dma source(%dma_start3A_365 : memref<8x128xf32, #tpu.memory_space<hbm>>) target(%dma_start3A_362 : memref<8x128xf32, #tpu.memory_space<vmem>>) target_semaphore(%arg9 : memref<!tpu.dma_semaphore, #tpu.memory_space<semaphore_mem>>)
    %slice3A_366 = vector.extract_strided_slice %mul3A_33 {offsets = [2], sizes = [1], strides = [1]} : vector<16xi32> to vector<1xi32>
    %squeeze3A_367 = vector.extract %slice3A_366[0] : i32 from vector<1xi32>
    %multiple_of3A_368 = tpu.assume_multiple %squeeze3A_367, 128 : i32
    %dma_start3A_369 = arith.constant 18 : i32
    %dma_start3A_370 = arith.constant 0 : i32
    %dma_start3A_371 = arith.constant 0 : i32
    %dma_start3A_372 = tpu.memref_slice %arg7[%dma_start3A_369, %dma_start3A_370, %dma_start3A_371] : memref<33x8x128xf32, #tpu.memory_space<vmem>> -> memref<1x8x128xf32, #tpu.memory_space<vmem>>
    %dma_start3A_373 = tpu.memref_squeeze %dma_start3A_372 : memref<1x8x128xf32, #tpu.memory_space<vmem>> -> memref<8x128xf32, #tpu.memory_space<vmem>>
    %dma_start3A_374 = arith.constant 0 : i32
    %dma_start3A_375 = tpu.memref_slice %arg2[%arg0, %dma_start3A_374, %multiple_of3A_368] : memref<2x8x1000000xf32, #tpu.memory_space<hbm>> -> memref<1x8x128xf32, #tpu.memory_space<hbm>>
    %dma_start3A_376 = tpu.memref_squeeze %dma_start3A_375 : memref<1x8x128xf32, #tpu.memory_space<hbm>> -> memref<8x128xf32, #tpu.memory_space<hbm>>
    %dma_start3A_377 = arith.constant 0 : i32
    %dma_start3A_378 = arith.constant 0 : i32
    %dma_start3A_379 = tpu.memref_slice %arg7[%dma_start3A_369, %dma_start3A_377, %dma_start3A_378] : memref<33x8x128xf32, #tpu.memory_space<vmem>> -> memref<1x8x128xf32, #tpu.memory_space<vmem>>
    %dma_start3A_380 = tpu.memref_squeeze %dma_start3A_379 : memref<1x8x128xf32, #tpu.memory_space<vmem>> -> memref<8x128xf32, #tpu.memory_space<vmem>>
    %dma_start3A_381 = arith.constant 0 : i32
    %dma_start3A_382 = tpu.memref_slice %arg2[%arg0, %dma_start3A_381, %multiple_of3A_368] : memref<2x8x1000000xf32, #tpu.memory_space<hbm>> -> memref<1x8x128xf32, #tpu.memory_space<hbm>>
    %dma_start3A_383 = tpu.memref_squeeze %dma_start3A_382 : memref<1x8x128xf32, #tpu.memory_space<hbm>> -> memref<8x128xf32, #tpu.memory_space<hbm>>
    tpu.enqueue_dma source(%dma_start3A_383 : memref<8x128xf32, #tpu.memory_space<hbm>>) target(%dma_start3A_380 : memref<8x128xf32, #tpu.memory_space<vmem>>) target_semaphore(%arg9 : memref<!tpu.dma_semaphore, #tpu.memory_space<semaphore_mem>>)
    %slice3A_384 = vector.extract_strided_slice %mul3A_33 {offsets = [3], sizes = [1], strides = [1]} : vector<16xi32> to vector<1xi32>
    %squeeze3A_385 = vector.extract %slice3A_384[0] : i32 from vector<1xi32>
    %multiple_of3A_386 = tpu.assume_multiple %squeeze3A_385, 128 : i32
    %dma_start3A_387 = arith.constant 19 : i32
    %dma_start3A_388 = arith.constant 0 : i32
    %dma_start3A_389 = arith.constant 0 : i32
    %dma_start3A_390 = tpu.memref_slice %arg7[%dma_start3A_387, %dma_start3A_388, %dma_start3A_389] : memref<33x8x128xf32, #tpu.memory_space<vmem>> -> memref<1x8x128xf32, #tpu.memory_space<vmem>>
    %dma_start3A_391 = tpu.memref_squeeze %dma_start3A_390 : memref<1x8x128xf32, #tpu.memory_space<vmem>> -> memref<8x128xf32, #tpu.memory_space<vmem>>
    %dma_start3A_392 = arith.constant 0 : i32
    %dma_start3A_393 = tpu.memref_slice %arg2[%arg0, %dma_start3A_392, %multiple_of3A_386] : memref<2x8x1000000xf32, #tpu.memory_space<hbm>> -> memref<1x8x128xf32, #tpu.memory_space<hbm>>
    %dma_start3A_394 = tpu.memref_squeeze %dma_start3A_393 : memref<1x8x128xf32, #tpu.memory_space<hbm>> -> memref<8x128xf32, #tpu.memory_space<hbm>>
    %dma_start3A_395 = arith.constant 0 : i32
    %dma_start3A_396 = arith.constant 0 : i32
    %dma_start3A_397 = tpu.memref_slice %arg7[%dma_start3A_387, %dma_start3A_395, %dma_start3A_396] : memref<33x8x128xf32, #tpu.memory_space<vmem>> -> memref<1x8x128xf32, #tpu.memory_space<vmem>>
    %dma_start3A_398 = tpu.memref_squeeze %dma_start3A_397 : memref<1x8x128xf32, #tpu.memory_space<vmem>> -> memref<8x128xf32, #tpu.memory_space<vmem>>
    %dma_start3A_399 = arith.constant 0 : i32
    %dma_start3A_400 = tpu.memref_slice %arg2[%arg0, %dma_start3A_399, %multiple_of3A_386] : memref<2x8x1000000xf32, #tpu.memory_space<hbm>> -> memref<1x8x128xf32, #tpu.memory_space<hbm>>
    %dma_start3A_401 = tpu.memref_squeeze %dma_start3A_400 : memref<1x8x128xf32, #tpu.memory_space<hbm>> -> memref<8x128xf32, #tpu.memory_space<hbm>>
    tpu.enqueue_dma source(%dma_start3A_401 : memref<8x128xf32, #tpu.memory_space<hbm>>) target(%dma_start3A_398 : memref<8x128xf32, #tpu.memory_space<vmem>>) target_semaphore(%arg9 : memref<!tpu.dma_semaphore, #tpu.memory_space<semaphore_mem>>)
    %slice3A_402 = vector.extract_strided_slice %mul3A_33 {offsets = [4], sizes = [1], strides = [1]} : vector<16xi32> to vector<1xi32>
    %squeeze3A_403 = vector.extract %slice3A_402[0] : i32 from vector<1xi32>
    %multiple_of3A_404 = tpu.assume_multiple %squeeze3A_403, 128 : i32
    %dma_start3A_405 = arith.constant 20 : i32
    %dma_start3A_406 = arith.constant 0 : i32
    %dma_start3A_407 = arith.constant 0 : i32
    %dma_start3A_408 = tpu.memref_slice %arg7[%dma_start3A_405, %dma_start3A_406, %dma_start3A_407] : memref<33x8x128xf32, #tpu.memory_space<vmem>> -> memref<1x8x128xf32, #tpu.memory_space<vmem>>
    %dma_start3A_409 = tpu.memref_squeeze %dma_start3A_408 : memref<1x8x128xf32, #tpu.memory_space<vmem>> -> memref<8x128xf32, #tpu.memory_space<vmem>>
    %dma_start3A_410 = arith.constant 0 : i32
    %dma_start3A_411 = tpu.memref_slice %arg2[%arg0, %dma_start3A_410, %multiple_of3A_404] : memref<2x8x1000000xf32, #tpu.memory_space<hbm>> -> memref<1x8x128xf32, #tpu.memory_space<hbm>>
    %dma_start3A_412 = tpu.memref_squeeze %dma_start3A_411 : memref<1x8x128xf32, #tpu.memory_space<hbm>> -> memref<8x128xf32, #tpu.memory_space<hbm>>
    %dma_start3A_413 = arith.constant 0 : i32
    %dma_start3A_414 = arith.constant 0 : i32
    %dma_start3A_415 = tpu.memref_slice %arg7[%dma_start3A_405, %dma_start3A_413, %dma_start3A_414] : memref<33x8x128xf32, #tpu.memory_space<vmem>> -> memref<1x8x128xf32, #tpu.memory_space<vmem>>
    %dma_start3A_416 = tpu.memref_squeeze %dma_start3A_415 : memref<1x8x128xf32, #tpu.memory_space<vmem>> -> memref<8x128xf32, #tpu.memory_space<vmem>>
    %dma_start3A_417 = arith.constant 0 : i32
    %dma_start3A_418 = tpu.memref_slice %arg2[%arg0, %dma_start3A_417, %multiple_of3A_404] : memref<2x8x1000000xf32, #tpu.memory_space<hbm>> -> memref<1x8x128xf32, #tpu.memory_space<hbm>>
    %dma_start3A_419 = tpu.memref_squeeze %dma_start3A_418 : memref<1x8x128xf32, #tpu.memory_space<hbm>> -> memref<8x128xf32, #tpu.memory_space<hbm>>
    tpu.enqueue_dma source(%dma_start3A_419 : memref<8x128xf32, #tpu.memory_space<hbm>>) target(%dma_start3A_416 : memref<8x128xf32, #tpu.memory_space<vmem>>) target_semaphore(%arg9 : memref<!tpu.dma_semaphore, #tpu.memory_space<semaphore_mem>>)
    %slice3A_420 = vector.extract_strided_slice %mul3A_33 {offsets = [5], sizes = [1], strides = [1]} : vector<16xi32> to vector<1xi32>
    %squeeze3A_421 = vector.extract %slice3A_420[0] : i32 from vector<1xi32>
    %multiple_of3A_422 = tpu.assume_multiple %squeeze3A_421, 128 : i32
    %dma_start3A_423 = arith.constant 21 : i32
    %dma_start3A_424 = arith.constant 0 : i32
    %dma_start3A_425 = arith.constant 0 : i32
    %dma_start3A_426 = tpu.memref_slice %arg7[%dma_start3A_423, %dma_start3A_424, %dma_start3A_425] : memref<33x8x128xf32, #tpu.memory_space<vmem>> -> memref<1x8x128xf32, #tpu.memory_space<vmem>>
    %dma_start3A_427 = tpu.memref_squeeze %dma_start3A_426 : memref<1x8x128xf32, #tpu.memory_space<vmem>> -> memref<8x128xf32, #tpu.memory_space<vmem>>
    %dma_start3A_428 = arith.constant 0 : i32
    %dma_start3A_429 = tpu.memref_slice %arg2[%arg0, %dma_start3A_428, %multiple_of3A_422] : memref<2x8x1000000xf32, #tpu.memory_space<hbm>> -> memref<1x8x128xf32, #tpu.memory_space<hbm>>
    %dma_start3A_430 = tpu.memref_squeeze %dma_start3A_429 : memref<1x8x128xf32, #tpu.memory_space<hbm>> -> memref<8x128xf32, #tpu.memory_space<hbm>>
    %dma_start3A_431 = arith.constant 0 : i32
    %dma_start3A_432 = arith.constant 0 : i32
    %dma_start3A_433 = tpu.memref_slice %arg7[%dma_start3A_423, %dma_start3A_431, %dma_start3A_432] : memref<33x8x128xf32, #tpu.memory_space<vmem>> -> memref<1x8x128xf32, #tpu.memory_space<vmem>>
    %dma_start3A_434 = tpu.memref_squeeze %dma_start3A_433 : memref<1x8x128xf32, #tpu.memory_space<vmem>> -> memref<8x128xf32, #tpu.memory_space<vmem>>
    %dma_start3A_435 = arith.constant 0 : i32
    %dma_start3A_436 = tpu.memref_slice %arg2[%arg0, %dma_start3A_435, %multiple_of3A_422] : memref<2x8x1000000xf32, #tpu.memory_space<hbm>> -> memref<1x8x128xf32, #tpu.memory_space<hbm>>
    %dma_start3A_437 = tpu.memref_squeeze %dma_start3A_436 : memref<1x8x128xf32, #tpu.memory_space<hbm>> -> memref<8x128xf32, #tpu.memory_space<hbm>>
    tpu.enqueue_dma source(%dma_start3A_437 : memref<8x128xf32, #tpu.memory_space<hbm>>) target(%dma_start3A_434 : memref<8x128xf32, #tpu.memory_space<vmem>>) target_semaphore(%arg9 : memref<!tpu.dma_semaphore, #tpu.memory_space<semaphore_mem>>)
    %slice3A_438 = vector.extract_strided_slice %mul3A_33 {offsets = [6], sizes = [1], strides = [1]} : vector<16xi32> to vector<1xi32>
    %squeeze3A_439 = vector.extract %slice3A_438[0] : i32 from vector<1xi32>
    %multiple_of3A_440 = tpu.assume_multiple %squeeze3A_439, 128 : i32
    %dma_start3A_441 = arith.constant 22 : i32
    %dma_start3A_442 = arith.constant 0 : i32
    %dma_start3A_443 = arith.constant 0 : i32
    %dma_start3A_444 = tpu.memref_slice %arg7[%dma_start3A_441, %dma_start3A_442, %dma_start3A_443] : memref<33x8x128xf32, #tpu.memory_space<vmem>> -> memref<1x8x128xf32, #tpu.memory_space<vmem>>
    %dma_start3A_445 = tpu.memref_squeeze %dma_start3A_444 : memref<1x8x128xf32, #tpu.memory_space<vmem>> -> memref<8x128xf32, #tpu.memory_space<vmem>>
    %dma_start3A_446 = arith.constant 0 : i32
    %dma_start3A_447 = tpu.memref_slice %arg2[%arg0, %dma_start3A_446, %multiple_of3A_440] : memref<2x8x1000000xf32, #tpu.memory_space<hbm>> -> memref<1x8x128xf32, #tpu.memory_space<hbm>>
    %dma_start3A_448 = tpu.memref_squeeze %dma_start3A_447 : memref<1x8x128xf32, #tpu.memory_space<hbm>> -> memref<8x128xf32, #tpu.memory_space<hbm>>
    %dma_start3A_449 = arith.constant 0 : i32
    %dma_start3A_450 = arith.constant 0 : i32
    %dma_start3A_451 = tpu.memref_slice %arg7[%dma_start3A_441, %dma_start3A_449, %dma_start3A_450] : memref<33x8x128xf32, #tpu.memory_space<vmem>> -> memref<1x8x128xf32, #tpu.memory_space<vmem>>
    %dma_start3A_452 = tpu.memref_squeeze %dma_start3A_451 : memref<1x8x128xf32, #tpu.memory_space<vmem>> -> memref<8x128xf32, #tpu.memory_space<vmem>>
    %dma_start3A_453 = arith.constant 0 : i32
    %dma_start3A_454 = tpu.memref_slice %arg2[%arg0, %dma_start3A_453, %multiple_of3A_440] : memref<2x8x1000000xf32, #tpu.memory_space<hbm>> -> memref<1x8x128xf32, #tpu.memory_space<hbm>>
    %dma_start3A_455 = tpu.memref_squeeze %dma_start3A_454 : memref<1x8x128xf32, #tpu.memory_space<hbm>> -> memref<8x128xf32, #tpu.memory_space<hbm>>
    tpu.enqueue_dma source(%dma_start3A_455 : memref<8x128xf32, #tpu.memory_space<hbm>>) target(%dma_start3A_452 : memref<8x128xf32, #tpu.memory_space<vmem>>) target_semaphore(%arg9 : memref<!tpu.dma_semaphore, #tpu.memory_space<semaphore_mem>>)
    %slice3A_456 = vector.extract_strided_slice %mul3A_33 {offsets = [7], sizes = [1], strides = [1]} : vector<16xi32> to vector<1xi32>
    %squeeze3A_457 = vector.extract %slice3A_456[0] : i32 from vector<1xi32>
    %multiple_of3A_458 = tpu.assume_multiple %squeeze3A_457, 128 : i32
    %dma_start3A_459 = arith.constant 23 : i32
    %dma_start3A_460 = arith.constant 0 : i32
    %dma_start3A_461 = arith.constant 0 : i32
    %dma_start3A_462 = tpu.memref_slice %arg7[%dma_start3A_459, %dma_start3A_460, %dma_start3A_461] : memref<33x8x128xf32, #tpu.memory_space<vmem>> -> memref<1x8x128xf32, #tpu.memory_space<vmem>>
    %dma_start3A_463 = tpu.memref_squeeze %dma_start3A_462 : memref<1x8x128xf32, #tpu.memory_space<vmem>> -> memref<8x128xf32, #tpu.memory_space<vmem>>
    %dma_start3A_464 = arith.constant 0 : i32
    %dma_start3A_465 = tpu.memref_slice %arg2[%arg0, %dma_start3A_464, %multiple_of3A_458] : memref<2x8x1000000xf32, #tpu.memory_space<hbm>> -> memref<1x8x128xf32, #tpu.memory_space<hbm>>
    %dma_start3A_466 = tpu.memref_squeeze %dma_start3A_465 : memref<1x8x128xf32, #tpu.memory_space<hbm>> -> memref<8x128xf32, #tpu.memory_space<hbm>>
    %dma_start3A_467 = arith.constant 0 : i32
    %dma_start3A_468 = arith.constant 0 : i32
    %dma_start3A_469 = tpu.memref_slice %arg7[%dma_start3A_459, %dma_start3A_467, %dma_start3A_468] : memref<33x8x128xf32, #tpu.memory_space<vmem>> -> memref<1x8x128xf32, #tpu.memory_space<vmem>>
    %dma_start3A_470 = tpu.memref_squeeze %dma_start3A_469 : memref<1x8x128xf32, #tpu.memory_space<vmem>> -> memref<8x128xf32, #tpu.memory_space<vmem>>
    %dma_start3A_471 = arith.constant 0 : i32
    %dma_start3A_472 = tpu.memref_slice %arg2[%arg0, %dma_start3A_471, %multiple_of3A_458] : memref<2x8x1000000xf32, #tpu.memory_space<hbm>> -> memref<1x8x128xf32, #tpu.memory_space<hbm>>
    %dma_start3A_473 = tpu.memref_squeeze %dma_start3A_472 : memref<1x8x128xf32, #tpu.memory_space<hbm>> -> memref<8x128xf32, #tpu.memory_space<hbm>>
    tpu.enqueue_dma source(%dma_start3A_473 : memref<8x128xf32, #tpu.memory_space<hbm>>) target(%dma_start3A_470 : memref<8x128xf32, #tpu.memory_space<vmem>>) target_semaphore(%arg9 : memref<!tpu.dma_semaphore, #tpu.memory_space<semaphore_mem>>)
    %slice3A_474 = vector.extract_strided_slice %mul3A_33 {offsets = [8], sizes = [1], strides = [1]} : vector<16xi32> to vector<1xi32>
    %squeeze3A_475 = vector.extract %slice3A_474[0] : i32 from vector<1xi32>
    %multiple_of3A_476 = tpu.assume_multiple %squeeze3A_475, 128 : i32
    %dma_start3A_477 = arith.constant 24 : i32
    %dma_start3A_478 = arith.constant 0 : i32
    %dma_start3A_479 = arith.constant 0 : i32
    %dma_start3A_480 = tpu.memref_slice %arg7[%dma_start3A_477, %dma_start3A_478, %dma_start3A_479] : memref<33x8x128xf32, #tpu.memory_space<vmem>> -> memref<1x8x128xf32, #tpu.memory_space<vmem>>
    %dma_start3A_481 = tpu.memref_squeeze %dma_start3A_480 : memref<1x8x128xf32, #tpu.memory_space<vmem>> -> memref<8x128xf32, #tpu.memory_space<vmem>>
    %dma_start3A_482 = arith.constant 0 : i32
    %dma_start3A_483 = tpu.memref_slice %arg2[%arg0, %dma_start3A_482, %multiple_of3A_476] : memref<2x8x1000000xf32, #tpu.memory_space<hbm>> -> memref<1x8x128xf32, #tpu.memory_space<hbm>>
    %dma_start3A_484 = tpu.memref_squeeze %dma_start3A_483 : memref<1x8x128xf32, #tpu.memory_space<hbm>> -> memref<8x128xf32, #tpu.memory_space<hbm>>
    %dma_start3A_485 = arith.constant 0 : i32
    %dma_start3A_486 = arith.constant 0 : i32
    %dma_start3A_487 = tpu.memref_slice %arg7[%dma_start3A_477, %dma_start3A_485, %dma_start3A_486] : memref<33x8x128xf32, #tpu.memory_space<vmem>> -> memref<1x8x128xf32, #tpu.memory_space<vmem>>
    %dma_start3A_488 = tpu.memref_squeeze %dma_start3A_487 : memref<1x8x128xf32, #tpu.memory_space<vmem>> -> memref<8x128xf32, #tpu.memory_space<vmem>>
    %dma_start3A_489 = arith.constant 0 : i32
    %dma_start3A_490 = tpu.memref_slice %arg2[%arg0, %dma_start3A_489, %multiple_of3A_476] : memref<2x8x1000000xf32, #tpu.memory_space<hbm>> -> memref<1x8x128xf32, #tpu.memory_space<hbm>>
    %dma_start3A_491 = tpu.memref_squeeze %dma_start3A_490 : memref<1x8x128xf32, #tpu.memory_space<hbm>> -> memref<8x128xf32, #tpu.memory_space<hbm>>
    tpu.enqueue_dma source(%dma_start3A_491 : memref<8x128xf32, #tpu.memory_space<hbm>>) target(%dma_start3A_488 : memref<8x128xf32, #tpu.memory_space<vmem>>) target_semaphore(%arg9 : memref<!tpu.dma_semaphore, #tpu.memory_space<semaphore_mem>>)
    %slice3A_492 = vector.extract_strided_slice %mul3A_33 {offsets = [9], sizes = [1], strides = [1]} : vector<16xi32> to vector<1xi32>
    %squeeze3A_493 = vector.extract %slice3A_492[0] : i32 from vector<1xi32>
    %multiple_of3A_494 = tpu.assume_multiple %squeeze3A_493, 128 : i32
    %dma_start3A_495 = arith.constant 25 : i32
    %dma_start3A_496 = arith.constant 0 : i32
    %dma_start3A_497 = arith.constant 0 : i32
    %dma_start3A_498 = tpu.memref_slice %arg7[%dma_start3A_495, %dma_start3A_496, %dma_start3A_497] : memref<33x8x128xf32, #tpu.memory_space<vmem>> -> memref<1x8x128xf32, #tpu.memory_space<vmem>>
    %dma_start3A_499 = tpu.memref_squeeze %dma_start3A_498 : memref<1x8x128xf32, #tpu.memory_space<vmem>> -> memref<8x128xf32, #tpu.memory_space<vmem>>
    %dma_start3A_500 = arith.constant 0 : i32
    %dma_start3A_501 = tpu.memref_slice %arg2[%arg0, %dma_start3A_500, %multiple_of3A_494] : memref<2x8x1000000xf32, #tpu.memory_space<hbm>> -> memref<1x8x128xf32, #tpu.memory_space<hbm>>
    %dma_start3A_502 = tpu.memref_squeeze %dma_start3A_501 : memref<1x8x128xf32, #tpu.memory_space<hbm>> -> memref<8x128xf32, #tpu.memory_space<hbm>>
    %dma_start3A_503 = arith.constant 0 : i32
    %dma_start3A_504 = arith.constant 0 : i32
    %dma_start3A_505 = tpu.memref_slice %arg7[%dma_start3A_495, %dma_start3A_503, %dma_start3A_504] : memref<33x8x128xf32, #tpu.memory_space<vmem>> -> memref<1x8x128xf32, #tpu.memory_space<vmem>>
    %dma_start3A_506 = tpu.memref_squeeze %dma_start3A_505 : memref<1x8x128xf32, #tpu.memory_space<vmem>> -> memref<8x128xf32, #tpu.memory_space<vmem>>
    %dma_start3A_507 = arith.constant 0 : i32
    %dma_start3A_508 = tpu.memref_slice %arg2[%arg0, %dma_start3A_507, %multiple_of3A_494] : memref<2x8x1000000xf32, #tpu.memory_space<hbm>> -> memref<1x8x128xf32, #tpu.memory_space<hbm>>
    %dma_start3A_509 = tpu.memref_squeeze %dma_start3A_508 : memref<1x8x128xf32, #tpu.memory_space<hbm>> -> memref<8x128xf32, #tpu.memory_space<hbm>>
    tpu.enqueue_dma source(%dma_start3A_509 : memref<8x128xf32, #tpu.memory_space<hbm>>) target(%dma_start3A_506 : memref<8x128xf32, #tpu.memory_space<vmem>>) target_semaphore(%arg9 : memref<!tpu.dma_semaphore, #tpu.memory_space<semaphore_mem>>)
    %slice3A_510 = vector.extract_strided_slice %mul3A_33 {offsets = [10], sizes = [1], strides = [1]} : vector<16xi32> to vector<1xi32>
    %squeeze3A_511 = vector.extract %slice3A_510[0] : i32 from vector<1xi32>
    %multiple_of3A_512 = tpu.assume_multiple %squeeze3A_511, 128 : i32
    %dma_start3A_513 = arith.constant 26 : i32
    %dma_start3A_514 = arith.constant 0 : i32
    %dma_start3A_515 = arith.constant 0 : i32
    %dma_start3A_516 = tpu.memref_slice %arg7[%dma_start3A_513, %dma_start3A_514, %dma_start3A_515] : memref<33x8x128xf32, #tpu.memory_space<vmem>> -> memref<1x8x128xf32, #tpu.memory_space<vmem>>
    %dma_start3A_517 = tpu.memref_squeeze %dma_start3A_516 : memref<1x8x128xf32, #tpu.memory_space<vmem>> -> memref<8x128xf32, #tpu.memory_space<vmem>>
    %dma_start3A_518 = arith.constant 0 : i32
    %dma_start3A_519 = tpu.memref_slice %arg2[%arg0, %dma_start3A_518, %multiple_of3A_512] : memref<2x8x1000000xf32, #tpu.memory_space<hbm>> -> memref<1x8x128xf32, #tpu.memory_space<hbm>>
    %dma_start3A_520 = tpu.memref_squeeze %dma_start3A_519 : memref<1x8x128xf32, #tpu.memory_space<hbm>> -> memref<8x128xf32, #tpu.memory_space<hbm>>
    %dma_start3A_521 = arith.constant 0 : i32
    %dma_start3A_522 = arith.constant 0 : i32
    %dma_start3A_523 = tpu.memref_slice %arg7[%dma_start3A_513, %dma_start3A_521, %dma_start3A_522] : memref<33x8x128xf32, #tpu.memory_space<vmem>> -> memref<1x8x128xf32, #tpu.memory_space<vmem>>
    %dma_start3A_524 = tpu.memref_squeeze %dma_start3A_523 : memref<1x8x128xf32, #tpu.memory_space<vmem>> -> memref<8x128xf32, #tpu.memory_space<vmem>>
    %dma_start3A_525 = arith.constant 0 : i32
    %dma_start3A_526 = tpu.memref_slice %arg2[%arg0, %dma_start3A_525, %multiple_of3A_512] : memref<2x8x1000000xf32, #tpu.memory_space<hbm>> -> memref<1x8x128xf32, #tpu.memory_space<hbm>>
    %dma_start3A_527 = tpu.memref_squeeze %dma_start3A_526 : memref<1x8x128xf32, #tpu.memory_space<hbm>> -> memref<8x128xf32, #tpu.memory_space<hbm>>
    tpu.enqueue_dma source(%dma_start3A_527 : memref<8x128xf32, #tpu.memory_space<hbm>>) target(%dma_start3A_524 : memref<8x128xf32, #tpu.memory_space<vmem>>) target_semaphore(%arg9 : memref<!tpu.dma_semaphore, #tpu.memory_space<semaphore_mem>>)
    %slice3A_528 = vector.extract_strided_slice %mul3A_33 {offsets = [11], sizes = [1], strides = [1]} : vector<16xi32> to vector<1xi32>
    %squeeze3A_529 = vector.extract %slice3A_528[0] : i32 from vector<1xi32>
    %multiple_of3A_530 = tpu.assume_multiple %squeeze3A_529, 128 : i32
    %dma_start3A_531 = arith.constant 27 : i32
    %dma_start3A_532 = arith.constant 0 : i32
    %dma_start3A_533 = arith.constant 0 : i32
    %dma_start3A_534 = tpu.memref_slice %arg7[%dma_start3A_531, %dma_start3A_532, %dma_start3A_533] : memref<33x8x128xf32, #tpu.memory_space<vmem>> -> memref<1x8x128xf32, #tpu.memory_space<vmem>>
    %dma_start3A_535 = tpu.memref_squeeze %dma_start3A_534 : memref<1x8x128xf32, #tpu.memory_space<vmem>> -> memref<8x128xf32, #tpu.memory_space<vmem>>
    %dma_start3A_536 = arith.constant 0 : i32
    %dma_start3A_537 = tpu.memref_slice %arg2[%arg0, %dma_start3A_536, %multiple_of3A_530] : memref<2x8x1000000xf32, #tpu.memory_space<hbm>> -> memref<1x8x128xf32, #tpu.memory_space<hbm>>
    %dma_start3A_538 = tpu.memref_squeeze %dma_start3A_537 : memref<1x8x128xf32, #tpu.memory_space<hbm>> -> memref<8x128xf32, #tpu.memory_space<hbm>>
    %dma_start3A_539 = arith.constant 0 : i32
    %dma_start3A_540 = arith.constant 0 : i32
    %dma_start3A_541 = tpu.memref_slice %arg7[%dma_start3A_531, %dma_start3A_539, %dma_start3A_540] : memref<33x8x128xf32, #tpu.memory_space<vmem>> -> memref<1x8x128xf32, #tpu.memory_space<vmem>>
    %dma_start3A_542 = tpu.memref_squeeze %dma_start3A_541 : memref<1x8x128xf32, #tpu.memory_space<vmem>> -> memref<8x128xf32, #tpu.memory_space<vmem>>
    %dma_start3A_543 = arith.constant 0 : i32
    %dma_start3A_544 = tpu.memref_slice %arg2[%arg0, %dma_start3A_543, %multiple_of3A_530] : memref<2x8x1000000xf32, #tpu.memory_space<hbm>> -> memref<1x8x128xf32, #tpu.memory_space<hbm>>
    %dma_start3A_545 = tpu.memref_squeeze %dma_start3A_544 : memref<1x8x128xf32, #tpu.memory_space<hbm>> -> memref<8x128xf32, #tpu.memory_space<hbm>>
    tpu.enqueue_dma source(%dma_start3A_545 : memref<8x128xf32, #tpu.memory_space<hbm>>) target(%dma_start3A_542 : memref<8x128xf32, #tpu.memory_space<vmem>>) target_semaphore(%arg9 : memref<!tpu.dma_semaphore, #tpu.memory_space<semaphore_mem>>)
    %slice3A_546 = vector.extract_strided_slice %mul3A_33 {offsets = [12], sizes = [1], strides = [1]} : vector<16xi32> to vector<1xi32>
    %squeeze3A_547 = vector.extract %slice3A_546[0] : i32 from vector<1xi32>
    %multiple_of3A_548 = tpu.assume_multiple %squeeze3A_547, 128 : i32
    %dma_start3A_549 = arith.constant 28 : i32
    %dma_start3A_550 = arith.constant 0 : i32
    %dma_start3A_551 = arith.constant 0 : i32
    %dma_start3A_552 = tpu.memref_slice %arg7[%dma_start3A_549, %dma_start3A_550, %dma_start3A_551] : memref<33x8x128xf32, #tpu.memory_space<vmem>> -> memref<1x8x128xf32, #tpu.memory_space<vmem>>
    %dma_start3A_553 = tpu.memref_squeeze %dma_start3A_552 : memref<1x8x128xf32, #tpu.memory_space<vmem>> -> memref<8x128xf32, #tpu.memory_space<vmem>>
    %dma_start3A_554 = arith.constant 0 : i32
    %dma_start3A_555 = tpu.memref_slice %arg2[%arg0, %dma_start3A_554, %multiple_of3A_548] : memref<2x8x1000000xf32, #tpu.memory_space<hbm>> -> memref<1x8x128xf32, #tpu.memory_space<hbm>>
    %dma_start3A_556 = tpu.memref_squeeze %dma_start3A_555 : memref<1x8x128xf32, #tpu.memory_space<hbm>> -> memref<8x128xf32, #tpu.memory_space<hbm>>
    %dma_start3A_557 = arith.constant 0 : i32
    %dma_start3A_558 = arith.constant 0 : i32
    %dma_start3A_559 = tpu.memref_slice %arg7[%dma_start3A_549, %dma_start3A_557, %dma_start3A_558] : memref<33x8x128xf32, #tpu.memory_space<vmem>> -> memref<1x8x128xf32, #tpu.memory_space<vmem>>
    %dma_start3A_560 = tpu.memref_squeeze %dma_start3A_559 : memref<1x8x128xf32, #tpu.memory_space<vmem>> -> memref<8x128xf32, #tpu.memory_space<vmem>>
    %dma_start3A_561 = arith.constant 0 : i32
    %dma_start3A_562 = tpu.memref_slice %arg2[%arg0, %dma_start3A_561, %multiple_of3A_548] : memref<2x8x1000000xf32, #tpu.memory_space<hbm>> -> memref<1x8x128xf32, #tpu.memory_space<hbm>>
    %dma_start3A_563 = tpu.memref_squeeze %dma_start3A_562 : memref<1x8x128xf32, #tpu.memory_space<hbm>> -> memref<8x128xf32, #tpu.memory_space<hbm>>
    tpu.enqueue_dma source(%dma_start3A_563 : memref<8x128xf32, #tpu.memory_space<hbm>>) target(%dma_start3A_560 : memref<8x128xf32, #tpu.memory_space<vmem>>) target_semaphore(%arg9 : memref<!tpu.dma_semaphore, #tpu.memory_space<semaphore_mem>>)
    %slice3A_564 = vector.extract_strided_slice %mul3A_33 {offsets = [13], sizes = [1], strides = [1]} : vector<16xi32> to vector<1xi32>
    %squeeze3A_565 = vector.extract %slice3A_564[0] : i32 from vector<1xi32>
    %multiple_of3A_566 = tpu.assume_multiple %squeeze3A_565, 128 : i32
    %dma_start3A_567 = arith.constant 29 : i32
    %dma_start3A_568 = arith.constant 0 : i32
    %dma_start3A_569 = arith.constant 0 : i32
    %dma_start3A_570 = tpu.memref_slice %arg7[%dma_start3A_567, %dma_start3A_568, %dma_start3A_569] : memref<33x8x128xf32, #tpu.memory_space<vmem>> -> memref<1x8x128xf32, #tpu.memory_space<vmem>>
    %dma_start3A_571 = tpu.memref_squeeze %dma_start3A_570 : memref<1x8x128xf32, #tpu.memory_space<vmem>> -> memref<8x128xf32, #tpu.memory_space<vmem>>
    %dma_start3A_572 = arith.constant 0 : i32
    %dma_start3A_573 = tpu.memref_slice %arg2[%arg0, %dma_start3A_572, %multiple_of3A_566] : memref<2x8x1000000xf32, #tpu.memory_space<hbm>> -> memref<1x8x128xf32, #tpu.memory_space<hbm>>
    %dma_start3A_574 = tpu.memref_squeeze %dma_start3A_573 : memref<1x8x128xf32, #tpu.memory_space<hbm>> -> memref<8x128xf32, #tpu.memory_space<hbm>>
    %dma_start3A_575 = arith.constant 0 : i32
    %dma_start3A_576 = arith.constant 0 : i32
    %dma_start3A_577 = tpu.memref_slice %arg7[%dma_start3A_567, %dma_start3A_575, %dma_start3A_576] : memref<33x8x128xf32, #tpu.memory_space<vmem>> -> memref<1x8x128xf32, #tpu.memory_space<vmem>>
    %dma_start3A_578 = tpu.memref_squeeze %dma_start3A_577 : memref<1x8x128xf32, #tpu.memory_space<vmem>> -> memref<8x128xf32, #tpu.memory_space<vmem>>
    %dma_start3A_579 = arith.constant 0 : i32
    %dma_start3A_580 = tpu.memref_slice %arg2[%arg0, %dma_start3A_579, %multiple_of3A_566] : memref<2x8x1000000xf32, #tpu.memory_space<hbm>> -> memref<1x8x128xf32, #tpu.memory_space<hbm>>
    %dma_start3A_581 = tpu.memref_squeeze %dma_start3A_580 : memref<1x8x128xf32, #tpu.memory_space<hbm>> -> memref<8x128xf32, #tpu.memory_space<hbm>>
    tpu.enqueue_dma source(%dma_start3A_581 : memref<8x128xf32, #tpu.memory_space<hbm>>) target(%dma_start3A_578 : memref<8x128xf32, #tpu.memory_space<vmem>>) target_semaphore(%arg9 : memref<!tpu.dma_semaphore, #tpu.memory_space<semaphore_mem>>)
    %slice3A_582 = vector.extract_strided_slice %mul3A_33 {offsets = [14], sizes = [1], strides = [1]} : vector<16xi32> to vector<1xi32>
    %squeeze3A_583 = vector.extract %slice3A_582[0] : i32 from vector<1xi32>
    %multiple_of3A_584 = tpu.assume_multiple %squeeze3A_583, 128 : i32
    %dma_start3A_585 = arith.constant 30 : i32
    %dma_start3A_586 = arith.constant 0 : i32
    %dma_start3A_587 = arith.constant 0 : i32
    %dma_start3A_588 = tpu.memref_slice %arg7[%dma_start3A_585, %dma_start3A_586, %dma_start3A_587] : memref<33x8x128xf32, #tpu.memory_space<vmem>> -> memref<1x8x128xf32, #tpu.memory_space<vmem>>
    %dma_start3A_589 = tpu.memref_squeeze %dma_start3A_588 : memref<1x8x128xf32, #tpu.memory_space<vmem>> -> memref<8x128xf32, #tpu.memory_space<vmem>>
    %dma_start3A_590 = arith.constant 0 : i32
    %dma_start3A_591 = tpu.memref_slice %arg2[%arg0, %dma_start3A_590, %multiple_of3A_584] : memref<2x8x1000000xf32, #tpu.memory_space<hbm>> -> memref<1x8x128xf32, #tpu.memory_space<hbm>>
    %dma_start3A_592 = tpu.memref_squeeze %dma_start3A_591 : memref<1x8x128xf32, #tpu.memory_space<hbm>> -> memref<8x128xf32, #tpu.memory_space<hbm>>
    %dma_start3A_593 = arith.constant 0 : i32
    %dma_start3A_594 = arith.constant 0 : i32
    %dma_start3A_595 = tpu.memref_slice %arg7[%dma_start3A_585, %dma_start3A_593, %dma_start3A_594] : memref<33x8x128xf32, #tpu.memory_space<vmem>> -> memref<1x8x128xf32, #tpu.memory_space<vmem>>
    %dma_start3A_596 = tpu.memref_squeeze %dma_start3A_595 : memref<1x8x128xf32, #tpu.memory_space<vmem>> -> memref<8x128xf32, #tpu.memory_space<vmem>>
    %dma_start3A_597 = arith.constant 0 : i32
    %dma_start3A_598 = tpu.memref_slice %arg2[%arg0, %dma_start3A_597, %multiple_of3A_584] : memref<2x8x1000000xf32, #tpu.memory_space<hbm>> -> memref<1x8x128xf32, #tpu.memory_space<hbm>>
    %dma_start3A_599 = tpu.memref_squeeze %dma_start3A_598 : memref<1x8x128xf32, #tpu.memory_space<hbm>> -> memref<8x128xf32, #tpu.memory_space<hbm>>
    tpu.enqueue_dma source(%dma_start3A_599 : memref<8x128xf32, #tpu.memory_space<hbm>>) target(%dma_start3A_596 : memref<8x128xf32, #tpu.memory_space<vmem>>) target_semaphore(%arg9 : memref<!tpu.dma_semaphore, #tpu.memory_space<semaphore_mem>>)
    %slice3A_600 = vector.extract_strided_slice %mul3A_33 {offsets = [15], sizes = [1], strides = [1]} : vector<16xi32> to vector<1xi32>
    %squeeze3A_601 = vector.extract %slice3A_600[0] : i32 from vector<1xi32>
    %multiple_of3A_602 = tpu.assume_multiple %squeeze3A_601, 128 : i32
    %dma_start3A_603 = arith.constant 31 : i32
    %dma_start3A_604 = arith.constant 0 : i32
    %dma_start3A_605 = arith.constant 0 : i32
    %dma_start3A_606 = tpu.memref_slice %arg7[%dma_start3A_603, %dma_start3A_604, %dma_start3A_605] : memref<33x8x128xf32, #tpu.memory_space<vmem>> -> memref<1x8x128xf32, #tpu.memory_space<vmem>>
    %dma_start3A_607 = tpu.memref_squeeze %dma_start3A_606 : memref<1x8x128xf32, #tpu.memory_space<vmem>> -> memref<8x128xf32, #tpu.memory_space<vmem>>
    %dma_start3A_608 = arith.constant 0 : i32
    %dma_start3A_609 = tpu.memref_slice %arg2[%arg0, %dma_start3A_608, %multiple_of3A_602] : memref<2x8x1000000xf32, #tpu.memory_space<hbm>> -> memref<1x8x128xf32, #tpu.memory_space<hbm>>
    %dma_start3A_610 = tpu.memref_squeeze %dma_start3A_609 : memref<1x8x128xf32, #tpu.memory_space<hbm>> -> memref<8x128xf32, #tpu.memory_space<hbm>>
    %dma_start3A_611 = arith.constant 0 : i32
    %dma_start3A_612 = arith.constant 0 : i32
    %dma_start3A_613 = tpu.memref_slice %arg7[%dma_start3A_603, %dma_start3A_611, %dma_start3A_612] : memref<33x8x128xf32, #tpu.memory_space<vmem>> -> memref<1x8x128xf32, #tpu.memory_space<vmem>>
    %dma_start3A_614 = tpu.memref_squeeze %dma_start3A_613 : memref<1x8x128xf32, #tpu.memory_space<vmem>> -> memref<8x128xf32, #tpu.memory_space<vmem>>
    %dma_start3A_615 = arith.constant 0 : i32
    %dma_start3A_616 = tpu.memref_slice %arg2[%arg0, %dma_start3A_615, %multiple_of3A_602] : memref<2x8x1000000xf32, #tpu.memory_space<hbm>> -> memref<1x8x128xf32, #tpu.memory_space<hbm>>
    %dma_start3A_617 = tpu.memref_squeeze %dma_start3A_616 : memref<1x8x128xf32, #tpu.memory_space<hbm>> -> memref<8x128xf32, #tpu.memory_space<hbm>>
    tpu.enqueue_dma source(%dma_start3A_617 : memref<8x128xf32, #tpu.memory_space<hbm>>) target(%dma_start3A_614 : memref<8x128xf32, #tpu.memory_space<vmem>>) target_semaphore(%arg9 : memref<!tpu.dma_semaphore, #tpu.memory_space<semaphore_mem>>)
    %scan3A = arith.constant 0 : i32
    %scan3A_618 = arith.constant 32 : i32
    %scan3A_619 = arith.addi %scan3A, %scan3A_618 : i32
    %scan3A_620 = arith.constant 1 : i32
    %scan3A_621:6 = scf.for %scan3A_687 = %scan3A to %scan3A_619 step %scan3A_620 iter_args(%scan3A_688 = %mul3A_12, %scan3A_689 = %select_n3A, %scan3A_690 = %select_n3A_19, %scan3A_691 = %mul3A_33, %scan3A_692 = %select_n3A_38, %scan3A_693 = %select_n3A_45) -> (vector<16xi32>, vector<16xi32>, vector<16xi32>, vector<16xi32>, vector<16xi32>, vector<16xi32>)  : i32 {
      %add3A_694 = arith.constant 1 : i32
      %add3A_695 = arith.addi %scan3A_687, %add3A_694 : i32
      %mul3A_696 = arith.constant 16 : i32
      %mul3A_697 = arith.muli %add3A_695, %mul3A_696 : i32
      %mul3A_698 = arith.constant 2 : i32
      %mul3A_699 = arith.muli %mul3A_697, %mul3A_698 : i32
      %min3A_700 = arith.constant 992 : i32
      %min3A_701 = arith.minsi %mul3A_699, %min3A_700 : i32
      %add3A_702 = arith.constant 0 : i32
      %add3A_703 = arith.addi %min3A_701, %add3A_702 : i32
      %get3A_704 = arith.index_cast %add3A_703 : i32 to index
      %get3A_705 = tpu.vector_load %arg6[%get3A_704] {strides = array<i32>} : memref<1024xi32, #tpu.memory_space<vmem>>, vector<16xi32>,
      %ge3A_706 = arith.constant 999936 : i32
      %ge3A_707 = vector.broadcast %ge3A_706 : i32 to vector<16xi32>
      %ge3A_708 = arith.cmpi sge, %get3A_705, %ge3A_707 : vector<16xi32>
      %shift_right_logical3A_709 = arith.constant 7 : i32
      %shift_right_logical3A_710 = vector.broadcast %shift_right_logical3A_709 : i32 to vector<16xi32>
      %shift_right_logical3A_711 = arith.shrui %get3A_705, %shift_right_logical3A_710 : vector<16xi32>
      %min3A_712 = arith.constant 7811 : i32
      %min3A_713 = vector.broadcast %min3A_712 : i32 to vector<16xi32>
      %min3A_714 = arith.minsi %shift_right_logical3A_711, %min3A_713 : vector<16xi32>
      %mul3A_715 = arith.constant 128 : i32
      %mul3A_716 = vector.broadcast %mul3A_715 : i32 to vector<16xi32>
      %mul3A_717 = arith.muli %min3A_714, %mul3A_716 : vector<16xi32>
      %sub3A_718 = arith.constant 999936 : i32
      %sub3A_719 = vector.broadcast %sub3A_718 : i32 to vector<16xi32>
      %sub3A_720 = arith.subi %get3A_705, %sub3A_719 : vector<16xi32>
      %sub3A_721 = arith.subi %get3A_705, %mul3A_717 : vector<16xi32>
      %select_n3A_722 = arith.select %ge3A_708, %sub3A_720, %sub3A_721 : vector<16xi1>, vector<16xi32>
      %iota3A_723 = tpu.iota {dimensions = array<i32: 0>} : vector<16xi32>
      %add3A_724 = arith.constant 0 : i32
      %add3A_725 = vector.broadcast %add3A_724 : i32 to vector<16xi32>
      %add3A_726 = arith.addi %iota3A_723, %add3A_725 : vector<16xi32>
      %jit3A_727 = arith.constant 32 : i32
      %broadcast_in_dim3A_728 = vector.broadcast %jit3A_727 : i32 to vector<16xi32>
      %select_n3A_729 = arith.select %ge3A_708, %broadcast_in_dim3A_728, %add3A_726 : vector<16xi1>, vector<16xi32>
      %add3A_730 = arith.constant 16 : i32
      %add3A_731 = arith.addi %min3A_701, %add3A_730 : i32
      %get3A_732 = arith.index_cast %add3A_731 : i32 to index
      %get3A_733 = tpu.vector_load %arg6[%get3A_732] {strides = array<i32>} : memref<1024xi32, #tpu.memory_space<vmem>>, vector<16xi32>,
      %ge3A_734 = arith.constant 999936 : i32
      %ge3A_735 = vector.broadcast %ge3A_734 : i32 to vector<16xi32>
      %ge3A_736 = arith.cmpi sge, %get3A_733, %ge3A_735 : vector<16xi32>
      %shift_right_logical3A_737 = arith.constant 7 : i32
      %shift_right_logical3A_738 = vector.broadcast %shift_right_logical3A_737 : i32 to vector<16xi32>
      %shift_right_logical3A_739 = arith.shrui %get3A_733, %shift_right_logical3A_738 : vector<16xi32>
      %min3A_740 = arith.constant 7811 : i32
      %min3A_741 = vector.broadcast %min3A_740 : i32 to vector<16xi32>
      %min3A_742 = arith.minsi %shift_right_logical3A_739, %min3A_741 : vector<16xi32>
      %mul3A_743 = arith.constant 128 : i32
      %mul3A_744 = vector.broadcast %mul3A_743 : i32 to vector<16xi32>
      %mul3A_745 = arith.muli %min3A_742, %mul3A_744 : vector<16xi32>
      %sub3A_746 = arith.constant 999936 : i32
      %sub3A_747 = vector.broadcast %sub3A_746 : i32 to vector<16xi32>
      %sub3A_748 = arith.subi %get3A_733, %sub3A_747 : vector<16xi32>
      %sub3A_749 = arith.subi %get3A_733, %mul3A_745 : vector<16xi32>
      %select_n3A_750 = arith.select %ge3A_736, %sub3A_748, %sub3A_749 : vector<16xi1>, vector<16xi32>
      %iota3A_751 = tpu.iota {dimensions = array<i32: 0>} : vector<16xi32>
      %add3A_752 = arith.constant 16 : i32
      %add3A_753 = vector.broadcast %add3A_752 : i32 to vector<16xi32>
      %add3A_754 = arith.addi %iota3A_751, %add3A_753 : vector<16xi32>
      %jit3A_755 = arith.constant 32 : i32
      %broadcast_in_dim3A_756 = vector.broadcast %jit3A_755 : i32 to vector<16xi32>
      %select_n3A_757 = arith.select %ge3A_736, %broadcast_in_dim3A_756, %add3A_754 : vector<16xi1>, vector<16xi32>
      %add3A_758 = arith.constant 1 : i32
      %add3A_759 = arith.addi %scan3A_687, %add3A_758 : i32
      %lt3A = arith.constant 32 : i32
      %lt3A_760 = arith.cmpi slt, %add3A_759, %lt3A : i32
      %mul3A_761 = arith.constant 16 : i32
      %mul3A_762 = arith.muli %scan3A_687, %mul3A_761 : i32
      %mul3A_763 = arith.constant 2 : i32
      %mul3A_764 = arith.muli %mul3A_762, %mul3A_763 : i32
      %add3A_765 = arith.constant 0 : i32
      %add3A_766 = arith.addi %mul3A_764, %add3A_765 : i32
      %add3A_767 = arith.constant 0 : i32
      %add3A_768 = arith.addi %add3A_766, %add3A_767 : i32
      %dma_wait3A = arith.constant 0 : i32
      %dma_wait3A_769 = arith.constant 0 : i32
      %dma_wait3A_770 = arith.constant 0 : i32
      %dma_wait3A_771 = tpu.memref_slice %arg7[%dma_wait3A, %dma_wait3A_769, %dma_wait3A_770] : memref<33x8x128xf32, #tpu.memory_space<vmem>> -> memref<1x8x128xf32, #tpu.memory_space<vmem>>
      %dma_wait3A_772 = tpu.memref_squeeze %dma_wait3A_771 : memref<1x8x128xf32, #tpu.memory_space<vmem>> -> memref<8x128xf32, #tpu.memory_space<vmem>>
      %dma_wait3A_773 = arith.constant 0 : i32
      %dma_wait3A_774 = arith.constant 0 : i32
      %dma_wait3A_775 = tpu.memref_slice %arg2[%arg0, %dma_wait3A_773, %dma_wait3A_774] : memref<2x8x1000000xf32, #tpu.memory_space<hbm>> -> memref<1x8x128xf32, #tpu.memory_space<hbm>>
      %dma_wait3A_776 = tpu.memref_squeeze %dma_wait3A_775 : memref<1x8x128xf32, #tpu.memory_space<hbm>> -> memref<8x128xf32, #tpu.memory_space<hbm>>
      %dma_wait3A_777 = arith.constant 0 : i32
      %dma_wait3A_778 = arith.constant 0 : i32
      %dma_wait3A_779 = tpu.memref_slice %arg7[%dma_wait3A, %dma_wait3A_777, %dma_wait3A_778] : memref<33x8x128xf32, #tpu.memory_space<vmem>> -> memref<1x8x128xf32, #tpu.memory_space<vmem>>
      %dma_wait3A_780 = tpu.memref_squeeze %dma_wait3A_779 : memref<1x8x128xf32, #tpu.memory_space<vmem>> -> memref<8x128xf32, #tpu.memory_space<vmem>>
      %dma_wait3A_781 = arith.constant 0 : i32
      %dma_wait3A_782 = arith.constant 0 : i32
      %dma_wait3A_783 = tpu.memref_slice %arg2[%arg0, %dma_wait3A_781, %dma_wait3A_782] : memref<2x8x1000000xf32, #tpu.memory_space<hbm>> -> memref<1x8x128xf32, #tpu.memory_space<hbm>>
      %dma_wait3A_784 = tpu.memref_squeeze %dma_wait3A_783 : memref<1x8x128xf32, #tpu.memory_space<hbm>> -> memref<8x128xf32, #tpu.memory_space<hbm>>
      tpu.wait_dma2 semaphore(%arg9 : memref<!tpu.dma_semaphore, #tpu.memory_space<semaphore_mem>>) src(%dma_wait3A_784 : memref<8x128xf32, #tpu.memory_space<hbm>>) dst(%dma_wait3A_780 : memref<8x128xf32, #tpu.memory_space<vmem>>)
      %slice3A_785 = vector.extract_strided_slice %scan3A_689 {offsets = [0], sizes = [1], strides = [1]} : vector<16xi32> to vector<1xi32>
      %squeeze3A_786 = vector.extract %slice3A_785[0] : i32 from vector<1xi32>
      %slice3A_787 = vector.extract_strided_slice %scan3A_690 {offsets = [0], sizes = [1], strides = [1]} : vector<16xi32> to vector<1xi32>
      %squeeze3A_788 = vector.extract %slice3A_787[0] : i32 from vector<1xi32>
      %broadcast_in_dim3A_789 = vector.broadcast %squeeze3A_788 : i32 to vector<16xi32>
      %broadcast_in_dim3A_790 = vector.broadcast %squeeze3A_786 : i32 to vector<16xi32>
      %gather3A = tpu.vector_load_idx %arg7[%broadcast_in_dim3A_789, %and3A_2, %broadcast_in_dim3A_790] : memref<33x8x128xf32, #tpu.memory_space<vmem>>[vector<16xi32>, vector<16xi32>, vector<16xi32>], vector<16xf32>,
      %neg3A = arith.constant 0.000000e+00 : f32
      %neg3A_791 = vector.broadcast %neg3A : f32 to vector<16xf32>
      %neg3A_792 = arith.subf %neg3A_791, %gather3A : vector<16xf32>
      %exp3A = math.exp %neg3A_792 : vector<16xf32>
      %add3A_793 = arith.constant 1.000000e+00 : f32
      %add3A_794 = vector.broadcast %add3A_793 : f32 to vector<16xf32>
      %add3A_795 = arith.addf %add3A_794, %exp3A : vector<16xf32>
      %div3A = arith.constant 1.000000e+00 : f32
      %div3A_796 = vector.broadcast %div3A : f32 to vector<16xf32>
      %div3A_797 = arith.divf %div3A_796, %add3A_795 : vector<16xf32>
      %broadcast_in_dim3A_798 = vector.broadcast %add3A_768 : i32 to vector<16xi32>
      tpu.vector_store_idx %arg8[%and3A_2, %broadcast_in_dim3A_798], %div3A_797 : memref<8x1024xf32, #tpu.memory_space<vmem>>[vector<16xi32>, vector<16xi32>], vector<16xf32>,
      %convert_element_type3A = arith.extui %lt3A_760 : i1 to i32
      %cond3A = arith.constant 0 : i32
      %cond3A_799 = arith.cmpi ne, %convert_element_type3A, %cond3A : i32
      scf.if %cond3A_799 {
        %slice3A_2226 = vector.extract_strided_slice %mul3A_717 {offsets = [0], sizes = [1], strides = [1]} : vector<16xi32> to vector<1xi32>
        %squeeze3A_2227 = vector.extract %slice3A_2226[0] : i32 from vector<1xi32>
        %multiple_of3A_2228 = tpu.assume_multiple %squeeze3A_2227, 128 : i32
        %dma_start3A_2229 = arith.constant 0 : i32
        %dma_start3A_2230 = arith.constant 0 : i32
        %dma_start3A_2231 = arith.constant 0 : i32
        %dma_start3A_2232 = tpu.memref_slice %arg7[%dma_start3A_2229, %dma_start3A_2230, %dma_start3A_2231] : memref<33x8x128xf32, #tpu.memory_space<vmem>> -> memref<1x8x128xf32, #tpu.memory_space<vmem>>
        %dma_start3A_2233 = tpu.memref_squeeze %dma_start3A_2232 : memref<1x8x128xf32, #tpu.memory_space<vmem>> -> memref<8x128xf32, #tpu.memory_space<vmem>>
        %dma_start3A_2234 = arith.constant 0 : i32
        %dma_start3A_2235 = tpu.memref_slice %arg2[%arg0, %dma_start3A_2234, %multiple_of3A_2228] : memref<2x8x1000000xf32, #tpu.memory_space<hbm>> -> memref<1x8x128xf32, #tpu.memory_space<hbm>>
        %dma_start3A_2236 = tpu.memref_squeeze %dma_start3A_2235 : memref<1x8x128xf32, #tpu.memory_space<hbm>> -> memref<8x128xf32, #tpu.memory_space<hbm>>
        %dma_start3A_2237 = arith.constant 0 : i32
        %dma_start3A_2238 = arith.constant 0 : i32
        %dma_start3A_2239 = tpu.memref_slice %arg7[%dma_start3A_2229, %dma_start3A_2237, %dma_start3A_2238] : memref<33x8x128xf32, #tpu.memory_space<vmem>> -> memref<1x8x128xf32, #tpu.memory_space<vmem>>
        %dma_start3A_2240 = tpu.memref_squeeze %dma_start3A_2239 : memref<1x8x128xf32, #tpu.memory_space<vmem>> -> memref<8x128xf32, #tpu.memory_space<vmem>>
        %dma_start3A_2241 = arith.constant 0 : i32
        %dma_start3A_2242 = tpu.memref_slice %arg2[%arg0, %dma_start3A_2241, %multiple_of3A_2228] : memref<2x8x1000000xf32, #tpu.memory_space<hbm>> -> memref<1x8x128xf32, #tpu.memory_space<hbm>>
        %dma_start3A_2243 = tpu.memref_squeeze %dma_start3A_2242 : memref<1x8x128xf32, #tpu.memory_space<hbm>> -> memref<8x128xf32, #tpu.memory_space<hbm>>
        tpu.enqueue_dma source(%dma_start3A_2243 : memref<8x128xf32, #tpu.memory_space<hbm>>) target(%dma_start3A_2240 : memref<8x128xf32, #tpu.memory_space<vmem>>) target_semaphore(%arg9 : memref<!tpu.dma_semaphore, #tpu.memory_space<semaphore_mem>>)
      } else {
      }
      %mul3A_800 = arith.constant 16 : i32
      %mul3A_801 = arith.muli %scan3A_687, %mul3A_800 : i32
      %mul3A_802 = arith.constant 2 : i32
      %mul3A_803 = arith.muli %mul3A_801, %mul3A_802 : i32
      %add3A_804 = arith.constant 0 : i32
      %add3A_805 = arith.addi %mul3A_803, %add3A_804 : i32
      %add3A_806 = arith.constant 1 : i32
      %add3A_807 = arith.addi %add3A_805, %add3A_806 : i32
      %dma_wait3A_808 = arith.constant 1 : i32
      %dma_wait3A_809 = arith.constant 0 : i32
      %dma_wait3A_810 = arith.constant 0 : i32
      %dma_wait3A_811 = tpu.memref_slice %arg7[%dma_wait3A_808, %dma_wait3A_809, %dma_wait3A_810] : memref<33x8x128xf32, #tpu.memory_space<vmem>> -> memref<1x8x128xf32, #tpu.memory_space<vmem>>
      %dma_wait3A_812 = tpu.memref_squeeze %dma_wait3A_811 : memref<1x8x128xf32, #tpu.memory_space<vmem>> -> memref<8x128xf32, #tpu.memory_space<vmem>>
      %dma_wait3A_813 = arith.constant 0 : i32
      %dma_wait3A_814 = arith.constant 0 : i32
      %dma_wait3A_815 = tpu.memref_slice %arg2[%arg0, %dma_wait3A_813, %dma_wait3A_814] : memref<2x8x1000000xf32, #tpu.memory_space<hbm>> -> memref<1x8x128xf32, #tpu.memory_space<hbm>>
      %dma_wait3A_816 = tpu.memref_squeeze %dma_wait3A_815 : memref<1x8x128xf32, #tpu.memory_space<hbm>> -> memref<8x128xf32, #tpu.memory_space<hbm>>
      %dma_wait3A_817 = arith.constant 0 : i32
      %dma_wait3A_818 = arith.constant 0 : i32
      %dma_wait3A_819 = tpu.memref_slice %arg7[%dma_wait3A_808, %dma_wait3A_817, %dma_wait3A_818] : memref<33x8x128xf32, #tpu.memory_space<vmem>> -> memref<1x8x128xf32, #tpu.memory_space<vmem>>
      %dma_wait3A_820 = tpu.memref_squeeze %dma_wait3A_819 : memref<1x8x128xf32, #tpu.memory_space<vmem>> -> memref<8x128xf32, #tpu.memory_space<vmem>>
      %dma_wait3A_821 = arith.constant 0 : i32
      %dma_wait3A_822 = arith.constant 0 : i32
      %dma_wait3A_823 = tpu.memref_slice %arg2[%arg0, %dma_wait3A_821, %dma_wait3A_822] : memref<2x8x1000000xf32, #tpu.memory_space<hbm>> -> memref<1x8x128xf32, #tpu.memory_space<hbm>>
      %dma_wait3A_824 = tpu.memref_squeeze %dma_wait3A_823 : memref<1x8x128xf32, #tpu.memory_space<hbm>> -> memref<8x128xf32, #tpu.memory_space<hbm>>
      tpu.wait_dma2 semaphore(%arg9 : memref<!tpu.dma_semaphore, #tpu.memory_space<semaphore_mem>>) src(%dma_wait3A_824 : memref<8x128xf32, #tpu.memory_space<hbm>>) dst(%dma_wait3A_820 : memref<8x128xf32, #tpu.memory_space<vmem>>)
      %slice3A_825 = vector.extract_strided_slice %scan3A_689 {offsets = [1], sizes = [1], strides = [1]} : vector<16xi32> to vector<1xi32>
      %squeeze3A_826 = vector.extract %slice3A_825[0] : i32 from vector<1xi32>
      %slice3A_827 = vector.extract_strided_slice %scan3A_690 {offsets = [1], sizes = [1], strides = [1]} : vector<16xi32> to vector<1xi32>
      %squeeze3A_828 = vector.extract %slice3A_827[0] : i32 from vector<1xi32>
      %broadcast_in_dim3A_829 = vector.broadcast %squeeze3A_828 : i32 to vector<16xi32>
      %broadcast_in_dim3A_830 = vector.broadcast %squeeze3A_826 : i32 to vector<16xi32>
      %gather3A_831 = tpu.vector_load_idx %arg7[%broadcast_in_dim3A_829, %and3A_2, %broadcast_in_dim3A_830] : memref<33x8x128xf32, #tpu.memory_space<vmem>>[vector<16xi32>, vector<16xi32>, vector<16xi32>], vector<16xf32>,
      %neg3A_832 = arith.constant 0.000000e+00 : f32
      %neg3A_833 = vector.broadcast %neg3A_832 : f32 to vector<16xf32>
      %neg3A_834 = arith.subf %neg3A_833, %gather3A_831 : vector<16xf32>
      %exp3A_835 = math.exp %neg3A_834 : vector<16xf32>
      %add3A_836 = arith.constant 1.000000e+00 : f32
      %add3A_837 = vector.broadcast %add3A_836 : f32 to vector<16xf32>
      %add3A_838 = arith.addf %add3A_837, %exp3A_835 : vector<16xf32>
      %div3A_839 = arith.constant 1.000000e+00 : f32
      %div3A_840 = vector.broadcast %div3A_839 : f32 to vector<16xf32>
      %div3A_841 = arith.divf %div3A_840, %add3A_838 : vector<16xf32>
      %broadcast_in_dim3A_842 = vector.broadcast %add3A_807 : i32 to vector<16xi32>
      tpu.vector_store_idx %arg8[%and3A_2, %broadcast_in_dim3A_842], %div3A_841 : memref<8x1024xf32, #tpu.memory_space<vmem>>[vector<16xi32>, vector<16xi32>], vector<16xf32>,
      %convert_element_type3A_843 = arith.extui %lt3A_760 : i1 to i32
      %cond3A_844 = arith.constant 0 : i32
      %cond3A_845 = arith.cmpi ne, %convert_element_type3A_843, %cond3A_844 : i32
      scf.if %cond3A_845 {
        %slice3A_2226 = vector.extract_strided_slice %mul3A_717 {offsets = [1], sizes = [1], strides = [1]} : vector<16xi32> to vector<1xi32>
        %squeeze3A_2227 = vector.extract %slice3A_2226[0] : i32 from vector<1xi32>
        %multiple_of3A_2228 = tpu.assume_multiple %squeeze3A_2227, 128 : i32
        %dma_start3A_2229 = arith.constant 1 : i32
        %dma_start3A_2230 = arith.constant 0 : i32
        %dma_start3A_2231 = arith.constant 0 : i32
        %dma_start3A_2232 = tpu.memref_slice %arg7[%dma_start3A_2229, %dma_start3A_2230, %dma_start3A_2231] : memref<33x8x128xf32, #tpu.memory_space<vmem>> -> memref<1x8x128xf32, #tpu.memory_space<vmem>>
        %dma_start3A_2233 = tpu.memref_squeeze %dma_start3A_2232 : memref<1x8x128xf32, #tpu.memory_space<vmem>> -> memref<8x128xf32, #tpu.memory_space<vmem>>
        %dma_start3A_2234 = arith.constant 0 : i32
        %dma_start3A_2235 = tpu.memref_slice %arg2[%arg0, %dma_start3A_2234, %multiple_of3A_2228] : memref<2x8x1000000xf32, #tpu.memory_space<hbm>> -> memref<1x8x128xf32, #tpu.memory_space<hbm>>
        %dma_start3A_2236 = tpu.memref_squeeze %dma_start3A_2235 : memref<1x8x128xf32, #tpu.memory_space<hbm>> -> memref<8x128xf32, #tpu.memory_space<hbm>>
        %dma_start3A_2237 = arith.constant 0 : i32
        %dma_start3A_2238 = arith.constant 0 : i32
        %dma_start3A_2239 = tpu.memref_slice %arg7[%dma_start3A_2229, %dma_start3A_2237, %dma_start3A_2238] : memref<33x8x128xf32, #tpu.memory_space<vmem>> -> memref<1x8x128xf32, #tpu.memory_space<vmem>>
        %dma_start3A_2240 = tpu.memref_squeeze %dma_start3A_2239 : memref<1x8x128xf32, #tpu.memory_space<vmem>> -> memref<8x128xf32, #tpu.memory_space<vmem>>
        %dma_start3A_2241 = arith.constant 0 : i32
        %dma_start3A_2242 = tpu.memref_slice %arg2[%arg0, %dma_start3A_2241, %multiple_of3A_2228] : memref<2x8x1000000xf32, #tpu.memory_space<hbm>> -> memref<1x8x128xf32, #tpu.memory_space<hbm>>
        %dma_start3A_2243 = tpu.memref_squeeze %dma_start3A_2242 : memref<1x8x128xf32, #tpu.memory_space<hbm>> -> memref<8x128xf32, #tpu.memory_space<hbm>>
        tpu.enqueue_dma source(%dma_start3A_2243 : memref<8x128xf32, #tpu.memory_space<hbm>>) target(%dma_start3A_2240 : memref<8x128xf32, #tpu.memory_space<vmem>>) target_semaphore(%arg9 : memref<!tpu.dma_semaphore, #tpu.memory_space<semaphore_mem>>)
      } else {
      }
      %mul3A_846 = arith.constant 16 : i32
      %mul3A_847 = arith.muli %scan3A_687, %mul3A_846 : i32
      %mul3A_848 = arith.constant 2 : i32
      %mul3A_849 = arith.muli %mul3A_847, %mul3A_848 : i32
      %add3A_850 = arith.constant 0 : i32
      %add3A_851 = arith.addi %mul3A_849, %add3A_850 : i32
      %add3A_852 = arith.constant 2 : i32
      %add3A_853 = arith.addi %add3A_851, %add3A_852 : i32
      %dma_wait3A_854 = arith.constant 2 : i32
      %dma_wait3A_855 = arith.constant 0 : i32
      %dma_wait3A_856 = arith.constant 0 : i32
      %dma_wait3A_857 = tpu.memref_slice %arg7[%dma_wait3A_854, %dma_wait3A_855, %dma_wait3A_856] : memref<33x8x128xf32, #tpu.memory_space<vmem>> -> memref<1x8x128xf32, #tpu.memory_space<vmem>>
      %dma_wait3A_858 = tpu.memref_squeeze %dma_wait3A_857 : memref<1x8x128xf32, #tpu.memory_space<vmem>> -> memref<8x128xf32, #tpu.memory_space<vmem>>
      %dma_wait3A_859 = arith.constant 0 : i32
      %dma_wait3A_860 = arith.constant 0 : i32
      %dma_wait3A_861 = tpu.memref_slice %arg2[%arg0, %dma_wait3A_859, %dma_wait3A_860] : memref<2x8x1000000xf32, #tpu.memory_space<hbm>> -> memref<1x8x128xf32, #tpu.memory_space<hbm>>
      %dma_wait3A_862 = tpu.memref_squeeze %dma_wait3A_861 : memref<1x8x128xf32, #tpu.memory_space<hbm>> -> memref<8x128xf32, #tpu.memory_space<hbm>>
      %dma_wait3A_863 = arith.constant 0 : i32
      %dma_wait3A_864 = arith.constant 0 : i32
      %dma_wait3A_865 = tpu.memref_slice %arg7[%dma_wait3A_854, %dma_wait3A_863, %dma_wait3A_864] : memref<33x8x128xf32, #tpu.memory_space<vmem>> -> memref<1x8x128xf32, #tpu.memory_space<vmem>>
      %dma_wait3A_866 = tpu.memref_squeeze %dma_wait3A_865 : memref<1x8x128xf32, #tpu.memory_space<vmem>> -> memref<8x128xf32, #tpu.memory_space<vmem>>
      %dma_wait3A_867 = arith.constant 0 : i32
      %dma_wait3A_868 = arith.constant 0 : i32
      %dma_wait3A_869 = tpu.memref_slice %arg2[%arg0, %dma_wait3A_867, %dma_wait3A_868] : memref<2x8x1000000xf32, #tpu.memory_space<hbm>> -> memref<1x8x128xf32, #tpu.memory_space<hbm>>
      %dma_wait3A_870 = tpu.memref_squeeze %dma_wait3A_869 : memref<1x8x128xf32, #tpu.memory_space<hbm>> -> memref<8x128xf32, #tpu.memory_space<hbm>>
      tpu.wait_dma2 semaphore(%arg9 : memref<!tpu.dma_semaphore, #tpu.memory_space<semaphore_mem>>) src(%dma_wait3A_870 : memref<8x128xf32, #tpu.memory_space<hbm>>) dst(%dma_wait3A_866 : memref<8x128xf32, #tpu.memory_space<vmem>>)
      %slice3A_871 = vector.extract_strided_slice %scan3A_689 {offsets = [2], sizes = [1], strides = [1]} : vector<16xi32> to vector<1xi32>
      %squeeze3A_872 = vector.extract %slice3A_871[0] : i32 from vector<1xi32>
      %slice3A_873 = vector.extract_strided_slice %scan3A_690 {offsets = [2], sizes = [1], strides = [1]} : vector<16xi32> to vector<1xi32>
      %squeeze3A_874 = vector.extract %slice3A_873[0] : i32 from vector<1xi32>
      %broadcast_in_dim3A_875 = vector.broadcast %squeeze3A_874 : i32 to vector<16xi32>
      %broadcast_in_dim3A_876 = vector.broadcast %squeeze3A_872 : i32 to vector<16xi32>
      %gather3A_877 = tpu.vector_load_idx %arg7[%broadcast_in_dim3A_875, %and3A_2, %broadcast_in_dim3A_876] : memref<33x8x128xf32, #tpu.memory_space<vmem>>[vector<16xi32>, vector<16xi32>, vector<16xi32>], vector<16xf32>,
      %neg3A_878 = arith.constant 0.000000e+00 : f32
      %neg3A_879 = vector.broadcast %neg3A_878 : f32 to vector<16xf32>
      %neg3A_880 = arith.subf %neg3A_879, %gather3A_877 : vector<16xf32>
      %exp3A_881 = math.exp %neg3A_880 : vector<16xf32>
      %add3A_882 = arith.constant 1.000000e+00 : f32
      %add3A_883 = vector.broadcast %add3A_882 : f32 to vector<16xf32>
      %add3A_884 = arith.addf %add3A_883, %exp3A_881 : vector<16xf32>
      %div3A_885 = arith.constant 1.000000e+00 : f32
      %div3A_886 = vector.broadcast %div3A_885 : f32 to vector<16xf32>
      %div3A_887 = arith.divf %div3A_886, %add3A_884 : vector<16xf32>
      %broadcast_in_dim3A_888 = vector.broadcast %add3A_853 : i32 to vector<16xi32>
      tpu.vector_store_idx %arg8[%and3A_2, %broadcast_in_dim3A_888], %div3A_887 : memref<8x1024xf32, #tpu.memory_space<vmem>>[vector<16xi32>, vector<16xi32>], vector<16xf32>,
      %convert_element_type3A_889 = arith.extui %lt3A_760 : i1 to i32
      %cond3A_890 = arith.constant 0 : i32
      %cond3A_891 = arith.cmpi ne, %convert_element_type3A_889, %cond3A_890 : i32
      scf.if %cond3A_891 {
        %slice3A_2226 = vector.extract_strided_slice %mul3A_717 {offsets = [2], sizes = [1], strides = [1]} : vector<16xi32> to vector<1xi32>
        %squeeze3A_2227 = vector.extract %slice3A_2226[0] : i32 from vector<1xi32>
        %multiple_of3A_2228 = tpu.assume_multiple %squeeze3A_2227, 128 : i32
        %dma_start3A_2229 = arith.constant 2 : i32
        %dma_start3A_2230 = arith.constant 0 : i32
        %dma_start3A_2231 = arith.constant 0 : i32
        %dma_start3A_2232 = tpu.memref_slice %arg7[%dma_start3A_2229, %dma_start3A_2230, %dma_start3A_2231] : memref<33x8x128xf32, #tpu.memory_space<vmem>> -> memref<1x8x128xf32, #tpu.memory_space<vmem>>
        %dma_start3A_2233 = tpu.memref_squeeze %dma_start3A_2232 : memref<1x8x128xf32, #tpu.memory_space<vmem>> -> memref<8x128xf32, #tpu.memory_space<vmem>>
        %dma_start3A_2234 = arith.constant 0 : i32
        %dma_start3A_2235 = tpu.memref_slice %arg2[%arg0, %dma_start3A_2234, %multiple_of3A_2228] : memref<2x8x1000000xf32, #tpu.memory_space<hbm>> -> memref<1x8x128xf32, #tpu.memory_space<hbm>>
        %dma_start3A_2236 = tpu.memref_squeeze %dma_start3A_2235 : memref<1x8x128xf32, #tpu.memory_space<hbm>> -> memref<8x128xf32, #tpu.memory_space<hbm>>
        %dma_start3A_2237 = arith.constant 0 : i32
        %dma_start3A_2238 = arith.constant 0 : i32
        %dma_start3A_2239 = tpu.memref_slice %arg7[%dma_start3A_2229, %dma_start3A_2237, %dma_start3A_2238] : memref<33x8x128xf32, #tpu.memory_space<vmem>> -> memref<1x8x128xf32, #tpu.memory_space<vmem>>
        %dma_start3A_2240 = tpu.memref_squeeze %dma_start3A_2239 : memref<1x8x128xf32, #tpu.memory_space<vmem>> -> memref<8x128xf32, #tpu.memory_space<vmem>>
        %dma_start3A_2241 = arith.constant 0 : i32
        %dma_start3A_2242 = tpu.memref_slice %arg2[%arg0, %dma_start3A_2241, %multiple_of3A_2228] : memref<2x8x1000000xf32, #tpu.memory_space<hbm>> -> memref<1x8x128xf32, #tpu.memory_space<hbm>>
        %dma_start3A_2243 = tpu.memref_squeeze %dma_start3A_2242 : memref<1x8x128xf32, #tpu.memory_space<hbm>> -> memref<8x128xf32, #tpu.memory_space<hbm>>
        tpu.enqueue_dma source(%dma_start3A_2243 : memref<8x128xf32, #tpu.memory_space<hbm>>) target(%dma_start3A_2240 : memref<8x128xf32, #tpu.memory_space<vmem>>) target_semaphore(%arg9 : memref<!tpu.dma_semaphore, #tpu.memory_space<semaphore_mem>>)
      } else {
      }
      %mul3A_892 = arith.constant 16 : i32
      %mul3A_893 = arith.muli %scan3A_687, %mul3A_892 : i32
      %mul3A_894 = arith.constant 2 : i32
      %mul3A_895 = arith.muli %mul3A_893, %mul3A_894 : i32
      %add3A_896 = arith.constant 0 : i32
      %add3A_897 = arith.addi %mul3A_895, %add3A_896 : i32
      %add3A_898 = arith.constant 3 : i32
      %add3A_899 = arith.addi %add3A_897, %add3A_898 : i32
      %dma_wait3A_900 = arith.constant 3 : i32
      %dma_wait3A_901 = arith.constant 0 : i32
      %dma_wait3A_902 = arith.constant 0 : i32
      %dma_wait3A_903 = tpu.memref_slice %arg7[%dma_wait3A_900, %dma_wait3A_901, %dma_wait3A_902] : memref<33x8x128xf32, #tpu.memory_space<vmem>> -> memref<1x8x128xf32, #tpu.memory_space<vmem>>
      %dma_wait3A_904 = tpu.memref_squeeze %dma_wait3A_903 : memref<1x8x128xf32, #tpu.memory_space<vmem>> -> memref<8x128xf32, #tpu.memory_space<vmem>>
      %dma_wait3A_905 = arith.constant 0 : i32
      %dma_wait3A_906 = arith.constant 0 : i32
      %dma_wait3A_907 = tpu.memref_slice %arg2[%arg0, %dma_wait3A_905, %dma_wait3A_906] : memref<2x8x1000000xf32, #tpu.memory_space<hbm>> -> memref<1x8x128xf32, #tpu.memory_space<hbm>>
      %dma_wait3A_908 = tpu.memref_squeeze %dma_wait3A_907 : memref<1x8x128xf32, #tpu.memory_space<hbm>> -> memref<8x128xf32, #tpu.memory_space<hbm>>
      %dma_wait3A_909 = arith.constant 0 : i32
      %dma_wait3A_910 = arith.constant 0 : i32
      %dma_wait3A_911 = tpu.memref_slice %arg7[%dma_wait3A_900, %dma_wait3A_909, %dma_wait3A_910] : memref<33x8x128xf32, #tpu.memory_space<vmem>> -> memref<1x8x128xf32, #tpu.memory_space<vmem>>
      %dma_wait3A_912 = tpu.memref_squeeze %dma_wait3A_911 : memref<1x8x128xf32, #tpu.memory_space<vmem>> -> memref<8x128xf32, #tpu.memory_space<vmem>>
      %dma_wait3A_913 = arith.constant 0 : i32
      %dma_wait3A_914 = arith.constant 0 : i32
      %dma_wait3A_915 = tpu.memref_slice %arg2[%arg0, %dma_wait3A_913, %dma_wait3A_914] : memref<2x8x1000000xf32, #tpu.memory_space<hbm>> -> memref<1x8x128xf32, #tpu.memory_space<hbm>>
      %dma_wait3A_916 = tpu.memref_squeeze %dma_wait3A_915 : memref<1x8x128xf32, #tpu.memory_space<hbm>> -> memref<8x128xf32, #tpu.memory_space<hbm>>
      tpu.wait_dma2 semaphore(%arg9 : memref<!tpu.dma_semaphore, #tpu.memory_space<semaphore_mem>>) src(%dma_wait3A_916 : memref<8x128xf32, #tpu.memory_space<hbm>>) dst(%dma_wait3A_912 : memref<8x128xf32, #tpu.memory_space<vmem>>)
      %slice3A_917 = vector.extract_strided_slice %scan3A_689 {offsets = [3], sizes = [1], strides = [1]} : vector<16xi32> to vector<1xi32>
      %squeeze3A_918 = vector.extract %slice3A_917[0] : i32 from vector<1xi32>
      %slice3A_919 = vector.extract_strided_slice %scan3A_690 {offsets = [3], sizes = [1], strides = [1]} : vector<16xi32> to vector<1xi32>
      %squeeze3A_920 = vector.extract %slice3A_919[0] : i32 from vector<1xi32>
      %broadcast_in_dim3A_921 = vector.broadcast %squeeze3A_920 : i32 to vector<16xi32>
      %broadcast_in_dim3A_922 = vector.broadcast %squeeze3A_918 : i32 to vector<16xi32>
      %gather3A_923 = tpu.vector_load_idx %arg7[%broadcast_in_dim3A_921, %and3A_2, %broadcast_in_dim3A_922] : memref<33x8x128xf32, #tpu.memory_space<vmem>>[vector<16xi32>, vector<16xi32>, vector<16xi32>], vector<16xf32>,
      %neg3A_924 = arith.constant 0.000000e+00 : f32
      %neg3A_925 = vector.broadcast %neg3A_924 : f32 to vector<16xf32>
      %neg3A_926 = arith.subf %neg3A_925, %gather3A_923 : vector<16xf32>
      %exp3A_927 = math.exp %neg3A_926 : vector<16xf32>
      %add3A_928 = arith.constant 1.000000e+00 : f32
      %add3A_929 = vector.broadcast %add3A_928 : f32 to vector<16xf32>
      %add3A_930 = arith.addf %add3A_929, %exp3A_927 : vector<16xf32>
      %div3A_931 = arith.constant 1.000000e+00 : f32
      %div3A_932 = vector.broadcast %div3A_931 : f32 to vector<16xf32>
      %div3A_933 = arith.divf %div3A_932, %add3A_930 : vector<16xf32>
      %broadcast_in_dim3A_934 = vector.broadcast %add3A_899 : i32 to vector<16xi32>
      tpu.vector_store_idx %arg8[%and3A_2, %broadcast_in_dim3A_934], %div3A_933 : memref<8x1024xf32, #tpu.memory_space<vmem>>[vector<16xi32>, vector<16xi32>], vector<16xf32>,
      %convert_element_type3A_935 = arith.extui %lt3A_760 : i1 to i32
      %cond3A_936 = arith.constant 0 : i32
      %cond3A_937 = arith.cmpi ne, %convert_element_type3A_935, %cond3A_936 : i32
      scf.if %cond3A_937 {
        %slice3A_2226 = vector.extract_strided_slice %mul3A_717 {offsets = [3], sizes = [1], strides = [1]} : vector<16xi32> to vector<1xi32>
        %squeeze3A_2227 = vector.extract %slice3A_2226[0] : i32 from vector<1xi32>
        %multiple_of3A_2228 = tpu.assume_multiple %squeeze3A_2227, 128 : i32
        %dma_start3A_2229 = arith.constant 3 : i32
        %dma_start3A_2230 = arith.constant 0 : i32
        %dma_start3A_2231 = arith.constant 0 : i32
        %dma_start3A_2232 = tpu.memref_slice %arg7[%dma_start3A_2229, %dma_start3A_2230, %dma_start3A_2231] : memref<33x8x128xf32, #tpu.memory_space<vmem>> -> memref<1x8x128xf32, #tpu.memory_space<vmem>>
        %dma_start3A_2233 = tpu.memref_squeeze %dma_start3A_2232 : memref<1x8x128xf32, #tpu.memory_space<vmem>> -> memref<8x128xf32, #tpu.memory_space<vmem>>
        %dma_start3A_2234 = arith.constant 0 : i32
        %dma_start3A_2235 = tpu.memref_slice %arg2[%arg0, %dma_start3A_2234, %multiple_of3A_2228] : memref<2x8x1000000xf32, #tpu.memory_space<hbm>> -> memref<1x8x128xf32, #tpu.memory_space<hbm>>
        %dma_start3A_2236 = tpu.memref_squeeze %dma_start3A_2235 : memref<1x8x128xf32, #tpu.memory_space<hbm>> -> memref<8x128xf32, #tpu.memory_space<hbm>>
        %dma_start3A_2237 = arith.constant 0 : i32
        %dma_start3A_2238 = arith.constant 0 : i32
        %dma_start3A_2239 = tpu.memref_slice %arg7[%dma_start3A_2229, %dma_start3A_2237, %dma_start3A_2238] : memref<33x8x128xf32, #tpu.memory_space<vmem>> -> memref<1x8x128xf32, #tpu.memory_space<vmem>>
        %dma_start3A_2240 = tpu.memref_squeeze %dma_start3A_2239 : memref<1x8x128xf32, #tpu.memory_space<vmem>> -> memref<8x128xf32, #tpu.memory_space<vmem>>
        %dma_start3A_2241 = arith.constant 0 : i32
        %dma_start3A_2242 = tpu.memref_slice %arg2[%arg0, %dma_start3A_2241, %multiple_of3A_2228] : memref<2x8x1000000xf32, #tpu.memory_space<hbm>> -> memref<1x8x128xf32, #tpu.memory_space<hbm>>
        %dma_start3A_2243 = tpu.memref_squeeze %dma_start3A_2242 : memref<1x8x128xf32, #tpu.memory_space<hbm>> -> memref<8x128xf32, #tpu.memory_space<hbm>>
        tpu.enqueue_dma source(%dma_start3A_2243 : memref<8x128xf32, #tpu.memory_space<hbm>>) target(%dma_start3A_2240 : memref<8x128xf32, #tpu.memory_space<vmem>>) target_semaphore(%arg9 : memref<!tpu.dma_semaphore, #tpu.memory_space<semaphore_mem>>)
      } else {
      }
      %mul3A_938 = arith.constant 16 : i32
      %mul3A_939 = arith.muli %scan3A_687, %mul3A_938 : i32
      %mul3A_940 = arith.constant 2 : i32
      %mul3A_941 = arith.muli %mul3A_939, %mul3A_940 : i32
      %add3A_942 = arith.constant 0 : i32
      %add3A_943 = arith.addi %mul3A_941, %add3A_942 : i32
      %add3A_944 = arith.constant 4 : i32
      %add3A_945 = arith.addi %add3A_943, %add3A_944 : i32
      %dma_wait3A_946 = arith.constant 4 : i32
      %dma_wait3A_947 = arith.constant 0 : i32
      %dma_wait3A_948 = arith.constant 0 : i32
      %dma_wait3A_949 = tpu.memref_slice %arg7[%dma_wait3A_946, %dma_wait3A_947, %dma_wait3A_948] : memref<33x8x128xf32, #tpu.memory_space<vmem>> -> memref<1x8x128xf32, #tpu.memory_space<vmem>>
      %dma_wait3A_950 = tpu.memref_squeeze %dma_wait3A_949 : memref<1x8x128xf32, #tpu.memory_space<vmem>> -> memref<8x128xf32, #tpu.memory_space<vmem>>
      %dma_wait3A_951 = arith.constant 0 : i32
      %dma_wait3A_952 = arith.constant 0 : i32
      %dma_wait3A_953 = tpu.memref_slice %arg2[%arg0, %dma_wait3A_951, %dma_wait3A_952] : memref<2x8x1000000xf32, #tpu.memory_space<hbm>> -> memref<1x8x128xf32, #tpu.memory_space<hbm>>
      %dma_wait3A_954 = tpu.memref_squeeze %dma_wait3A_953 : memref<1x8x128xf32, #tpu.memory_space<hbm>> -> memref<8x128xf32, #tpu.memory_space<hbm>>
      %dma_wait3A_955 = arith.constant 0 : i32
      %dma_wait3A_956 = arith.constant 0 : i32
      %dma_wait3A_957 = tpu.memref_slice %arg7[%dma_wait3A_946, %dma_wait3A_955, %dma_wait3A_956] : memref<33x8x128xf32, #tpu.memory_space<vmem>> -> memref<1x8x128xf32, #tpu.memory_space<vmem>>
      %dma_wait3A_958 = tpu.memref_squeeze %dma_wait3A_957 : memref<1x8x128xf32, #tpu.memory_space<vmem>> -> memref<8x128xf32, #tpu.memory_space<vmem>>
      %dma_wait3A_959 = arith.constant 0 : i32
      %dma_wait3A_960 = arith.constant 0 : i32
      %dma_wait3A_961 = tpu.memref_slice %arg2[%arg0, %dma_wait3A_959, %dma_wait3A_960] : memref<2x8x1000000xf32, #tpu.memory_space<hbm>> -> memref<1x8x128xf32, #tpu.memory_space<hbm>>
      %dma_wait3A_962 = tpu.memref_squeeze %dma_wait3A_961 : memref<1x8x128xf32, #tpu.memory_space<hbm>> -> memref<8x128xf32, #tpu.memory_space<hbm>>
      tpu.wait_dma2 semaphore(%arg9 : memref<!tpu.dma_semaphore, #tpu.memory_space<semaphore_mem>>) src(%dma_wait3A_962 : memref<8x128xf32, #tpu.memory_space<hbm>>) dst(%dma_wait3A_958 : memref<8x128xf32, #tpu.memory_space<vmem>>)
      %slice3A_963 = vector.extract_strided_slice %scan3A_689 {offsets = [4], sizes = [1], strides = [1]} : vector<16xi32> to vector<1xi32>
      %squeeze3A_964 = vector.extract %slice3A_963[0] : i32 from vector<1xi32>
      %slice3A_965 = vector.extract_strided_slice %scan3A_690 {offsets = [4], sizes = [1], strides = [1]} : vector<16xi32> to vector<1xi32>
      %squeeze3A_966 = vector.extract %slice3A_965[0] : i32 from vector<1xi32>
      %broadcast_in_dim3A_967 = vector.broadcast %squeeze3A_966 : i32 to vector<16xi32>
      %broadcast_in_dim3A_968 = vector.broadcast %squeeze3A_964 : i32 to vector<16xi32>
      %gather3A_969 = tpu.vector_load_idx %arg7[%broadcast_in_dim3A_967, %and3A_2, %broadcast_in_dim3A_968] : memref<33x8x128xf32, #tpu.memory_space<vmem>>[vector<16xi32>, vector<16xi32>, vector<16xi32>], vector<16xf32>,
      %neg3A_970 = arith.constant 0.000000e+00 : f32
      %neg3A_971 = vector.broadcast %neg3A_970 : f32 to vector<16xf32>
      %neg3A_972 = arith.subf %neg3A_971, %gather3A_969 : vector<16xf32>
      %exp3A_973 = math.exp %neg3A_972 : vector<16xf32>
      %add3A_974 = arith.constant 1.000000e+00 : f32
      %add3A_975 = vector.broadcast %add3A_974 : f32 to vector<16xf32>
      %add3A_976 = arith.addf %add3A_975, %exp3A_973 : vector<16xf32>
      %div3A_977 = arith.constant 1.000000e+00 : f32
      %div3A_978 = vector.broadcast %div3A_977 : f32 to vector<16xf32>
      %div3A_979 = arith.divf %div3A_978, %add3A_976 : vector<16xf32>
      %broadcast_in_dim3A_980 = vector.broadcast %add3A_945 : i32 to vector<16xi32>
      tpu.vector_store_idx %arg8[%and3A_2, %broadcast_in_dim3A_980], %div3A_979 : memref<8x1024xf32, #tpu.memory_space<vmem>>[vector<16xi32>, vector<16xi32>], vector<16xf32>,
      %convert_element_type3A_981 = arith.extui %lt3A_760 : i1 to i32
      %cond3A_982 = arith.constant 0 : i32
      %cond3A_983 = arith.cmpi ne, %convert_element_type3A_981, %cond3A_982 : i32
      scf.if %cond3A_983 {
        %slice3A_2226 = vector.extract_strided_slice %mul3A_717 {offsets = [4], sizes = [1], strides = [1]} : vector<16xi32> to vector<1xi32>
        %squeeze3A_2227 = vector.extract %slice3A_2226[0] : i32 from vector<1xi32>
        %multiple_of3A_2228 = tpu.assume_multiple %squeeze3A_2227, 128 : i32
        %dma_start3A_2229 = arith.constant 4 : i32
        %dma_start3A_2230 = arith.constant 0 : i32
        %dma_start3A_2231 = arith.constant 0 : i32
        %dma_start3A_2232 = tpu.memref_slice %arg7[%dma_start3A_2229, %dma_start3A_2230, %dma_start3A_2231] : memref<33x8x128xf32, #tpu.memory_space<vmem>> -> memref<1x8x128xf32, #tpu.memory_space<vmem>>
        %dma_start3A_2233 = tpu.memref_squeeze %dma_start3A_2232 : memref<1x8x128xf32, #tpu.memory_space<vmem>> -> memref<8x128xf32, #tpu.memory_space<vmem>>
        %dma_start3A_2234 = arith.constant 0 : i32
        %dma_start3A_2235 = tpu.memref_slice %arg2[%arg0, %dma_start3A_2234, %multiple_of3A_2228] : memref<2x8x1000000xf32, #tpu.memory_space<hbm>> -> memref<1x8x128xf32, #tpu.memory_space<hbm>>
        %dma_start3A_2236 = tpu.memref_squeeze %dma_start3A_2235 : memref<1x8x128xf32, #tpu.memory_space<hbm>> -> memref<8x128xf32, #tpu.memory_space<hbm>>
        %dma_start3A_2237 = arith.constant 0 : i32
        %dma_start3A_2238 = arith.constant 0 : i32
        %dma_start3A_2239 = tpu.memref_slice %arg7[%dma_start3A_2229, %dma_start3A_2237, %dma_start3A_2238] : memref<33x8x128xf32, #tpu.memory_space<vmem>> -> memref<1x8x128xf32, #tpu.memory_space<vmem>>
        %dma_start3A_2240 = tpu.memref_squeeze %dma_start3A_2239 : memref<1x8x128xf32, #tpu.memory_space<vmem>> -> memref<8x128xf32, #tpu.memory_space<vmem>>
        %dma_start3A_2241 = arith.constant 0 : i32
        %dma_start3A_2242 = tpu.memref_slice %arg2[%arg0, %dma_start3A_2241, %multiple_of3A_2228] : memref<2x8x1000000xf32, #tpu.memory_space<hbm>> -> memref<1x8x128xf32, #tpu.memory_space<hbm>>
        %dma_start3A_2243 = tpu.memref_squeeze %dma_start3A_2242 : memref<1x8x128xf32, #tpu.memory_space<hbm>> -> memref<8x128xf32, #tpu.memory_space<hbm>>
        tpu.enqueue_dma source(%dma_start3A_2243 : memref<8x128xf32, #tpu.memory_space<hbm>>) target(%dma_start3A_2240 : memref<8x128xf32, #tpu.memory_space<vmem>>) target_semaphore(%arg9 : memref<!tpu.dma_semaphore, #tpu.memory_space<semaphore_mem>>)
      } else {
      }
      %mul3A_984 = arith.constant 16 : i32
      %mul3A_985 = arith.muli %scan3A_687, %mul3A_984 : i32
      %mul3A_986 = arith.constant 2 : i32
      %mul3A_987 = arith.muli %mul3A_985, %mul3A_986 : i32
      %add3A_988 = arith.constant 0 : i32
      %add3A_989 = arith.addi %mul3A_987, %add3A_988 : i32
      %add3A_990 = arith.constant 5 : i32
      %add3A_991 = arith.addi %add3A_989, %add3A_990 : i32
      %dma_wait3A_992 = arith.constant 5 : i32
      %dma_wait3A_993 = arith.constant 0 : i32
      %dma_wait3A_994 = arith.constant 0 : i32
      %dma_wait3A_995 = tpu.memref_slice %arg7[%dma_wait3A_992, %dma_wait3A_993, %dma_wait3A_994] : memref<33x8x128xf32, #tpu.memory_space<vmem>> -> memref<1x8x128xf32, #tpu.memory_space<vmem>>
      %dma_wait3A_996 = tpu.memref_squeeze %dma_wait3A_995 : memref<1x8x128xf32, #tpu.memory_space<vmem>> -> memref<8x128xf32, #tpu.memory_space<vmem>>
      %dma_wait3A_997 = arith.constant 0 : i32
      %dma_wait3A_998 = arith.constant 0 : i32
      %dma_wait3A_999 = tpu.memref_slice %arg2[%arg0, %dma_wait3A_997, %dma_wait3A_998] : memref<2x8x1000000xf32, #tpu.memory_space<hbm>> -> memref<1x8x128xf32, #tpu.memory_space<hbm>>
      %dma_wait3A_1000 = tpu.memref_squeeze %dma_wait3A_999 : memref<1x8x128xf32, #tpu.memory_space<hbm>> -> memref<8x128xf32, #tpu.memory_space<hbm>>
      %dma_wait3A_1001 = arith.constant 0 : i32
      %dma_wait3A_1002 = arith.constant 0 : i32
      %dma_wait3A_1003 = tpu.memref_slice %arg7[%dma_wait3A_992, %dma_wait3A_1001, %dma_wait3A_1002] : memref<33x8x128xf32, #tpu.memory_space<vmem>> -> memref<1x8x128xf32, #tpu.memory_space<vmem>>
      %dma_wait3A_1004 = tpu.memref_squeeze %dma_wait3A_1003 : memref<1x8x128xf32, #tpu.memory_space<vmem>> -> memref<8x128xf32, #tpu.memory_space<vmem>>
      %dma_wait3A_1005 = arith.constant 0 : i32
      %dma_wait3A_1006 = arith.constant 0 : i32
      %dma_wait3A_1007 = tpu.memref_slice %arg2[%arg0, %dma_wait3A_1005, %dma_wait3A_1006] : memref<2x8x1000000xf32, #tpu.memory_space<hbm>> -> memref<1x8x128xf32, #tpu.memory_space<hbm>>
      %dma_wait3A_1008 = tpu.memref_squeeze %dma_wait3A_1007 : memref<1x8x128xf32, #tpu.memory_space<hbm>> -> memref<8x128xf32, #tpu.memory_space<hbm>>
      tpu.wait_dma2 semaphore(%arg9 : memref<!tpu.dma_semaphore, #tpu.memory_space<semaphore_mem>>) src(%dma_wait3A_1008 : memref<8x128xf32, #tpu.memory_space<hbm>>) dst(%dma_wait3A_1004 : memref<8x128xf32, #tpu.memory_space<vmem>>)
      %slice3A_1009 = vector.extract_strided_slice %scan3A_689 {offsets = [5], sizes = [1], strides = [1]} : vector<16xi32> to vector<1xi32>
      %squeeze3A_1010 = vector.extract %slice3A_1009[0] : i32 from vector<1xi32>
      %slice3A_1011 = vector.extract_strided_slice %scan3A_690 {offsets = [5], sizes = [1], strides = [1]} : vector<16xi32> to vector<1xi32>
      %squeeze3A_1012 = vector.extract %slice3A_1011[0] : i32 from vector<1xi32>
      %broadcast_in_dim3A_1013 = vector.broadcast %squeeze3A_1012 : i32 to vector<16xi32>
      %broadcast_in_dim3A_1014 = vector.broadcast %squeeze3A_1010 : i32 to vector<16xi32>
      %gather3A_1015 = tpu.vector_load_idx %arg7[%broadcast_in_dim3A_1013, %and3A_2, %broadcast_in_dim3A_1014] : memref<33x8x128xf32, #tpu.memory_space<vmem>>[vector<16xi32>, vector<16xi32>, vector<16xi32>], vector<16xf32>,
      %neg3A_1016 = arith.constant 0.000000e+00 : f32
      %neg3A_1017 = vector.broadcast %neg3A_1016 : f32 to vector<16xf32>
      %neg3A_1018 = arith.subf %neg3A_1017, %gather3A_1015 : vector<16xf32>
      %exp3A_1019 = math.exp %neg3A_1018 : vector<16xf32>
      %add3A_1020 = arith.constant 1.000000e+00 : f32
      %add3A_1021 = vector.broadcast %add3A_1020 : f32 to vector<16xf32>
      %add3A_1022 = arith.addf %add3A_1021, %exp3A_1019 : vector<16xf32>
      %div3A_1023 = arith.constant 1.000000e+00 : f32
      %div3A_1024 = vector.broadcast %div3A_1023 : f32 to vector<16xf32>
      %div3A_1025 = arith.divf %div3A_1024, %add3A_1022 : vector<16xf32>
      %broadcast_in_dim3A_1026 = vector.broadcast %add3A_991 : i32 to vector<16xi32>
      tpu.vector_store_idx %arg8[%and3A_2, %broadcast_in_dim3A_1026], %div3A_1025 : memref<8x1024xf32, #tpu.memory_space<vmem>>[vector<16xi32>, vector<16xi32>], vector<16xf32>,
      %convert_element_type3A_1027 = arith.extui %lt3A_760 : i1 to i32
      %cond3A_1028 = arith.constant 0 : i32
      %cond3A_1029 = arith.cmpi ne, %convert_element_type3A_1027, %cond3A_1028 : i32
      scf.if %cond3A_1029 {
        %slice3A_2226 = vector.extract_strided_slice %mul3A_717 {offsets = [5], sizes = [1], strides = [1]} : vector<16xi32> to vector<1xi32>
        %squeeze3A_2227 = vector.extract %slice3A_2226[0] : i32 from vector<1xi32>
        %multiple_of3A_2228 = tpu.assume_multiple %squeeze3A_2227, 128 : i32
        %dma_start3A_2229 = arith.constant 5 : i32
        %dma_start3A_2230 = arith.constant 0 : i32
        %dma_start3A_2231 = arith.constant 0 : i32
        %dma_start3A_2232 = tpu.memref_slice %arg7[%dma_start3A_2229, %dma_start3A_2230, %dma_start3A_2231] : memref<33x8x128xf32, #tpu.memory_space<vmem>> -> memref<1x8x128xf32, #tpu.memory_space<vmem>>
        %dma_start3A_2233 = tpu.memref_squeeze %dma_start3A_2232 : memref<1x8x128xf32, #tpu.memory_space<vmem>> -> memref<8x128xf32, #tpu.memory_space<vmem>>
        %dma_start3A_2234 = arith.constant 0 : i32
        %dma_start3A_2235 = tpu.memref_slice %arg2[%arg0, %dma_start3A_2234, %multiple_of3A_2228] : memref<2x8x1000000xf32, #tpu.memory_space<hbm>> -> memref<1x8x128xf32, #tpu.memory_space<hbm>>
        %dma_start3A_2236 = tpu.memref_squeeze %dma_start3A_2235 : memref<1x8x128xf32, #tpu.memory_space<hbm>> -> memref<8x128xf32, #tpu.memory_space<hbm>>
        %dma_start3A_2237 = arith.constant 0 : i32
        %dma_start3A_2238 = arith.constant 0 : i32
        %dma_start3A_2239 = tpu.memref_slice %arg7[%dma_start3A_2229, %dma_start3A_2237, %dma_start3A_2238] : memref<33x8x128xf32, #tpu.memory_space<vmem>> -> memref<1x8x128xf32, #tpu.memory_space<vmem>>
        %dma_start3A_2240 = tpu.memref_squeeze %dma_start3A_2239 : memref<1x8x128xf32, #tpu.memory_space<vmem>> -> memref<8x128xf32, #tpu.memory_space<vmem>>
        %dma_start3A_2241 = arith.constant 0 : i32
        %dma_start3A_2242 = tpu.memref_slice %arg2[%arg0, %dma_start3A_2241, %multiple_of3A_2228] : memref<2x8x1000000xf32, #tpu.memory_space<hbm>> -> memref<1x8x128xf32, #tpu.memory_space<hbm>>
        %dma_start3A_2243 = tpu.memref_squeeze %dma_start3A_2242 : memref<1x8x128xf32, #tpu.memory_space<hbm>> -> memref<8x128xf32, #tpu.memory_space<hbm>>
        tpu.enqueue_dma source(%dma_start3A_2243 : memref<8x128xf32, #tpu.memory_space<hbm>>) target(%dma_start3A_2240 : memref<8x128xf32, #tpu.memory_space<vmem>>) target_semaphore(%arg9 : memref<!tpu.dma_semaphore, #tpu.memory_space<semaphore_mem>>)
      } else {
      }
      %mul3A_1030 = arith.constant 16 : i32
      %mul3A_1031 = arith.muli %scan3A_687, %mul3A_1030 : i32
      %mul3A_1032 = arith.constant 2 : i32
      %mul3A_1033 = arith.muli %mul3A_1031, %mul3A_1032 : i32
      %add3A_1034 = arith.constant 0 : i32
      %add3A_1035 = arith.addi %mul3A_1033, %add3A_1034 : i32
      %add3A_1036 = arith.constant 6 : i32
      %add3A_1037 = arith.addi %add3A_1035, %add3A_1036 : i32
      %dma_wait3A_1038 = arith.constant 6 : i32
      %dma_wait3A_1039 = arith.constant 0 : i32
      %dma_wait3A_1040 = arith.constant 0 : i32
      %dma_wait3A_1041 = tpu.memref_slice %arg7[%dma_wait3A_1038, %dma_wait3A_1039, %dma_wait3A_1040] : memref<33x8x128xf32, #tpu.memory_space<vmem>> -> memref<1x8x128xf32, #tpu.memory_space<vmem>>
      %dma_wait3A_1042 = tpu.memref_squeeze %dma_wait3A_1041 : memref<1x8x128xf32, #tpu.memory_space<vmem>> -> memref<8x128xf32, #tpu.memory_space<vmem>>
      %dma_wait3A_1043 = arith.constant 0 : i32
      %dma_wait3A_1044 = arith.constant 0 : i32
      %dma_wait3A_1045 = tpu.memref_slice %arg2[%arg0, %dma_wait3A_1043, %dma_wait3A_1044] : memref<2x8x1000000xf32, #tpu.memory_space<hbm>> -> memref<1x8x128xf32, #tpu.memory_space<hbm>>
      %dma_wait3A_1046 = tpu.memref_squeeze %dma_wait3A_1045 : memref<1x8x128xf32, #tpu.memory_space<hbm>> -> memref<8x128xf32, #tpu.memory_space<hbm>>
      %dma_wait3A_1047 = arith.constant 0 : i32
      %dma_wait3A_1048 = arith.constant 0 : i32
      %dma_wait3A_1049 = tpu.memref_slice %arg7[%dma_wait3A_1038, %dma_wait3A_1047, %dma_wait3A_1048] : memref<33x8x128xf32, #tpu.memory_space<vmem>> -> memref<1x8x128xf32, #tpu.memory_space<vmem>>
      %dma_wait3A_1050 = tpu.memref_squeeze %dma_wait3A_1049 : memref<1x8x128xf32, #tpu.memory_space<vmem>> -> memref<8x128xf32, #tpu.memory_space<vmem>>
      %dma_wait3A_1051 = arith.constant 0 : i32
      %dma_wait3A_1052 = arith.constant 0 : i32
      %dma_wait3A_1053 = tpu.memref_slice %arg2[%arg0, %dma_wait3A_1051, %dma_wait3A_1052] : memref<2x8x1000000xf32, #tpu.memory_space<hbm>> -> memref<1x8x128xf32, #tpu.memory_space<hbm>>
      %dma_wait3A_1054 = tpu.memref_squeeze %dma_wait3A_1053 : memref<1x8x128xf32, #tpu.memory_space<hbm>> -> memref<8x128xf32, #tpu.memory_space<hbm>>
      tpu.wait_dma2 semaphore(%arg9 : memref<!tpu.dma_semaphore, #tpu.memory_space<semaphore_mem>>) src(%dma_wait3A_1054 : memref<8x128xf32, #tpu.memory_space<hbm>>) dst(%dma_wait3A_1050 : memref<8x128xf32, #tpu.memory_space<vmem>>)
      %slice3A_1055 = vector.extract_strided_slice %scan3A_689 {offsets = [6], sizes = [1], strides = [1]} : vector<16xi32> to vector<1xi32>
      %squeeze3A_1056 = vector.extract %slice3A_1055[0] : i32 from vector<1xi32>
      %slice3A_1057 = vector.extract_strided_slice %scan3A_690 {offsets = [6], sizes = [1], strides = [1]} : vector<16xi32> to vector<1xi32>
      %squeeze3A_1058 = vector.extract %slice3A_1057[0] : i32 from vector<1xi32>
      %broadcast_in_dim3A_1059 = vector.broadcast %squeeze3A_1058 : i32 to vector<16xi32>
      %broadcast_in_dim3A_1060 = vector.broadcast %squeeze3A_1056 : i32 to vector<16xi32>
      %gather3A_1061 = tpu.vector_load_idx %arg7[%broadcast_in_dim3A_1059, %and3A_2, %broadcast_in_dim3A_1060] : memref<33x8x128xf32, #tpu.memory_space<vmem>>[vector<16xi32>, vector<16xi32>, vector<16xi32>], vector<16xf32>,
      %neg3A_1062 = arith.constant 0.000000e+00 : f32
      %neg3A_1063 = vector.broadcast %neg3A_1062 : f32 to vector<16xf32>
      %neg3A_1064 = arith.subf %neg3A_1063, %gather3A_1061 : vector<16xf32>
      %exp3A_1065 = math.exp %neg3A_1064 : vector<16xf32>
      %add3A_1066 = arith.constant 1.000000e+00 : f32
      %add3A_1067 = vector.broadcast %add3A_1066 : f32 to vector<16xf32>
      %add3A_1068 = arith.addf %add3A_1067, %exp3A_1065 : vector<16xf32>
      %div3A_1069 = arith.constant 1.000000e+00 : f32
      %div3A_1070 = vector.broadcast %div3A_1069 : f32 to vector<16xf32>
      %div3A_1071 = arith.divf %div3A_1070, %add3A_1068 : vector<16xf32>
      %broadcast_in_dim3A_1072 = vector.broadcast %add3A_1037 : i32 to vector<16xi32>
      tpu.vector_store_idx %arg8[%and3A_2, %broadcast_in_dim3A_1072], %div3A_1071 : memref<8x1024xf32, #tpu.memory_space<vmem>>[vector<16xi32>, vector<16xi32>], vector<16xf32>,
      %convert_element_type3A_1073 = arith.extui %lt3A_760 : i1 to i32
      %cond3A_1074 = arith.constant 0 : i32
      %cond3A_1075 = arith.cmpi ne, %convert_element_type3A_1073, %cond3A_1074 : i32
      scf.if %cond3A_1075 {
        %slice3A_2226 = vector.extract_strided_slice %mul3A_717 {offsets = [6], sizes = [1], strides = [1]} : vector<16xi32> to vector<1xi32>
        %squeeze3A_2227 = vector.extract %slice3A_2226[0] : i32 from vector<1xi32>
        %multiple_of3A_2228 = tpu.assume_multiple %squeeze3A_2227, 128 : i32
        %dma_start3A_2229 = arith.constant 6 : i32
        %dma_start3A_2230 = arith.constant 0 : i32
        %dma_start3A_2231 = arith.constant 0 : i32
        %dma_start3A_2232 = tpu.memref_slice %arg7[%dma_start3A_2229, %dma_start3A_2230, %dma_start3A_2231] : memref<33x8x128xf32, #tpu.memory_space<vmem>> -> memref<1x8x128xf32, #tpu.memory_space<vmem>>
        %dma_start3A_2233 = tpu.memref_squeeze %dma_start3A_2232 : memref<1x8x128xf32, #tpu.memory_space<vmem>> -> memref<8x128xf32, #tpu.memory_space<vmem>>
        %dma_start3A_2234 = arith.constant 0 : i32
        %dma_start3A_2235 = tpu.memref_slice %arg2[%arg0, %dma_start3A_2234, %multiple_of3A_2228] : memref<2x8x1000000xf32, #tpu.memory_space<hbm>> -> memref<1x8x128xf32, #tpu.memory_space<hbm>>
        %dma_start3A_2236 = tpu.memref_squeeze %dma_start3A_2235 : memref<1x8x128xf32, #tpu.memory_space<hbm>> -> memref<8x128xf32, #tpu.memory_space<hbm>>
        %dma_start3A_2237 = arith.constant 0 : i32
        %dma_start3A_2238 = arith.constant 0 : i32
        %dma_start3A_2239 = tpu.memref_slice %arg7[%dma_start3A_2229, %dma_start3A_2237, %dma_start3A_2238] : memref<33x8x128xf32, #tpu.memory_space<vmem>> -> memref<1x8x128xf32, #tpu.memory_space<vmem>>
        %dma_start3A_2240 = tpu.memref_squeeze %dma_start3A_2239 : memref<1x8x128xf32, #tpu.memory_space<vmem>> -> memref<8x128xf32, #tpu.memory_space<vmem>>
        %dma_start3A_2241 = arith.constant 0 : i32
        %dma_start3A_2242 = tpu.memref_slice %arg2[%arg0, %dma_start3A_2241, %multiple_of3A_2228] : memref<2x8x1000000xf32, #tpu.memory_space<hbm>> -> memref<1x8x128xf32, #tpu.memory_space<hbm>>
        %dma_start3A_2243 = tpu.memref_squeeze %dma_start3A_2242 : memref<1x8x128xf32, #tpu.memory_space<hbm>> -> memref<8x128xf32, #tpu.memory_space<hbm>>
        tpu.enqueue_dma source(%dma_start3A_2243 : memref<8x128xf32, #tpu.memory_space<hbm>>) target(%dma_start3A_2240 : memref<8x128xf32, #tpu.memory_space<vmem>>) target_semaphore(%arg9 : memref<!tpu.dma_semaphore, #tpu.memory_space<semaphore_mem>>)
      } else {
      }
      %mul3A_1076 = arith.constant 16 : i32
      %mul3A_1077 = arith.muli %scan3A_687, %mul3A_1076 : i32
      %mul3A_1078 = arith.constant 2 : i32
      %mul3A_1079 = arith.muli %mul3A_1077, %mul3A_1078 : i32
      %add3A_1080 = arith.constant 0 : i32
      %add3A_1081 = arith.addi %mul3A_1079, %add3A_1080 : i32
      %add3A_1082 = arith.constant 7 : i32
      %add3A_1083 = arith.addi %add3A_1081, %add3A_1082 : i32
      %dma_wait3A_1084 = arith.constant 7 : i32
      %dma_wait3A_1085 = arith.constant 0 : i32
      %dma_wait3A_1086 = arith.constant 0 : i32
      %dma_wait3A_1087 = tpu.memref_slice %arg7[%dma_wait3A_1084, %dma_wait3A_1085, %dma_wait3A_1086] : memref<33x8x128xf32, #tpu.memory_space<vmem>> -> memref<1x8x128xf32, #tpu.memory_space<vmem>>
      %dma_wait3A_1088 = tpu.memref_squeeze %dma_wait3A_1087 : memref<1x8x128xf32, #tpu.memory_space<vmem>> -> memref<8x128xf32, #tpu.memory_space<vmem>>
      %dma_wait3A_1089 = arith.constant 0 : i32
      %dma_wait3A_1090 = arith.constant 0 : i32
      %dma_wait3A_1091 = tpu.memref_slice %arg2[%arg0, %dma_wait3A_1089, %dma_wait3A_1090] : memref<2x8x1000000xf32, #tpu.memory_space<hbm>> -> memref<1x8x128xf32, #tpu.memory_space<hbm>>
      %dma_wait3A_1092 = tpu.memref_squeeze %dma_wait3A_1091 : memref<1x8x128xf32, #tpu.memory_space<hbm>> -> memref<8x128xf32, #tpu.memory_space<hbm>>
      %dma_wait3A_1093 = arith.constant 0 : i32
      %dma_wait3A_1094 = arith.constant 0 : i32
      %dma_wait3A_1095 = tpu.memref_slice %arg7[%dma_wait3A_1084, %dma_wait3A_1093, %dma_wait3A_1094] : memref<33x8x128xf32, #tpu.memory_space<vmem>> -> memref<1x8x128xf32, #tpu.memory_space<vmem>>
      %dma_wait3A_1096 = tpu.memref_squeeze %dma_wait3A_1095 : memref<1x8x128xf32, #tpu.memory_space<vmem>> -> memref<8x128xf32, #tpu.memory_space<vmem>>
      %dma_wait3A_1097 = arith.constant 0 : i32
      %dma_wait3A_1098 = arith.constant 0 : i32
      %dma_wait3A_1099 = tpu.memref_slice %arg2[%arg0, %dma_wait3A_1097, %dma_wait3A_1098] : memref<2x8x1000000xf32, #tpu.memory_space<hbm>> -> memref<1x8x128xf32, #tpu.memory_space<hbm>>
      %dma_wait3A_1100 = tpu.memref_squeeze %dma_wait3A_1099 : memref<1x8x128xf32, #tpu.memory_space<hbm>> -> memref<8x128xf32, #tpu.memory_space<hbm>>
      tpu.wait_dma2 semaphore(%arg9 : memref<!tpu.dma_semaphore, #tpu.memory_space<semaphore_mem>>) src(%dma_wait3A_1100 : memref<8x128xf32, #tpu.memory_space<hbm>>) dst(%dma_wait3A_1096 : memref<8x128xf32, #tpu.memory_space<vmem>>)
      %slice3A_1101 = vector.extract_strided_slice %scan3A_689 {offsets = [7], sizes = [1], strides = [1]} : vector<16xi32> to vector<1xi32>
      %squeeze3A_1102 = vector.extract %slice3A_1101[0] : i32 from vector<1xi32>
      %slice3A_1103 = vector.extract_strided_slice %scan3A_690 {offsets = [7], sizes = [1], strides = [1]} : vector<16xi32> to vector<1xi32>
      %squeeze3A_1104 = vector.extract %slice3A_1103[0] : i32 from vector<1xi32>
      %broadcast_in_dim3A_1105 = vector.broadcast %squeeze3A_1104 : i32 to vector<16xi32>
      %broadcast_in_dim3A_1106 = vector.broadcast %squeeze3A_1102 : i32 to vector<16xi32>
      %gather3A_1107 = tpu.vector_load_idx %arg7[%broadcast_in_dim3A_1105, %and3A_2, %broadcast_in_dim3A_1106] : memref<33x8x128xf32, #tpu.memory_space<vmem>>[vector<16xi32>, vector<16xi32>, vector<16xi32>], vector<16xf32>,
      %neg3A_1108 = arith.constant 0.000000e+00 : f32
      %neg3A_1109 = vector.broadcast %neg3A_1108 : f32 to vector<16xf32>
      %neg3A_1110 = arith.subf %neg3A_1109, %gather3A_1107 : vector<16xf32>
      %exp3A_1111 = math.exp %neg3A_1110 : vector<16xf32>
      %add3A_1112 = arith.constant 1.000000e+00 : f32
      %add3A_1113 = vector.broadcast %add3A_1112 : f32 to vector<16xf32>
      %add3A_1114 = arith.addf %add3A_1113, %exp3A_1111 : vector<16xf32>
      %div3A_1115 = arith.constant 1.000000e+00 : f32
      %div3A_1116 = vector.broadcast %div3A_1115 : f32 to vector<16xf32>
      %div3A_1117 = arith.divf %div3A_1116, %add3A_1114 : vector<16xf32>
      %broadcast_in_dim3A_1118 = vector.broadcast %add3A_1083 : i32 to vector<16xi32>
      tpu.vector_store_idx %arg8[%and3A_2, %broadcast_in_dim3A_1118], %div3A_1117 : memref<8x1024xf32, #tpu.memory_space<vmem>>[vector<16xi32>, vector<16xi32>], vector<16xf32>,
      %convert_element_type3A_1119 = arith.extui %lt3A_760 : i1 to i32
      %cond3A_1120 = arith.constant 0 : i32
      %cond3A_1121 = arith.cmpi ne, %convert_element_type3A_1119, %cond3A_1120 : i32
      scf.if %cond3A_1121 {
        %slice3A_2226 = vector.extract_strided_slice %mul3A_717 {offsets = [7], sizes = [1], strides = [1]} : vector<16xi32> to vector<1xi32>
        %squeeze3A_2227 = vector.extract %slice3A_2226[0] : i32 from vector<1xi32>
        %multiple_of3A_2228 = tpu.assume_multiple %squeeze3A_2227, 128 : i32
        %dma_start3A_2229 = arith.constant 7 : i32
        %dma_start3A_2230 = arith.constant 0 : i32
        %dma_start3A_2231 = arith.constant 0 : i32
        %dma_start3A_2232 = tpu.memref_slice %arg7[%dma_start3A_2229, %dma_start3A_2230, %dma_start3A_2231] : memref<33x8x128xf32, #tpu.memory_space<vmem>> -> memref<1x8x128xf32, #tpu.memory_space<vmem>>
        %dma_start3A_2233 = tpu.memref_squeeze %dma_start3A_2232 : memref<1x8x128xf32, #tpu.memory_space<vmem>> -> memref<8x128xf32, #tpu.memory_space<vmem>>
        %dma_start3A_2234 = arith.constant 0 : i32
        %dma_start3A_2235 = tpu.memref_slice %arg2[%arg0, %dma_start3A_2234, %multiple_of3A_2228] : memref<2x8x1000000xf32, #tpu.memory_space<hbm>> -> memref<1x8x128xf32, #tpu.memory_space<hbm>>
        %dma_start3A_2236 = tpu.memref_squeeze %dma_start3A_2235 : memref<1x8x128xf32, #tpu.memory_space<hbm>> -> memref<8x128xf32, #tpu.memory_space<hbm>>
        %dma_start3A_2237 = arith.constant 0 : i32
        %dma_start3A_2238 = arith.constant 0 : i32
        %dma_start3A_2239 = tpu.memref_slice %arg7[%dma_start3A_2229, %dma_start3A_2237, %dma_start3A_2238] : memref<33x8x128xf32, #tpu.memory_space<vmem>> -> memref<1x8x128xf32, #tpu.memory_space<vmem>>
        %dma_start3A_2240 = tpu.memref_squeeze %dma_start3A_2239 : memref<1x8x128xf32, #tpu.memory_space<vmem>> -> memref<8x128xf32, #tpu.memory_space<vmem>>
        %dma_start3A_2241 = arith.constant 0 : i32
        %dma_start3A_2242 = tpu.memref_slice %arg2[%arg0, %dma_start3A_2241, %multiple_of3A_2228] : memref<2x8x1000000xf32, #tpu.memory_space<hbm>> -> memref<1x8x128xf32, #tpu.memory_space<hbm>>
        %dma_start3A_2243 = tpu.memref_squeeze %dma_start3A_2242 : memref<1x8x128xf32, #tpu.memory_space<hbm>> -> memref<8x128xf32, #tpu.memory_space<hbm>>
        tpu.enqueue_dma source(%dma_start3A_2243 : memref<8x128xf32, #tpu.memory_space<hbm>>) target(%dma_start3A_2240 : memref<8x128xf32, #tpu.memory_space<vmem>>) target_semaphore(%arg9 : memref<!tpu.dma_semaphore, #tpu.memory_space<semaphore_mem>>)
      } else {
      }
      %mul3A_1122 = arith.constant 16 : i32
      %mul3A_1123 = arith.muli %scan3A_687, %mul3A_1122 : i32
      %mul3A_1124 = arith.constant 2 : i32
      %mul3A_1125 = arith.muli %mul3A_1123, %mul3A_1124 : i32
      %add3A_1126 = arith.constant 0 : i32
      %add3A_1127 = arith.addi %mul3A_1125, %add3A_1126 : i32
      %add3A_1128 = arith.constant 8 : i32
      %add3A_1129 = arith.addi %add3A_1127, %add3A_1128 : i32
      %dma_wait3A_1130 = arith.constant 8 : i32
      %dma_wait3A_1131 = arith.constant 0 : i32
      %dma_wait3A_1132 = arith.constant 0 : i32
      %dma_wait3A_1133 = tpu.memref_slice %arg7[%dma_wait3A_1130, %dma_wait3A_1131, %dma_wait3A_1132] : memref<33x8x128xf32, #tpu.memory_space<vmem>> -> memref<1x8x128xf32, #tpu.memory_space<vmem>>
      %dma_wait3A_1134 = tpu.memref_squeeze %dma_wait3A_1133 : memref<1x8x128xf32, #tpu.memory_space<vmem>> -> memref<8x128xf32, #tpu.memory_space<vmem>>
      %dma_wait3A_1135 = arith.constant 0 : i32
      %dma_wait3A_1136 = arith.constant 0 : i32
      %dma_wait3A_1137 = tpu.memref_slice %arg2[%arg0, %dma_wait3A_1135, %dma_wait3A_1136] : memref<2x8x1000000xf32, #tpu.memory_space<hbm>> -> memref<1x8x128xf32, #tpu.memory_space<hbm>>
      %dma_wait3A_1138 = tpu.memref_squeeze %dma_wait3A_1137 : memref<1x8x128xf32, #tpu.memory_space<hbm>> -> memref<8x128xf32, #tpu.memory_space<hbm>>
      %dma_wait3A_1139 = arith.constant 0 : i32
      %dma_wait3A_1140 = arith.constant 0 : i32
      %dma_wait3A_1141 = tpu.memref_slice %arg7[%dma_wait3A_1130, %dma_wait3A_1139, %dma_wait3A_1140] : memref<33x8x128xf32, #tpu.memory_space<vmem>> -> memref<1x8x128xf32, #tpu.memory_space<vmem>>
      %dma_wait3A_1142 = tpu.memref_squeeze %dma_wait3A_1141 : memref<1x8x128xf32, #tpu.memory_space<vmem>> -> memref<8x128xf32, #tpu.memory_space<vmem>>
      %dma_wait3A_1143 = arith.constant 0 : i32
      %dma_wait3A_1144 = arith.constant 0 : i32
      %dma_wait3A_1145 = tpu.memref_slice %arg2[%arg0, %dma_wait3A_1143, %dma_wait3A_1144] : memref<2x8x1000000xf32, #tpu.memory_space<hbm>> -> memref<1x8x128xf32, #tpu.memory_space<hbm>>
      %dma_wait3A_1146 = tpu.memref_squeeze %dma_wait3A_1145 : memref<1x8x128xf32, #tpu.memory_space<hbm>> -> memref<8x128xf32, #tpu.memory_space<hbm>>
      tpu.wait_dma2 semaphore(%arg9 : memref<!tpu.dma_semaphore, #tpu.memory_space<semaphore_mem>>) src(%dma_wait3A_1146 : memref<8x128xf32, #tpu.memory_space<hbm>>) dst(%dma_wait3A_1142 : memref<8x128xf32, #tpu.memory_space<vmem>>)
      %slice3A_1147 = vector.extract_strided_slice %scan3A_689 {offsets = [8], sizes = [1], strides = [1]} : vector<16xi32> to vector<1xi32>
      %squeeze3A_1148 = vector.extract %slice3A_1147[0] : i32 from vector<1xi32>
      %slice3A_1149 = vector.extract_strided_slice %scan3A_690 {offsets = [8], sizes = [1], strides = [1]} : vector<16xi32> to vector<1xi32>
      %squeeze3A_1150 = vector.extract %slice3A_1149[0] : i32 from vector<1xi32>
      %broadcast_in_dim3A_1151 = vector.broadcast %squeeze3A_1150 : i32 to vector<16xi32>
      %broadcast_in_dim3A_1152 = vector.broadcast %squeeze3A_1148 : i32 to vector<16xi32>
      %gather3A_1153 = tpu.vector_load_idx %arg7[%broadcast_in_dim3A_1151, %and3A_2, %broadcast_in_dim3A_1152] : memref<33x8x128xf32, #tpu.memory_space<vmem>>[vector<16xi32>, vector<16xi32>, vector<16xi32>], vector<16xf32>,
      %neg3A_1154 = arith.constant 0.000000e+00 : f32
      %neg3A_1155 = vector.broadcast %neg3A_1154 : f32 to vector<16xf32>
      %neg3A_1156 = arith.subf %neg3A_1155, %gather3A_1153 : vector<16xf32>
      %exp3A_1157 = math.exp %neg3A_1156 : vector<16xf32>
      %add3A_1158 = arith.constant 1.000000e+00 : f32
      %add3A_1159 = vector.broadcast %add3A_1158 : f32 to vector<16xf32>
      %add3A_1160 = arith.addf %add3A_1159, %exp3A_1157 : vector<16xf32>
      %div3A_1161 = arith.constant 1.000000e+00 : f32
      %div3A_1162 = vector.broadcast %div3A_1161 : f32 to vector<16xf32>
      %div3A_1163 = arith.divf %div3A_1162, %add3A_1160 : vector<16xf32>
      %broadcast_in_dim3A_1164 = vector.broadcast %add3A_1129 : i32 to vector<16xi32>
      tpu.vector_store_idx %arg8[%and3A_2, %broadcast_in_dim3A_1164], %div3A_1163 : memref<8x1024xf32, #tpu.memory_space<vmem>>[vector<16xi32>, vector<16xi32>], vector<16xf32>,
      %convert_element_type3A_1165 = arith.extui %lt3A_760 : i1 to i32
      %cond3A_1166 = arith.constant 0 : i32
      %cond3A_1167 = arith.cmpi ne, %convert_element_type3A_1165, %cond3A_1166 : i32
      scf.if %cond3A_1167 {
        %slice3A_2226 = vector.extract_strided_slice %mul3A_717 {offsets = [8], sizes = [1], strides = [1]} : vector<16xi32> to vector<1xi32>
        %squeeze3A_2227 = vector.extract %slice3A_2226[0] : i32 from vector<1xi32>
        %multiple_of3A_2228 = tpu.assume_multiple %squeeze3A_2227, 128 : i32
        %dma_start3A_2229 = arith.constant 8 : i32
        %dma_start3A_2230 = arith.constant 0 : i32
        %dma_start3A_2231 = arith.constant 0 : i32
        %dma_start3A_2232 = tpu.memref_slice %arg7[%dma_start3A_2229, %dma_start3A_2230, %dma_start3A_2231] : memref<33x8x128xf32, #tpu.memory_space<vmem>> -> memref<1x8x128xf32, #tpu.memory_space<vmem>>
        %dma_start3A_2233 = tpu.memref_squeeze %dma_start3A_2232 : memref<1x8x128xf32, #tpu.memory_space<vmem>> -> memref<8x128xf32, #tpu.memory_space<vmem>>
        %dma_start3A_2234 = arith.constant 0 : i32
        %dma_start3A_2235 = tpu.memref_slice %arg2[%arg0, %dma_start3A_2234, %multiple_of3A_2228] : memref<2x8x1000000xf32, #tpu.memory_space<hbm>> -> memref<1x8x128xf32, #tpu.memory_space<hbm>>
        %dma_start3A_2236 = tpu.memref_squeeze %dma_start3A_2235 : memref<1x8x128xf32, #tpu.memory_space<hbm>> -> memref<8x128xf32, #tpu.memory_space<hbm>>
        %dma_start3A_2237 = arith.constant 0 : i32
        %dma_start3A_2238 = arith.constant 0 : i32
        %dma_start3A_2239 = tpu.memref_slice %arg7[%dma_start3A_2229, %dma_start3A_2237, %dma_start3A_2238] : memref<33x8x128xf32, #tpu.memory_space<vmem>> -> memref<1x8x128xf32, #tpu.memory_space<vmem>>
        %dma_start3A_2240 = tpu.memref_squeeze %dma_start3A_2239 : memref<1x8x128xf32, #tpu.memory_space<vmem>> -> memref<8x128xf32, #tpu.memory_space<vmem>>
        %dma_start3A_2241 = arith.constant 0 : i32
        %dma_start3A_2242 = tpu.memref_slice %arg2[%arg0, %dma_start3A_2241, %multiple_of3A_2228] : memref<2x8x1000000xf32, #tpu.memory_space<hbm>> -> memref<1x8x128xf32, #tpu.memory_space<hbm>>
        %dma_start3A_2243 = tpu.memref_squeeze %dma_start3A_2242 : memref<1x8x128xf32, #tpu.memory_space<hbm>> -> memref<8x128xf32, #tpu.memory_space<hbm>>
        tpu.enqueue_dma source(%dma_start3A_2243 : memref<8x128xf32, #tpu.memory_space<hbm>>) target(%dma_start3A_2240 : memref<8x128xf32, #tpu.memory_space<vmem>>) target_semaphore(%arg9 : memref<!tpu.dma_semaphore, #tpu.memory_space<semaphore_mem>>)
      } else {
      }
      %mul3A_1168 = arith.constant 16 : i32
      %mul3A_1169 = arith.muli %scan3A_687, %mul3A_1168 : i32
      %mul3A_1170 = arith.constant 2 : i32
      %mul3A_1171 = arith.muli %mul3A_1169, %mul3A_1170 : i32
      %add3A_1172 = arith.constant 0 : i32
      %add3A_1173 = arith.addi %mul3A_1171, %add3A_1172 : i32
      %add3A_1174 = arith.constant 9 : i32
      %add3A_1175 = arith.addi %add3A_1173, %add3A_1174 : i32
      %dma_wait3A_1176 = arith.constant 9 : i32
      %dma_wait3A_1177 = arith.constant 0 : i32
      %dma_wait3A_1178 = arith.constant 0 : i32
      %dma_wait3A_1179 = tpu.memref_slice %arg7[%dma_wait3A_1176, %dma_wait3A_1177, %dma_wait3A_1178] : memref<33x8x128xf32, #tpu.memory_space<vmem>> -> memref<1x8x128xf32, #tpu.memory_space<vmem>>
      %dma_wait3A_1180 = tpu.memref_squeeze %dma_wait3A_1179 : memref<1x8x128xf32, #tpu.memory_space<vmem>> -> memref<8x128xf32, #tpu.memory_space<vmem>>
      %dma_wait3A_1181 = arith.constant 0 : i32
      %dma_wait3A_1182 = arith.constant 0 : i32
      %dma_wait3A_1183 = tpu.memref_slice %arg2[%arg0, %dma_wait3A_1181, %dma_wait3A_1182] : memref<2x8x1000000xf32, #tpu.memory_space<hbm>> -> memref<1x8x128xf32, #tpu.memory_space<hbm>>
      %dma_wait3A_1184 = tpu.memref_squeeze %dma_wait3A_1183 : memref<1x8x128xf32, #tpu.memory_space<hbm>> -> memref<8x128xf32, #tpu.memory_space<hbm>>
      %dma_wait3A_1185 = arith.constant 0 : i32
      %dma_wait3A_1186 = arith.constant 0 : i32
      %dma_wait3A_1187 = tpu.memref_slice %arg7[%dma_wait3A_1176, %dma_wait3A_1185, %dma_wait3A_1186] : memref<33x8x128xf32, #tpu.memory_space<vmem>> -> memref<1x8x128xf32, #tpu.memory_space<vmem>>
      %dma_wait3A_1188 = tpu.memref_squeeze %dma_wait3A_1187 : memref<1x8x128xf32, #tpu.memory_space<vmem>> -> memref<8x128xf32, #tpu.memory_space<vmem>>
      %dma_wait3A_1189 = arith.constant 0 : i32
      %dma_wait3A_1190 = arith.constant 0 : i32
      %dma_wait3A_1191 = tpu.memref_slice %arg2[%arg0, %dma_wait3A_1189, %dma_wait3A_1190] : memref<2x8x1000000xf32, #tpu.memory_space<hbm>> -> memref<1x8x128xf32, #tpu.memory_space<hbm>>
      %dma_wait3A_1192 = tpu.memref_squeeze %dma_wait3A_1191 : memref<1x8x128xf32, #tpu.memory_space<hbm>> -> memref<8x128xf32, #tpu.memory_space<hbm>>
      tpu.wait_dma2 semaphore(%arg9 : memref<!tpu.dma_semaphore, #tpu.memory_space<semaphore_mem>>) src(%dma_wait3A_1192 : memref<8x128xf32, #tpu.memory_space<hbm>>) dst(%dma_wait3A_1188 : memref<8x128xf32, #tpu.memory_space<vmem>>)
      %slice3A_1193 = vector.extract_strided_slice %scan3A_689 {offsets = [9], sizes = [1], strides = [1]} : vector<16xi32> to vector<1xi32>
      %squeeze3A_1194 = vector.extract %slice3A_1193[0] : i32 from vector<1xi32>
      %slice3A_1195 = vector.extract_strided_slice %scan3A_690 {offsets = [9], sizes = [1], strides = [1]} : vector<16xi32> to vector<1xi32>
      %squeeze3A_1196 = vector.extract %slice3A_1195[0] : i32 from vector<1xi32>
      %broadcast_in_dim3A_1197 = vector.broadcast %squeeze3A_1196 : i32 to vector<16xi32>
      %broadcast_in_dim3A_1198 = vector.broadcast %squeeze3A_1194 : i32 to vector<16xi32>
      %gather3A_1199 = tpu.vector_load_idx %arg7[%broadcast_in_dim3A_1197, %and3A_2, %broadcast_in_dim3A_1198] : memref<33x8x128xf32, #tpu.memory_space<vmem>>[vector<16xi32>, vector<16xi32>, vector<16xi32>], vector<16xf32>,
      %neg3A_1200 = arith.constant 0.000000e+00 : f32
      %neg3A_1201 = vector.broadcast %neg3A_1200 : f32 to vector<16xf32>
      %neg3A_1202 = arith.subf %neg3A_1201, %gather3A_1199 : vector<16xf32>
      %exp3A_1203 = math.exp %neg3A_1202 : vector<16xf32>
      %add3A_1204 = arith.constant 1.000000e+00 : f32
      %add3A_1205 = vector.broadcast %add3A_1204 : f32 to vector<16xf32>
      %add3A_1206 = arith.addf %add3A_1205, %exp3A_1203 : vector<16xf32>
      %div3A_1207 = arith.constant 1.000000e+00 : f32
      %div3A_1208 = vector.broadcast %div3A_1207 : f32 to vector<16xf32>
      %div3A_1209 = arith.divf %div3A_1208, %add3A_1206 : vector<16xf32>
      %broadcast_in_dim3A_1210 = vector.broadcast %add3A_1175 : i32 to vector<16xi32>
      tpu.vector_store_idx %arg8[%and3A_2, %broadcast_in_dim3A_1210], %div3A_1209 : memref<8x1024xf32, #tpu.memory_space<vmem>>[vector<16xi32>, vector<16xi32>], vector<16xf32>,
      %convert_element_type3A_1211 = arith.extui %lt3A_760 : i1 to i32
      %cond3A_1212 = arith.constant 0 : i32
      %cond3A_1213 = arith.cmpi ne, %convert_element_type3A_1211, %cond3A_1212 : i32
      scf.if %cond3A_1213 {
        %slice3A_2226 = vector.extract_strided_slice %mul3A_717 {offsets = [9], sizes = [1], strides = [1]} : vector<16xi32> to vector<1xi32>
        %squeeze3A_2227 = vector.extract %slice3A_2226[0] : i32 from vector<1xi32>
        %multiple_of3A_2228 = tpu.assume_multiple %squeeze3A_2227, 128 : i32
        %dma_start3A_2229 = arith.constant 9 : i32
        %dma_start3A_2230 = arith.constant 0 : i32
        %dma_start3A_2231 = arith.constant 0 : i32
        %dma_start3A_2232 = tpu.memref_slice %arg7[%dma_start3A_2229, %dma_start3A_2230, %dma_start3A_2231] : memref<33x8x128xf32, #tpu.memory_space<vmem>> -> memref<1x8x128xf32, #tpu.memory_space<vmem>>
        %dma_start3A_2233 = tpu.memref_squeeze %dma_start3A_2232 : memref<1x8x128xf32, #tpu.memory_space<vmem>> -> memref<8x128xf32, #tpu.memory_space<vmem>>
        %dma_start3A_2234 = arith.constant 0 : i32
        %dma_start3A_2235 = tpu.memref_slice %arg2[%arg0, %dma_start3A_2234, %multiple_of3A_2228] : memref<2x8x1000000xf32, #tpu.memory_space<hbm>> -> memref<1x8x128xf32, #tpu.memory_space<hbm>>
        %dma_start3A_2236 = tpu.memref_squeeze %dma_start3A_2235 : memref<1x8x128xf32, #tpu.memory_space<hbm>> -> memref<8x128xf32, #tpu.memory_space<hbm>>
        %dma_start3A_2237 = arith.constant 0 : i32
        %dma_start3A_2238 = arith.constant 0 : i32
        %dma_start3A_2239 = tpu.memref_slice %arg7[%dma_start3A_2229, %dma_start3A_2237, %dma_start3A_2238] : memref<33x8x128xf32, #tpu.memory_space<vmem>> -> memref<1x8x128xf32, #tpu.memory_space<vmem>>
        %dma_start3A_2240 = tpu.memref_squeeze %dma_start3A_2239 : memref<1x8x128xf32, #tpu.memory_space<vmem>> -> memref<8x128xf32, #tpu.memory_space<vmem>>
        %dma_start3A_2241 = arith.constant 0 : i32
        %dma_start3A_2242 = tpu.memref_slice %arg2[%arg0, %dma_start3A_2241, %multiple_of3A_2228] : memref<2x8x1000000xf32, #tpu.memory_space<hbm>> -> memref<1x8x128xf32, #tpu.memory_space<hbm>>
        %dma_start3A_2243 = tpu.memref_squeeze %dma_start3A_2242 : memref<1x8x128xf32, #tpu.memory_space<hbm>> -> memref<8x128xf32, #tpu.memory_space<hbm>>
        tpu.enqueue_dma source(%dma_start3A_2243 : memref<8x128xf32, #tpu.memory_space<hbm>>) target(%dma_start3A_2240 : memref<8x128xf32, #tpu.memory_space<vmem>>) target_semaphore(%arg9 : memref<!tpu.dma_semaphore, #tpu.memory_space<semaphore_mem>>)
      } else {
      }
      %mul3A_1214 = arith.constant 16 : i32
      %mul3A_1215 = arith.muli %scan3A_687, %mul3A_1214 : i32
      %mul3A_1216 = arith.constant 2 : i32
      %mul3A_1217 = arith.muli %mul3A_1215, %mul3A_1216 : i32
      %add3A_1218 = arith.constant 0 : i32
      %add3A_1219 = arith.addi %mul3A_1217, %add3A_1218 : i32
      %add3A_1220 = arith.constant 10 : i32
      %add3A_1221 = arith.addi %add3A_1219, %add3A_1220 : i32
      %dma_wait3A_1222 = arith.constant 10 : i32
      %dma_wait3A_1223 = arith.constant 0 : i32
      %dma_wait3A_1224 = arith.constant 0 : i32
      %dma_wait3A_1225 = tpu.memref_slice %arg7[%dma_wait3A_1222, %dma_wait3A_1223, %dma_wait3A_1224] : memref<33x8x128xf32, #tpu.memory_space<vmem>> -> memref<1x8x128xf32, #tpu.memory_space<vmem>>
      %dma_wait3A_1226 = tpu.memref_squeeze %dma_wait3A_1225 : memref<1x8x128xf32, #tpu.memory_space<vmem>> -> memref<8x128xf32, #tpu.memory_space<vmem>>
      %dma_wait3A_1227 = arith.constant 0 : i32
      %dma_wait3A_1228 = arith.constant 0 : i32
      %dma_wait3A_1229 = tpu.memref_slice %arg2[%arg0, %dma_wait3A_1227, %dma_wait3A_1228] : memref<2x8x1000000xf32, #tpu.memory_space<hbm>> -> memref<1x8x128xf32, #tpu.memory_space<hbm>>
      %dma_wait3A_1230 = tpu.memref_squeeze %dma_wait3A_1229 : memref<1x8x128xf32, #tpu.memory_space<hbm>> -> memref<8x128xf32, #tpu.memory_space<hbm>>
      %dma_wait3A_1231 = arith.constant 0 : i32
      %dma_wait3A_1232 = arith.constant 0 : i32
      %dma_wait3A_1233 = tpu.memref_slice %arg7[%dma_wait3A_1222, %dma_wait3A_1231, %dma_wait3A_1232] : memref<33x8x128xf32, #tpu.memory_space<vmem>> -> memref<1x8x128xf32, #tpu.memory_space<vmem>>
      %dma_wait3A_1234 = tpu.memref_squeeze %dma_wait3A_1233 : memref<1x8x128xf32, #tpu.memory_space<vmem>> -> memref<8x128xf32, #tpu.memory_space<vmem>>
      %dma_wait3A_1235 = arith.constant 0 : i32
      %dma_wait3A_1236 = arith.constant 0 : i32
      %dma_wait3A_1237 = tpu.memref_slice %arg2[%arg0, %dma_wait3A_1235, %dma_wait3A_1236] : memref<2x8x1000000xf32, #tpu.memory_space<hbm>> -> memref<1x8x128xf32, #tpu.memory_space<hbm>>
      %dma_wait3A_1238 = tpu.memref_squeeze %dma_wait3A_1237 : memref<1x8x128xf32, #tpu.memory_space<hbm>> -> memref<8x128xf32, #tpu.memory_space<hbm>>
      tpu.wait_dma2 semaphore(%arg9 : memref<!tpu.dma_semaphore, #tpu.memory_space<semaphore_mem>>) src(%dma_wait3A_1238 : memref<8x128xf32, #tpu.memory_space<hbm>>) dst(%dma_wait3A_1234 : memref<8x128xf32, #tpu.memory_space<vmem>>)
      %slice3A_1239 = vector.extract_strided_slice %scan3A_689 {offsets = [10], sizes = [1], strides = [1]} : vector<16xi32> to vector<1xi32>
      %squeeze3A_1240 = vector.extract %slice3A_1239[0] : i32 from vector<1xi32>
      %slice3A_1241 = vector.extract_strided_slice %scan3A_690 {offsets = [10], sizes = [1], strides = [1]} : vector<16xi32> to vector<1xi32>
      %squeeze3A_1242 = vector.extract %slice3A_1241[0] : i32 from vector<1xi32>
      %broadcast_in_dim3A_1243 = vector.broadcast %squeeze3A_1242 : i32 to vector<16xi32>
      %broadcast_in_dim3A_1244 = vector.broadcast %squeeze3A_1240 : i32 to vector<16xi32>
      %gather3A_1245 = tpu.vector_load_idx %arg7[%broadcast_in_dim3A_1243, %and3A_2, %broadcast_in_dim3A_1244] : memref<33x8x128xf32, #tpu.memory_space<vmem>>[vector<16xi32>, vector<16xi32>, vector<16xi32>], vector<16xf32>,
      %neg3A_1246 = arith.constant 0.000000e+00 : f32
      %neg3A_1247 = vector.broadcast %neg3A_1246 : f32 to vector<16xf32>
      %neg3A_1248 = arith.subf %neg3A_1247, %gather3A_1245 : vector<16xf32>
      %exp3A_1249 = math.exp %neg3A_1248 : vector<16xf32>
      %add3A_1250 = arith.constant 1.000000e+00 : f32
      %add3A_1251 = vector.broadcast %add3A_1250 : f32 to vector<16xf32>
      %add3A_1252 = arith.addf %add3A_1251, %exp3A_1249 : vector<16xf32>
      %div3A_1253 = arith.constant 1.000000e+00 : f32
      %div3A_1254 = vector.broadcast %div3A_1253 : f32 to vector<16xf32>
      %div3A_1255 = arith.divf %div3A_1254, %add3A_1252 : vector<16xf32>
      %broadcast_in_dim3A_1256 = vector.broadcast %add3A_1221 : i32 to vector<16xi32>
      tpu.vector_store_idx %arg8[%and3A_2, %broadcast_in_dim3A_1256], %div3A_1255 : memref<8x1024xf32, #tpu.memory_space<vmem>>[vector<16xi32>, vector<16xi32>], vector<16xf32>,
      %convert_element_type3A_1257 = arith.extui %lt3A_760 : i1 to i32
      %cond3A_1258 = arith.constant 0 : i32
      %cond3A_1259 = arith.cmpi ne, %convert_element_type3A_1257, %cond3A_1258 : i32
      scf.if %cond3A_1259 {
        %slice3A_2226 = vector.extract_strided_slice %mul3A_717 {offsets = [10], sizes = [1], strides = [1]} : vector<16xi32> to vector<1xi32>
        %squeeze3A_2227 = vector.extract %slice3A_2226[0] : i32 from vector<1xi32>
        %multiple_of3A_2228 = tpu.assume_multiple %squeeze3A_2227, 128 : i32
        %dma_start3A_2229 = arith.constant 10 : i32
        %dma_start3A_2230 = arith.constant 0 : i32
        %dma_start3A_2231 = arith.constant 0 : i32
        %dma_start3A_2232 = tpu.memref_slice %arg7[%dma_start3A_2229, %dma_start3A_2230, %dma_start3A_2231] : memref<33x8x128xf32, #tpu.memory_space<vmem>> -> memref<1x8x128xf32, #tpu.memory_space<vmem>>
        %dma_start3A_2233 = tpu.memref_squeeze %dma_start3A_2232 : memref<1x8x128xf32, #tpu.memory_space<vmem>> -> memref<8x128xf32, #tpu.memory_space<vmem>>
        %dma_start3A_2234 = arith.constant 0 : i32
        %dma_start3A_2235 = tpu.memref_slice %arg2[%arg0, %dma_start3A_2234, %multiple_of3A_2228] : memref<2x8x1000000xf32, #tpu.memory_space<hbm>> -> memref<1x8x128xf32, #tpu.memory_space<hbm>>
        %dma_start3A_2236 = tpu.memref_squeeze %dma_start3A_2235 : memref<1x8x128xf32, #tpu.memory_space<hbm>> -> memref<8x128xf32, #tpu.memory_space<hbm>>
        %dma_start3A_2237 = arith.constant 0 : i32
        %dma_start3A_2238 = arith.constant 0 : i32
        %dma_start3A_2239 = tpu.memref_slice %arg7[%dma_start3A_2229, %dma_start3A_2237, %dma_start3A_2238] : memref<33x8x128xf32, #tpu.memory_space<vmem>> -> memref<1x8x128xf32, #tpu.memory_space<vmem>>
        %dma_start3A_2240 = tpu.memref_squeeze %dma_start3A_2239 : memref<1x8x128xf32, #tpu.memory_space<vmem>> -> memref<8x128xf32, #tpu.memory_space<vmem>>
        %dma_start3A_2241 = arith.constant 0 : i32
        %dma_start3A_2242 = tpu.memref_slice %arg2[%arg0, %dma_start3A_2241, %multiple_of3A_2228] : memref<2x8x1000000xf32, #tpu.memory_space<hbm>> -> memref<1x8x128xf32, #tpu.memory_space<hbm>>
        %dma_start3A_2243 = tpu.memref_squeeze %dma_start3A_2242 : memref<1x8x128xf32, #tpu.memory_space<hbm>> -> memref<8x128xf32, #tpu.memory_space<hbm>>
        tpu.enqueue_dma source(%dma_start3A_2243 : memref<8x128xf32, #tpu.memory_space<hbm>>) target(%dma_start3A_2240 : memref<8x128xf32, #tpu.memory_space<vmem>>) target_semaphore(%arg9 : memref<!tpu.dma_semaphore, #tpu.memory_space<semaphore_mem>>)
      } else {
      }
      %mul3A_1260 = arith.constant 16 : i32
      %mul3A_1261 = arith.muli %scan3A_687, %mul3A_1260 : i32
      %mul3A_1262 = arith.constant 2 : i32
      %mul3A_1263 = arith.muli %mul3A_1261, %mul3A_1262 : i32
      %add3A_1264 = arith.constant 0 : i32
      %add3A_1265 = arith.addi %mul3A_1263, %add3A_1264 : i32
      %add3A_1266 = arith.constant 11 : i32
      %add3A_1267 = arith.addi %add3A_1265, %add3A_1266 : i32
      %dma_wait3A_1268 = arith.constant 11 : i32
      %dma_wait3A_1269 = arith.constant 0 : i32
      %dma_wait3A_1270 = arith.constant 0 : i32
      %dma_wait3A_1271 = tpu.memref_slice %arg7[%dma_wait3A_1268, %dma_wait3A_1269, %dma_wait3A_1270] : memref<33x8x128xf32, #tpu.memory_space<vmem>> -> memref<1x8x128xf32, #tpu.memory_space<vmem>>
      %dma_wait3A_1272 = tpu.memref_squeeze %dma_wait3A_1271 : memref<1x8x128xf32, #tpu.memory_space<vmem>> -> memref<8x128xf32, #tpu.memory_space<vmem>>
      %dma_wait3A_1273 = arith.constant 0 : i32
      %dma_wait3A_1274 = arith.constant 0 : i32
      %dma_wait3A_1275 = tpu.memref_slice %arg2[%arg0, %dma_wait3A_1273, %dma_wait3A_1274] : memref<2x8x1000000xf32, #tpu.memory_space<hbm>> -> memref<1x8x128xf32, #tpu.memory_space<hbm>>
      %dma_wait3A_1276 = tpu.memref_squeeze %dma_wait3A_1275 : memref<1x8x128xf32, #tpu.memory_space<hbm>> -> memref<8x128xf32, #tpu.memory_space<hbm>>
      %dma_wait3A_1277 = arith.constant 0 : i32
      %dma_wait3A_1278 = arith.constant 0 : i32
      %dma_wait3A_1279 = tpu.memref_slice %arg7[%dma_wait3A_1268, %dma_wait3A_1277, %dma_wait3A_1278] : memref<33x8x128xf32, #tpu.memory_space<vmem>> -> memref<1x8x128xf32, #tpu.memory_space<vmem>>
      %dma_wait3A_1280 = tpu.memref_squeeze %dma_wait3A_1279 : memref<1x8x128xf32, #tpu.memory_space<vmem>> -> memref<8x128xf32, #tpu.memory_space<vmem>>
      %dma_wait3A_1281 = arith.constant 0 : i32
      %dma_wait3A_1282 = arith.constant 0 : i32
      %dma_wait3A_1283 = tpu.memref_slice %arg2[%arg0, %dma_wait3A_1281, %dma_wait3A_1282] : memref<2x8x1000000xf32, #tpu.memory_space<hbm>> -> memref<1x8x128xf32, #tpu.memory_space<hbm>>
      %dma_wait3A_1284 = tpu.memref_squeeze %dma_wait3A_1283 : memref<1x8x128xf32, #tpu.memory_space<hbm>> -> memref<8x128xf32, #tpu.memory_space<hbm>>
      tpu.wait_dma2 semaphore(%arg9 : memref<!tpu.dma_semaphore, #tpu.memory_space<semaphore_mem>>) src(%dma_wait3A_1284 : memref<8x128xf32, #tpu.memory_space<hbm>>) dst(%dma_wait3A_1280 : memref<8x128xf32, #tpu.memory_space<vmem>>)
      %slice3A_1285 = vector.extract_strided_slice %scan3A_689 {offsets = [11], sizes = [1], strides = [1]} : vector<16xi32> to vector<1xi32>
      %squeeze3A_1286 = vector.extract %slice3A_1285[0] : i32 from vector<1xi32>
      %slice3A_1287 = vector.extract_strided_slice %scan3A_690 {offsets = [11], sizes = [1], strides = [1]} : vector<16xi32> to vector<1xi32>
      %squeeze3A_1288 = vector.extract %slice3A_1287[0] : i32 from vector<1xi32>
      %broadcast_in_dim3A_1289 = vector.broadcast %squeeze3A_1288 : i32 to vector<16xi32>
      %broadcast_in_dim3A_1290 = vector.broadcast %squeeze3A_1286 : i32 to vector<16xi32>
      %gather3A_1291 = tpu.vector_load_idx %arg7[%broadcast_in_dim3A_1289, %and3A_2, %broadcast_in_dim3A_1290] : memref<33x8x128xf32, #tpu.memory_space<vmem>>[vector<16xi32>, vector<16xi32>, vector<16xi32>], vector<16xf32>,
      %neg3A_1292 = arith.constant 0.000000e+00 : f32
      %neg3A_1293 = vector.broadcast %neg3A_1292 : f32 to vector<16xf32>
      %neg3A_1294 = arith.subf %neg3A_1293, %gather3A_1291 : vector<16xf32>
      %exp3A_1295 = math.exp %neg3A_1294 : vector<16xf32>
      %add3A_1296 = arith.constant 1.000000e+00 : f32
      %add3A_1297 = vector.broadcast %add3A_1296 : f32 to vector<16xf32>
      %add3A_1298 = arith.addf %add3A_1297, %exp3A_1295 : vector<16xf32>
      %div3A_1299 = arith.constant 1.000000e+00 : f32
      %div3A_1300 = vector.broadcast %div3A_1299 : f32 to vector<16xf32>
      %div3A_1301 = arith.divf %div3A_1300, %add3A_1298 : vector<16xf32>
      %broadcast_in_dim3A_1302 = vector.broadcast %add3A_1267 : i32 to vector<16xi32>
      tpu.vector_store_idx %arg8[%and3A_2, %broadcast_in_dim3A_1302], %div3A_1301 : memref<8x1024xf32, #tpu.memory_space<vmem>>[vector<16xi32>, vector<16xi32>], vector<16xf32>,
      %convert_element_type3A_1303 = arith.extui %lt3A_760 : i1 to i32
      %cond3A_1304 = arith.constant 0 : i32
      %cond3A_1305 = arith.cmpi ne, %convert_element_type3A_1303, %cond3A_1304 : i32
      scf.if %cond3A_1305 {
        %slice3A_2226 = vector.extract_strided_slice %mul3A_717 {offsets = [11], sizes = [1], strides = [1]} : vector<16xi32> to vector<1xi32>
        %squeeze3A_2227 = vector.extract %slice3A_2226[0] : i32 from vector<1xi32>
        %multiple_of3A_2228 = tpu.assume_multiple %squeeze3A_2227, 128 : i32
        %dma_start3A_2229 = arith.constant 11 : i32
        %dma_start3A_2230 = arith.constant 0 : i32
        %dma_start3A_2231 = arith.constant 0 : i32
        %dma_start3A_2232 = tpu.memref_slice %arg7[%dma_start3A_2229, %dma_start3A_2230, %dma_start3A_2231] : memref<33x8x128xf32, #tpu.memory_space<vmem>> -> memref<1x8x128xf32, #tpu.memory_space<vmem>>
        %dma_start3A_2233 = tpu.memref_squeeze %dma_start3A_2232 : memref<1x8x128xf32, #tpu.memory_space<vmem>> -> memref<8x128xf32, #tpu.memory_space<vmem>>
        %dma_start3A_2234 = arith.constant 0 : i32
        %dma_start3A_2235 = tpu.memref_slice %arg2[%arg0, %dma_start3A_2234, %multiple_of3A_2228] : memref<2x8x1000000xf32, #tpu.memory_space<hbm>> -> memref<1x8x128xf32, #tpu.memory_space<hbm>>
        %dma_start3A_2236 = tpu.memref_squeeze %dma_start3A_2235 : memref<1x8x128xf32, #tpu.memory_space<hbm>> -> memref<8x128xf32, #tpu.memory_space<hbm>>
        %dma_start3A_2237 = arith.constant 0 : i32
        %dma_start3A_2238 = arith.constant 0 : i32
        %dma_start3A_2239 = tpu.memref_slice %arg7[%dma_start3A_2229, %dma_start3A_2237, %dma_start3A_2238] : memref<33x8x128xf32, #tpu.memory_space<vmem>> -> memref<1x8x128xf32, #tpu.memory_space<vmem>>
        %dma_start3A_2240 = tpu.memref_squeeze %dma_start3A_2239 : memref<1x8x128xf32, #tpu.memory_space<vmem>> -> memref<8x128xf32, #tpu.memory_space<vmem>>
        %dma_start3A_2241 = arith.constant 0 : i32
        %dma_start3A_2242 = tpu.memref_slice %arg2[%arg0, %dma_start3A_2241, %multiple_of3A_2228] : memref<2x8x1000000xf32, #tpu.memory_space<hbm>> -> memref<1x8x128xf32, #tpu.memory_space<hbm>>
        %dma_start3A_2243 = tpu.memref_squeeze %dma_start3A_2242 : memref<1x8x128xf32, #tpu.memory_space<hbm>> -> memref<8x128xf32, #tpu.memory_space<hbm>>
        tpu.enqueue_dma source(%dma_start3A_2243 : memref<8x128xf32, #tpu.memory_space<hbm>>) target(%dma_start3A_2240 : memref<8x128xf32, #tpu.memory_space<vmem>>) target_semaphore(%arg9 : memref<!tpu.dma_semaphore, #tpu.memory_space<semaphore_mem>>)
      } else {
      }
      %mul3A_1306 = arith.constant 16 : i32
      %mul3A_1307 = arith.muli %scan3A_687, %mul3A_1306 : i32
      %mul3A_1308 = arith.constant 2 : i32
      %mul3A_1309 = arith.muli %mul3A_1307, %mul3A_1308 : i32
      %add3A_1310 = arith.constant 0 : i32
      %add3A_1311 = arith.addi %mul3A_1309, %add3A_1310 : i32
      %add3A_1312 = arith.constant 12 : i32
      %add3A_1313 = arith.addi %add3A_1311, %add3A_1312 : i32
      %dma_wait3A_1314 = arith.constant 12 : i32
      %dma_wait3A_1315 = arith.constant 0 : i32
      %dma_wait3A_1316 = arith.constant 0 : i32
      %dma_wait3A_1317 = tpu.memref_slice %arg7[%dma_wait3A_1314, %dma_wait3A_1315, %dma_wait3A_1316] : memref<33x8x128xf32, #tpu.memory_space<vmem>> -> memref<1x8x128xf32, #tpu.memory_space<vmem>>
      %dma_wait3A_1318 = tpu.memref_squeeze %dma_wait3A_1317 : memref<1x8x128xf32, #tpu.memory_space<vmem>> -> memref<8x128xf32, #tpu.memory_space<vmem>>
      %dma_wait3A_1319 = arith.constant 0 : i32
      %dma_wait3A_1320 = arith.constant 0 : i32
      %dma_wait3A_1321 = tpu.memref_slice %arg2[%arg0, %dma_wait3A_1319, %dma_wait3A_1320] : memref<2x8x1000000xf32, #tpu.memory_space<hbm>> -> memref<1x8x128xf32, #tpu.memory_space<hbm>>
      %dma_wait3A_1322 = tpu.memref_squeeze %dma_wait3A_1321 : memref<1x8x128xf32, #tpu.memory_space<hbm>> -> memref<8x128xf32, #tpu.memory_space<hbm>>
      %dma_wait3A_1323 = arith.constant 0 : i32
      %dma_wait3A_1324 = arith.constant 0 : i32
      %dma_wait3A_1325 = tpu.memref_slice %arg7[%dma_wait3A_1314, %dma_wait3A_1323, %dma_wait3A_1324] : memref<33x8x128xf32, #tpu.memory_space<vmem>> -> memref<1x8x128xf32, #tpu.memory_space<vmem>>
      %dma_wait3A_1326 = tpu.memref_squeeze %dma_wait3A_1325 : memref<1x8x128xf32, #tpu.memory_space<vmem>> -> memref<8x128xf32, #tpu.memory_space<vmem>>
      %dma_wait3A_1327 = arith.constant 0 : i32
      %dma_wait3A_1328 = arith.constant 0 : i32
      %dma_wait3A_1329 = tpu.memref_slice %arg2[%arg0, %dma_wait3A_1327, %dma_wait3A_1328] : memref<2x8x1000000xf32, #tpu.memory_space<hbm>> -> memref<1x8x128xf32, #tpu.memory_space<hbm>>
      %dma_wait3A_1330 = tpu.memref_squeeze %dma_wait3A_1329 : memref<1x8x128xf32, #tpu.memory_space<hbm>> -> memref<8x128xf32, #tpu.memory_space<hbm>>
      tpu.wait_dma2 semaphore(%arg9 : memref<!tpu.dma_semaphore, #tpu.memory_space<semaphore_mem>>) src(%dma_wait3A_1330 : memref<8x128xf32, #tpu.memory_space<hbm>>) dst(%dma_wait3A_1326 : memref<8x128xf32, #tpu.memory_space<vmem>>)
      %slice3A_1331 = vector.extract_strided_slice %scan3A_689 {offsets = [12], sizes = [1], strides = [1]} : vector<16xi32> to vector<1xi32>
      %squeeze3A_1332 = vector.extract %slice3A_1331[0] : i32 from vector<1xi32>
      %slice3A_1333 = vector.extract_strided_slice %scan3A_690 {offsets = [12], sizes = [1], strides = [1]} : vector<16xi32> to vector<1xi32>
      %squeeze3A_1334 = vector.extract %slice3A_1333[0] : i32 from vector<1xi32>
      %broadcast_in_dim3A_1335 = vector.broadcast %squeeze3A_1334 : i32 to vector<16xi32>
      %broadcast_in_dim3A_1336 = vector.broadcast %squeeze3A_1332 : i32 to vector<16xi32>
      %gather3A_1337 = tpu.vector_load_idx %arg7[%broadcast_in_dim3A_1335, %and3A_2, %broadcast_in_dim3A_1336] : memref<33x8x128xf32, #tpu.memory_space<vmem>>[vector<16xi32>, vector<16xi32>, vector<16xi32>], vector<16xf32>,
      %neg3A_1338 = arith.constant 0.000000e+00 : f32
      %neg3A_1339 = vector.broadcast %neg3A_1338 : f32 to vector<16xf32>
      %neg3A_1340 = arith.subf %neg3A_1339, %gather3A_1337 : vector<16xf32>
      %exp3A_1341 = math.exp %neg3A_1340 : vector<16xf32>
      %add3A_1342 = arith.constant 1.000000e+00 : f32
      %add3A_1343 = vector.broadcast %add3A_1342 : f32 to vector<16xf32>
      %add3A_1344 = arith.addf %add3A_1343, %exp3A_1341 : vector<16xf32>
      %div3A_1345 = arith.constant 1.000000e+00 : f32
      %div3A_1346 = vector.broadcast %div3A_1345 : f32 to vector<16xf32>
      %div3A_1347 = arith.divf %div3A_1346, %add3A_1344 : vector<16xf32>
      %broadcast_in_dim3A_1348 = vector.broadcast %add3A_1313 : i32 to vector<16xi32>
      tpu.vector_store_idx %arg8[%and3A_2, %broadcast_in_dim3A_1348], %div3A_1347 : memref<8x1024xf32, #tpu.memory_space<vmem>>[vector<16xi32>, vector<16xi32>], vector<16xf32>,
      %convert_element_type3A_1349 = arith.extui %lt3A_760 : i1 to i32
      %cond3A_1350 = arith.constant 0 : i32
      %cond3A_1351 = arith.cmpi ne, %convert_element_type3A_1349, %cond3A_1350 : i32
      scf.if %cond3A_1351 {
        %slice3A_2226 = vector.extract_strided_slice %mul3A_717 {offsets = [12], sizes = [1], strides = [1]} : vector<16xi32> to vector<1xi32>
        %squeeze3A_2227 = vector.extract %slice3A_2226[0] : i32 from vector<1xi32>
        %multiple_of3A_2228 = tpu.assume_multiple %squeeze3A_2227, 128 : i32
        %dma_start3A_2229 = arith.constant 12 : i32
        %dma_start3A_2230 = arith.constant 0 : i32
        %dma_start3A_2231 = arith.constant 0 : i32
        %dma_start3A_2232 = tpu.memref_slice %arg7[%dma_start3A_2229, %dma_start3A_2230, %dma_start3A_2231] : memref<33x8x128xf32, #tpu.memory_space<vmem>> -> memref<1x8x128xf32, #tpu.memory_space<vmem>>
        %dma_start3A_2233 = tpu.memref_squeeze %dma_start3A_2232 : memref<1x8x128xf32, #tpu.memory_space<vmem>> -> memref<8x128xf32, #tpu.memory_space<vmem>>
        %dma_start3A_2234 = arith.constant 0 : i32
        %dma_start3A_2235 = tpu.memref_slice %arg2[%arg0, %dma_start3A_2234, %multiple_of3A_2228] : memref<2x8x1000000xf32, #tpu.memory_space<hbm>> -> memref<1x8x128xf32, #tpu.memory_space<hbm>>
        %dma_start3A_2236 = tpu.memref_squeeze %dma_start3A_2235 : memref<1x8x128xf32, #tpu.memory_space<hbm>> -> memref<8x128xf32, #tpu.memory_space<hbm>>
        %dma_start3A_2237 = arith.constant 0 : i32
        %dma_start3A_2238 = arith.constant 0 : i32
        %dma_start3A_2239 = tpu.memref_slice %arg7[%dma_start3A_2229, %dma_start3A_2237, %dma_start3A_2238] : memref<33x8x128xf32, #tpu.memory_space<vmem>> -> memref<1x8x128xf32, #tpu.memory_space<vmem>>
        %dma_start3A_2240 = tpu.memref_squeeze %dma_start3A_2239 : memref<1x8x128xf32, #tpu.memory_space<vmem>> -> memref<8x128xf32, #tpu.memory_space<vmem>>
        %dma_start3A_2241 = arith.constant 0 : i32
        %dma_start3A_2242 = tpu.memref_slice %arg2[%arg0, %dma_start3A_2241, %multiple_of3A_2228] : memref<2x8x1000000xf32, #tpu.memory_space<hbm>> -> memref<1x8x128xf32, #tpu.memory_space<hbm>>
        %dma_start3A_2243 = tpu.memref_squeeze %dma_start3A_2242 : memref<1x8x128xf32, #tpu.memory_space<hbm>> -> memref<8x128xf32, #tpu.memory_space<hbm>>
        tpu.enqueue_dma source(%dma_start3A_2243 : memref<8x128xf32, #tpu.memory_space<hbm>>) target(%dma_start3A_2240 : memref<8x128xf32, #tpu.memory_space<vmem>>) target_semaphore(%arg9 : memref<!tpu.dma_semaphore, #tpu.memory_space<semaphore_mem>>)
      } else {
      }
      %mul3A_1352 = arith.constant 16 : i32
      %mul3A_1353 = arith.muli %scan3A_687, %mul3A_1352 : i32
      %mul3A_1354 = arith.constant 2 : i32
      %mul3A_1355 = arith.muli %mul3A_1353, %mul3A_1354 : i32
      %add3A_1356 = arith.constant 0 : i32
      %add3A_1357 = arith.addi %mul3A_1355, %add3A_1356 : i32
      %add3A_1358 = arith.constant 13 : i32
      %add3A_1359 = arith.addi %add3A_1357, %add3A_1358 : i32
      %dma_wait3A_1360 = arith.constant 13 : i32
      %dma_wait3A_1361 = arith.constant 0 : i32
      %dma_wait3A_1362 = arith.constant 0 : i32
      %dma_wait3A_1363 = tpu.memref_slice %arg7[%dma_wait3A_1360, %dma_wait3A_1361, %dma_wait3A_1362] : memref<33x8x128xf32, #tpu.memory_space<vmem>> -> memref<1x8x128xf32, #tpu.memory_space<vmem>>
      %dma_wait3A_1364 = tpu.memref_squeeze %dma_wait3A_1363 : memref<1x8x128xf32, #tpu.memory_space<vmem>> -> memref<8x128xf32, #tpu.memory_space<vmem>>
      %dma_wait3A_1365 = arith.constant 0 : i32
      %dma_wait3A_1366 = arith.constant 0 : i32
      %dma_wait3A_1367 = tpu.memref_slice %arg2[%arg0, %dma_wait3A_1365, %dma_wait3A_1366] : memref<2x8x1000000xf32, #tpu.memory_space<hbm>> -> memref<1x8x128xf32, #tpu.memory_space<hbm>>
      %dma_wait3A_1368 = tpu.memref_squeeze %dma_wait3A_1367 : memref<1x8x128xf32, #tpu.memory_space<hbm>> -> memref<8x128xf32, #tpu.memory_space<hbm>>
      %dma_wait3A_1369 = arith.constant 0 : i32
      %dma_wait3A_1370 = arith.constant 0 : i32
      %dma_wait3A_1371 = tpu.memref_slice %arg7[%dma_wait3A_1360, %dma_wait3A_1369, %dma_wait3A_1370] : memref<33x8x128xf32, #tpu.memory_space<vmem>> -> memref<1x8x128xf32, #tpu.memory_space<vmem>>
      %dma_wait3A_1372 = tpu.memref_squeeze %dma_wait3A_1371 : memref<1x8x128xf32, #tpu.memory_space<vmem>> -> memref<8x128xf32, #tpu.memory_space<vmem>>
      %dma_wait3A_1373 = arith.constant 0 : i32
      %dma_wait3A_1374 = arith.constant 0 : i32
      %dma_wait3A_1375 = tpu.memref_slice %arg2[%arg0, %dma_wait3A_1373, %dma_wait3A_1374] : memref<2x8x1000000xf32, #tpu.memory_space<hbm>> -> memref<1x8x128xf32, #tpu.memory_space<hbm>>
      %dma_wait3A_1376 = tpu.memref_squeeze %dma_wait3A_1375 : memref<1x8x128xf32, #tpu.memory_space<hbm>> -> memref<8x128xf32, #tpu.memory_space<hbm>>
      tpu.wait_dma2 semaphore(%arg9 : memref<!tpu.dma_semaphore, #tpu.memory_space<semaphore_mem>>) src(%dma_wait3A_1376 : memref<8x128xf32, #tpu.memory_space<hbm>>) dst(%dma_wait3A_1372 : memref<8x128xf32, #tpu.memory_space<vmem>>)
      %slice3A_1377 = vector.extract_strided_slice %scan3A_689 {offsets = [13], sizes = [1], strides = [1]} : vector<16xi32> to vector<1xi32>
      %squeeze3A_1378 = vector.extract %slice3A_1377[0] : i32 from vector<1xi32>
      %slice3A_1379 = vector.extract_strided_slice %scan3A_690 {offsets = [13], sizes = [1], strides = [1]} : vector<16xi32> to vector<1xi32>
      %squeeze3A_1380 = vector.extract %slice3A_1379[0] : i32 from vector<1xi32>
      %broadcast_in_dim3A_1381 = vector.broadcast %squeeze3A_1380 : i32 to vector<16xi32>
      %broadcast_in_dim3A_1382 = vector.broadcast %squeeze3A_1378 : i32 to vector<16xi32>
      %gather3A_1383 = tpu.vector_load_idx %arg7[%broadcast_in_dim3A_1381, %and3A_2, %broadcast_in_dim3A_1382] : memref<33x8x128xf32, #tpu.memory_space<vmem>>[vector<16xi32>, vector<16xi32>, vector<16xi32>], vector<16xf32>,
      %neg3A_1384 = arith.constant 0.000000e+00 : f32
      %neg3A_1385 = vector.broadcast %neg3A_1384 : f32 to vector<16xf32>
      %neg3A_1386 = arith.subf %neg3A_1385, %gather3A_1383 : vector<16xf32>
      %exp3A_1387 = math.exp %neg3A_1386 : vector<16xf32>
      %add3A_1388 = arith.constant 1.000000e+00 : f32
      %add3A_1389 = vector.broadcast %add3A_1388 : f32 to vector<16xf32>
      %add3A_1390 = arith.addf %add3A_1389, %exp3A_1387 : vector<16xf32>
      %div3A_1391 = arith.constant 1.000000e+00 : f32
      %div3A_1392 = vector.broadcast %div3A_1391 : f32 to vector<16xf32>
      %div3A_1393 = arith.divf %div3A_1392, %add3A_1390 : vector<16xf32>
      %broadcast_in_dim3A_1394 = vector.broadcast %add3A_1359 : i32 to vector<16xi32>
      tpu.vector_store_idx %arg8[%and3A_2, %broadcast_in_dim3A_1394], %div3A_1393 : memref<8x1024xf32, #tpu.memory_space<vmem>>[vector<16xi32>, vector<16xi32>], vector<16xf32>,
      %convert_element_type3A_1395 = arith.extui %lt3A_760 : i1 to i32
      %cond3A_1396 = arith.constant 0 : i32
      %cond3A_1397 = arith.cmpi ne, %convert_element_type3A_1395, %cond3A_1396 : i32
      scf.if %cond3A_1397 {
        %slice3A_2226 = vector.extract_strided_slice %mul3A_717 {offsets = [13], sizes = [1], strides = [1]} : vector<16xi32> to vector<1xi32>
        %squeeze3A_2227 = vector.extract %slice3A_2226[0] : i32 from vector<1xi32>
        %multiple_of3A_2228 = tpu.assume_multiple %squeeze3A_2227, 128 : i32
        %dma_start3A_2229 = arith.constant 13 : i32
        %dma_start3A_2230 = arith.constant 0 : i32
        %dma_start3A_2231 = arith.constant 0 : i32
        %dma_start3A_2232 = tpu.memref_slice %arg7[%dma_start3A_2229, %dma_start3A_2230, %dma_start3A_2231] : memref<33x8x128xf32, #tpu.memory_space<vmem>> -> memref<1x8x128xf32, #tpu.memory_space<vmem>>
        %dma_start3A_2233 = tpu.memref_squeeze %dma_start3A_2232 : memref<1x8x128xf32, #tpu.memory_space<vmem>> -> memref<8x128xf32, #tpu.memory_space<vmem>>
        %dma_start3A_2234 = arith.constant 0 : i32
        %dma_start3A_2235 = tpu.memref_slice %arg2[%arg0, %dma_start3A_2234, %multiple_of3A_2228] : memref<2x8x1000000xf32, #tpu.memory_space<hbm>> -> memref<1x8x128xf32, #tpu.memory_space<hbm>>
        %dma_start3A_2236 = tpu.memref_squeeze %dma_start3A_2235 : memref<1x8x128xf32, #tpu.memory_space<hbm>> -> memref<8x128xf32, #tpu.memory_space<hbm>>
        %dma_start3A_2237 = arith.constant 0 : i32
        %dma_start3A_2238 = arith.constant 0 : i32
        %dma_start3A_2239 = tpu.memref_slice %arg7[%dma_start3A_2229, %dma_start3A_2237, %dma_start3A_2238] : memref<33x8x128xf32, #tpu.memory_space<vmem>> -> memref<1x8x128xf32, #tpu.memory_space<vmem>>
        %dma_start3A_2240 = tpu.memref_squeeze %dma_start3A_2239 : memref<1x8x128xf32, #tpu.memory_space<vmem>> -> memref<8x128xf32, #tpu.memory_space<vmem>>
        %dma_start3A_2241 = arith.constant 0 : i32
        %dma_start3A_2242 = tpu.memref_slice %arg2[%arg0, %dma_start3A_2241, %multiple_of3A_2228] : memref<2x8x1000000xf32, #tpu.memory_space<hbm>> -> memref<1x8x128xf32, #tpu.memory_space<hbm>>
        %dma_start3A_2243 = tpu.memref_squeeze %dma_start3A_2242 : memref<1x8x128xf32, #tpu.memory_space<hbm>> -> memref<8x128xf32, #tpu.memory_space<hbm>>
        tpu.enqueue_dma source(%dma_start3A_2243 : memref<8x128xf32, #tpu.memory_space<hbm>>) target(%dma_start3A_2240 : memref<8x128xf32, #tpu.memory_space<vmem>>) target_semaphore(%arg9 : memref<!tpu.dma_semaphore, #tpu.memory_space<semaphore_mem>>)
      } else {
      }
      %mul3A_1398 = arith.constant 16 : i32
      %mul3A_1399 = arith.muli %scan3A_687, %mul3A_1398 : i32
      %mul3A_1400 = arith.constant 2 : i32
      %mul3A_1401 = arith.muli %mul3A_1399, %mul3A_1400 : i32
      %add3A_1402 = arith.constant 0 : i32
      %add3A_1403 = arith.addi %mul3A_1401, %add3A_1402 : i32
      %add3A_1404 = arith.constant 14 : i32
      %add3A_1405 = arith.addi %add3A_1403, %add3A_1404 : i32
      %dma_wait3A_1406 = arith.constant 14 : i32
      %dma_wait3A_1407 = arith.constant 0 : i32
      %dma_wait3A_1408 = arith.constant 0 : i32
      %dma_wait3A_1409 = tpu.memref_slice %arg7[%dma_wait3A_1406, %dma_wait3A_1407, %dma_wait3A_1408] : memref<33x8x128xf32, #tpu.memory_space<vmem>> -> memref<1x8x128xf32, #tpu.memory_space<vmem>>
      %dma_wait3A_1410 = tpu.memref_squeeze %dma_wait3A_1409 : memref<1x8x128xf32, #tpu.memory_space<vmem>> -> memref<8x128xf32, #tpu.memory_space<vmem>>
      %dma_wait3A_1411 = arith.constant 0 : i32
      %dma_wait3A_1412 = arith.constant 0 : i32
      %dma_wait3A_1413 = tpu.memref_slice %arg2[%arg0, %dma_wait3A_1411, %dma_wait3A_1412] : memref<2x8x1000000xf32, #tpu.memory_space<hbm>> -> memref<1x8x128xf32, #tpu.memory_space<hbm>>
      %dma_wait3A_1414 = tpu.memref_squeeze %dma_wait3A_1413 : memref<1x8x128xf32, #tpu.memory_space<hbm>> -> memref<8x128xf32, #tpu.memory_space<hbm>>
      %dma_wait3A_1415 = arith.constant 0 : i32
      %dma_wait3A_1416 = arith.constant 0 : i32
      %dma_wait3A_1417 = tpu.memref_slice %arg7[%dma_wait3A_1406, %dma_wait3A_1415, %dma_wait3A_1416] : memref<33x8x128xf32, #tpu.memory_space<vmem>> -> memref<1x8x128xf32, #tpu.memory_space<vmem>>
      %dma_wait3A_1418 = tpu.memref_squeeze %dma_wait3A_1417 : memref<1x8x128xf32, #tpu.memory_space<vmem>> -> memref<8x128xf32, #tpu.memory_space<vmem>>
      %dma_wait3A_1419 = arith.constant 0 : i32
      %dma_wait3A_1420 = arith.constant 0 : i32
      %dma_wait3A_1421 = tpu.memref_slice %arg2[%arg0, %dma_wait3A_1419, %dma_wait3A_1420] : memref<2x8x1000000xf32, #tpu.memory_space<hbm>> -> memref<1x8x128xf32, #tpu.memory_space<hbm>>
      %dma_wait3A_1422 = tpu.memref_squeeze %dma_wait3A_1421 : memref<1x8x128xf32, #tpu.memory_space<hbm>> -> memref<8x128xf32, #tpu.memory_space<hbm>>
      tpu.wait_dma2 semaphore(%arg9 : memref<!tpu.dma_semaphore, #tpu.memory_space<semaphore_mem>>) src(%dma_wait3A_1422 : memref<8x128xf32, #tpu.memory_space<hbm>>) dst(%dma_wait3A_1418 : memref<8x128xf32, #tpu.memory_space<vmem>>)
      %slice3A_1423 = vector.extract_strided_slice %scan3A_689 {offsets = [14], sizes = [1], strides = [1]} : vector<16xi32> to vector<1xi32>
      %squeeze3A_1424 = vector.extract %slice3A_1423[0] : i32 from vector<1xi32>
      %slice3A_1425 = vector.extract_strided_slice %scan3A_690 {offsets = [14], sizes = [1], strides = [1]} : vector<16xi32> to vector<1xi32>
      %squeeze3A_1426 = vector.extract %slice3A_1425[0] : i32 from vector<1xi32>
      %broadcast_in_dim3A_1427 = vector.broadcast %squeeze3A_1426 : i32 to vector<16xi32>
      %broadcast_in_dim3A_1428 = vector.broadcast %squeeze3A_1424 : i32 to vector<16xi32>
      %gather3A_1429 = tpu.vector_load_idx %arg7[%broadcast_in_dim3A_1427, %and3A_2, %broadcast_in_dim3A_1428] : memref<33x8x128xf32, #tpu.memory_space<vmem>>[vector<16xi32>, vector<16xi32>, vector<16xi32>], vector<16xf32>,
      %neg3A_1430 = arith.constant 0.000000e+00 : f32
      %neg3A_1431 = vector.broadcast %neg3A_1430 : f32 to vector<16xf32>
      %neg3A_1432 = arith.subf %neg3A_1431, %gather3A_1429 : vector<16xf32>
      %exp3A_1433 = math.exp %neg3A_1432 : vector<16xf32>
      %add3A_1434 = arith.constant 1.000000e+00 : f32
      %add3A_1435 = vector.broadcast %add3A_1434 : f32 to vector<16xf32>
      %add3A_1436 = arith.addf %add3A_1435, %exp3A_1433 : vector<16xf32>
      %div3A_1437 = arith.constant 1.000000e+00 : f32
      %div3A_1438 = vector.broadcast %div3A_1437 : f32 to vector<16xf32>
      %div3A_1439 = arith.divf %div3A_1438, %add3A_1436 : vector<16xf32>
      %broadcast_in_dim3A_1440 = vector.broadcast %add3A_1405 : i32 to vector<16xi32>
      tpu.vector_store_idx %arg8[%and3A_2, %broadcast_in_dim3A_1440], %div3A_1439 : memref<8x1024xf32, #tpu.memory_space<vmem>>[vector<16xi32>, vector<16xi32>], vector<16xf32>,
      %convert_element_type3A_1441 = arith.extui %lt3A_760 : i1 to i32
      %cond3A_1442 = arith.constant 0 : i32
      %cond3A_1443 = arith.cmpi ne, %convert_element_type3A_1441, %cond3A_1442 : i32
      scf.if %cond3A_1443 {
        %slice3A_2226 = vector.extract_strided_slice %mul3A_717 {offsets = [14], sizes = [1], strides = [1]} : vector<16xi32> to vector<1xi32>
        %squeeze3A_2227 = vector.extract %slice3A_2226[0] : i32 from vector<1xi32>
        %multiple_of3A_2228 = tpu.assume_multiple %squeeze3A_2227, 128 : i32
        %dma_start3A_2229 = arith.constant 14 : i32
        %dma_start3A_2230 = arith.constant 0 : i32
        %dma_start3A_2231 = arith.constant 0 : i32
        %dma_start3A_2232 = tpu.memref_slice %arg7[%dma_start3A_2229, %dma_start3A_2230, %dma_start3A_2231] : memref<33x8x128xf32, #tpu.memory_space<vmem>> -> memref<1x8x128xf32, #tpu.memory_space<vmem>>
        %dma_start3A_2233 = tpu.memref_squeeze %dma_start3A_2232 : memref<1x8x128xf32, #tpu.memory_space<vmem>> -> memref<8x128xf32, #tpu.memory_space<vmem>>
        %dma_start3A_2234 = arith.constant 0 : i32
        %dma_start3A_2235 = tpu.memref_slice %arg2[%arg0, %dma_start3A_2234, %multiple_of3A_2228] : memref<2x8x1000000xf32, #tpu.memory_space<hbm>> -> memref<1x8x128xf32, #tpu.memory_space<hbm>>
        %dma_start3A_2236 = tpu.memref_squeeze %dma_start3A_2235 : memref<1x8x128xf32, #tpu.memory_space<hbm>> -> memref<8x128xf32, #tpu.memory_space<hbm>>
        %dma_start3A_2237 = arith.constant 0 : i32
        %dma_start3A_2238 = arith.constant 0 : i32
        %dma_start3A_2239 = tpu.memref_slice %arg7[%dma_start3A_2229, %dma_start3A_2237, %dma_start3A_2238] : memref<33x8x128xf32, #tpu.memory_space<vmem>> -> memref<1x8x128xf32, #tpu.memory_space<vmem>>
        %dma_start3A_2240 = tpu.memref_squeeze %dma_start3A_2239 : memref<1x8x128xf32, #tpu.memory_space<vmem>> -> memref<8x128xf32, #tpu.memory_space<vmem>>
        %dma_start3A_2241 = arith.constant 0 : i32
        %dma_start3A_2242 = tpu.memref_slice %arg2[%arg0, %dma_start3A_2241, %multiple_of3A_2228] : memref<2x8x1000000xf32, #tpu.memory_space<hbm>> -> memref<1x8x128xf32, #tpu.memory_space<hbm>>
        %dma_start3A_2243 = tpu.memref_squeeze %dma_start3A_2242 : memref<1x8x128xf32, #tpu.memory_space<hbm>> -> memref<8x128xf32, #tpu.memory_space<hbm>>
        tpu.enqueue_dma source(%dma_start3A_2243 : memref<8x128xf32, #tpu.memory_space<hbm>>) target(%dma_start3A_2240 : memref<8x128xf32, #tpu.memory_space<vmem>>) target_semaphore(%arg9 : memref<!tpu.dma_semaphore, #tpu.memory_space<semaphore_mem>>)
      } else {
      }
      %mul3A_1444 = arith.constant 16 : i32
      %mul3A_1445 = arith.muli %scan3A_687, %mul3A_1444 : i32
      %mul3A_1446 = arith.constant 2 : i32
      %mul3A_1447 = arith.muli %mul3A_1445, %mul3A_1446 : i32
      %add3A_1448 = arith.constant 0 : i32
      %add3A_1449 = arith.addi %mul3A_1447, %add3A_1448 : i32
      %add3A_1450 = arith.constant 15 : i32
      %add3A_1451 = arith.addi %add3A_1449, %add3A_1450 : i32
      %dma_wait3A_1452 = arith.constant 15 : i32
      %dma_wait3A_1453 = arith.constant 0 : i32
      %dma_wait3A_1454 = arith.constant 0 : i32
      %dma_wait3A_1455 = tpu.memref_slice %arg7[%dma_wait3A_1452, %dma_wait3A_1453, %dma_wait3A_1454] : memref<33x8x128xf32, #tpu.memory_space<vmem>> -> memref<1x8x128xf32, #tpu.memory_space<vmem>>
      %dma_wait3A_1456 = tpu.memref_squeeze %dma_wait3A_1455 : memref<1x8x128xf32, #tpu.memory_space<vmem>> -> memref<8x128xf32, #tpu.memory_space<vmem>>
      %dma_wait3A_1457 = arith.constant 0 : i32
      %dma_wait3A_1458 = arith.constant 0 : i32
      %dma_wait3A_1459 = tpu.memref_slice %arg2[%arg0, %dma_wait3A_1457, %dma_wait3A_1458] : memref<2x8x1000000xf32, #tpu.memory_space<hbm>> -> memref<1x8x128xf32, #tpu.memory_space<hbm>>
      %dma_wait3A_1460 = tpu.memref_squeeze %dma_wait3A_1459 : memref<1x8x128xf32, #tpu.memory_space<hbm>> -> memref<8x128xf32, #tpu.memory_space<hbm>>
      %dma_wait3A_1461 = arith.constant 0 : i32
      %dma_wait3A_1462 = arith.constant 0 : i32
      %dma_wait3A_1463 = tpu.memref_slice %arg7[%dma_wait3A_1452, %dma_wait3A_1461, %dma_wait3A_1462] : memref<33x8x128xf32, #tpu.memory_space<vmem>> -> memref<1x8x128xf32, #tpu.memory_space<vmem>>
      %dma_wait3A_1464 = tpu.memref_squeeze %dma_wait3A_1463 : memref<1x8x128xf32, #tpu.memory_space<vmem>> -> memref<8x128xf32, #tpu.memory_space<vmem>>
      %dma_wait3A_1465 = arith.constant 0 : i32
      %dma_wait3A_1466 = arith.constant 0 : i32
      %dma_wait3A_1467 = tpu.memref_slice %arg2[%arg0, %dma_wait3A_1465, %dma_wait3A_1466] : memref<2x8x1000000xf32, #tpu.memory_space<hbm>> -> memref<1x8x128xf32, #tpu.memory_space<hbm>>
      %dma_wait3A_1468 = tpu.memref_squeeze %dma_wait3A_1467 : memref<1x8x128xf32, #tpu.memory_space<hbm>> -> memref<8x128xf32, #tpu.memory_space<hbm>>
      tpu.wait_dma2 semaphore(%arg9 : memref<!tpu.dma_semaphore, #tpu.memory_space<semaphore_mem>>) src(%dma_wait3A_1468 : memref<8x128xf32, #tpu.memory_space<hbm>>) dst(%dma_wait3A_1464 : memref<8x128xf32, #tpu.memory_space<vmem>>)
      %slice3A_1469 = vector.extract_strided_slice %scan3A_689 {offsets = [15], sizes = [1], strides = [1]} : vector<16xi32> to vector<1xi32>
      %squeeze3A_1470 = vector.extract %slice3A_1469[0] : i32 from vector<1xi32>
      %slice3A_1471 = vector.extract_strided_slice %scan3A_690 {offsets = [15], sizes = [1], strides = [1]} : vector<16xi32> to vector<1xi32>
      %squeeze3A_1472 = vector.extract %slice3A_1471[0] : i32 from vector<1xi32>
      %broadcast_in_dim3A_1473 = vector.broadcast %squeeze3A_1472 : i32 to vector<16xi32>
      %broadcast_in_dim3A_1474 = vector.broadcast %squeeze3A_1470 : i32 to vector<16xi32>
      %gather3A_1475 = tpu.vector_load_idx %arg7[%broadcast_in_dim3A_1473, %and3A_2, %broadcast_in_dim3A_1474] : memref<33x8x128xf32, #tpu.memory_space<vmem>>[vector<16xi32>, vector<16xi32>, vector<16xi32>], vector<16xf32>,
      %neg3A_1476 = arith.constant 0.000000e+00 : f32
      %neg3A_1477 = vector.broadcast %neg3A_1476 : f32 to vector<16xf32>
      %neg3A_1478 = arith.subf %neg3A_1477, %gather3A_1475 : vector<16xf32>
      %exp3A_1479 = math.exp %neg3A_1478 : vector<16xf32>
      %add3A_1480 = arith.constant 1.000000e+00 : f32
      %add3A_1481 = vector.broadcast %add3A_1480 : f32 to vector<16xf32>
      %add3A_1482 = arith.addf %add3A_1481, %exp3A_1479 : vector<16xf32>
      %div3A_1483 = arith.constant 1.000000e+00 : f32
      %div3A_1484 = vector.broadcast %div3A_1483 : f32 to vector<16xf32>
      %div3A_1485 = arith.divf %div3A_1484, %add3A_1482 : vector<16xf32>
      %broadcast_in_dim3A_1486 = vector.broadcast %add3A_1451 : i32 to vector<16xi32>
      tpu.vector_store_idx %arg8[%and3A_2, %broadcast_in_dim3A_1486], %div3A_1485 : memref<8x1024xf32, #tpu.memory_space<vmem>>[vector<16xi32>, vector<16xi32>], vector<16xf32>,
      %convert_element_type3A_1487 = arith.extui %lt3A_760 : i1 to i32
      %cond3A_1488 = arith.constant 0 : i32
      %cond3A_1489 = arith.cmpi ne, %convert_element_type3A_1487, %cond3A_1488 : i32
      scf.if %cond3A_1489 {
        %slice3A_2226 = vector.extract_strided_slice %mul3A_717 {offsets = [15], sizes = [1], strides = [1]} : vector<16xi32> to vector<1xi32>
        %squeeze3A_2227 = vector.extract %slice3A_2226[0] : i32 from vector<1xi32>
        %multiple_of3A_2228 = tpu.assume_multiple %squeeze3A_2227, 128 : i32
        %dma_start3A_2229 = arith.constant 15 : i32
        %dma_start3A_2230 = arith.constant 0 : i32
        %dma_start3A_2231 = arith.constant 0 : i32
        %dma_start3A_2232 = tpu.memref_slice %arg7[%dma_start3A_2229, %dma_start3A_2230, %dma_start3A_2231] : memref<33x8x128xf32, #tpu.memory_space<vmem>> -> memref<1x8x128xf32, #tpu.memory_space<vmem>>
        %dma_start3A_2233 = tpu.memref_squeeze %dma_start3A_2232 : memref<1x8x128xf32, #tpu.memory_space<vmem>> -> memref<8x128xf32, #tpu.memory_space<vmem>>
        %dma_start3A_2234 = arith.constant 0 : i32
        %dma_start3A_2235 = tpu.memref_slice %arg2[%arg0, %dma_start3A_2234, %multiple_of3A_2228] : memref<2x8x1000000xf32, #tpu.memory_space<hbm>> -> memref<1x8x128xf32, #tpu.memory_space<hbm>>
        %dma_start3A_2236 = tpu.memref_squeeze %dma_start3A_2235 : memref<1x8x128xf32, #tpu.memory_space<hbm>> -> memref<8x128xf32, #tpu.memory_space<hbm>>
        %dma_start3A_2237 = arith.constant 0 : i32
        %dma_start3A_2238 = arith.constant 0 : i32
        %dma_start3A_2239 = tpu.memref_slice %arg7[%dma_start3A_2229, %dma_start3A_2237, %dma_start3A_2238] : memref<33x8x128xf32, #tpu.memory_space<vmem>> -> memref<1x8x128xf32, #tpu.memory_space<vmem>>
        %dma_start3A_2240 = tpu.memref_squeeze %dma_start3A_2239 : memref<1x8x128xf32, #tpu.memory_space<vmem>> -> memref<8x128xf32, #tpu.memory_space<vmem>>
        %dma_start3A_2241 = arith.constant 0 : i32
        %dma_start3A_2242 = tpu.memref_slice %arg2[%arg0, %dma_start3A_2241, %multiple_of3A_2228] : memref<2x8x1000000xf32, #tpu.memory_space<hbm>> -> memref<1x8x128xf32, #tpu.memory_space<hbm>>
        %dma_start3A_2243 = tpu.memref_squeeze %dma_start3A_2242 : memref<1x8x128xf32, #tpu.memory_space<hbm>> -> memref<8x128xf32, #tpu.memory_space<hbm>>
        tpu.enqueue_dma source(%dma_start3A_2243 : memref<8x128xf32, #tpu.memory_space<hbm>>) target(%dma_start3A_2240 : memref<8x128xf32, #tpu.memory_space<vmem>>) target_semaphore(%arg9 : memref<!tpu.dma_semaphore, #tpu.memory_space<semaphore_mem>>)
      } else {
      }
      %mul3A_1490 = arith.constant 16 : i32
      %mul3A_1491 = arith.muli %scan3A_687, %mul3A_1490 : i32
      %mul3A_1492 = arith.constant 2 : i32
      %mul3A_1493 = arith.muli %mul3A_1491, %mul3A_1492 : i32
      %add3A_1494 = arith.constant 16 : i32
      %add3A_1495 = arith.addi %mul3A_1493, %add3A_1494 : i32
      %add3A_1496 = arith.constant 0 : i32
      %add3A_1497 = arith.addi %add3A_1495, %add3A_1496 : i32
      %dma_wait3A_1498 = arith.constant 16 : i32
      %dma_wait3A_1499 = arith.constant 0 : i32
      %dma_wait3A_1500 = arith.constant 0 : i32
      %dma_wait3A_1501 = tpu.memref_slice %arg7[%dma_wait3A_1498, %dma_wait3A_1499, %dma_wait3A_1500] : memref<33x8x128xf32, #tpu.memory_space<vmem>> -> memref<1x8x128xf32, #tpu.memory_space<vmem>>
      %dma_wait3A_1502 = tpu.memref_squeeze %dma_wait3A_1501 : memref<1x8x128xf32, #tpu.memory_space<vmem>> -> memref<8x128xf32, #tpu.memory_space<vmem>>
      %dma_wait3A_1503 = arith.constant 0 : i32
      %dma_wait3A_1504 = arith.constant 0 : i32
      %dma_wait3A_1505 = tpu.memref_slice %arg2[%arg0, %dma_wait3A_1503, %dma_wait3A_1504] : memref<2x8x1000000xf32, #tpu.memory_space<hbm>> -> memref<1x8x128xf32, #tpu.memory_space<hbm>>
      %dma_wait3A_1506 = tpu.memref_squeeze %dma_wait3A_1505 : memref<1x8x128xf32, #tpu.memory_space<hbm>> -> memref<8x128xf32, #tpu.memory_space<hbm>>
      %dma_wait3A_1507 = arith.constant 0 : i32
      %dma_wait3A_1508 = arith.constant 0 : i32
      %dma_wait3A_1509 = tpu.memref_slice %arg7[%dma_wait3A_1498, %dma_wait3A_1507, %dma_wait3A_1508] : memref<33x8x128xf32, #tpu.memory_space<vmem>> -> memref<1x8x128xf32, #tpu.memory_space<vmem>>
      %dma_wait3A_1510 = tpu.memref_squeeze %dma_wait3A_1509 : memref<1x8x128xf32, #tpu.memory_space<vmem>> -> memref<8x128xf32, #tpu.memory_space<vmem>>
      %dma_wait3A_1511 = arith.constant 0 : i32
      %dma_wait3A_1512 = arith.constant 0 : i32
      %dma_wait3A_1513 = tpu.memref_slice %arg2[%arg0, %dma_wait3A_1511, %dma_wait3A_1512] : memref<2x8x1000000xf32, #tpu.memory_space<hbm>> -> memref<1x8x128xf32, #tpu.memory_space<hbm>>
      %dma_wait3A_1514 = tpu.memref_squeeze %dma_wait3A_1513 : memref<1x8x128xf32, #tpu.memory_space<hbm>> -> memref<8x128xf32, #tpu.memory_space<hbm>>
      tpu.wait_dma2 semaphore(%arg9 : memref<!tpu.dma_semaphore, #tpu.memory_space<semaphore_mem>>) src(%dma_wait3A_1514 : memref<8x128xf32, #tpu.memory_space<hbm>>) dst(%dma_wait3A_1510 : memref<8x128xf32, #tpu.memory_space<vmem>>)
      %slice3A_1515 = vector.extract_strided_slice %scan3A_692 {offsets = [0], sizes = [1], strides = [1]} : vector<16xi32> to vector<1xi32>
      %squeeze3A_1516 = vector.extract %slice3A_1515[0] : i32 from vector<1xi32>
      %slice3A_1517 = vector.extract_strided_slice %scan3A_693 {offsets = [0], sizes = [1], strides = [1]} : vector<16xi32> to vector<1xi32>
      %squeeze3A_1518 = vector.extract %slice3A_1517[0] : i32 from vector<1xi32>
      %broadcast_in_dim3A_1519 = vector.broadcast %squeeze3A_1518 : i32 to vector<16xi32>
      %broadcast_in_dim3A_1520 = vector.broadcast %squeeze3A_1516 : i32 to vector<16xi32>
      %gather3A_1521 = tpu.vector_load_idx %arg7[%broadcast_in_dim3A_1519, %and3A_2, %broadcast_in_dim3A_1520] : memref<33x8x128xf32, #tpu.memory_space<vmem>>[vector<16xi32>, vector<16xi32>, vector<16xi32>], vector<16xf32>,
      %neg3A_1522 = arith.constant 0.000000e+00 : f32
      %neg3A_1523 = vector.broadcast %neg3A_1522 : f32 to vector<16xf32>
      %neg3A_1524 = arith.subf %neg3A_1523, %gather3A_1521 : vector<16xf32>
      %exp3A_1525 = math.exp %neg3A_1524 : vector<16xf32>
      %add3A_1526 = arith.constant 1.000000e+00 : f32
      %add3A_1527 = vector.broadcast %add3A_1526 : f32 to vector<16xf32>
      %add3A_1528 = arith.addf %add3A_1527, %exp3A_1525 : vector<16xf32>
      %div3A_1529 = arith.constant 1.000000e+00 : f32
      %div3A_1530 = vector.broadcast %div3A_1529 : f32 to vector<16xf32>
      %div3A_1531 = arith.divf %div3A_1530, %add3A_1528 : vector<16xf32>
      %broadcast_in_dim3A_1532 = vector.broadcast %add3A_1497 : i32 to vector<16xi32>
      tpu.vector_store_idx %arg8[%and3A_2, %broadcast_in_dim3A_1532], %div3A_1531 : memref<8x1024xf32, #tpu.memory_space<vmem>>[vector<16xi32>, vector<16xi32>], vector<16xf32>,
      %convert_element_type3A_1533 = arith.extui %lt3A_760 : i1 to i32
      %cond3A_1534 = arith.constant 0 : i32
      %cond3A_1535 = arith.cmpi ne, %convert_element_type3A_1533, %cond3A_1534 : i32
      scf.if %cond3A_1535 {
        %slice3A_2226 = vector.extract_strided_slice %mul3A_745 {offsets = [0], sizes = [1], strides = [1]} : vector<16xi32> to vector<1xi32>
        %squeeze3A_2227 = vector.extract %slice3A_2226[0] : i32 from vector<1xi32>
        %multiple_of3A_2228 = tpu.assume_multiple %squeeze3A_2227, 128 : i32
        %dma_start3A_2229 = arith.constant 16 : i32
        %dma_start3A_2230 = arith.constant 0 : i32
        %dma_start3A_2231 = arith.constant 0 : i32
        %dma_start3A_2232 = tpu.memref_slice %arg7[%dma_start3A_2229, %dma_start3A_2230, %dma_start3A_2231] : memref<33x8x128xf32, #tpu.memory_space<vmem>> -> memref<1x8x128xf32, #tpu.memory_space<vmem>>
        %dma_start3A_2233 = tpu.memref_squeeze %dma_start3A_2232 : memref<1x8x128xf32, #tpu.memory_space<vmem>> -> memref<8x128xf32, #tpu.memory_space<vmem>>
        %dma_start3A_2234 = arith.constant 0 : i32
        %dma_start3A_2235 = tpu.memref_slice %arg2[%arg0, %dma_start3A_2234, %multiple_of3A_2228] : memref<2x8x1000000xf32, #tpu.memory_space<hbm>> -> memref<1x8x128xf32, #tpu.memory_space<hbm>>
        %dma_start3A_2236 = tpu.memref_squeeze %dma_start3A_2235 : memref<1x8x128xf32, #tpu.memory_space<hbm>> -> memref<8x128xf32, #tpu.memory_space<hbm>>
        %dma_start3A_2237 = arith.constant 0 : i32
        %dma_start3A_2238 = arith.constant 0 : i32
        %dma_start3A_2239 = tpu.memref_slice %arg7[%dma_start3A_2229, %dma_start3A_2237, %dma_start3A_2238] : memref<33x8x128xf32, #tpu.memory_space<vmem>> -> memref<1x8x128xf32, #tpu.memory_space<vmem>>
        %dma_start3A_2240 = tpu.memref_squeeze %dma_start3A_2239 : memref<1x8x128xf32, #tpu.memory_space<vmem>> -> memref<8x128xf32, #tpu.memory_space<vmem>>
        %dma_start3A_2241 = arith.constant 0 : i32
        %dma_start3A_2242 = tpu.memref_slice %arg2[%arg0, %dma_start3A_2241, %multiple_of3A_2228] : memref<2x8x1000000xf32, #tpu.memory_space<hbm>> -> memref<1x8x128xf32, #tpu.memory_space<hbm>>
        %dma_start3A_2243 = tpu.memref_squeeze %dma_start3A_2242 : memref<1x8x128xf32, #tpu.memory_space<hbm>> -> memref<8x128xf32, #tpu.memory_space<hbm>>
        tpu.enqueue_dma source(%dma_start3A_2243 : memref<8x128xf32, #tpu.memory_space<hbm>>) target(%dma_start3A_2240 : memref<8x128xf32, #tpu.memory_space<vmem>>) target_semaphore(%arg9 : memref<!tpu.dma_semaphore, #tpu.memory_space<semaphore_mem>>)
      } else {
      }
      %mul3A_1536 = arith.constant 16 : i32
      %mul3A_1537 = arith.muli %scan3A_687, %mul3A_1536 : i32
      %mul3A_1538 = arith.constant 2 : i32
      %mul3A_1539 = arith.muli %mul3A_1537, %mul3A_1538 : i32
      %add3A_1540 = arith.constant 16 : i32
      %add3A_1541 = arith.addi %mul3A_1539, %add3A_1540 : i32
      %add3A_1542 = arith.constant 1 : i32
      %add3A_1543 = arith.addi %add3A_1541, %add3A_1542 : i32
      %dma_wait3A_1544 = arith.constant 17 : i32
      %dma_wait3A_1545 = arith.constant 0 : i32
      %dma_wait3A_1546 = arith.constant 0 : i32
      %dma_wait3A_1547 = tpu.memref_slice %arg7[%dma_wait3A_1544, %dma_wait3A_1545, %dma_wait3A_1546] : memref<33x8x128xf32, #tpu.memory_space<vmem>> -> memref<1x8x128xf32, #tpu.memory_space<vmem>>
      %dma_wait3A_1548 = tpu.memref_squeeze %dma_wait3A_1547 : memref<1x8x128xf32, #tpu.memory_space<vmem>> -> memref<8x128xf32, #tpu.memory_space<vmem>>
      %dma_wait3A_1549 = arith.constant 0 : i32
      %dma_wait3A_1550 = arith.constant 0 : i32
      %dma_wait3A_1551 = tpu.memref_slice %arg2[%arg0, %dma_wait3A_1549, %dma_wait3A_1550] : memref<2x8x1000000xf32, #tpu.memory_space<hbm>> -> memref<1x8x128xf32, #tpu.memory_space<hbm>>
      %dma_wait3A_1552 = tpu.memref_squeeze %dma_wait3A_1551 : memref<1x8x128xf32, #tpu.memory_space<hbm>> -> memref<8x128xf32, #tpu.memory_space<hbm>>
      %dma_wait3A_1553 = arith.constant 0 : i32
      %dma_wait3A_1554 = arith.constant 0 : i32
      %dma_wait3A_1555 = tpu.memref_slice %arg7[%dma_wait3A_1544, %dma_wait3A_1553, %dma_wait3A_1554] : memref<33x8x128xf32, #tpu.memory_space<vmem>> -> memref<1x8x128xf32, #tpu.memory_space<vmem>>
      %dma_wait3A_1556 = tpu.memref_squeeze %dma_wait3A_1555 : memref<1x8x128xf32, #tpu.memory_space<vmem>> -> memref<8x128xf32, #tpu.memory_space<vmem>>
      %dma_wait3A_1557 = arith.constant 0 : i32
      %dma_wait3A_1558 = arith.constant 0 : i32
      %dma_wait3A_1559 = tpu.memref_slice %arg2[%arg0, %dma_wait3A_1557, %dma_wait3A_1558] : memref<2x8x1000000xf32, #tpu.memory_space<hbm>> -> memref<1x8x128xf32, #tpu.memory_space<hbm>>
      %dma_wait3A_1560 = tpu.memref_squeeze %dma_wait3A_1559 : memref<1x8x128xf32, #tpu.memory_space<hbm>> -> memref<8x128xf32, #tpu.memory_space<hbm>>
      tpu.wait_dma2 semaphore(%arg9 : memref<!tpu.dma_semaphore, #tpu.memory_space<semaphore_mem>>) src(%dma_wait3A_1560 : memref<8x128xf32, #tpu.memory_space<hbm>>) dst(%dma_wait3A_1556 : memref<8x128xf32, #tpu.memory_space<vmem>>)
      %slice3A_1561 = vector.extract_strided_slice %scan3A_692 {offsets = [1], sizes = [1], strides = [1]} : vector<16xi32> to vector<1xi32>
      %squeeze3A_1562 = vector.extract %slice3A_1561[0] : i32 from vector<1xi32>
      %slice3A_1563 = vector.extract_strided_slice %scan3A_693 {offsets = [1], sizes = [1], strides = [1]} : vector<16xi32> to vector<1xi32>
      %squeeze3A_1564 = vector.extract %slice3A_1563[0] : i32 from vector<1xi32>
      %broadcast_in_dim3A_1565 = vector.broadcast %squeeze3A_1564 : i32 to vector<16xi32>
      %broadcast_in_dim3A_1566 = vector.broadcast %squeeze3A_1562 : i32 to vector<16xi32>
      %gather3A_1567 = tpu.vector_load_idx %arg7[%broadcast_in_dim3A_1565, %and3A_2, %broadcast_in_dim3A_1566] : memref<33x8x128xf32, #tpu.memory_space<vmem>>[vector<16xi32>, vector<16xi32>, vector<16xi32>], vector<16xf32>,
      %neg3A_1568 = arith.constant 0.000000e+00 : f32
      %neg3A_1569 = vector.broadcast %neg3A_1568 : f32 to vector<16xf32>
      %neg3A_1570 = arith.subf %neg3A_1569, %gather3A_1567 : vector<16xf32>
      %exp3A_1571 = math.exp %neg3A_1570 : vector<16xf32>
      %add3A_1572 = arith.constant 1.000000e+00 : f32
      %add3A_1573 = vector.broadcast %add3A_1572 : f32 to vector<16xf32>
      %add3A_1574 = arith.addf %add3A_1573, %exp3A_1571 : vector<16xf32>
      %div3A_1575 = arith.constant 1.000000e+00 : f32
      %div3A_1576 = vector.broadcast %div3A_1575 : f32 to vector<16xf32>
      %div3A_1577 = arith.divf %div3A_1576, %add3A_1574 : vector<16xf32>
      %broadcast_in_dim3A_1578 = vector.broadcast %add3A_1543 : i32 to vector<16xi32>
      tpu.vector_store_idx %arg8[%and3A_2, %broadcast_in_dim3A_1578], %div3A_1577 : memref<8x1024xf32, #tpu.memory_space<vmem>>[vector<16xi32>, vector<16xi32>], vector<16xf32>,
      %convert_element_type3A_1579 = arith.extui %lt3A_760 : i1 to i32
      %cond3A_1580 = arith.constant 0 : i32
      %cond3A_1581 = arith.cmpi ne, %convert_element_type3A_1579, %cond3A_1580 : i32
      scf.if %cond3A_1581 {
        %slice3A_2226 = vector.extract_strided_slice %mul3A_745 {offsets = [1], sizes = [1], strides = [1]} : vector<16xi32> to vector<1xi32>
        %squeeze3A_2227 = vector.extract %slice3A_2226[0] : i32 from vector<1xi32>
        %multiple_of3A_2228 = tpu.assume_multiple %squeeze3A_2227, 128 : i32
        %dma_start3A_2229 = arith.constant 17 : i32
        %dma_start3A_2230 = arith.constant 0 : i32
        %dma_start3A_2231 = arith.constant 0 : i32
        %dma_start3A_2232 = tpu.memref_slice %arg7[%dma_start3A_2229, %dma_start3A_2230, %dma_start3A_2231] : memref<33x8x128xf32, #tpu.memory_space<vmem>> -> memref<1x8x128xf32, #tpu.memory_space<vmem>>
        %dma_start3A_2233 = tpu.memref_squeeze %dma_start3A_2232 : memref<1x8x128xf32, #tpu.memory_space<vmem>> -> memref<8x128xf32, #tpu.memory_space<vmem>>
        %dma_start3A_2234 = arith.constant 0 : i32
        %dma_start3A_2235 = tpu.memref_slice %arg2[%arg0, %dma_start3A_2234, %multiple_of3A_2228] : memref<2x8x1000000xf32, #tpu.memory_space<hbm>> -> memref<1x8x128xf32, #tpu.memory_space<hbm>>
        %dma_start3A_2236 = tpu.memref_squeeze %dma_start3A_2235 : memref<1x8x128xf32, #tpu.memory_space<hbm>> -> memref<8x128xf32, #tpu.memory_space<hbm>>
        %dma_start3A_2237 = arith.constant 0 : i32
        %dma_start3A_2238 = arith.constant 0 : i32
        %dma_start3A_2239 = tpu.memref_slice %arg7[%dma_start3A_2229, %dma_start3A_2237, %dma_start3A_2238] : memref<33x8x128xf32, #tpu.memory_space<vmem>> -> memref<1x8x128xf32, #tpu.memory_space<vmem>>
        %dma_start3A_2240 = tpu.memref_squeeze %dma_start3A_2239 : memref<1x8x128xf32, #tpu.memory_space<vmem>> -> memref<8x128xf32, #tpu.memory_space<vmem>>
        %dma_start3A_2241 = arith.constant 0 : i32
        %dma_start3A_2242 = tpu.memref_slice %arg2[%arg0, %dma_start3A_2241, %multiple_of3A_2228] : memref<2x8x1000000xf32, #tpu.memory_space<hbm>> -> memref<1x8x128xf32, #tpu.memory_space<hbm>>
        %dma_start3A_2243 = tpu.memref_squeeze %dma_start3A_2242 : memref<1x8x128xf32, #tpu.memory_space<hbm>> -> memref<8x128xf32, #tpu.memory_space<hbm>>
        tpu.enqueue_dma source(%dma_start3A_2243 : memref<8x128xf32, #tpu.memory_space<hbm>>) target(%dma_start3A_2240 : memref<8x128xf32, #tpu.memory_space<vmem>>) target_semaphore(%arg9 : memref<!tpu.dma_semaphore, #tpu.memory_space<semaphore_mem>>)
      } else {
      }
      %mul3A_1582 = arith.constant 16 : i32
      %mul3A_1583 = arith.muli %scan3A_687, %mul3A_1582 : i32
      %mul3A_1584 = arith.constant 2 : i32
      %mul3A_1585 = arith.muli %mul3A_1583, %mul3A_1584 : i32
      %add3A_1586 = arith.constant 16 : i32
      %add3A_1587 = arith.addi %mul3A_1585, %add3A_1586 : i32
      %add3A_1588 = arith.constant 2 : i32
      %add3A_1589 = arith.addi %add3A_1587, %add3A_1588 : i32
      %dma_wait3A_1590 = arith.constant 18 : i32
      %dma_wait3A_1591 = arith.constant 0 : i32
      %dma_wait3A_1592 = arith.constant 0 : i32
      %dma_wait3A_1593 = tpu.memref_slice %arg7[%dma_wait3A_1590, %dma_wait3A_1591, %dma_wait3A_1592] : memref<33x8x128xf32, #tpu.memory_space<vmem>> -> memref<1x8x128xf32, #tpu.memory_space<vmem>>
      %dma_wait3A_1594 = tpu.memref_squeeze %dma_wait3A_1593 : memref<1x8x128xf32, #tpu.memory_space<vmem>> -> memref<8x128xf32, #tpu.memory_space<vmem>>
      %dma_wait3A_1595 = arith.constant 0 : i32
      %dma_wait3A_1596 = arith.constant 0 : i32
      %dma_wait3A_1597 = tpu.memref_slice %arg2[%arg0, %dma_wait3A_1595, %dma_wait3A_1596] : memref<2x8x1000000xf32, #tpu.memory_space<hbm>> -> memref<1x8x128xf32, #tpu.memory_space<hbm>>
      %dma_wait3A_1598 = tpu.memref_squeeze %dma_wait3A_1597 : memref<1x8x128xf32, #tpu.memory_space<hbm>> -> memref<8x128xf32, #tpu.memory_space<hbm>>
      %dma_wait3A_1599 = arith.constant 0 : i32
      %dma_wait3A_1600 = arith.constant 0 : i32
      %dma_wait3A_1601 = tpu.memref_slice %arg7[%dma_wait3A_1590, %dma_wait3A_1599, %dma_wait3A_1600] : memref<33x8x128xf32, #tpu.memory_space<vmem>> -> memref<1x8x128xf32, #tpu.memory_space<vmem>>
      %dma_wait3A_1602 = tpu.memref_squeeze %dma_wait3A_1601 : memref<1x8x128xf32, #tpu.memory_space<vmem>> -> memref<8x128xf32, #tpu.memory_space<vmem>>
      %dma_wait3A_1603 = arith.constant 0 : i32
      %dma_wait3A_1604 = arith.constant 0 : i32
      %dma_wait3A_1605 = tpu.memref_slice %arg2[%arg0, %dma_wait3A_1603, %dma_wait3A_1604] : memref<2x8x1000000xf32, #tpu.memory_space<hbm>> -> memref<1x8x128xf32, #tpu.memory_space<hbm>>
      %dma_wait3A_1606 = tpu.memref_squeeze %dma_wait3A_1605 : memref<1x8x128xf32, #tpu.memory_space<hbm>> -> memref<8x128xf32, #tpu.memory_space<hbm>>
      tpu.wait_dma2 semaphore(%arg9 : memref<!tpu.dma_semaphore, #tpu.memory_space<semaphore_mem>>) src(%dma_wait3A_1606 : memref<8x128xf32, #tpu.memory_space<hbm>>) dst(%dma_wait3A_1602 : memref<8x128xf32, #tpu.memory_space<vmem>>)
      %slice3A_1607 = vector.extract_strided_slice %scan3A_692 {offsets = [2], sizes = [1], strides = [1]} : vector<16xi32> to vector<1xi32>
      %squeeze3A_1608 = vector.extract %slice3A_1607[0] : i32 from vector<1xi32>
      %slice3A_1609 = vector.extract_strided_slice %scan3A_693 {offsets = [2], sizes = [1], strides = [1]} : vector<16xi32> to vector<1xi32>
      %squeeze3A_1610 = vector.extract %slice3A_1609[0] : i32 from vector<1xi32>
      %broadcast_in_dim3A_1611 = vector.broadcast %squeeze3A_1610 : i32 to vector<16xi32>
      %broadcast_in_dim3A_1612 = vector.broadcast %squeeze3A_1608 : i32 to vector<16xi32>
      %gather3A_1613 = tpu.vector_load_idx %arg7[%broadcast_in_dim3A_1611, %and3A_2, %broadcast_in_dim3A_1612] : memref<33x8x128xf32, #tpu.memory_space<vmem>>[vector<16xi32>, vector<16xi32>, vector<16xi32>], vector<16xf32>,
      %neg3A_1614 = arith.constant 0.000000e+00 : f32
      %neg3A_1615 = vector.broadcast %neg3A_1614 : f32 to vector<16xf32>
      %neg3A_1616 = arith.subf %neg3A_1615, %gather3A_1613 : vector<16xf32>
      %exp3A_1617 = math.exp %neg3A_1616 : vector<16xf32>
      %add3A_1618 = arith.constant 1.000000e+00 : f32
      %add3A_1619 = vector.broadcast %add3A_1618 : f32 to vector<16xf32>
      %add3A_1620 = arith.addf %add3A_1619, %exp3A_1617 : vector<16xf32>
      %div3A_1621 = arith.constant 1.000000e+00 : f32
      %div3A_1622 = vector.broadcast %div3A_1621 : f32 to vector<16xf32>
      %div3A_1623 = arith.divf %div3A_1622, %add3A_1620 : vector<16xf32>
      %broadcast_in_dim3A_1624 = vector.broadcast %add3A_1589 : i32 to vector<16xi32>
      tpu.vector_store_idx %arg8[%and3A_2, %broadcast_in_dim3A_1624], %div3A_1623 : memref<8x1024xf32, #tpu.memory_space<vmem>>[vector<16xi32>, vector<16xi32>], vector<16xf32>,
      %convert_element_type3A_1625 = arith.extui %lt3A_760 : i1 to i32
      %cond3A_1626 = arith.constant 0 : i32
      %cond3A_1627 = arith.cmpi ne, %convert_element_type3A_1625, %cond3A_1626 : i32
      scf.if %cond3A_1627 {
        %slice3A_2226 = vector.extract_strided_slice %mul3A_745 {offsets = [2], sizes = [1], strides = [1]} : vector<16xi32> to vector<1xi32>
        %squeeze3A_2227 = vector.extract %slice3A_2226[0] : i32 from vector<1xi32>
        %multiple_of3A_2228 = tpu.assume_multiple %squeeze3A_2227, 128 : i32
        %dma_start3A_2229 = arith.constant 18 : i32
        %dma_start3A_2230 = arith.constant 0 : i32
        %dma_start3A_2231 = arith.constant 0 : i32
        %dma_start3A_2232 = tpu.memref_slice %arg7[%dma_start3A_2229, %dma_start3A_2230, %dma_start3A_2231] : memref<33x8x128xf32, #tpu.memory_space<vmem>> -> memref<1x8x128xf32, #tpu.memory_space<vmem>>
        %dma_start3A_2233 = tpu.memref_squeeze %dma_start3A_2232 : memref<1x8x128xf32, #tpu.memory_space<vmem>> -> memref<8x128xf32, #tpu.memory_space<vmem>>
        %dma_start3A_2234 = arith.constant 0 : i32
        %dma_start3A_2235 = tpu.memref_slice %arg2[%arg0, %dma_start3A_2234, %multiple_of3A_2228] : memref<2x8x1000000xf32, #tpu.memory_space<hbm>> -> memref<1x8x128xf32, #tpu.memory_space<hbm>>
        %dma_start3A_2236 = tpu.memref_squeeze %dma_start3A_2235 : memref<1x8x128xf32, #tpu.memory_space<hbm>> -> memref<8x128xf32, #tpu.memory_space<hbm>>
        %dma_start3A_2237 = arith.constant 0 : i32
        %dma_start3A_2238 = arith.constant 0 : i32
        %dma_start3A_2239 = tpu.memref_slice %arg7[%dma_start3A_2229, %dma_start3A_2237, %dma_start3A_2238] : memref<33x8x128xf32, #tpu.memory_space<vmem>> -> memref<1x8x128xf32, #tpu.memory_space<vmem>>
        %dma_start3A_2240 = tpu.memref_squeeze %dma_start3A_2239 : memref<1x8x128xf32, #tpu.memory_space<vmem>> -> memref<8x128xf32, #tpu.memory_space<vmem>>
        %dma_start3A_2241 = arith.constant 0 : i32
        %dma_start3A_2242 = tpu.memref_slice %arg2[%arg0, %dma_start3A_2241, %multiple_of3A_2228] : memref<2x8x1000000xf32, #tpu.memory_space<hbm>> -> memref<1x8x128xf32, #tpu.memory_space<hbm>>
        %dma_start3A_2243 = tpu.memref_squeeze %dma_start3A_2242 : memref<1x8x128xf32, #tpu.memory_space<hbm>> -> memref<8x128xf32, #tpu.memory_space<hbm>>
        tpu.enqueue_dma source(%dma_start3A_2243 : memref<8x128xf32, #tpu.memory_space<hbm>>) target(%dma_start3A_2240 : memref<8x128xf32, #tpu.memory_space<vmem>>) target_semaphore(%arg9 : memref<!tpu.dma_semaphore, #tpu.memory_space<semaphore_mem>>)
      } else {
      }
      %mul3A_1628 = arith.constant 16 : i32
      %mul3A_1629 = arith.muli %scan3A_687, %mul3A_1628 : i32
      %mul3A_1630 = arith.constant 2 : i32
      %mul3A_1631 = arith.muli %mul3A_1629, %mul3A_1630 : i32
      %add3A_1632 = arith.constant 16 : i32
      %add3A_1633 = arith.addi %mul3A_1631, %add3A_1632 : i32
      %add3A_1634 = arith.constant 3 : i32
      %add3A_1635 = arith.addi %add3A_1633, %add3A_1634 : i32
      %dma_wait3A_1636 = arith.constant 19 : i32
      %dma_wait3A_1637 = arith.constant 0 : i32
      %dma_wait3A_1638 = arith.constant 0 : i32
      %dma_wait3A_1639 = tpu.memref_slice %arg7[%dma_wait3A_1636, %dma_wait3A_1637, %dma_wait3A_1638] : memref<33x8x128xf32, #tpu.memory_space<vmem>> -> memref<1x8x128xf32, #tpu.memory_space<vmem>>
      %dma_wait3A_1640 = tpu.memref_squeeze %dma_wait3A_1639 : memref<1x8x128xf32, #tpu.memory_space<vmem>> -> memref<8x128xf32, #tpu.memory_space<vmem>>
      %dma_wait3A_1641 = arith.constant 0 : i32
      %dma_wait3A_1642 = arith.constant 0 : i32
      %dma_wait3A_1643 = tpu.memref_slice %arg2[%arg0, %dma_wait3A_1641, %dma_wait3A_1642] : memref<2x8x1000000xf32, #tpu.memory_space<hbm>> -> memref<1x8x128xf32, #tpu.memory_space<hbm>>
      %dma_wait3A_1644 = tpu.memref_squeeze %dma_wait3A_1643 : memref<1x8x128xf32, #tpu.memory_space<hbm>> -> memref<8x128xf32, #tpu.memory_space<hbm>>
      %dma_wait3A_1645 = arith.constant 0 : i32
      %dma_wait3A_1646 = arith.constant 0 : i32
      %dma_wait3A_1647 = tpu.memref_slice %arg7[%dma_wait3A_1636, %dma_wait3A_1645, %dma_wait3A_1646] : memref<33x8x128xf32, #tpu.memory_space<vmem>> -> memref<1x8x128xf32, #tpu.memory_space<vmem>>
      %dma_wait3A_1648 = tpu.memref_squeeze %dma_wait3A_1647 : memref<1x8x128xf32, #tpu.memory_space<vmem>> -> memref<8x128xf32, #tpu.memory_space<vmem>>
      %dma_wait3A_1649 = arith.constant 0 : i32
      %dma_wait3A_1650 = arith.constant 0 : i32
      %dma_wait3A_1651 = tpu.memref_slice %arg2[%arg0, %dma_wait3A_1649, %dma_wait3A_1650] : memref<2x8x1000000xf32, #tpu.memory_space<hbm>> -> memref<1x8x128xf32, #tpu.memory_space<hbm>>
      %dma_wait3A_1652 = tpu.memref_squeeze %dma_wait3A_1651 : memref<1x8x128xf32, #tpu.memory_space<hbm>> -> memref<8x128xf32, #tpu.memory_space<hbm>>
      tpu.wait_dma2 semaphore(%arg9 : memref<!tpu.dma_semaphore, #tpu.memory_space<semaphore_mem>>) src(%dma_wait3A_1652 : memref<8x128xf32, #tpu.memory_space<hbm>>) dst(%dma_wait3A_1648 : memref<8x128xf32, #tpu.memory_space<vmem>>)
      %slice3A_1653 = vector.extract_strided_slice %scan3A_692 {offsets = [3], sizes = [1], strides = [1]} : vector<16xi32> to vector<1xi32>
      %squeeze3A_1654 = vector.extract %slice3A_1653[0] : i32 from vector<1xi32>
      %slice3A_1655 = vector.extract_strided_slice %scan3A_693 {offsets = [3], sizes = [1], strides = [1]} : vector<16xi32> to vector<1xi32>
      %squeeze3A_1656 = vector.extract %slice3A_1655[0] : i32 from vector<1xi32>
      %broadcast_in_dim3A_1657 = vector.broadcast %squeeze3A_1656 : i32 to vector<16xi32>
      %broadcast_in_dim3A_1658 = vector.broadcast %squeeze3A_1654 : i32 to vector<16xi32>
      %gather3A_1659 = tpu.vector_load_idx %arg7[%broadcast_in_dim3A_1657, %and3A_2, %broadcast_in_dim3A_1658] : memref<33x8x128xf32, #tpu.memory_space<vmem>>[vector<16xi32>, vector<16xi32>, vector<16xi32>], vector<16xf32>,
      %neg3A_1660 = arith.constant 0.000000e+00 : f32
      %neg3A_1661 = vector.broadcast %neg3A_1660 : f32 to vector<16xf32>
      %neg3A_1662 = arith.subf %neg3A_1661, %gather3A_1659 : vector<16xf32>
      %exp3A_1663 = math.exp %neg3A_1662 : vector<16xf32>
      %add3A_1664 = arith.constant 1.000000e+00 : f32
      %add3A_1665 = vector.broadcast %add3A_1664 : f32 to vector<16xf32>
      %add3A_1666 = arith.addf %add3A_1665, %exp3A_1663 : vector<16xf32>
      %div3A_1667 = arith.constant 1.000000e+00 : f32
      %div3A_1668 = vector.broadcast %div3A_1667 : f32 to vector<16xf32>
      %div3A_1669 = arith.divf %div3A_1668, %add3A_1666 : vector<16xf32>
      %broadcast_in_dim3A_1670 = vector.broadcast %add3A_1635 : i32 to vector<16xi32>
      tpu.vector_store_idx %arg8[%and3A_2, %broadcast_in_dim3A_1670], %div3A_1669 : memref<8x1024xf32, #tpu.memory_space<vmem>>[vector<16xi32>, vector<16xi32>], vector<16xf32>,
      %convert_element_type3A_1671 = arith.extui %lt3A_760 : i1 to i32
      %cond3A_1672 = arith.constant 0 : i32
      %cond3A_1673 = arith.cmpi ne, %convert_element_type3A_1671, %cond3A_1672 : i32
      scf.if %cond3A_1673 {
        %slice3A_2226 = vector.extract_strided_slice %mul3A_745 {offsets = [3], sizes = [1], strides = [1]} : vector<16xi32> to vector<1xi32>
        %squeeze3A_2227 = vector.extract %slice3A_2226[0] : i32 from vector<1xi32>
        %multiple_of3A_2228 = tpu.assume_multiple %squeeze3A_2227, 128 : i32
        %dma_start3A_2229 = arith.constant 19 : i32
        %dma_start3A_2230 = arith.constant 0 : i32
        %dma_start3A_2231 = arith.constant 0 : i32
        %dma_start3A_2232 = tpu.memref_slice %arg7[%dma_start3A_2229, %dma_start3A_2230, %dma_start3A_2231] : memref<33x8x128xf32, #tpu.memory_space<vmem>> -> memref<1x8x128xf32, #tpu.memory_space<vmem>>
        %dma_start3A_2233 = tpu.memref_squeeze %dma_start3A_2232 : memref<1x8x128xf32, #tpu.memory_space<vmem>> -> memref<8x128xf32, #tpu.memory_space<vmem>>
        %dma_start3A_2234 = arith.constant 0 : i32
        %dma_start3A_2235 = tpu.memref_slice %arg2[%arg0, %dma_start3A_2234, %multiple_of3A_2228] : memref<2x8x1000000xf32, #tpu.memory_space<hbm>> -> memref<1x8x128xf32, #tpu.memory_space<hbm>>
        %dma_start3A_2236 = tpu.memref_squeeze %dma_start3A_2235 : memref<1x8x128xf32, #tpu.memory_space<hbm>> -> memref<8x128xf32, #tpu.memory_space<hbm>>
        %dma_start3A_2237 = arith.constant 0 : i32
        %dma_start3A_2238 = arith.constant 0 : i32
        %dma_start3A_2239 = tpu.memref_slice %arg7[%dma_start3A_2229, %dma_start3A_2237, %dma_start3A_2238] : memref<33x8x128xf32, #tpu.memory_space<vmem>> -> memref<1x8x128xf32, #tpu.memory_space<vmem>>
        %dma_start3A_2240 = tpu.memref_squeeze %dma_start3A_2239 : memref<1x8x128xf32, #tpu.memory_space<vmem>> -> memref<8x128xf32, #tpu.memory_space<vmem>>
        %dma_start3A_2241 = arith.constant 0 : i32
        %dma_start3A_2242 = tpu.memref_slice %arg2[%arg0, %dma_start3A_2241, %multiple_of3A_2228] : memref<2x8x1000000xf32, #tpu.memory_space<hbm>> -> memref<1x8x128xf32, #tpu.memory_space<hbm>>
        %dma_start3A_2243 = tpu.memref_squeeze %dma_start3A_2242 : memref<1x8x128xf32, #tpu.memory_space<hbm>> -> memref<8x128xf32, #tpu.memory_space<hbm>>
        tpu.enqueue_dma source(%dma_start3A_2243 : memref<8x128xf32, #tpu.memory_space<hbm>>) target(%dma_start3A_2240 : memref<8x128xf32, #tpu.memory_space<vmem>>) target_semaphore(%arg9 : memref<!tpu.dma_semaphore, #tpu.memory_space<semaphore_mem>>)
      } else {
      }
      %mul3A_1674 = arith.constant 16 : i32
      %mul3A_1675 = arith.muli %scan3A_687, %mul3A_1674 : i32
      %mul3A_1676 = arith.constant 2 : i32
      %mul3A_1677 = arith.muli %mul3A_1675, %mul3A_1676 : i32
      %add3A_1678 = arith.constant 16 : i32
      %add3A_1679 = arith.addi %mul3A_1677, %add3A_1678 : i32
      %add3A_1680 = arith.constant 4 : i32
      %add3A_1681 = arith.addi %add3A_1679, %add3A_1680 : i32
      %dma_wait3A_1682 = arith.constant 20 : i32
      %dma_wait3A_1683 = arith.constant 0 : i32
      %dma_wait3A_1684 = arith.constant 0 : i32
      %dma_wait3A_1685 = tpu.memref_slice %arg7[%dma_wait3A_1682, %dma_wait3A_1683, %dma_wait3A_1684] : memref<33x8x128xf32, #tpu.memory_space<vmem>> -> memref<1x8x128xf32, #tpu.memory_space<vmem>>
      %dma_wait3A_1686 = tpu.memref_squeeze %dma_wait3A_1685 : memref<1x8x128xf32, #tpu.memory_space<vmem>> -> memref<8x128xf32, #tpu.memory_space<vmem>>
      %dma_wait3A_1687 = arith.constant 0 : i32
      %dma_wait3A_1688 = arith.constant 0 : i32
      %dma_wait3A_1689 = tpu.memref_slice %arg2[%arg0, %dma_wait3A_1687, %dma_wait3A_1688] : memref<2x8x1000000xf32, #tpu.memory_space<hbm>> -> memref<1x8x128xf32, #tpu.memory_space<hbm>>
      %dma_wait3A_1690 = tpu.memref_squeeze %dma_wait3A_1689 : memref<1x8x128xf32, #tpu.memory_space<hbm>> -> memref<8x128xf32, #tpu.memory_space<hbm>>
      %dma_wait3A_1691 = arith.constant 0 : i32
      %dma_wait3A_1692 = arith.constant 0 : i32
      %dma_wait3A_1693 = tpu.memref_slice %arg7[%dma_wait3A_1682, %dma_wait3A_1691, %dma_wait3A_1692] : memref<33x8x128xf32, #tpu.memory_space<vmem>> -> memref<1x8x128xf32, #tpu.memory_space<vmem>>
      %dma_wait3A_1694 = tpu.memref_squeeze %dma_wait3A_1693 : memref<1x8x128xf32, #tpu.memory_space<vmem>> -> memref<8x128xf32, #tpu.memory_space<vmem>>
      %dma_wait3A_1695 = arith.constant 0 : i32
      %dma_wait3A_1696 = arith.constant 0 : i32
      %dma_wait3A_1697 = tpu.memref_slice %arg2[%arg0, %dma_wait3A_1695, %dma_wait3A_1696] : memref<2x8x1000000xf32, #tpu.memory_space<hbm>> -> memref<1x8x128xf32, #tpu.memory_space<hbm>>
      %dma_wait3A_1698 = tpu.memref_squeeze %dma_wait3A_1697 : memref<1x8x128xf32, #tpu.memory_space<hbm>> -> memref<8x128xf32, #tpu.memory_space<hbm>>
      tpu.wait_dma2 semaphore(%arg9 : memref<!tpu.dma_semaphore, #tpu.memory_space<semaphore_mem>>) src(%dma_wait3A_1698 : memref<8x128xf32, #tpu.memory_space<hbm>>) dst(%dma_wait3A_1694 : memref<8x128xf32, #tpu.memory_space<vmem>>)
      %slice3A_1699 = vector.extract_strided_slice %scan3A_692 {offsets = [4], sizes = [1], strides = [1]} : vector<16xi32> to vector<1xi32>
      %squeeze3A_1700 = vector.extract %slice3A_1699[0] : i32 from vector<1xi32>
      %slice3A_1701 = vector.extract_strided_slice %scan3A_693 {offsets = [4], sizes = [1], strides = [1]} : vector<16xi32> to vector<1xi32>
      %squeeze3A_1702 = vector.extract %slice3A_1701[0] : i32 from vector<1xi32>
      %broadcast_in_dim3A_1703 = vector.broadcast %squeeze3A_1702 : i32 to vector<16xi32>
      %broadcast_in_dim3A_1704 = vector.broadcast %squeeze3A_1700 : i32 to vector<16xi32>
      %gather3A_1705 = tpu.vector_load_idx %arg7[%broadcast_in_dim3A_1703, %and3A_2, %broadcast_in_dim3A_1704] : memref<33x8x128xf32, #tpu.memory_space<vmem>>[vector<16xi32>, vector<16xi32>, vector<16xi32>], vector<16xf32>,
      %neg3A_1706 = arith.constant 0.000000e+00 : f32
      %neg3A_1707 = vector.broadcast %neg3A_1706 : f32 to vector<16xf32>
      %neg3A_1708 = arith.subf %neg3A_1707, %gather3A_1705 : vector<16xf32>
      %exp3A_1709 = math.exp %neg3A_1708 : vector<16xf32>
      %add3A_1710 = arith.constant 1.000000e+00 : f32
      %add3A_1711 = vector.broadcast %add3A_1710 : f32 to vector<16xf32>
      %add3A_1712 = arith.addf %add3A_1711, %exp3A_1709 : vector<16xf32>
      %div3A_1713 = arith.constant 1.000000e+00 : f32
      %div3A_1714 = vector.broadcast %div3A_1713 : f32 to vector<16xf32>
      %div3A_1715 = arith.divf %div3A_1714, %add3A_1712 : vector<16xf32>
      %broadcast_in_dim3A_1716 = vector.broadcast %add3A_1681 : i32 to vector<16xi32>
      tpu.vector_store_idx %arg8[%and3A_2, %broadcast_in_dim3A_1716], %div3A_1715 : memref<8x1024xf32, #tpu.memory_space<vmem>>[vector<16xi32>, vector<16xi32>], vector<16xf32>,
      %convert_element_type3A_1717 = arith.extui %lt3A_760 : i1 to i32
      %cond3A_1718 = arith.constant 0 : i32
      %cond3A_1719 = arith.cmpi ne, %convert_element_type3A_1717, %cond3A_1718 : i32
      scf.if %cond3A_1719 {
        %slice3A_2226 = vector.extract_strided_slice %mul3A_745 {offsets = [4], sizes = [1], strides = [1]} : vector<16xi32> to vector<1xi32>
        %squeeze3A_2227 = vector.extract %slice3A_2226[0] : i32 from vector<1xi32>
        %multiple_of3A_2228 = tpu.assume_multiple %squeeze3A_2227, 128 : i32
        %dma_start3A_2229 = arith.constant 20 : i32
        %dma_start3A_2230 = arith.constant 0 : i32
        %dma_start3A_2231 = arith.constant 0 : i32
        %dma_start3A_2232 = tpu.memref_slice %arg7[%dma_start3A_2229, %dma_start3A_2230, %dma_start3A_2231] : memref<33x8x128xf32, #tpu.memory_space<vmem>> -> memref<1x8x128xf32, #tpu.memory_space<vmem>>
        %dma_start3A_2233 = tpu.memref_squeeze %dma_start3A_2232 : memref<1x8x128xf32, #tpu.memory_space<vmem>> -> memref<8x128xf32, #tpu.memory_space<vmem>>
        %dma_start3A_2234 = arith.constant 0 : i32
        %dma_start3A_2235 = tpu.memref_slice %arg2[%arg0, %dma_start3A_2234, %multiple_of3A_2228] : memref<2x8x1000000xf32, #tpu.memory_space<hbm>> -> memref<1x8x128xf32, #tpu.memory_space<hbm>>
        %dma_start3A_2236 = tpu.memref_squeeze %dma_start3A_2235 : memref<1x8x128xf32, #tpu.memory_space<hbm>> -> memref<8x128xf32, #tpu.memory_space<hbm>>
        %dma_start3A_2237 = arith.constant 0 : i32
        %dma_start3A_2238 = arith.constant 0 : i32
        %dma_start3A_2239 = tpu.memref_slice %arg7[%dma_start3A_2229, %dma_start3A_2237, %dma_start3A_2238] : memref<33x8x128xf32, #tpu.memory_space<vmem>> -> memref<1x8x128xf32, #tpu.memory_space<vmem>>
        %dma_start3A_2240 = tpu.memref_squeeze %dma_start3A_2239 : memref<1x8x128xf32, #tpu.memory_space<vmem>> -> memref<8x128xf32, #tpu.memory_space<vmem>>
        %dma_start3A_2241 = arith.constant 0 : i32
        %dma_start3A_2242 = tpu.memref_slice %arg2[%arg0, %dma_start3A_2241, %multiple_of3A_2228] : memref<2x8x1000000xf32, #tpu.memory_space<hbm>> -> memref<1x8x128xf32, #tpu.memory_space<hbm>>
        %dma_start3A_2243 = tpu.memref_squeeze %dma_start3A_2242 : memref<1x8x128xf32, #tpu.memory_space<hbm>> -> memref<8x128xf32, #tpu.memory_space<hbm>>
        tpu.enqueue_dma source(%dma_start3A_2243 : memref<8x128xf32, #tpu.memory_space<hbm>>) target(%dma_start3A_2240 : memref<8x128xf32, #tpu.memory_space<vmem>>) target_semaphore(%arg9 : memref<!tpu.dma_semaphore, #tpu.memory_space<semaphore_mem>>)
      } else {
      }
      %mul3A_1720 = arith.constant 16 : i32
      %mul3A_1721 = arith.muli %scan3A_687, %mul3A_1720 : i32
      %mul3A_1722 = arith.constant 2 : i32
      %mul3A_1723 = arith.muli %mul3A_1721, %mul3A_1722 : i32
      %add3A_1724 = arith.constant 16 : i32
      %add3A_1725 = arith.addi %mul3A_1723, %add3A_1724 : i32
      %add3A_1726 = arith.constant 5 : i32
      %add3A_1727 = arith.addi %add3A_1725, %add3A_1726 : i32
      %dma_wait3A_1728 = arith.constant 21 : i32
      %dma_wait3A_1729 = arith.constant 0 : i32
      %dma_wait3A_1730 = arith.constant 0 : i32
      %dma_wait3A_1731 = tpu.memref_slice %arg7[%dma_wait3A_1728, %dma_wait3A_1729, %dma_wait3A_1730] : memref<33x8x128xf32, #tpu.memory_space<vmem>> -> memref<1x8x128xf32, #tpu.memory_space<vmem>>
      %dma_wait3A_1732 = tpu.memref_squeeze %dma_wait3A_1731 : memref<1x8x128xf32, #tpu.memory_space<vmem>> -> memref<8x128xf32, #tpu.memory_space<vmem>>
      %dma_wait3A_1733 = arith.constant 0 : i32
      %dma_wait3A_1734 = arith.constant 0 : i32
      %dma_wait3A_1735 = tpu.memref_slice %arg2[%arg0, %dma_wait3A_1733, %dma_wait3A_1734] : memref<2x8x1000000xf32, #tpu.memory_space<hbm>> -> memref<1x8x128xf32, #tpu.memory_space<hbm>>
      %dma_wait3A_1736 = tpu.memref_squeeze %dma_wait3A_1735 : memref<1x8x128xf32, #tpu.memory_space<hbm>> -> memref<8x128xf32, #tpu.memory_space<hbm>>
      %dma_wait3A_1737 = arith.constant 0 : i32
      %dma_wait3A_1738 = arith.constant 0 : i32
      %dma_wait3A_1739 = tpu.memref_slice %arg7[%dma_wait3A_1728, %dma_wait3A_1737, %dma_wait3A_1738] : memref<33x8x128xf32, #tpu.memory_space<vmem>> -> memref<1x8x128xf32, #tpu.memory_space<vmem>>
      %dma_wait3A_1740 = tpu.memref_squeeze %dma_wait3A_1739 : memref<1x8x128xf32, #tpu.memory_space<vmem>> -> memref<8x128xf32, #tpu.memory_space<vmem>>
      %dma_wait3A_1741 = arith.constant 0 : i32
      %dma_wait3A_1742 = arith.constant 0 : i32
      %dma_wait3A_1743 = tpu.memref_slice %arg2[%arg0, %dma_wait3A_1741, %dma_wait3A_1742] : memref<2x8x1000000xf32, #tpu.memory_space<hbm>> -> memref<1x8x128xf32, #tpu.memory_space<hbm>>
      %dma_wait3A_1744 = tpu.memref_squeeze %dma_wait3A_1743 : memref<1x8x128xf32, #tpu.memory_space<hbm>> -> memref<8x128xf32, #tpu.memory_space<hbm>>
      tpu.wait_dma2 semaphore(%arg9 : memref<!tpu.dma_semaphore, #tpu.memory_space<semaphore_mem>>) src(%dma_wait3A_1744 : memref<8x128xf32, #tpu.memory_space<hbm>>) dst(%dma_wait3A_1740 : memref<8x128xf32, #tpu.memory_space<vmem>>)
      %slice3A_1745 = vector.extract_strided_slice %scan3A_692 {offsets = [5], sizes = [1], strides = [1]} : vector<16xi32> to vector<1xi32>
      %squeeze3A_1746 = vector.extract %slice3A_1745[0] : i32 from vector<1xi32>
      %slice3A_1747 = vector.extract_strided_slice %scan3A_693 {offsets = [5], sizes = [1], strides = [1]} : vector<16xi32> to vector<1xi32>
      %squeeze3A_1748 = vector.extract %slice3A_1747[0] : i32 from vector<1xi32>
      %broadcast_in_dim3A_1749 = vector.broadcast %squeeze3A_1748 : i32 to vector<16xi32>
      %broadcast_in_dim3A_1750 = vector.broadcast %squeeze3A_1746 : i32 to vector<16xi32>
      %gather3A_1751 = tpu.vector_load_idx %arg7[%broadcast_in_dim3A_1749, %and3A_2, %broadcast_in_dim3A_1750] : memref<33x8x128xf32, #tpu.memory_space<vmem>>[vector<16xi32>, vector<16xi32>, vector<16xi32>], vector<16xf32>,
      %neg3A_1752 = arith.constant 0.000000e+00 : f32
      %neg3A_1753 = vector.broadcast %neg3A_1752 : f32 to vector<16xf32>
      %neg3A_1754 = arith.subf %neg3A_1753, %gather3A_1751 : vector<16xf32>
      %exp3A_1755 = math.exp %neg3A_1754 : vector<16xf32>
      %add3A_1756 = arith.constant 1.000000e+00 : f32
      %add3A_1757 = vector.broadcast %add3A_1756 : f32 to vector<16xf32>
      %add3A_1758 = arith.addf %add3A_1757, %exp3A_1755 : vector<16xf32>
      %div3A_1759 = arith.constant 1.000000e+00 : f32
      %div3A_1760 = vector.broadcast %div3A_1759 : f32 to vector<16xf32>
      %div3A_1761 = arith.divf %div3A_1760, %add3A_1758 : vector<16xf32>
      %broadcast_in_dim3A_1762 = vector.broadcast %add3A_1727 : i32 to vector<16xi32>
      tpu.vector_store_idx %arg8[%and3A_2, %broadcast_in_dim3A_1762], %div3A_1761 : memref<8x1024xf32, #tpu.memory_space<vmem>>[vector<16xi32>, vector<16xi32>], vector<16xf32>,
      %convert_element_type3A_1763 = arith.extui %lt3A_760 : i1 to i32
      %cond3A_1764 = arith.constant 0 : i32
      %cond3A_1765 = arith.cmpi ne, %convert_element_type3A_1763, %cond3A_1764 : i32
      scf.if %cond3A_1765 {
        %slice3A_2226 = vector.extract_strided_slice %mul3A_745 {offsets = [5], sizes = [1], strides = [1]} : vector<16xi32> to vector<1xi32>
        %squeeze3A_2227 = vector.extract %slice3A_2226[0] : i32 from vector<1xi32>
        %multiple_of3A_2228 = tpu.assume_multiple %squeeze3A_2227, 128 : i32
        %dma_start3A_2229 = arith.constant 21 : i32
        %dma_start3A_2230 = arith.constant 0 : i32
        %dma_start3A_2231 = arith.constant 0 : i32
        %dma_start3A_2232 = tpu.memref_slice %arg7[%dma_start3A_2229, %dma_start3A_2230, %dma_start3A_2231] : memref<33x8x128xf32, #tpu.memory_space<vmem>> -> memref<1x8x128xf32, #tpu.memory_space<vmem>>
        %dma_start3A_2233 = tpu.memref_squeeze %dma_start3A_2232 : memref<1x8x128xf32, #tpu.memory_space<vmem>> -> memref<8x128xf32, #tpu.memory_space<vmem>>
        %dma_start3A_2234 = arith.constant 0 : i32
        %dma_start3A_2235 = tpu.memref_slice %arg2[%arg0, %dma_start3A_2234, %multiple_of3A_2228] : memref<2x8x1000000xf32, #tpu.memory_space<hbm>> -> memref<1x8x128xf32, #tpu.memory_space<hbm>>
        %dma_start3A_2236 = tpu.memref_squeeze %dma_start3A_2235 : memref<1x8x128xf32, #tpu.memory_space<hbm>> -> memref<8x128xf32, #tpu.memory_space<hbm>>
        %dma_start3A_2237 = arith.constant 0 : i32
        %dma_start3A_2238 = arith.constant 0 : i32
        %dma_start3A_2239 = tpu.memref_slice %arg7[%dma_start3A_2229, %dma_start3A_2237, %dma_start3A_2238] : memref<33x8x128xf32, #tpu.memory_space<vmem>> -> memref<1x8x128xf32, #tpu.memory_space<vmem>>
        %dma_start3A_2240 = tpu.memref_squeeze %dma_start3A_2239 : memref<1x8x128xf32, #tpu.memory_space<vmem>> -> memref<8x128xf32, #tpu.memory_space<vmem>>
        %dma_start3A_2241 = arith.constant 0 : i32
        %dma_start3A_2242 = tpu.memref_slice %arg2[%arg0, %dma_start3A_2241, %multiple_of3A_2228] : memref<2x8x1000000xf32, #tpu.memory_space<hbm>> -> memref<1x8x128xf32, #tpu.memory_space<hbm>>
        %dma_start3A_2243 = tpu.memref_squeeze %dma_start3A_2242 : memref<1x8x128xf32, #tpu.memory_space<hbm>> -> memref<8x128xf32, #tpu.memory_space<hbm>>
        tpu.enqueue_dma source(%dma_start3A_2243 : memref<8x128xf32, #tpu.memory_space<hbm>>) target(%dma_start3A_2240 : memref<8x128xf32, #tpu.memory_space<vmem>>) target_semaphore(%arg9 : memref<!tpu.dma_semaphore, #tpu.memory_space<semaphore_mem>>)
      } else {
      }
      %mul3A_1766 = arith.constant 16 : i32
      %mul3A_1767 = arith.muli %scan3A_687, %mul3A_1766 : i32
      %mul3A_1768 = arith.constant 2 : i32
      %mul3A_1769 = arith.muli %mul3A_1767, %mul3A_1768 : i32
      %add3A_1770 = arith.constant 16 : i32
      %add3A_1771 = arith.addi %mul3A_1769, %add3A_1770 : i32
      %add3A_1772 = arith.constant 6 : i32
      %add3A_1773 = arith.addi %add3A_1771, %add3A_1772 : i32
      %dma_wait3A_1774 = arith.constant 22 : i32
      %dma_wait3A_1775 = arith.constant 0 : i32
      %dma_wait3A_1776 = arith.constant 0 : i32
      %dma_wait3A_1777 = tpu.memref_slice %arg7[%dma_wait3A_1774, %dma_wait3A_1775, %dma_wait3A_1776] : memref<33x8x128xf32, #tpu.memory_space<vmem>> -> memref<1x8x128xf32, #tpu.memory_space<vmem>>
      %dma_wait3A_1778 = tpu.memref_squeeze %dma_wait3A_1777 : memref<1x8x128xf32, #tpu.memory_space<vmem>> -> memref<8x128xf32, #tpu.memory_space<vmem>>
      %dma_wait3A_1779 = arith.constant 0 : i32
      %dma_wait3A_1780 = arith.constant 0 : i32
      %dma_wait3A_1781 = tpu.memref_slice %arg2[%arg0, %dma_wait3A_1779, %dma_wait3A_1780] : memref<2x8x1000000xf32, #tpu.memory_space<hbm>> -> memref<1x8x128xf32, #tpu.memory_space<hbm>>
      %dma_wait3A_1782 = tpu.memref_squeeze %dma_wait3A_1781 : memref<1x8x128xf32, #tpu.memory_space<hbm>> -> memref<8x128xf32, #tpu.memory_space<hbm>>
      %dma_wait3A_1783 = arith.constant 0 : i32
      %dma_wait3A_1784 = arith.constant 0 : i32
      %dma_wait3A_1785 = tpu.memref_slice %arg7[%dma_wait3A_1774, %dma_wait3A_1783, %dma_wait3A_1784] : memref<33x8x128xf32, #tpu.memory_space<vmem>> -> memref<1x8x128xf32, #tpu.memory_space<vmem>>
      %dma_wait3A_1786 = tpu.memref_squeeze %dma_wait3A_1785 : memref<1x8x128xf32, #tpu.memory_space<vmem>> -> memref<8x128xf32, #tpu.memory_space<vmem>>
      %dma_wait3A_1787 = arith.constant 0 : i32
      %dma_wait3A_1788 = arith.constant 0 : i32
      %dma_wait3A_1789 = tpu.memref_slice %arg2[%arg0, %dma_wait3A_1787, %dma_wait3A_1788] : memref<2x8x1000000xf32, #tpu.memory_space<hbm>> -> memref<1x8x128xf32, #tpu.memory_space<hbm>>
      %dma_wait3A_1790 = tpu.memref_squeeze %dma_wait3A_1789 : memref<1x8x128xf32, #tpu.memory_space<hbm>> -> memref<8x128xf32, #tpu.memory_space<hbm>>
      tpu.wait_dma2 semaphore(%arg9 : memref<!tpu.dma_semaphore, #tpu.memory_space<semaphore_mem>>) src(%dma_wait3A_1790 : memref<8x128xf32, #tpu.memory_space<hbm>>) dst(%dma_wait3A_1786 : memref<8x128xf32, #tpu.memory_space<vmem>>)
      %slice3A_1791 = vector.extract_strided_slice %scan3A_692 {offsets = [6], sizes = [1], strides = [1]} : vector<16xi32> to vector<1xi32>
      %squeeze3A_1792 = vector.extract %slice3A_1791[0] : i32 from vector<1xi32>
      %slice3A_1793 = vector.extract_strided_slice %scan3A_693 {offsets = [6], sizes = [1], strides = [1]} : vector<16xi32> to vector<1xi32>
      %squeeze3A_1794 = vector.extract %slice3A_1793[0] : i32 from vector<1xi32>
      %broadcast_in_dim3A_1795 = vector.broadcast %squeeze3A_1794 : i32 to vector<16xi32>
      %broadcast_in_dim3A_1796 = vector.broadcast %squeeze3A_1792 : i32 to vector<16xi32>
      %gather3A_1797 = tpu.vector_load_idx %arg7[%broadcast_in_dim3A_1795, %and3A_2, %broadcast_in_dim3A_1796] : memref<33x8x128xf32, #tpu.memory_space<vmem>>[vector<16xi32>, vector<16xi32>, vector<16xi32>], vector<16xf32>,
      %neg3A_1798 = arith.constant 0.000000e+00 : f32
      %neg3A_1799 = vector.broadcast %neg3A_1798 : f32 to vector<16xf32>
      %neg3A_1800 = arith.subf %neg3A_1799, %gather3A_1797 : vector<16xf32>
      %exp3A_1801 = math.exp %neg3A_1800 : vector<16xf32>
      %add3A_1802 = arith.constant 1.000000e+00 : f32
      %add3A_1803 = vector.broadcast %add3A_1802 : f32 to vector<16xf32>
      %add3A_1804 = arith.addf %add3A_1803, %exp3A_1801 : vector<16xf32>
      %div3A_1805 = arith.constant 1.000000e+00 : f32
      %div3A_1806 = vector.broadcast %div3A_1805 : f32 to vector<16xf32>
      %div3A_1807 = arith.divf %div3A_1806, %add3A_1804 : vector<16xf32>
      %broadcast_in_dim3A_1808 = vector.broadcast %add3A_1773 : i32 to vector<16xi32>
      tpu.vector_store_idx %arg8[%and3A_2, %broadcast_in_dim3A_1808], %div3A_1807 : memref<8x1024xf32, #tpu.memory_space<vmem>>[vector<16xi32>, vector<16xi32>], vector<16xf32>,
      %convert_element_type3A_1809 = arith.extui %lt3A_760 : i1 to i32
      %cond3A_1810 = arith.constant 0 : i32
      %cond3A_1811 = arith.cmpi ne, %convert_element_type3A_1809, %cond3A_1810 : i32
      scf.if %cond3A_1811 {
        %slice3A_2226 = vector.extract_strided_slice %mul3A_745 {offsets = [6], sizes = [1], strides = [1]} : vector<16xi32> to vector<1xi32>
        %squeeze3A_2227 = vector.extract %slice3A_2226[0] : i32 from vector<1xi32>
        %multiple_of3A_2228 = tpu.assume_multiple %squeeze3A_2227, 128 : i32
        %dma_start3A_2229 = arith.constant 22 : i32
        %dma_start3A_2230 = arith.constant 0 : i32
        %dma_start3A_2231 = arith.constant 0 : i32
        %dma_start3A_2232 = tpu.memref_slice %arg7[%dma_start3A_2229, %dma_start3A_2230, %dma_start3A_2231] : memref<33x8x128xf32, #tpu.memory_space<vmem>> -> memref<1x8x128xf32, #tpu.memory_space<vmem>>
        %dma_start3A_2233 = tpu.memref_squeeze %dma_start3A_2232 : memref<1x8x128xf32, #tpu.memory_space<vmem>> -> memref<8x128xf32, #tpu.memory_space<vmem>>
        %dma_start3A_2234 = arith.constant 0 : i32
        %dma_start3A_2235 = tpu.memref_slice %arg2[%arg0, %dma_start3A_2234, %multiple_of3A_2228] : memref<2x8x1000000xf32, #tpu.memory_space<hbm>> -> memref<1x8x128xf32, #tpu.memory_space<hbm>>
        %dma_start3A_2236 = tpu.memref_squeeze %dma_start3A_2235 : memref<1x8x128xf32, #tpu.memory_space<hbm>> -> memref<8x128xf32, #tpu.memory_space<hbm>>
        %dma_start3A_2237 = arith.constant 0 : i32
        %dma_start3A_2238 = arith.constant 0 : i32
        %dma_start3A_2239 = tpu.memref_slice %arg7[%dma_start3A_2229, %dma_start3A_2237, %dma_start3A_2238] : memref<33x8x128xf32, #tpu.memory_space<vmem>> -> memref<1x8x128xf32, #tpu.memory_space<vmem>>
        %dma_start3A_2240 = tpu.memref_squeeze %dma_start3A_2239 : memref<1x8x128xf32, #tpu.memory_space<vmem>> -> memref<8x128xf32, #tpu.memory_space<vmem>>
        %dma_start3A_2241 = arith.constant 0 : i32
        %dma_start3A_2242 = tpu.memref_slice %arg2[%arg0, %dma_start3A_2241, %multiple_of3A_2228] : memref<2x8x1000000xf32, #tpu.memory_space<hbm>> -> memref<1x8x128xf32, #tpu.memory_space<hbm>>
        %dma_start3A_2243 = tpu.memref_squeeze %dma_start3A_2242 : memref<1x8x128xf32, #tpu.memory_space<hbm>> -> memref<8x128xf32, #tpu.memory_space<hbm>>
        tpu.enqueue_dma source(%dma_start3A_2243 : memref<8x128xf32, #tpu.memory_space<hbm>>) target(%dma_start3A_2240 : memref<8x128xf32, #tpu.memory_space<vmem>>) target_semaphore(%arg9 : memref<!tpu.dma_semaphore, #tpu.memory_space<semaphore_mem>>)
      } else {
      }
      %mul3A_1812 = arith.constant 16 : i32
      %mul3A_1813 = arith.muli %scan3A_687, %mul3A_1812 : i32
      %mul3A_1814 = arith.constant 2 : i32
      %mul3A_1815 = arith.muli %mul3A_1813, %mul3A_1814 : i32
      %add3A_1816 = arith.constant 16 : i32
      %add3A_1817 = arith.addi %mul3A_1815, %add3A_1816 : i32
      %add3A_1818 = arith.constant 7 : i32
      %add3A_1819 = arith.addi %add3A_1817, %add3A_1818 : i32
      %dma_wait3A_1820 = arith.constant 23 : i32
      %dma_wait3A_1821 = arith.constant 0 : i32
      %dma_wait3A_1822 = arith.constant 0 : i32
      %dma_wait3A_1823 = tpu.memref_slice %arg7[%dma_wait3A_1820, %dma_wait3A_1821, %dma_wait3A_1822] : memref<33x8x128xf32, #tpu.memory_space<vmem>> -> memref<1x8x128xf32, #tpu.memory_space<vmem>>
      %dma_wait3A_1824 = tpu.memref_squeeze %dma_wait3A_1823 : memref<1x8x128xf32, #tpu.memory_space<vmem>> -> memref<8x128xf32, #tpu.memory_space<vmem>>
      %dma_wait3A_1825 = arith.constant 0 : i32
      %dma_wait3A_1826 = arith.constant 0 : i32
      %dma_wait3A_1827 = tpu.memref_slice %arg2[%arg0, %dma_wait3A_1825, %dma_wait3A_1826] : memref<2x8x1000000xf32, #tpu.memory_space<hbm>> -> memref<1x8x128xf32, #tpu.memory_space<hbm>>
      %dma_wait3A_1828 = tpu.memref_squeeze %dma_wait3A_1827 : memref<1x8x128xf32, #tpu.memory_space<hbm>> -> memref<8x128xf32, #tpu.memory_space<hbm>>
      %dma_wait3A_1829 = arith.constant 0 : i32
      %dma_wait3A_1830 = arith.constant 0 : i32
      %dma_wait3A_1831 = tpu.memref_slice %arg7[%dma_wait3A_1820, %dma_wait3A_1829, %dma_wait3A_1830] : memref<33x8x128xf32, #tpu.memory_space<vmem>> -> memref<1x8x128xf32, #tpu.memory_space<vmem>>
      %dma_wait3A_1832 = tpu.memref_squeeze %dma_wait3A_1831 : memref<1x8x128xf32, #tpu.memory_space<vmem>> -> memref<8x128xf32, #tpu.memory_space<vmem>>
      %dma_wait3A_1833 = arith.constant 0 : i32
      %dma_wait3A_1834 = arith.constant 0 : i32
      %dma_wait3A_1835 = tpu.memref_slice %arg2[%arg0, %dma_wait3A_1833, %dma_wait3A_1834] : memref<2x8x1000000xf32, #tpu.memory_space<hbm>> -> memref<1x8x128xf32, #tpu.memory_space<hbm>>
      %dma_wait3A_1836 = tpu.memref_squeeze %dma_wait3A_1835 : memref<1x8x128xf32, #tpu.memory_space<hbm>> -> memref<8x128xf32, #tpu.memory_space<hbm>>
      tpu.wait_dma2 semaphore(%arg9 : memref<!tpu.dma_semaphore, #tpu.memory_space<semaphore_mem>>) src(%dma_wait3A_1836 : memref<8x128xf32, #tpu.memory_space<hbm>>) dst(%dma_wait3A_1832 : memref<8x128xf32, #tpu.memory_space<vmem>>)
      %slice3A_1837 = vector.extract_strided_slice %scan3A_692 {offsets = [7], sizes = [1], strides = [1]} : vector<16xi32> to vector<1xi32>
      %squeeze3A_1838 = vector.extract %slice3A_1837[0] : i32 from vector<1xi32>
      %slice3A_1839 = vector.extract_strided_slice %scan3A_693 {offsets = [7], sizes = [1], strides = [1]} : vector<16xi32> to vector<1xi32>
      %squeeze3A_1840 = vector.extract %slice3A_1839[0] : i32 from vector<1xi32>
      %broadcast_in_dim3A_1841 = vector.broadcast %squeeze3A_1840 : i32 to vector<16xi32>
      %broadcast_in_dim3A_1842 = vector.broadcast %squeeze3A_1838 : i32 to vector<16xi32>
      %gather3A_1843 = tpu.vector_load_idx %arg7[%broadcast_in_dim3A_1841, %and3A_2, %broadcast_in_dim3A_1842] : memref<33x8x128xf32, #tpu.memory_space<vmem>>[vector<16xi32>, vector<16xi32>, vector<16xi32>], vector<16xf32>,
      %neg3A_1844 = arith.constant 0.000000e+00 : f32
      %neg3A_1845 = vector.broadcast %neg3A_1844 : f32 to vector<16xf32>
      %neg3A_1846 = arith.subf %neg3A_1845, %gather3A_1843 : vector<16xf32>
      %exp3A_1847 = math.exp %neg3A_1846 : vector<16xf32>
      %add3A_1848 = arith.constant 1.000000e+00 : f32
      %add3A_1849 = vector.broadcast %add3A_1848 : f32 to vector<16xf32>
      %add3A_1850 = arith.addf %add3A_1849, %exp3A_1847 : vector<16xf32>
      %div3A_1851 = arith.constant 1.000000e+00 : f32
      %div3A_1852 = vector.broadcast %div3A_1851 : f32 to vector<16xf32>
      %div3A_1853 = arith.divf %div3A_1852, %add3A_1850 : vector<16xf32>
      %broadcast_in_dim3A_1854 = vector.broadcast %add3A_1819 : i32 to vector<16xi32>
      tpu.vector_store_idx %arg8[%and3A_2, %broadcast_in_dim3A_1854], %div3A_1853 : memref<8x1024xf32, #tpu.memory_space<vmem>>[vector<16xi32>, vector<16xi32>], vector<16xf32>,
      %convert_element_type3A_1855 = arith.extui %lt3A_760 : i1 to i32
      %cond3A_1856 = arith.constant 0 : i32
      %cond3A_1857 = arith.cmpi ne, %convert_element_type3A_1855, %cond3A_1856 : i32
      scf.if %cond3A_1857 {
        %slice3A_2226 = vector.extract_strided_slice %mul3A_745 {offsets = [7], sizes = [1], strides = [1]} : vector<16xi32> to vector<1xi32>
        %squeeze3A_2227 = vector.extract %slice3A_2226[0] : i32 from vector<1xi32>
        %multiple_of3A_2228 = tpu.assume_multiple %squeeze3A_2227, 128 : i32
        %dma_start3A_2229 = arith.constant 23 : i32
        %dma_start3A_2230 = arith.constant 0 : i32
        %dma_start3A_2231 = arith.constant 0 : i32
        %dma_start3A_2232 = tpu.memref_slice %arg7[%dma_start3A_2229, %dma_start3A_2230, %dma_start3A_2231] : memref<33x8x128xf32, #tpu.memory_space<vmem>> -> memref<1x8x128xf32, #tpu.memory_space<vmem>>
        %dma_start3A_2233 = tpu.memref_squeeze %dma_start3A_2232 : memref<1x8x128xf32, #tpu.memory_space<vmem>> -> memref<8x128xf32, #tpu.memory_space<vmem>>
        %dma_start3A_2234 = arith.constant 0 : i32
        %dma_start3A_2235 = tpu.memref_slice %arg2[%arg0, %dma_start3A_2234, %multiple_of3A_2228] : memref<2x8x1000000xf32, #tpu.memory_space<hbm>> -> memref<1x8x128xf32, #tpu.memory_space<hbm>>
        %dma_start3A_2236 = tpu.memref_squeeze %dma_start3A_2235 : memref<1x8x128xf32, #tpu.memory_space<hbm>> -> memref<8x128xf32, #tpu.memory_space<hbm>>
        %dma_start3A_2237 = arith.constant 0 : i32
        %dma_start3A_2238 = arith.constant 0 : i32
        %dma_start3A_2239 = tpu.memref_slice %arg7[%dma_start3A_2229, %dma_start3A_2237, %dma_start3A_2238] : memref<33x8x128xf32, #tpu.memory_space<vmem>> -> memref<1x8x128xf32, #tpu.memory_space<vmem>>
        %dma_start3A_2240 = tpu.memref_squeeze %dma_start3A_2239 : memref<1x8x128xf32, #tpu.memory_space<vmem>> -> memref<8x128xf32, #tpu.memory_space<vmem>>
        %dma_start3A_2241 = arith.constant 0 : i32
        %dma_start3A_2242 = tpu.memref_slice %arg2[%arg0, %dma_start3A_2241, %multiple_of3A_2228] : memref<2x8x1000000xf32, #tpu.memory_space<hbm>> -> memref<1x8x128xf32, #tpu.memory_space<hbm>>
        %dma_start3A_2243 = tpu.memref_squeeze %dma_start3A_2242 : memref<1x8x128xf32, #tpu.memory_space<hbm>> -> memref<8x128xf32, #tpu.memory_space<hbm>>
        tpu.enqueue_dma source(%dma_start3A_2243 : memref<8x128xf32, #tpu.memory_space<hbm>>) target(%dma_start3A_2240 : memref<8x128xf32, #tpu.memory_space<vmem>>) target_semaphore(%arg9 : memref<!tpu.dma_semaphore, #tpu.memory_space<semaphore_mem>>)
      } else {
      }
      %mul3A_1858 = arith.constant 16 : i32
      %mul3A_1859 = arith.muli %scan3A_687, %mul3A_1858 : i32
      %mul3A_1860 = arith.constant 2 : i32
      %mul3A_1861 = arith.muli %mul3A_1859, %mul3A_1860 : i32
      %add3A_1862 = arith.constant 16 : i32
      %add3A_1863 = arith.addi %mul3A_1861, %add3A_1862 : i32
      %add3A_1864 = arith.constant 8 : i32
      %add3A_1865 = arith.addi %add3A_1863, %add3A_1864 : i32
      %dma_wait3A_1866 = arith.constant 24 : i32
      %dma_wait3A_1867 = arith.constant 0 : i32
      %dma_wait3A_1868 = arith.constant 0 : i32
      %dma_wait3A_1869 = tpu.memref_slice %arg7[%dma_wait3A_1866, %dma_wait3A_1867, %dma_wait3A_1868] : memref<33x8x128xf32, #tpu.memory_space<vmem>> -> memref<1x8x128xf32, #tpu.memory_space<vmem>>
      %dma_wait3A_1870 = tpu.memref_squeeze %dma_wait3A_1869 : memref<1x8x128xf32, #tpu.memory_space<vmem>> -> memref<8x128xf32, #tpu.memory_space<vmem>>
      %dma_wait3A_1871 = arith.constant 0 : i32
      %dma_wait3A_1872 = arith.constant 0 : i32
      %dma_wait3A_1873 = tpu.memref_slice %arg2[%arg0, %dma_wait3A_1871, %dma_wait3A_1872] : memref<2x8x1000000xf32, #tpu.memory_space<hbm>> -> memref<1x8x128xf32, #tpu.memory_space<hbm>>
      %dma_wait3A_1874 = tpu.memref_squeeze %dma_wait3A_1873 : memref<1x8x128xf32, #tpu.memory_space<hbm>> -> memref<8x128xf32, #tpu.memory_space<hbm>>
      %dma_wait3A_1875 = arith.constant 0 : i32
      %dma_wait3A_1876 = arith.constant 0 : i32
      %dma_wait3A_1877 = tpu.memref_slice %arg7[%dma_wait3A_1866, %dma_wait3A_1875, %dma_wait3A_1876] : memref<33x8x128xf32, #tpu.memory_space<vmem>> -> memref<1x8x128xf32, #tpu.memory_space<vmem>>
      %dma_wait3A_1878 = tpu.memref_squeeze %dma_wait3A_1877 : memref<1x8x128xf32, #tpu.memory_space<vmem>> -> memref<8x128xf32, #tpu.memory_space<vmem>>
      %dma_wait3A_1879 = arith.constant 0 : i32
      %dma_wait3A_1880 = arith.constant 0 : i32
      %dma_wait3A_1881 = tpu.memref_slice %arg2[%arg0, %dma_wait3A_1879, %dma_wait3A_1880] : memref<2x8x1000000xf32, #tpu.memory_space<hbm>> -> memref<1x8x128xf32, #tpu.memory_space<hbm>>
      %dma_wait3A_1882 = tpu.memref_squeeze %dma_wait3A_1881 : memref<1x8x128xf32, #tpu.memory_space<hbm>> -> memref<8x128xf32, #tpu.memory_space<hbm>>
      tpu.wait_dma2 semaphore(%arg9 : memref<!tpu.dma_semaphore, #tpu.memory_space<semaphore_mem>>) src(%dma_wait3A_1882 : memref<8x128xf32, #tpu.memory_space<hbm>>) dst(%dma_wait3A_1878 : memref<8x128xf32, #tpu.memory_space<vmem>>)
      %slice3A_1883 = vector.extract_strided_slice %scan3A_692 {offsets = [8], sizes = [1], strides = [1]} : vector<16xi32> to vector<1xi32>
      %squeeze3A_1884 = vector.extract %slice3A_1883[0] : i32 from vector<1xi32>
      %slice3A_1885 = vector.extract_strided_slice %scan3A_693 {offsets = [8], sizes = [1], strides = [1]} : vector<16xi32> to vector<1xi32>
      %squeeze3A_1886 = vector.extract %slice3A_1885[0] : i32 from vector<1xi32>
      %broadcast_in_dim3A_1887 = vector.broadcast %squeeze3A_1886 : i32 to vector<16xi32>
      %broadcast_in_dim3A_1888 = vector.broadcast %squeeze3A_1884 : i32 to vector<16xi32>
      %gather3A_1889 = tpu.vector_load_idx %arg7[%broadcast_in_dim3A_1887, %and3A_2, %broadcast_in_dim3A_1888] : memref<33x8x128xf32, #tpu.memory_space<vmem>>[vector<16xi32>, vector<16xi32>, vector<16xi32>], vector<16xf32>,
      %neg3A_1890 = arith.constant 0.000000e+00 : f32
      %neg3A_1891 = vector.broadcast %neg3A_1890 : f32 to vector<16xf32>
      %neg3A_1892 = arith.subf %neg3A_1891, %gather3A_1889 : vector<16xf32>
      %exp3A_1893 = math.exp %neg3A_1892 : vector<16xf32>
      %add3A_1894 = arith.constant 1.000000e+00 : f32
      %add3A_1895 = vector.broadcast %add3A_1894 : f32 to vector<16xf32>
      %add3A_1896 = arith.addf %add3A_1895, %exp3A_1893 : vector<16xf32>
      %div3A_1897 = arith.constant 1.000000e+00 : f32
      %div3A_1898 = vector.broadcast %div3A_1897 : f32 to vector<16xf32>
      %div3A_1899 = arith.divf %div3A_1898, %add3A_1896 : vector<16xf32>
      %broadcast_in_dim3A_1900 = vector.broadcast %add3A_1865 : i32 to vector<16xi32>
      tpu.vector_store_idx %arg8[%and3A_2, %broadcast_in_dim3A_1900], %div3A_1899 : memref<8x1024xf32, #tpu.memory_space<vmem>>[vector<16xi32>, vector<16xi32>], vector<16xf32>,
      %convert_element_type3A_1901 = arith.extui %lt3A_760 : i1 to i32
      %cond3A_1902 = arith.constant 0 : i32
      %cond3A_1903 = arith.cmpi ne, %convert_element_type3A_1901, %cond3A_1902 : i32
      scf.if %cond3A_1903 {
        %slice3A_2226 = vector.extract_strided_slice %mul3A_745 {offsets = [8], sizes = [1], strides = [1]} : vector<16xi32> to vector<1xi32>
        %squeeze3A_2227 = vector.extract %slice3A_2226[0] : i32 from vector<1xi32>
        %multiple_of3A_2228 = tpu.assume_multiple %squeeze3A_2227, 128 : i32
        %dma_start3A_2229 = arith.constant 24 : i32
        %dma_start3A_2230 = arith.constant 0 : i32
        %dma_start3A_2231 = arith.constant 0 : i32
        %dma_start3A_2232 = tpu.memref_slice %arg7[%dma_start3A_2229, %dma_start3A_2230, %dma_start3A_2231] : memref<33x8x128xf32, #tpu.memory_space<vmem>> -> memref<1x8x128xf32, #tpu.memory_space<vmem>>
        %dma_start3A_2233 = tpu.memref_squeeze %dma_start3A_2232 : memref<1x8x128xf32, #tpu.memory_space<vmem>> -> memref<8x128xf32, #tpu.memory_space<vmem>>
        %dma_start3A_2234 = arith.constant 0 : i32
        %dma_start3A_2235 = tpu.memref_slice %arg2[%arg0, %dma_start3A_2234, %multiple_of3A_2228] : memref<2x8x1000000xf32, #tpu.memory_space<hbm>> -> memref<1x8x128xf32, #tpu.memory_space<hbm>>
        %dma_start3A_2236 = tpu.memref_squeeze %dma_start3A_2235 : memref<1x8x128xf32, #tpu.memory_space<hbm>> -> memref<8x128xf32, #tpu.memory_space<hbm>>
        %dma_start3A_2237 = arith.constant 0 : i32
        %dma_start3A_2238 = arith.constant 0 : i32
        %dma_start3A_2239 = tpu.memref_slice %arg7[%dma_start3A_2229, %dma_start3A_2237, %dma_start3A_2238] : memref<33x8x128xf32, #tpu.memory_space<vmem>> -> memref<1x8x128xf32, #tpu.memory_space<vmem>>
        %dma_start3A_2240 = tpu.memref_squeeze %dma_start3A_2239 : memref<1x8x128xf32, #tpu.memory_space<vmem>> -> memref<8x128xf32, #tpu.memory_space<vmem>>
        %dma_start3A_2241 = arith.constant 0 : i32
        %dma_start3A_2242 = tpu.memref_slice %arg2[%arg0, %dma_start3A_2241, %multiple_of3A_2228] : memref<2x8x1000000xf32, #tpu.memory_space<hbm>> -> memref<1x8x128xf32, #tpu.memory_space<hbm>>
        %dma_start3A_2243 = tpu.memref_squeeze %dma_start3A_2242 : memref<1x8x128xf32, #tpu.memory_space<hbm>> -> memref<8x128xf32, #tpu.memory_space<hbm>>
        tpu.enqueue_dma source(%dma_start3A_2243 : memref<8x128xf32, #tpu.memory_space<hbm>>) target(%dma_start3A_2240 : memref<8x128xf32, #tpu.memory_space<vmem>>) target_semaphore(%arg9 : memref<!tpu.dma_semaphore, #tpu.memory_space<semaphore_mem>>)
      } else {
      }
      %mul3A_1904 = arith.constant 16 : i32
      %mul3A_1905 = arith.muli %scan3A_687, %mul3A_1904 : i32
      %mul3A_1906 = arith.constant 2 : i32
      %mul3A_1907 = arith.muli %mul3A_1905, %mul3A_1906 : i32
      %add3A_1908 = arith.constant 16 : i32
      %add3A_1909 = arith.addi %mul3A_1907, %add3A_1908 : i32
      %add3A_1910 = arith.constant 9 : i32
      %add3A_1911 = arith.addi %add3A_1909, %add3A_1910 : i32
      %dma_wait3A_1912 = arith.constant 25 : i32
      %dma_wait3A_1913 = arith.constant 0 : i32
      %dma_wait3A_1914 = arith.constant 0 : i32
      %dma_wait3A_1915 = tpu.memref_slice %arg7[%dma_wait3A_1912, %dma_wait3A_1913, %dma_wait3A_1914] : memref<33x8x128xf32, #tpu.memory_space<vmem>> -> memref<1x8x128xf32, #tpu.memory_space<vmem>>
      %dma_wait3A_1916 = tpu.memref_squeeze %dma_wait3A_1915 : memref<1x8x128xf32, #tpu.memory_space<vmem>> -> memref<8x128xf32, #tpu.memory_space<vmem>>
      %dma_wait3A_1917 = arith.constant 0 : i32
      %dma_wait3A_1918 = arith.constant 0 : i32
      %dma_wait3A_1919 = tpu.memref_slice %arg2[%arg0, %dma_wait3A_1917, %dma_wait3A_1918] : memref<2x8x1000000xf32, #tpu.memory_space<hbm>> -> memref<1x8x128xf32, #tpu.memory_space<hbm>>
      %dma_wait3A_1920 = tpu.memref_squeeze %dma_wait3A_1919 : memref<1x8x128xf32, #tpu.memory_space<hbm>> -> memref<8x128xf32, #tpu.memory_space<hbm>>
      %dma_wait3A_1921 = arith.constant 0 : i32
      %dma_wait3A_1922 = arith.constant 0 : i32
      %dma_wait3A_1923 = tpu.memref_slice %arg7[%dma_wait3A_1912, %dma_wait3A_1921, %dma_wait3A_1922] : memref<33x8x128xf32, #tpu.memory_space<vmem>> -> memref<1x8x128xf32, #tpu.memory_space<vmem>>
      %dma_wait3A_1924 = tpu.memref_squeeze %dma_wait3A_1923 : memref<1x8x128xf32, #tpu.memory_space<vmem>> -> memref<8x128xf32, #tpu.memory_space<vmem>>
      %dma_wait3A_1925 = arith.constant 0 : i32
      %dma_wait3A_1926 = arith.constant 0 : i32
      %dma_wait3A_1927 = tpu.memref_slice %arg2[%arg0, %dma_wait3A_1925, %dma_wait3A_1926] : memref<2x8x1000000xf32, #tpu.memory_space<hbm>> -> memref<1x8x128xf32, #tpu.memory_space<hbm>>
      %dma_wait3A_1928 = tpu.memref_squeeze %dma_wait3A_1927 : memref<1x8x128xf32, #tpu.memory_space<hbm>> -> memref<8x128xf32, #tpu.memory_space<hbm>>
      tpu.wait_dma2 semaphore(%arg9 : memref<!tpu.dma_semaphore, #tpu.memory_space<semaphore_mem>>) src(%dma_wait3A_1928 : memref<8x128xf32, #tpu.memory_space<hbm>>) dst(%dma_wait3A_1924 : memref<8x128xf32, #tpu.memory_space<vmem>>)
      %slice3A_1929 = vector.extract_strided_slice %scan3A_692 {offsets = [9], sizes = [1], strides = [1]} : vector<16xi32> to vector<1xi32>
      %squeeze3A_1930 = vector.extract %slice3A_1929[0] : i32 from vector<1xi32>
      %slice3A_1931 = vector.extract_strided_slice %scan3A_693 {offsets = [9], sizes = [1], strides = [1]} : vector<16xi32> to vector<1xi32>
      %squeeze3A_1932 = vector.extract %slice3A_1931[0] : i32 from vector<1xi32>
      %broadcast_in_dim3A_1933 = vector.broadcast %squeeze3A_1932 : i32 to vector<16xi32>
      %broadcast_in_dim3A_1934 = vector.broadcast %squeeze3A_1930 : i32 to vector<16xi32>
      %gather3A_1935 = tpu.vector_load_idx %arg7[%broadcast_in_dim3A_1933, %and3A_2, %broadcast_in_dim3A_1934] : memref<33x8x128xf32, #tpu.memory_space<vmem>>[vector<16xi32>, vector<16xi32>, vector<16xi32>], vector<16xf32>,
      %neg3A_1936 = arith.constant 0.000000e+00 : f32
      %neg3A_1937 = vector.broadcast %neg3A_1936 : f32 to vector<16xf32>
      %neg3A_1938 = arith.subf %neg3A_1937, %gather3A_1935 : vector<16xf32>
      %exp3A_1939 = math.exp %neg3A_1938 : vector<16xf32>
      %add3A_1940 = arith.constant 1.000000e+00 : f32
      %add3A_1941 = vector.broadcast %add3A_1940 : f32 to vector<16xf32>
      %add3A_1942 = arith.addf %add3A_1941, %exp3A_1939 : vector<16xf32>
      %div3A_1943 = arith.constant 1.000000e+00 : f32
      %div3A_1944 = vector.broadcast %div3A_1943 : f32 to vector<16xf32>
      %div3A_1945 = arith.divf %div3A_1944, %add3A_1942 : vector<16xf32>
      %broadcast_in_dim3A_1946 = vector.broadcast %add3A_1911 : i32 to vector<16xi32>
      tpu.vector_store_idx %arg8[%and3A_2, %broadcast_in_dim3A_1946], %div3A_1945 : memref<8x1024xf32, #tpu.memory_space<vmem>>[vector<16xi32>, vector<16xi32>], vector<16xf32>,
      %convert_element_type3A_1947 = arith.extui %lt3A_760 : i1 to i32
      %cond3A_1948 = arith.constant 0 : i32
      %cond3A_1949 = arith.cmpi ne, %convert_element_type3A_1947, %cond3A_1948 : i32
      scf.if %cond3A_1949 {
        %slice3A_2226 = vector.extract_strided_slice %mul3A_745 {offsets = [9], sizes = [1], strides = [1]} : vector<16xi32> to vector<1xi32>
        %squeeze3A_2227 = vector.extract %slice3A_2226[0] : i32 from vector<1xi32>
        %multiple_of3A_2228 = tpu.assume_multiple %squeeze3A_2227, 128 : i32
        %dma_start3A_2229 = arith.constant 25 : i32
        %dma_start3A_2230 = arith.constant 0 : i32
        %dma_start3A_2231 = arith.constant 0 : i32
        %dma_start3A_2232 = tpu.memref_slice %arg7[%dma_start3A_2229, %dma_start3A_2230, %dma_start3A_2231] : memref<33x8x128xf32, #tpu.memory_space<vmem>> -> memref<1x8x128xf32, #tpu.memory_space<vmem>>
        %dma_start3A_2233 = tpu.memref_squeeze %dma_start3A_2232 : memref<1x8x128xf32, #tpu.memory_space<vmem>> -> memref<8x128xf32, #tpu.memory_space<vmem>>
        %dma_start3A_2234 = arith.constant 0 : i32
        %dma_start3A_2235 = tpu.memref_slice %arg2[%arg0, %dma_start3A_2234, %multiple_of3A_2228] : memref<2x8x1000000xf32, #tpu.memory_space<hbm>> -> memref<1x8x128xf32, #tpu.memory_space<hbm>>
        %dma_start3A_2236 = tpu.memref_squeeze %dma_start3A_2235 : memref<1x8x128xf32, #tpu.memory_space<hbm>> -> memref<8x128xf32, #tpu.memory_space<hbm>>
        %dma_start3A_2237 = arith.constant 0 : i32
        %dma_start3A_2238 = arith.constant 0 : i32
        %dma_start3A_2239 = tpu.memref_slice %arg7[%dma_start3A_2229, %dma_start3A_2237, %dma_start3A_2238] : memref<33x8x128xf32, #tpu.memory_space<vmem>> -> memref<1x8x128xf32, #tpu.memory_space<vmem>>
        %dma_start3A_2240 = tpu.memref_squeeze %dma_start3A_2239 : memref<1x8x128xf32, #tpu.memory_space<vmem>> -> memref<8x128xf32, #tpu.memory_space<vmem>>
        %dma_start3A_2241 = arith.constant 0 : i32
        %dma_start3A_2242 = tpu.memref_slice %arg2[%arg0, %dma_start3A_2241, %multiple_of3A_2228] : memref<2x8x1000000xf32, #tpu.memory_space<hbm>> -> memref<1x8x128xf32, #tpu.memory_space<hbm>>
        %dma_start3A_2243 = tpu.memref_squeeze %dma_start3A_2242 : memref<1x8x128xf32, #tpu.memory_space<hbm>> -> memref<8x128xf32, #tpu.memory_space<hbm>>
        tpu.enqueue_dma source(%dma_start3A_2243 : memref<8x128xf32, #tpu.memory_space<hbm>>) target(%dma_start3A_2240 : memref<8x128xf32, #tpu.memory_space<vmem>>) target_semaphore(%arg9 : memref<!tpu.dma_semaphore, #tpu.memory_space<semaphore_mem>>)
      } else {
      }
      %mul3A_1950 = arith.constant 16 : i32
      %mul3A_1951 = arith.muli %scan3A_687, %mul3A_1950 : i32
      %mul3A_1952 = arith.constant 2 : i32
      %mul3A_1953 = arith.muli %mul3A_1951, %mul3A_1952 : i32
      %add3A_1954 = arith.constant 16 : i32
      %add3A_1955 = arith.addi %mul3A_1953, %add3A_1954 : i32
      %add3A_1956 = arith.constant 10 : i32
      %add3A_1957 = arith.addi %add3A_1955, %add3A_1956 : i32
      %dma_wait3A_1958 = arith.constant 26 : i32
      %dma_wait3A_1959 = arith.constant 0 : i32
      %dma_wait3A_1960 = arith.constant 0 : i32
      %dma_wait3A_1961 = tpu.memref_slice %arg7[%dma_wait3A_1958, %dma_wait3A_1959, %dma_wait3A_1960] : memref<33x8x128xf32, #tpu.memory_space<vmem>> -> memref<1x8x128xf32, #tpu.memory_space<vmem>>
      %dma_wait3A_1962 = tpu.memref_squeeze %dma_wait3A_1961 : memref<1x8x128xf32, #tpu.memory_space<vmem>> -> memref<8x128xf32, #tpu.memory_space<vmem>>
      %dma_wait3A_1963 = arith.constant 0 : i32
      %dma_wait3A_1964 = arith.constant 0 : i32
      %dma_wait3A_1965 = tpu.memref_slice %arg2[%arg0, %dma_wait3A_1963, %dma_wait3A_1964] : memref<2x8x1000000xf32, #tpu.memory_space<hbm>> -> memref<1x8x128xf32, #tpu.memory_space<hbm>>
      %dma_wait3A_1966 = tpu.memref_squeeze %dma_wait3A_1965 : memref<1x8x128xf32, #tpu.memory_space<hbm>> -> memref<8x128xf32, #tpu.memory_space<hbm>>
      %dma_wait3A_1967 = arith.constant 0 : i32
      %dma_wait3A_1968 = arith.constant 0 : i32
      %dma_wait3A_1969 = tpu.memref_slice %arg7[%dma_wait3A_1958, %dma_wait3A_1967, %dma_wait3A_1968] : memref<33x8x128xf32, #tpu.memory_space<vmem>> -> memref<1x8x128xf32, #tpu.memory_space<vmem>>
      %dma_wait3A_1970 = tpu.memref_squeeze %dma_wait3A_1969 : memref<1x8x128xf32, #tpu.memory_space<vmem>> -> memref<8x128xf32, #tpu.memory_space<vmem>>
      %dma_wait3A_1971 = arith.constant 0 : i32
      %dma_wait3A_1972 = arith.constant 0 : i32
      %dma_wait3A_1973 = tpu.memref_slice %arg2[%arg0, %dma_wait3A_1971, %dma_wait3A_1972] : memref<2x8x1000000xf32, #tpu.memory_space<hbm>> -> memref<1x8x128xf32, #tpu.memory_space<hbm>>
      %dma_wait3A_1974 = tpu.memref_squeeze %dma_wait3A_1973 : memref<1x8x128xf32, #tpu.memory_space<hbm>> -> memref<8x128xf32, #tpu.memory_space<hbm>>
      tpu.wait_dma2 semaphore(%arg9 : memref<!tpu.dma_semaphore, #tpu.memory_space<semaphore_mem>>) src(%dma_wait3A_1974 : memref<8x128xf32, #tpu.memory_space<hbm>>) dst(%dma_wait3A_1970 : memref<8x128xf32, #tpu.memory_space<vmem>>)
      %slice3A_1975 = vector.extract_strided_slice %scan3A_692 {offsets = [10], sizes = [1], strides = [1]} : vector<16xi32> to vector<1xi32>
      %squeeze3A_1976 = vector.extract %slice3A_1975[0] : i32 from vector<1xi32>
      %slice3A_1977 = vector.extract_strided_slice %scan3A_693 {offsets = [10], sizes = [1], strides = [1]} : vector<16xi32> to vector<1xi32>
      %squeeze3A_1978 = vector.extract %slice3A_1977[0] : i32 from vector<1xi32>
      %broadcast_in_dim3A_1979 = vector.broadcast %squeeze3A_1978 : i32 to vector<16xi32>
      %broadcast_in_dim3A_1980 = vector.broadcast %squeeze3A_1976 : i32 to vector<16xi32>
      %gather3A_1981 = tpu.vector_load_idx %arg7[%broadcast_in_dim3A_1979, %and3A_2, %broadcast_in_dim3A_1980] : memref<33x8x128xf32, #tpu.memory_space<vmem>>[vector<16xi32>, vector<16xi32>, vector<16xi32>], vector<16xf32>,
      %neg3A_1982 = arith.constant 0.000000e+00 : f32
      %neg3A_1983 = vector.broadcast %neg3A_1982 : f32 to vector<16xf32>
      %neg3A_1984 = arith.subf %neg3A_1983, %gather3A_1981 : vector<16xf32>
      %exp3A_1985 = math.exp %neg3A_1984 : vector<16xf32>
      %add3A_1986 = arith.constant 1.000000e+00 : f32
      %add3A_1987 = vector.broadcast %add3A_1986 : f32 to vector<16xf32>
      %add3A_1988 = arith.addf %add3A_1987, %exp3A_1985 : vector<16xf32>
      %div3A_1989 = arith.constant 1.000000e+00 : f32
      %div3A_1990 = vector.broadcast %div3A_1989 : f32 to vector<16xf32>
      %div3A_1991 = arith.divf %div3A_1990, %add3A_1988 : vector<16xf32>
      %broadcast_in_dim3A_1992 = vector.broadcast %add3A_1957 : i32 to vector<16xi32>
      tpu.vector_store_idx %arg8[%and3A_2, %broadcast_in_dim3A_1992], %div3A_1991 : memref<8x1024xf32, #tpu.memory_space<vmem>>[vector<16xi32>, vector<16xi32>], vector<16xf32>,
      %convert_element_type3A_1993 = arith.extui %lt3A_760 : i1 to i32
      %cond3A_1994 = arith.constant 0 : i32
      %cond3A_1995 = arith.cmpi ne, %convert_element_type3A_1993, %cond3A_1994 : i32
      scf.if %cond3A_1995 {
        %slice3A_2226 = vector.extract_strided_slice %mul3A_745 {offsets = [10], sizes = [1], strides = [1]} : vector<16xi32> to vector<1xi32>
        %squeeze3A_2227 = vector.extract %slice3A_2226[0] : i32 from vector<1xi32>
        %multiple_of3A_2228 = tpu.assume_multiple %squeeze3A_2227, 128 : i32
        %dma_start3A_2229 = arith.constant 26 : i32
        %dma_start3A_2230 = arith.constant 0 : i32
        %dma_start3A_2231 = arith.constant 0 : i32
        %dma_start3A_2232 = tpu.memref_slice %arg7[%dma_start3A_2229, %dma_start3A_2230, %dma_start3A_2231] : memref<33x8x128xf32, #tpu.memory_space<vmem>> -> memref<1x8x128xf32, #tpu.memory_space<vmem>>
        %dma_start3A_2233 = tpu.memref_squeeze %dma_start3A_2232 : memref<1x8x128xf32, #tpu.memory_space<vmem>> -> memref<8x128xf32, #tpu.memory_space<vmem>>
        %dma_start3A_2234 = arith.constant 0 : i32
        %dma_start3A_2235 = tpu.memref_slice %arg2[%arg0, %dma_start3A_2234, %multiple_of3A_2228] : memref<2x8x1000000xf32, #tpu.memory_space<hbm>> -> memref<1x8x128xf32, #tpu.memory_space<hbm>>
        %dma_start3A_2236 = tpu.memref_squeeze %dma_start3A_2235 : memref<1x8x128xf32, #tpu.memory_space<hbm>> -> memref<8x128xf32, #tpu.memory_space<hbm>>
        %dma_start3A_2237 = arith.constant 0 : i32
        %dma_start3A_2238 = arith.constant 0 : i32
        %dma_start3A_2239 = tpu.memref_slice %arg7[%dma_start3A_2229, %dma_start3A_2237, %dma_start3A_2238] : memref<33x8x128xf32, #tpu.memory_space<vmem>> -> memref<1x8x128xf32, #tpu.memory_space<vmem>>
        %dma_start3A_2240 = tpu.memref_squeeze %dma_start3A_2239 : memref<1x8x128xf32, #tpu.memory_space<vmem>> -> memref<8x128xf32, #tpu.memory_space<vmem>>
        %dma_start3A_2241 = arith.constant 0 : i32
        %dma_start3A_2242 = tpu.memref_slice %arg2[%arg0, %dma_start3A_2241, %multiple_of3A_2228] : memref<2x8x1000000xf32, #tpu.memory_space<hbm>> -> memref<1x8x128xf32, #tpu.memory_space<hbm>>
        %dma_start3A_2243 = tpu.memref_squeeze %dma_start3A_2242 : memref<1x8x128xf32, #tpu.memory_space<hbm>> -> memref<8x128xf32, #tpu.memory_space<hbm>>
        tpu.enqueue_dma source(%dma_start3A_2243 : memref<8x128xf32, #tpu.memory_space<hbm>>) target(%dma_start3A_2240 : memref<8x128xf32, #tpu.memory_space<vmem>>) target_semaphore(%arg9 : memref<!tpu.dma_semaphore, #tpu.memory_space<semaphore_mem>>)
      } else {
      }
      %mul3A_1996 = arith.constant 16 : i32
      %mul3A_1997 = arith.muli %scan3A_687, %mul3A_1996 : i32
      %mul3A_1998 = arith.constant 2 : i32
      %mul3A_1999 = arith.muli %mul3A_1997, %mul3A_1998 : i32
      %add3A_2000 = arith.constant 16 : i32
      %add3A_2001 = arith.addi %mul3A_1999, %add3A_2000 : i32
      %add3A_2002 = arith.constant 11 : i32
      %add3A_2003 = arith.addi %add3A_2001, %add3A_2002 : i32
      %dma_wait3A_2004 = arith.constant 27 : i32
      %dma_wait3A_2005 = arith.constant 0 : i32
      %dma_wait3A_2006 = arith.constant 0 : i32
      %dma_wait3A_2007 = tpu.memref_slice %arg7[%dma_wait3A_2004, %dma_wait3A_2005, %dma_wait3A_2006] : memref<33x8x128xf32, #tpu.memory_space<vmem>> -> memref<1x8x128xf32, #tpu.memory_space<vmem>>
      %dma_wait3A_2008 = tpu.memref_squeeze %dma_wait3A_2007 : memref<1x8x128xf32, #tpu.memory_space<vmem>> -> memref<8x128xf32, #tpu.memory_space<vmem>>
      %dma_wait3A_2009 = arith.constant 0 : i32
      %dma_wait3A_2010 = arith.constant 0 : i32
      %dma_wait3A_2011 = tpu.memref_slice %arg2[%arg0, %dma_wait3A_2009, %dma_wait3A_2010] : memref<2x8x1000000xf32, #tpu.memory_space<hbm>> -> memref<1x8x128xf32, #tpu.memory_space<hbm>>
      %dma_wait3A_2012 = tpu.memref_squeeze %dma_wait3A_2011 : memref<1x8x128xf32, #tpu.memory_space<hbm>> -> memref<8x128xf32, #tpu.memory_space<hbm>>
      %dma_wait3A_2013 = arith.constant 0 : i32
      %dma_wait3A_2014 = arith.constant 0 : i32
      %dma_wait3A_2015 = tpu.memref_slice %arg7[%dma_wait3A_2004, %dma_wait3A_2013, %dma_wait3A_2014] : memref<33x8x128xf32, #tpu.memory_space<vmem>> -> memref<1x8x128xf32, #tpu.memory_space<vmem>>
      %dma_wait3A_2016 = tpu.memref_squeeze %dma_wait3A_2015 : memref<1x8x128xf32, #tpu.memory_space<vmem>> -> memref<8x128xf32, #tpu.memory_space<vmem>>
      %dma_wait3A_2017 = arith.constant 0 : i32
      %dma_wait3A_2018 = arith.constant 0 : i32
      %dma_wait3A_2019 = tpu.memref_slice %arg2[%arg0, %dma_wait3A_2017, %dma_wait3A_2018] : memref<2x8x1000000xf32, #tpu.memory_space<hbm>> -> memref<1x8x128xf32, #tpu.memory_space<hbm>>
      %dma_wait3A_2020 = tpu.memref_squeeze %dma_wait3A_2019 : memref<1x8x128xf32, #tpu.memory_space<hbm>> -> memref<8x128xf32, #tpu.memory_space<hbm>>
      tpu.wait_dma2 semaphore(%arg9 : memref<!tpu.dma_semaphore, #tpu.memory_space<semaphore_mem>>) src(%dma_wait3A_2020 : memref<8x128xf32, #tpu.memory_space<hbm>>) dst(%dma_wait3A_2016 : memref<8x128xf32, #tpu.memory_space<vmem>>)
      %slice3A_2021 = vector.extract_strided_slice %scan3A_692 {offsets = [11], sizes = [1], strides = [1]} : vector<16xi32> to vector<1xi32>
      %squeeze3A_2022 = vector.extract %slice3A_2021[0] : i32 from vector<1xi32>
      %slice3A_2023 = vector.extract_strided_slice %scan3A_693 {offsets = [11], sizes = [1], strides = [1]} : vector<16xi32> to vector<1xi32>
      %squeeze3A_2024 = vector.extract %slice3A_2023[0] : i32 from vector<1xi32>
      %broadcast_in_dim3A_2025 = vector.broadcast %squeeze3A_2024 : i32 to vector<16xi32>
      %broadcast_in_dim3A_2026 = vector.broadcast %squeeze3A_2022 : i32 to vector<16xi32>
      %gather3A_2027 = tpu.vector_load_idx %arg7[%broadcast_in_dim3A_2025, %and3A_2, %broadcast_in_dim3A_2026] : memref<33x8x128xf32, #tpu.memory_space<vmem>>[vector<16xi32>, vector<16xi32>, vector<16xi32>], vector<16xf32>,
      %neg3A_2028 = arith.constant 0.000000e+00 : f32
      %neg3A_2029 = vector.broadcast %neg3A_2028 : f32 to vector<16xf32>
      %neg3A_2030 = arith.subf %neg3A_2029, %gather3A_2027 : vector<16xf32>
      %exp3A_2031 = math.exp %neg3A_2030 : vector<16xf32>
      %add3A_2032 = arith.constant 1.000000e+00 : f32
      %add3A_2033 = vector.broadcast %add3A_2032 : f32 to vector<16xf32>
      %add3A_2034 = arith.addf %add3A_2033, %exp3A_2031 : vector<16xf32>
      %div3A_2035 = arith.constant 1.000000e+00 : f32
      %div3A_2036 = vector.broadcast %div3A_2035 : f32 to vector<16xf32>
      %div3A_2037 = arith.divf %div3A_2036, %add3A_2034 : vector<16xf32>
      %broadcast_in_dim3A_2038 = vector.broadcast %add3A_2003 : i32 to vector<16xi32>
      tpu.vector_store_idx %arg8[%and3A_2, %broadcast_in_dim3A_2038], %div3A_2037 : memref<8x1024xf32, #tpu.memory_space<vmem>>[vector<16xi32>, vector<16xi32>], vector<16xf32>,
      %convert_element_type3A_2039 = arith.extui %lt3A_760 : i1 to i32
      %cond3A_2040 = arith.constant 0 : i32
      %cond3A_2041 = arith.cmpi ne, %convert_element_type3A_2039, %cond3A_2040 : i32
      scf.if %cond3A_2041 {
        %slice3A_2226 = vector.extract_strided_slice %mul3A_745 {offsets = [11], sizes = [1], strides = [1]} : vector<16xi32> to vector<1xi32>
        %squeeze3A_2227 = vector.extract %slice3A_2226[0] : i32 from vector<1xi32>
        %multiple_of3A_2228 = tpu.assume_multiple %squeeze3A_2227, 128 : i32
        %dma_start3A_2229 = arith.constant 27 : i32
        %dma_start3A_2230 = arith.constant 0 : i32
        %dma_start3A_2231 = arith.constant 0 : i32
        %dma_start3A_2232 = tpu.memref_slice %arg7[%dma_start3A_2229, %dma_start3A_2230, %dma_start3A_2231] : memref<33x8x128xf32, #tpu.memory_space<vmem>> -> memref<1x8x128xf32, #tpu.memory_space<vmem>>
        %dma_start3A_2233 = tpu.memref_squeeze %dma_start3A_2232 : memref<1x8x128xf32, #tpu.memory_space<vmem>> -> memref<8x128xf32, #tpu.memory_space<vmem>>
        %dma_start3A_2234 = arith.constant 0 : i32
        %dma_start3A_2235 = tpu.memref_slice %arg2[%arg0, %dma_start3A_2234, %multiple_of3A_2228] : memref<2x8x1000000xf32, #tpu.memory_space<hbm>> -> memref<1x8x128xf32, #tpu.memory_space<hbm>>
        %dma_start3A_2236 = tpu.memref_squeeze %dma_start3A_2235 : memref<1x8x128xf32, #tpu.memory_space<hbm>> -> memref<8x128xf32, #tpu.memory_space<hbm>>
        %dma_start3A_2237 = arith.constant 0 : i32
        %dma_start3A_2238 = arith.constant 0 : i32
        %dma_start3A_2239 = tpu.memref_slice %arg7[%dma_start3A_2229, %dma_start3A_2237, %dma_start3A_2238] : memref<33x8x128xf32, #tpu.memory_space<vmem>> -> memref<1x8x128xf32, #tpu.memory_space<vmem>>
        %dma_start3A_2240 = tpu.memref_squeeze %dma_start3A_2239 : memref<1x8x128xf32, #tpu.memory_space<vmem>> -> memref<8x128xf32, #tpu.memory_space<vmem>>
        %dma_start3A_2241 = arith.constant 0 : i32
        %dma_start3A_2242 = tpu.memref_slice %arg2[%arg0, %dma_start3A_2241, %multiple_of3A_2228] : memref<2x8x1000000xf32, #tpu.memory_space<hbm>> -> memref<1x8x128xf32, #tpu.memory_space<hbm>>
        %dma_start3A_2243 = tpu.memref_squeeze %dma_start3A_2242 : memref<1x8x128xf32, #tpu.memory_space<hbm>> -> memref<8x128xf32, #tpu.memory_space<hbm>>
        tpu.enqueue_dma source(%dma_start3A_2243 : memref<8x128xf32, #tpu.memory_space<hbm>>) target(%dma_start3A_2240 : memref<8x128xf32, #tpu.memory_space<vmem>>) target_semaphore(%arg9 : memref<!tpu.dma_semaphore, #tpu.memory_space<semaphore_mem>>)
      } else {
      }
      %mul3A_2042 = arith.constant 16 : i32
      %mul3A_2043 = arith.muli %scan3A_687, %mul3A_2042 : i32
      %mul3A_2044 = arith.constant 2 : i32
      %mul3A_2045 = arith.muli %mul3A_2043, %mul3A_2044 : i32
      %add3A_2046 = arith.constant 16 : i32
      %add3A_2047 = arith.addi %mul3A_2045, %add3A_2046 : i32
      %add3A_2048 = arith.constant 12 : i32
      %add3A_2049 = arith.addi %add3A_2047, %add3A_2048 : i32
      %dma_wait3A_2050 = arith.constant 28 : i32
      %dma_wait3A_2051 = arith.constant 0 : i32
      %dma_wait3A_2052 = arith.constant 0 : i32
      %dma_wait3A_2053 = tpu.memref_slice %arg7[%dma_wait3A_2050, %dma_wait3A_2051, %dma_wait3A_2052] : memref<33x8x128xf32, #tpu.memory_space<vmem>> -> memref<1x8x128xf32, #tpu.memory_space<vmem>>
      %dma_wait3A_2054 = tpu.memref_squeeze %dma_wait3A_2053 : memref<1x8x128xf32, #tpu.memory_space<vmem>> -> memref<8x128xf32, #tpu.memory_space<vmem>>
      %dma_wait3A_2055 = arith.constant 0 : i32
      %dma_wait3A_2056 = arith.constant 0 : i32
      %dma_wait3A_2057 = tpu.memref_slice %arg2[%arg0, %dma_wait3A_2055, %dma_wait3A_2056] : memref<2x8x1000000xf32, #tpu.memory_space<hbm>> -> memref<1x8x128xf32, #tpu.memory_space<hbm>>
      %dma_wait3A_2058 = tpu.memref_squeeze %dma_wait3A_2057 : memref<1x8x128xf32, #tpu.memory_space<hbm>> -> memref<8x128xf32, #tpu.memory_space<hbm>>
      %dma_wait3A_2059 = arith.constant 0 : i32
      %dma_wait3A_2060 = arith.constant 0 : i32
      %dma_wait3A_2061 = tpu.memref_slice %arg7[%dma_wait3A_2050, %dma_wait3A_2059, %dma_wait3A_2060] : memref<33x8x128xf32, #tpu.memory_space<vmem>> -> memref<1x8x128xf32, #tpu.memory_space<vmem>>
      %dma_wait3A_2062 = tpu.memref_squeeze %dma_wait3A_2061 : memref<1x8x128xf32, #tpu.memory_space<vmem>> -> memref<8x128xf32, #tpu.memory_space<vmem>>
      %dma_wait3A_2063 = arith.constant 0 : i32
      %dma_wait3A_2064 = arith.constant 0 : i32
      %dma_wait3A_2065 = tpu.memref_slice %arg2[%arg0, %dma_wait3A_2063, %dma_wait3A_2064] : memref<2x8x1000000xf32, #tpu.memory_space<hbm>> -> memref<1x8x128xf32, #tpu.memory_space<hbm>>
      %dma_wait3A_2066 = tpu.memref_squeeze %dma_wait3A_2065 : memref<1x8x128xf32, #tpu.memory_space<hbm>> -> memref<8x128xf32, #tpu.memory_space<hbm>>
      tpu.wait_dma2 semaphore(%arg9 : memref<!tpu.dma_semaphore, #tpu.memory_space<semaphore_mem>>) src(%dma_wait3A_2066 : memref<8x128xf32, #tpu.memory_space<hbm>>) dst(%dma_wait3A_2062 : memref<8x128xf32, #tpu.memory_space<vmem>>)
      %slice3A_2067 = vector.extract_strided_slice %scan3A_692 {offsets = [12], sizes = [1], strides = [1]} : vector<16xi32> to vector<1xi32>
      %squeeze3A_2068 = vector.extract %slice3A_2067[0] : i32 from vector<1xi32>
      %slice3A_2069 = vector.extract_strided_slice %scan3A_693 {offsets = [12], sizes = [1], strides = [1]} : vector<16xi32> to vector<1xi32>
      %squeeze3A_2070 = vector.extract %slice3A_2069[0] : i32 from vector<1xi32>
      %broadcast_in_dim3A_2071 = vector.broadcast %squeeze3A_2070 : i32 to vector<16xi32>
      %broadcast_in_dim3A_2072 = vector.broadcast %squeeze3A_2068 : i32 to vector<16xi32>
      %gather3A_2073 = tpu.vector_load_idx %arg7[%broadcast_in_dim3A_2071, %and3A_2, %broadcast_in_dim3A_2072] : memref<33x8x128xf32, #tpu.memory_space<vmem>>[vector<16xi32>, vector<16xi32>, vector<16xi32>], vector<16xf32>,
      %neg3A_2074 = arith.constant 0.000000e+00 : f32
      %neg3A_2075 = vector.broadcast %neg3A_2074 : f32 to vector<16xf32>
      %neg3A_2076 = arith.subf %neg3A_2075, %gather3A_2073 : vector<16xf32>
      %exp3A_2077 = math.exp %neg3A_2076 : vector<16xf32>
      %add3A_2078 = arith.constant 1.000000e+00 : f32
      %add3A_2079 = vector.broadcast %add3A_2078 : f32 to vector<16xf32>
      %add3A_2080 = arith.addf %add3A_2079, %exp3A_2077 : vector<16xf32>
      %div3A_2081 = arith.constant 1.000000e+00 : f32
      %div3A_2082 = vector.broadcast %div3A_2081 : f32 to vector<16xf32>
      %div3A_2083 = arith.divf %div3A_2082, %add3A_2080 : vector<16xf32>
      %broadcast_in_dim3A_2084 = vector.broadcast %add3A_2049 : i32 to vector<16xi32>
      tpu.vector_store_idx %arg8[%and3A_2, %broadcast_in_dim3A_2084], %div3A_2083 : memref<8x1024xf32, #tpu.memory_space<vmem>>[vector<16xi32>, vector<16xi32>], vector<16xf32>,
      %convert_element_type3A_2085 = arith.extui %lt3A_760 : i1 to i32
      %cond3A_2086 = arith.constant 0 : i32
      %cond3A_2087 = arith.cmpi ne, %convert_element_type3A_2085, %cond3A_2086 : i32
      scf.if %cond3A_2087 {
        %slice3A_2226 = vector.extract_strided_slice %mul3A_745 {offsets = [12], sizes = [1], strides = [1]} : vector<16xi32> to vector<1xi32>
        %squeeze3A_2227 = vector.extract %slice3A_2226[0] : i32 from vector<1xi32>
        %multiple_of3A_2228 = tpu.assume_multiple %squeeze3A_2227, 128 : i32
        %dma_start3A_2229 = arith.constant 28 : i32
        %dma_start3A_2230 = arith.constant 0 : i32
        %dma_start3A_2231 = arith.constant 0 : i32
        %dma_start3A_2232 = tpu.memref_slice %arg7[%dma_start3A_2229, %dma_start3A_2230, %dma_start3A_2231] : memref<33x8x128xf32, #tpu.memory_space<vmem>> -> memref<1x8x128xf32, #tpu.memory_space<vmem>>
        %dma_start3A_2233 = tpu.memref_squeeze %dma_start3A_2232 : memref<1x8x128xf32, #tpu.memory_space<vmem>> -> memref<8x128xf32, #tpu.memory_space<vmem>>
        %dma_start3A_2234 = arith.constant 0 : i32
        %dma_start3A_2235 = tpu.memref_slice %arg2[%arg0, %dma_start3A_2234, %multiple_of3A_2228] : memref<2x8x1000000xf32, #tpu.memory_space<hbm>> -> memref<1x8x128xf32, #tpu.memory_space<hbm>>
        %dma_start3A_2236 = tpu.memref_squeeze %dma_start3A_2235 : memref<1x8x128xf32, #tpu.memory_space<hbm>> -> memref<8x128xf32, #tpu.memory_space<hbm>>
        %dma_start3A_2237 = arith.constant 0 : i32
        %dma_start3A_2238 = arith.constant 0 : i32
        %dma_start3A_2239 = tpu.memref_slice %arg7[%dma_start3A_2229, %dma_start3A_2237, %dma_start3A_2238] : memref<33x8x128xf32, #tpu.memory_space<vmem>> -> memref<1x8x128xf32, #tpu.memory_space<vmem>>
        %dma_start3A_2240 = tpu.memref_squeeze %dma_start3A_2239 : memref<1x8x128xf32, #tpu.memory_space<vmem>> -> memref<8x128xf32, #tpu.memory_space<vmem>>
        %dma_start3A_2241 = arith.constant 0 : i32
        %dma_start3A_2242 = tpu.memref_slice %arg2[%arg0, %dma_start3A_2241, %multiple_of3A_2228] : memref<2x8x1000000xf32, #tpu.memory_space<hbm>> -> memref<1x8x128xf32, #tpu.memory_space<hbm>>
        %dma_start3A_2243 = tpu.memref_squeeze %dma_start3A_2242 : memref<1x8x128xf32, #tpu.memory_space<hbm>> -> memref<8x128xf32, #tpu.memory_space<hbm>>
        tpu.enqueue_dma source(%dma_start3A_2243 : memref<8x128xf32, #tpu.memory_space<hbm>>) target(%dma_start3A_2240 : memref<8x128xf32, #tpu.memory_space<vmem>>) target_semaphore(%arg9 : memref<!tpu.dma_semaphore, #tpu.memory_space<semaphore_mem>>)
      } else {
      }
      %mul3A_2088 = arith.constant 16 : i32
      %mul3A_2089 = arith.muli %scan3A_687, %mul3A_2088 : i32
      %mul3A_2090 = arith.constant 2 : i32
      %mul3A_2091 = arith.muli %mul3A_2089, %mul3A_2090 : i32
      %add3A_2092 = arith.constant 16 : i32
      %add3A_2093 = arith.addi %mul3A_2091, %add3A_2092 : i32
      %add3A_2094 = arith.constant 13 : i32
      %add3A_2095 = arith.addi %add3A_2093, %add3A_2094 : i32
      %dma_wait3A_2096 = arith.constant 29 : i32
      %dma_wait3A_2097 = arith.constant 0 : i32
      %dma_wait3A_2098 = arith.constant 0 : i32
      %dma_wait3A_2099 = tpu.memref_slice %arg7[%dma_wait3A_2096, %dma_wait3A_2097, %dma_wait3A_2098] : memref<33x8x128xf32, #tpu.memory_space<vmem>> -> memref<1x8x128xf32, #tpu.memory_space<vmem>>
      %dma_wait3A_2100 = tpu.memref_squeeze %dma_wait3A_2099 : memref<1x8x128xf32, #tpu.memory_space<vmem>> -> memref<8x128xf32, #tpu.memory_space<vmem>>
      %dma_wait3A_2101 = arith.constant 0 : i32
      %dma_wait3A_2102 = arith.constant 0 : i32
      %dma_wait3A_2103 = tpu.memref_slice %arg2[%arg0, %dma_wait3A_2101, %dma_wait3A_2102] : memref<2x8x1000000xf32, #tpu.memory_space<hbm>> -> memref<1x8x128xf32, #tpu.memory_space<hbm>>
      %dma_wait3A_2104 = tpu.memref_squeeze %dma_wait3A_2103 : memref<1x8x128xf32, #tpu.memory_space<hbm>> -> memref<8x128xf32, #tpu.memory_space<hbm>>
      %dma_wait3A_2105 = arith.constant 0 : i32
      %dma_wait3A_2106 = arith.constant 0 : i32
      %dma_wait3A_2107 = tpu.memref_slice %arg7[%dma_wait3A_2096, %dma_wait3A_2105, %dma_wait3A_2106] : memref<33x8x128xf32, #tpu.memory_space<vmem>> -> memref<1x8x128xf32, #tpu.memory_space<vmem>>
      %dma_wait3A_2108 = tpu.memref_squeeze %dma_wait3A_2107 : memref<1x8x128xf32, #tpu.memory_space<vmem>> -> memref<8x128xf32, #tpu.memory_space<vmem>>
      %dma_wait3A_2109 = arith.constant 0 : i32
      %dma_wait3A_2110 = arith.constant 0 : i32
      %dma_wait3A_2111 = tpu.memref_slice %arg2[%arg0, %dma_wait3A_2109, %dma_wait3A_2110] : memref<2x8x1000000xf32, #tpu.memory_space<hbm>> -> memref<1x8x128xf32, #tpu.memory_space<hbm>>
      %dma_wait3A_2112 = tpu.memref_squeeze %dma_wait3A_2111 : memref<1x8x128xf32, #tpu.memory_space<hbm>> -> memref<8x128xf32, #tpu.memory_space<hbm>>
      tpu.wait_dma2 semaphore(%arg9 : memref<!tpu.dma_semaphore, #tpu.memory_space<semaphore_mem>>) src(%dma_wait3A_2112 : memref<8x128xf32, #tpu.memory_space<hbm>>) dst(%dma_wait3A_2108 : memref<8x128xf32, #tpu.memory_space<vmem>>)
      %slice3A_2113 = vector.extract_strided_slice %scan3A_692 {offsets = [13], sizes = [1], strides = [1]} : vector<16xi32> to vector<1xi32>
      %squeeze3A_2114 = vector.extract %slice3A_2113[0] : i32 from vector<1xi32>
      %slice3A_2115 = vector.extract_strided_slice %scan3A_693 {offsets = [13], sizes = [1], strides = [1]} : vector<16xi32> to vector<1xi32>
      %squeeze3A_2116 = vector.extract %slice3A_2115[0] : i32 from vector<1xi32>
      %broadcast_in_dim3A_2117 = vector.broadcast %squeeze3A_2116 : i32 to vector<16xi32>
      %broadcast_in_dim3A_2118 = vector.broadcast %squeeze3A_2114 : i32 to vector<16xi32>
      %gather3A_2119 = tpu.vector_load_idx %arg7[%broadcast_in_dim3A_2117, %and3A_2, %broadcast_in_dim3A_2118] : memref<33x8x128xf32, #tpu.memory_space<vmem>>[vector<16xi32>, vector<16xi32>, vector<16xi32>], vector<16xf32>,
      %neg3A_2120 = arith.constant 0.000000e+00 : f32
      %neg3A_2121 = vector.broadcast %neg3A_2120 : f32 to vector<16xf32>
      %neg3A_2122 = arith.subf %neg3A_2121, %gather3A_2119 : vector<16xf32>
      %exp3A_2123 = math.exp %neg3A_2122 : vector<16xf32>
      %add3A_2124 = arith.constant 1.000000e+00 : f32
      %add3A_2125 = vector.broadcast %add3A_2124 : f32 to vector<16xf32>
      %add3A_2126 = arith.addf %add3A_2125, %exp3A_2123 : vector<16xf32>
      %div3A_2127 = arith.constant 1.000000e+00 : f32
      %div3A_2128 = vector.broadcast %div3A_2127 : f32 to vector<16xf32>
      %div3A_2129 = arith.divf %div3A_2128, %add3A_2126 : vector<16xf32>
      %broadcast_in_dim3A_2130 = vector.broadcast %add3A_2095 : i32 to vector<16xi32>
      tpu.vector_store_idx %arg8[%and3A_2, %broadcast_in_dim3A_2130], %div3A_2129 : memref<8x1024xf32, #tpu.memory_space<vmem>>[vector<16xi32>, vector<16xi32>], vector<16xf32>,
      %convert_element_type3A_2131 = arith.extui %lt3A_760 : i1 to i32
      %cond3A_2132 = arith.constant 0 : i32
      %cond3A_2133 = arith.cmpi ne, %convert_element_type3A_2131, %cond3A_2132 : i32
      scf.if %cond3A_2133 {
        %slice3A_2226 = vector.extract_strided_slice %mul3A_745 {offsets = [13], sizes = [1], strides = [1]} : vector<16xi32> to vector<1xi32>
        %squeeze3A_2227 = vector.extract %slice3A_2226[0] : i32 from vector<1xi32>
        %multiple_of3A_2228 = tpu.assume_multiple %squeeze3A_2227, 128 : i32
        %dma_start3A_2229 = arith.constant 29 : i32
        %dma_start3A_2230 = arith.constant 0 : i32
        %dma_start3A_2231 = arith.constant 0 : i32
        %dma_start3A_2232 = tpu.memref_slice %arg7[%dma_start3A_2229, %dma_start3A_2230, %dma_start3A_2231] : memref<33x8x128xf32, #tpu.memory_space<vmem>> -> memref<1x8x128xf32, #tpu.memory_space<vmem>>
        %dma_start3A_2233 = tpu.memref_squeeze %dma_start3A_2232 : memref<1x8x128xf32, #tpu.memory_space<vmem>> -> memref<8x128xf32, #tpu.memory_space<vmem>>
        %dma_start3A_2234 = arith.constant 0 : i32
        %dma_start3A_2235 = tpu.memref_slice %arg2[%arg0, %dma_start3A_2234, %multiple_of3A_2228] : memref<2x8x1000000xf32, #tpu.memory_space<hbm>> -> memref<1x8x128xf32, #tpu.memory_space<hbm>>
        %dma_start3A_2236 = tpu.memref_squeeze %dma_start3A_2235 : memref<1x8x128xf32, #tpu.memory_space<hbm>> -> memref<8x128xf32, #tpu.memory_space<hbm>>
        %dma_start3A_2237 = arith.constant 0 : i32
        %dma_start3A_2238 = arith.constant 0 : i32
        %dma_start3A_2239 = tpu.memref_slice %arg7[%dma_start3A_2229, %dma_start3A_2237, %dma_start3A_2238] : memref<33x8x128xf32, #tpu.memory_space<vmem>> -> memref<1x8x128xf32, #tpu.memory_space<vmem>>
        %dma_start3A_2240 = tpu.memref_squeeze %dma_start3A_2239 : memref<1x8x128xf32, #tpu.memory_space<vmem>> -> memref<8x128xf32, #tpu.memory_space<vmem>>
        %dma_start3A_2241 = arith.constant 0 : i32
        %dma_start3A_2242 = tpu.memref_slice %arg2[%arg0, %dma_start3A_2241, %multiple_of3A_2228] : memref<2x8x1000000xf32, #tpu.memory_space<hbm>> -> memref<1x8x128xf32, #tpu.memory_space<hbm>>
        %dma_start3A_2243 = tpu.memref_squeeze %dma_start3A_2242 : memref<1x8x128xf32, #tpu.memory_space<hbm>> -> memref<8x128xf32, #tpu.memory_space<hbm>>
        tpu.enqueue_dma source(%dma_start3A_2243 : memref<8x128xf32, #tpu.memory_space<hbm>>) target(%dma_start3A_2240 : memref<8x128xf32, #tpu.memory_space<vmem>>) target_semaphore(%arg9 : memref<!tpu.dma_semaphore, #tpu.memory_space<semaphore_mem>>)
      } else {
      }
      %mul3A_2134 = arith.constant 16 : i32
      %mul3A_2135 = arith.muli %scan3A_687, %mul3A_2134 : i32
      %mul3A_2136 = arith.constant 2 : i32
      %mul3A_2137 = arith.muli %mul3A_2135, %mul3A_2136 : i32
      %add3A_2138 = arith.constant 16 : i32
      %add3A_2139 = arith.addi %mul3A_2137, %add3A_2138 : i32
      %add3A_2140 = arith.constant 14 : i32
      %add3A_2141 = arith.addi %add3A_2139, %add3A_2140 : i32
      %dma_wait3A_2142 = arith.constant 30 : i32
      %dma_wait3A_2143 = arith.constant 0 : i32
      %dma_wait3A_2144 = arith.constant 0 : i32
      %dma_wait3A_2145 = tpu.memref_slice %arg7[%dma_wait3A_2142, %dma_wait3A_2143, %dma_wait3A_2144] : memref<33x8x128xf32, #tpu.memory_space<vmem>> -> memref<1x8x128xf32, #tpu.memory_space<vmem>>
      %dma_wait3A_2146 = tpu.memref_squeeze %dma_wait3A_2145 : memref<1x8x128xf32, #tpu.memory_space<vmem>> -> memref<8x128xf32, #tpu.memory_space<vmem>>
      %dma_wait3A_2147 = arith.constant 0 : i32
      %dma_wait3A_2148 = arith.constant 0 : i32
      %dma_wait3A_2149 = tpu.memref_slice %arg2[%arg0, %dma_wait3A_2147, %dma_wait3A_2148] : memref<2x8x1000000xf32, #tpu.memory_space<hbm>> -> memref<1x8x128xf32, #tpu.memory_space<hbm>>
      %dma_wait3A_2150 = tpu.memref_squeeze %dma_wait3A_2149 : memref<1x8x128xf32, #tpu.memory_space<hbm>> -> memref<8x128xf32, #tpu.memory_space<hbm>>
      %dma_wait3A_2151 = arith.constant 0 : i32
      %dma_wait3A_2152 = arith.constant 0 : i32
      %dma_wait3A_2153 = tpu.memref_slice %arg7[%dma_wait3A_2142, %dma_wait3A_2151, %dma_wait3A_2152] : memref<33x8x128xf32, #tpu.memory_space<vmem>> -> memref<1x8x128xf32, #tpu.memory_space<vmem>>
      %dma_wait3A_2154 = tpu.memref_squeeze %dma_wait3A_2153 : memref<1x8x128xf32, #tpu.memory_space<vmem>> -> memref<8x128xf32, #tpu.memory_space<vmem>>
      %dma_wait3A_2155 = arith.constant 0 : i32
      %dma_wait3A_2156 = arith.constant 0 : i32
      %dma_wait3A_2157 = tpu.memref_slice %arg2[%arg0, %dma_wait3A_2155, %dma_wait3A_2156] : memref<2x8x1000000xf32, #tpu.memory_space<hbm>> -> memref<1x8x128xf32, #tpu.memory_space<hbm>>
      %dma_wait3A_2158 = tpu.memref_squeeze %dma_wait3A_2157 : memref<1x8x128xf32, #tpu.memory_space<hbm>> -> memref<8x128xf32, #tpu.memory_space<hbm>>
      tpu.wait_dma2 semaphore(%arg9 : memref<!tpu.dma_semaphore, #tpu.memory_space<semaphore_mem>>) src(%dma_wait3A_2158 : memref<8x128xf32, #tpu.memory_space<hbm>>) dst(%dma_wait3A_2154 : memref<8x128xf32, #tpu.memory_space<vmem>>)
      %slice3A_2159 = vector.extract_strided_slice %scan3A_692 {offsets = [14], sizes = [1], strides = [1]} : vector<16xi32> to vector<1xi32>
      %squeeze3A_2160 = vector.extract %slice3A_2159[0] : i32 from vector<1xi32>
      %slice3A_2161 = vector.extract_strided_slice %scan3A_693 {offsets = [14], sizes = [1], strides = [1]} : vector<16xi32> to vector<1xi32>
      %squeeze3A_2162 = vector.extract %slice3A_2161[0] : i32 from vector<1xi32>
      %broadcast_in_dim3A_2163 = vector.broadcast %squeeze3A_2162 : i32 to vector<16xi32>
      %broadcast_in_dim3A_2164 = vector.broadcast %squeeze3A_2160 : i32 to vector<16xi32>
      %gather3A_2165 = tpu.vector_load_idx %arg7[%broadcast_in_dim3A_2163, %and3A_2, %broadcast_in_dim3A_2164] : memref<33x8x128xf32, #tpu.memory_space<vmem>>[vector<16xi32>, vector<16xi32>, vector<16xi32>], vector<16xf32>,
      %neg3A_2166 = arith.constant 0.000000e+00 : f32
      %neg3A_2167 = vector.broadcast %neg3A_2166 : f32 to vector<16xf32>
      %neg3A_2168 = arith.subf %neg3A_2167, %gather3A_2165 : vector<16xf32>
      %exp3A_2169 = math.exp %neg3A_2168 : vector<16xf32>
      %add3A_2170 = arith.constant 1.000000e+00 : f32
      %add3A_2171 = vector.broadcast %add3A_2170 : f32 to vector<16xf32>
      %add3A_2172 = arith.addf %add3A_2171, %exp3A_2169 : vector<16xf32>
      %div3A_2173 = arith.constant 1.000000e+00 : f32
      %div3A_2174 = vector.broadcast %div3A_2173 : f32 to vector<16xf32>
      %div3A_2175 = arith.divf %div3A_2174, %add3A_2172 : vector<16xf32>
      %broadcast_in_dim3A_2176 = vector.broadcast %add3A_2141 : i32 to vector<16xi32>
      tpu.vector_store_idx %arg8[%and3A_2, %broadcast_in_dim3A_2176], %div3A_2175 : memref<8x1024xf32, #tpu.memory_space<vmem>>[vector<16xi32>, vector<16xi32>], vector<16xf32>,
      %convert_element_type3A_2177 = arith.extui %lt3A_760 : i1 to i32
      %cond3A_2178 = arith.constant 0 : i32
      %cond3A_2179 = arith.cmpi ne, %convert_element_type3A_2177, %cond3A_2178 : i32
      scf.if %cond3A_2179 {
        %slice3A_2226 = vector.extract_strided_slice %mul3A_745 {offsets = [14], sizes = [1], strides = [1]} : vector<16xi32> to vector<1xi32>
        %squeeze3A_2227 = vector.extract %slice3A_2226[0] : i32 from vector<1xi32>
        %multiple_of3A_2228 = tpu.assume_multiple %squeeze3A_2227, 128 : i32
        %dma_start3A_2229 = arith.constant 30 : i32
        %dma_start3A_2230 = arith.constant 0 : i32
        %dma_start3A_2231 = arith.constant 0 : i32
        %dma_start3A_2232 = tpu.memref_slice %arg7[%dma_start3A_2229, %dma_start3A_2230, %dma_start3A_2231] : memref<33x8x128xf32, #tpu.memory_space<vmem>> -> memref<1x8x128xf32, #tpu.memory_space<vmem>>
        %dma_start3A_2233 = tpu.memref_squeeze %dma_start3A_2232 : memref<1x8x128xf32, #tpu.memory_space<vmem>> -> memref<8x128xf32, #tpu.memory_space<vmem>>
        %dma_start3A_2234 = arith.constant 0 : i32
        %dma_start3A_2235 = tpu.memref_slice %arg2[%arg0, %dma_start3A_2234, %multiple_of3A_2228] : memref<2x8x1000000xf32, #tpu.memory_space<hbm>> -> memref<1x8x128xf32, #tpu.memory_space<hbm>>
        %dma_start3A_2236 = tpu.memref_squeeze %dma_start3A_2235 : memref<1x8x128xf32, #tpu.memory_space<hbm>> -> memref<8x128xf32, #tpu.memory_space<hbm>>
        %dma_start3A_2237 = arith.constant 0 : i32
        %dma_start3A_2238 = arith.constant 0 : i32
        %dma_start3A_2239 = tpu.memref_slice %arg7[%dma_start3A_2229, %dma_start3A_2237, %dma_start3A_2238] : memref<33x8x128xf32, #tpu.memory_space<vmem>> -> memref<1x8x128xf32, #tpu.memory_space<vmem>>
        %dma_start3A_2240 = tpu.memref_squeeze %dma_start3A_2239 : memref<1x8x128xf32, #tpu.memory_space<vmem>> -> memref<8x128xf32, #tpu.memory_space<vmem>>
        %dma_start3A_2241 = arith.constant 0 : i32
        %dma_start3A_2242 = tpu.memref_slice %arg2[%arg0, %dma_start3A_2241, %multiple_of3A_2228] : memref<2x8x1000000xf32, #tpu.memory_space<hbm>> -> memref<1x8x128xf32, #tpu.memory_space<hbm>>
        %dma_start3A_2243 = tpu.memref_squeeze %dma_start3A_2242 : memref<1x8x128xf32, #tpu.memory_space<hbm>> -> memref<8x128xf32, #tpu.memory_space<hbm>>
        tpu.enqueue_dma source(%dma_start3A_2243 : memref<8x128xf32, #tpu.memory_space<hbm>>) target(%dma_start3A_2240 : memref<8x128xf32, #tpu.memory_space<vmem>>) target_semaphore(%arg9 : memref<!tpu.dma_semaphore, #tpu.memory_space<semaphore_mem>>)
      } else {
      }
      %mul3A_2180 = arith.constant 16 : i32
      %mul3A_2181 = arith.muli %scan3A_687, %mul3A_2180 : i32
      %mul3A_2182 = arith.constant 2 : i32
      %mul3A_2183 = arith.muli %mul3A_2181, %mul3A_2182 : i32
      %add3A_2184 = arith.constant 16 : i32
      %add3A_2185 = arith.addi %mul3A_2183, %add3A_2184 : i32
      %add3A_2186 = arith.constant 15 : i32
      %add3A_2187 = arith.addi %add3A_2185, %add3A_2186 : i32
      %dma_wait3A_2188 = arith.constant 31 : i32
      %dma_wait3A_2189 = arith.constant 0 : i32
      %dma_wait3A_2190 = arith.constant 0 : i32
      %dma_wait3A_2191 = tpu.memref_slice %arg7[%dma_wait3A_2188, %dma_wait3A_2189, %dma_wait3A_2190] : memref<33x8x128xf32, #tpu.memory_space<vmem>> -> memref<1x8x128xf32, #tpu.memory_space<vmem>>
      %dma_wait3A_2192 = tpu.memref_squeeze %dma_wait3A_2191 : memref<1x8x128xf32, #tpu.memory_space<vmem>> -> memref<8x128xf32, #tpu.memory_space<vmem>>
      %dma_wait3A_2193 = arith.constant 0 : i32
      %dma_wait3A_2194 = arith.constant 0 : i32
      %dma_wait3A_2195 = tpu.memref_slice %arg2[%arg0, %dma_wait3A_2193, %dma_wait3A_2194] : memref<2x8x1000000xf32, #tpu.memory_space<hbm>> -> memref<1x8x128xf32, #tpu.memory_space<hbm>>
      %dma_wait3A_2196 = tpu.memref_squeeze %dma_wait3A_2195 : memref<1x8x128xf32, #tpu.memory_space<hbm>> -> memref<8x128xf32, #tpu.memory_space<hbm>>
      %dma_wait3A_2197 = arith.constant 0 : i32
      %dma_wait3A_2198 = arith.constant 0 : i32
      %dma_wait3A_2199 = tpu.memref_slice %arg7[%dma_wait3A_2188, %dma_wait3A_2197, %dma_wait3A_2198] : memref<33x8x128xf32, #tpu.memory_space<vmem>> -> memref<1x8x128xf32, #tpu.memory_space<vmem>>
      %dma_wait3A_2200 = tpu.memref_squeeze %dma_wait3A_2199 : memref<1x8x128xf32, #tpu.memory_space<vmem>> -> memref<8x128xf32, #tpu.memory_space<vmem>>
      %dma_wait3A_2201 = arith.constant 0 : i32
      %dma_wait3A_2202 = arith.constant 0 : i32
      %dma_wait3A_2203 = tpu.memref_slice %arg2[%arg0, %dma_wait3A_2201, %dma_wait3A_2202] : memref<2x8x1000000xf32, #tpu.memory_space<hbm>> -> memref<1x8x128xf32, #tpu.memory_space<hbm>>
      %dma_wait3A_2204 = tpu.memref_squeeze %dma_wait3A_2203 : memref<1x8x128xf32, #tpu.memory_space<hbm>> -> memref<8x128xf32, #tpu.memory_space<hbm>>
      tpu.wait_dma2 semaphore(%arg9 : memref<!tpu.dma_semaphore, #tpu.memory_space<semaphore_mem>>) src(%dma_wait3A_2204 : memref<8x128xf32, #tpu.memory_space<hbm>>) dst(%dma_wait3A_2200 : memref<8x128xf32, #tpu.memory_space<vmem>>)
      %slice3A_2205 = vector.extract_strided_slice %scan3A_692 {offsets = [15], sizes = [1], strides = [1]} : vector<16xi32> to vector<1xi32>
      %squeeze3A_2206 = vector.extract %slice3A_2205[0] : i32 from vector<1xi32>
      %slice3A_2207 = vector.extract_strided_slice %scan3A_693 {offsets = [15], sizes = [1], strides = [1]} : vector<16xi32> to vector<1xi32>
      %squeeze3A_2208 = vector.extract %slice3A_2207[0] : i32 from vector<1xi32>
      %broadcast_in_dim3A_2209 = vector.broadcast %squeeze3A_2208 : i32 to vector<16xi32>
      %broadcast_in_dim3A_2210 = vector.broadcast %squeeze3A_2206 : i32 to vector<16xi32>
      %gather3A_2211 = tpu.vector_load_idx %arg7[%broadcast_in_dim3A_2209, %and3A_2, %broadcast_in_dim3A_2210] : memref<33x8x128xf32, #tpu.memory_space<vmem>>[vector<16xi32>, vector<16xi32>, vector<16xi32>], vector<16xf32>,
      %neg3A_2212 = arith.constant 0.000000e+00 : f32
      %neg3A_2213 = vector.broadcast %neg3A_2212 : f32 to vector<16xf32>
      %neg3A_2214 = arith.subf %neg3A_2213, %gather3A_2211 : vector<16xf32>
      %exp3A_2215 = math.exp %neg3A_2214 : vector<16xf32>
      %add3A_2216 = arith.constant 1.000000e+00 : f32
      %add3A_2217 = vector.broadcast %add3A_2216 : f32 to vector<16xf32>
      %add3A_2218 = arith.addf %add3A_2217, %exp3A_2215 : vector<16xf32>
      %div3A_2219 = arith.constant 1.000000e+00 : f32
      %div3A_2220 = vector.broadcast %div3A_2219 : f32 to vector<16xf32>
      %div3A_2221 = arith.divf %div3A_2220, %add3A_2218 : vector<16xf32>
      %broadcast_in_dim3A_2222 = vector.broadcast %add3A_2187 : i32 to vector<16xi32>
      tpu.vector_store_idx %arg8[%and3A_2, %broadcast_in_dim3A_2222], %div3A_2221 : memref<8x1024xf32, #tpu.memory_space<vmem>>[vector<16xi32>, vector<16xi32>], vector<16xf32>,
      %convert_element_type3A_2223 = arith.extui %lt3A_760 : i1 to i32
      %cond3A_2224 = arith.constant 0 : i32
      %cond3A_2225 = arith.cmpi ne, %convert_element_type3A_2223, %cond3A_2224 : i32
      scf.if %cond3A_2225 {
        %slice3A_2226 = vector.extract_strided_slice %mul3A_745 {offsets = [15], sizes = [1], strides = [1]} : vector<16xi32> to vector<1xi32>
        %squeeze3A_2227 = vector.extract %slice3A_2226[0] : i32 from vector<1xi32>
        %multiple_of3A_2228 = tpu.assume_multiple %squeeze3A_2227, 128 : i32
        %dma_start3A_2229 = arith.constant 31 : i32
        %dma_start3A_2230 = arith.constant 0 : i32
        %dma_start3A_2231 = arith.constant 0 : i32
        %dma_start3A_2232 = tpu.memref_slice %arg7[%dma_start3A_2229, %dma_start3A_2230, %dma_start3A_2231] : memref<33x8x128xf32, #tpu.memory_space<vmem>> -> memref<1x8x128xf32, #tpu.memory_space<vmem>>
        %dma_start3A_2233 = tpu.memref_squeeze %dma_start3A_2232 : memref<1x8x128xf32, #tpu.memory_space<vmem>> -> memref<8x128xf32, #tpu.memory_space<vmem>>
        %dma_start3A_2234 = arith.constant 0 : i32
        %dma_start3A_2235 = tpu.memref_slice %arg2[%arg0, %dma_start3A_2234, %multiple_of3A_2228] : memref<2x8x1000000xf32, #tpu.memory_space<hbm>> -> memref<1x8x128xf32, #tpu.memory_space<hbm>>
        %dma_start3A_2236 = tpu.memref_squeeze %dma_start3A_2235 : memref<1x8x128xf32, #tpu.memory_space<hbm>> -> memref<8x128xf32, #tpu.memory_space<hbm>>
        %dma_start3A_2237 = arith.constant 0 : i32
        %dma_start3A_2238 = arith.constant 0 : i32
        %dma_start3A_2239 = tpu.memref_slice %arg7[%dma_start3A_2229, %dma_start3A_2237, %dma_start3A_2238] : memref<33x8x128xf32, #tpu.memory_space<vmem>> -> memref<1x8x128xf32, #tpu.memory_space<vmem>>
        %dma_start3A_2240 = tpu.memref_squeeze %dma_start3A_2239 : memref<1x8x128xf32, #tpu.memory_space<vmem>> -> memref<8x128xf32, #tpu.memory_space<vmem>>
        %dma_start3A_2241 = arith.constant 0 : i32
        %dma_start3A_2242 = tpu.memref_slice %arg2[%arg0, %dma_start3A_2241, %multiple_of3A_2228] : memref<2x8x1000000xf32, #tpu.memory_space<hbm>> -> memref<1x8x128xf32, #tpu.memory_space<hbm>>
        %dma_start3A_2243 = tpu.memref_squeeze %dma_start3A_2242 : memref<1x8x128xf32, #tpu.memory_space<hbm>> -> memref<8x128xf32, #tpu.memory_space<hbm>>
        tpu.enqueue_dma source(%dma_start3A_2243 : memref<8x128xf32, #tpu.memory_space<hbm>>) target(%dma_start3A_2240 : memref<8x128xf32, #tpu.memory_space<vmem>>) target_semaphore(%arg9 : memref<!tpu.dma_semaphore, #tpu.memory_space<semaphore_mem>>)
      } else {
      }
      scf.yield %mul3A_717, %select_n3A_722, %select_n3A_729, %mul3A_745, %select_n3A_750, %select_n3A_757 : vector<16xi32>, vector<16xi32>, vector<16xi32>, vector<16xi32>, vector<16xi32>, vector<16xi32>
    }
    %scan3A_622 = arith.constant 32 : i32
    %mul3A_623 = arith.constant 8 : i32
    %mul3A_624 = arith.muli %arg0, %mul3A_623 : i32
    %add3A_625 = arith.constant 0 : i32
    %add3A_626 = arith.addi %mul3A_624, %add3A_625 : i32
    %mul3A_627 = arith.constant 16384 : i32
    %mul3A_628 = arith.muli %add3A_626, %mul3A_627 : i32
    %add3A_629 = arith.addi %mul3A_628, %mul3A_0 : i32
    %run_scoped3A_630 = arith.constant 0 : i32
    "tpu.region"() ({
      %run_scoped3A_687 = tpu.sem_alloc : memref<!tpu.dma_semaphore, #tpu.memory_space<semaphore_mem>>
      %dma_start3A_688 = arith.constant 0 : i32
      %dma_start3A_689 = tpu.memref_slice %arg8[%run_scoped3A_630, %dma_start3A_688] : memref<8x1024xf32, #tpu.memory_space<vmem>> -> memref<1x1024xf32, #tpu.memory_space<vmem>>
      %dma_start3A_690 = tpu.memref_squeeze %dma_start3A_689 : memref<1x1024xf32, #tpu.memory_space<vmem>> -> memref<1024xf32, #tpu.memory_space<vmem>>
      %dma_start3A_691 = tpu.memref_slice %arg5[%add3A_629] : memref<262144xf32, #tpu.memory_space<hbm>> -> memref<1024xf32, #tpu.memory_space<hbm>>
      %dma_start3A_692 = tpu.memref_slice %arg5[%add3A_629] : memref<262144xf32, #tpu.memory_space<hbm>> -> memref<1024xf32, #tpu.memory_space<hbm>>
      %dma_start3A_693 = arith.constant 0 : i32
      %dma_start3A_694 = tpu.memref_slice %arg8[%run_scoped3A_630, %dma_start3A_693] : memref<8x1024xf32, #tpu.memory_space<vmem>> -> memref<1x1024xf32, #tpu.memory_space<vmem>>
      %dma_start3A_695 = tpu.memref_squeeze %dma_start3A_694 : memref<1x1024xf32, #tpu.memory_space<vmem>> -> memref<1024xf32, #tpu.memory_space<vmem>>
      tpu.enqueue_dma source(%dma_start3A_695 : memref<1024xf32, #tpu.memory_space<vmem>>) target(%dma_start3A_692 : memref<1024xf32, #tpu.memory_space<hbm>>) target_semaphore(%run_scoped3A_687 : memref<!tpu.dma_semaphore, #tpu.memory_space<semaphore_mem>>)
      %dma_wait3A = arith.constant 0 : i32
      %dma_wait3A_696 = tpu.memref_slice %arg8[%run_scoped3A_630, %dma_wait3A] : memref<8x1024xf32, #tpu.memory_space<vmem>> -> memref<1x1024xf32, #tpu.memory_space<vmem>>
      %dma_wait3A_697 = tpu.memref_squeeze %dma_wait3A_696 : memref<1x1024xf32, #tpu.memory_space<vmem>> -> memref<1024xf32, #tpu.memory_space<vmem>>
      %dma_wait3A_698 = tpu.memref_slice %arg5[%add3A_629] : memref<262144xf32, #tpu.memory_space<hbm>> -> memref<1024xf32, #tpu.memory_space<hbm>>
      %dma_wait3A_699 = tpu.memref_slice %arg5[%add3A_629] : memref<262144xf32, #tpu.memory_space<hbm>> -> memref<1024xf32, #tpu.memory_space<hbm>>
      %dma_wait3A_700 = arith.constant 0 : i32
      %dma_wait3A_701 = tpu.memref_slice %arg8[%run_scoped3A_630, %dma_wait3A_700] : memref<8x1024xf32, #tpu.memory_space<vmem>> -> memref<1x1024xf32, #tpu.memory_space<vmem>>
      %dma_wait3A_702 = tpu.memref_squeeze %dma_wait3A_701 : memref<1x1024xf32, #tpu.memory_space<vmem>> -> memref<1024xf32, #tpu.memory_space<vmem>>
      tpu.wait_dma2 semaphore(%run_scoped3A_687 : memref<!tpu.dma_semaphore, #tpu.memory_space<semaphore_mem>>) src(%dma_wait3A_702 : memref<1024xf32, #tpu.memory_space<vmem>>) dst(%dma_wait3A_699 : memref<1024xf32, #tpu.memory_space<hbm>>)
      tpu.yield
    }) : () -> ()
    %mul3A_631 = arith.constant 8 : i32
    %mul3A_632 = arith.muli %arg0, %mul3A_631 : i32
    %add3A_633 = arith.constant 1 : i32
    %add3A_634 = arith.addi %mul3A_632, %add3A_633 : i32
    %mul3A_635 = arith.constant 16384 : i32
    %mul3A_636 = arith.muli %add3A_634, %mul3A_635 : i32
    %add3A_637 = arith.addi %mul3A_636, %mul3A_0 : i32
    %run_scoped3A_638 = arith.constant 1 : i32
    "tpu.region"() ({
      %run_scoped3A_687 = tpu.sem_alloc : memref<!tpu.dma_semaphore, #tpu.memory_space<semaphore_mem>>
      %dma_start3A_688 = arith.constant 0 : i32
      %dma_start3A_689 = tpu.memref_slice %arg8[%run_scoped3A_638, %dma_start3A_688] : memref<8x1024xf32, #tpu.memory_space<vmem>> -> memref<1x1024xf32, #tpu.memory_space<vmem>>
      %dma_start3A_690 = tpu.memref_squeeze %dma_start3A_689 : memref<1x1024xf32, #tpu.memory_space<vmem>> -> memref<1024xf32, #tpu.memory_space<vmem>>
      %dma_start3A_691 = tpu.memref_slice %arg5[%add3A_637] : memref<262144xf32, #tpu.memory_space<hbm>> -> memref<1024xf32, #tpu.memory_space<hbm>>
      %dma_start3A_692 = tpu.memref_slice %arg5[%add3A_637] : memref<262144xf32, #tpu.memory_space<hbm>> -> memref<1024xf32, #tpu.memory_space<hbm>>
      %dma_start3A_693 = arith.constant 0 : i32
      %dma_start3A_694 = tpu.memref_slice %arg8[%run_scoped3A_638, %dma_start3A_693] : memref<8x1024xf32, #tpu.memory_space<vmem>> -> memref<1x1024xf32, #tpu.memory_space<vmem>>
      %dma_start3A_695 = tpu.memref_squeeze %dma_start3A_694 : memref<1x1024xf32, #tpu.memory_space<vmem>> -> memref<1024xf32, #tpu.memory_space<vmem>>
      tpu.enqueue_dma source(%dma_start3A_695 : memref<1024xf32, #tpu.memory_space<vmem>>) target(%dma_start3A_692 : memref<1024xf32, #tpu.memory_space<hbm>>) target_semaphore(%run_scoped3A_687 : memref<!tpu.dma_semaphore, #tpu.memory_space<semaphore_mem>>)
      %dma_wait3A = arith.constant 0 : i32
      %dma_wait3A_696 = tpu.memref_slice %arg8[%run_scoped3A_638, %dma_wait3A] : memref<8x1024xf32, #tpu.memory_space<vmem>> -> memref<1x1024xf32, #tpu.memory_space<vmem>>
      %dma_wait3A_697 = tpu.memref_squeeze %dma_wait3A_696 : memref<1x1024xf32, #tpu.memory_space<vmem>> -> memref<1024xf32, #tpu.memory_space<vmem>>
      %dma_wait3A_698 = tpu.memref_slice %arg5[%add3A_637] : memref<262144xf32, #tpu.memory_space<hbm>> -> memref<1024xf32, #tpu.memory_space<hbm>>
      %dma_wait3A_699 = tpu.memref_slice %arg5[%add3A_637] : memref<262144xf32, #tpu.memory_space<hbm>> -> memref<1024xf32, #tpu.memory_space<hbm>>
      %dma_wait3A_700 = arith.constant 0 : i32
      %dma_wait3A_701 = tpu.memref_slice %arg8[%run_scoped3A_638, %dma_wait3A_700] : memref<8x1024xf32, #tpu.memory_space<vmem>> -> memref<1x1024xf32, #tpu.memory_space<vmem>>
      %dma_wait3A_702 = tpu.memref_squeeze %dma_wait3A_701 : memref<1x1024xf32, #tpu.memory_space<vmem>> -> memref<1024xf32, #tpu.memory_space<vmem>>
      tpu.wait_dma2 semaphore(%run_scoped3A_687 : memref<!tpu.dma_semaphore, #tpu.memory_space<semaphore_mem>>) src(%dma_wait3A_702 : memref<1024xf32, #tpu.memory_space<vmem>>) dst(%dma_wait3A_699 : memref<1024xf32, #tpu.memory_space<hbm>>)
      tpu.yield
    }) : () -> ()
    %mul3A_639 = arith.constant 8 : i32
    %mul3A_640 = arith.muli %arg0, %mul3A_639 : i32
    %add3A_641 = arith.constant 2 : i32
    %add3A_642 = arith.addi %mul3A_640, %add3A_641 : i32
    %mul3A_643 = arith.constant 16384 : i32
    %mul3A_644 = arith.muli %add3A_642, %mul3A_643 : i32
    %add3A_645 = arith.addi %mul3A_644, %mul3A_0 : i32
    %run_scoped3A_646 = arith.constant 2 : i32
    "tpu.region"() ({
      %run_scoped3A_687 = tpu.sem_alloc : memref<!tpu.dma_semaphore, #tpu.memory_space<semaphore_mem>>
      %dma_start3A_688 = arith.constant 0 : i32
      %dma_start3A_689 = tpu.memref_slice %arg8[%run_scoped3A_646, %dma_start3A_688] : memref<8x1024xf32, #tpu.memory_space<vmem>> -> memref<1x1024xf32, #tpu.memory_space<vmem>>
      %dma_start3A_690 = tpu.memref_squeeze %dma_start3A_689 : memref<1x1024xf32, #tpu.memory_space<vmem>> -> memref<1024xf32, #tpu.memory_space<vmem>>
      %dma_start3A_691 = tpu.memref_slice %arg5[%add3A_645] : memref<262144xf32, #tpu.memory_space<hbm>> -> memref<1024xf32, #tpu.memory_space<hbm>>
      %dma_start3A_692 = tpu.memref_slice %arg5[%add3A_645] : memref<262144xf32, #tpu.memory_space<hbm>> -> memref<1024xf32, #tpu.memory_space<hbm>>
      %dma_start3A_693 = arith.constant 0 : i32
      %dma_start3A_694 = tpu.memref_slice %arg8[%run_scoped3A_646, %dma_start3A_693] : memref<8x1024xf32, #tpu.memory_space<vmem>> -> memref<1x1024xf32, #tpu.memory_space<vmem>>
      %dma_start3A_695 = tpu.memref_squeeze %dma_start3A_694 : memref<1x1024xf32, #tpu.memory_space<vmem>> -> memref<1024xf32, #tpu.memory_space<vmem>>
      tpu.enqueue_dma source(%dma_start3A_695 : memref<1024xf32, #tpu.memory_space<vmem>>) target(%dma_start3A_692 : memref<1024xf32, #tpu.memory_space<hbm>>) target_semaphore(%run_scoped3A_687 : memref<!tpu.dma_semaphore, #tpu.memory_space<semaphore_mem>>)
      %dma_wait3A = arith.constant 0 : i32
      %dma_wait3A_696 = tpu.memref_slice %arg8[%run_scoped3A_646, %dma_wait3A] : memref<8x1024xf32, #tpu.memory_space<vmem>> -> memref<1x1024xf32, #tpu.memory_space<vmem>>
      %dma_wait3A_697 = tpu.memref_squeeze %dma_wait3A_696 : memref<1x1024xf32, #tpu.memory_space<vmem>> -> memref<1024xf32, #tpu.memory_space<vmem>>
      %dma_wait3A_698 = tpu.memref_slice %arg5[%add3A_645] : memref<262144xf32, #tpu.memory_space<hbm>> -> memref<1024xf32, #tpu.memory_space<hbm>>
      %dma_wait3A_699 = tpu.memref_slice %arg5[%add3A_645] : memref<262144xf32, #tpu.memory_space<hbm>> -> memref<1024xf32, #tpu.memory_space<hbm>>
      %dma_wait3A_700 = arith.constant 0 : i32
      %dma_wait3A_701 = tpu.memref_slice %arg8[%run_scoped3A_646, %dma_wait3A_700] : memref<8x1024xf32, #tpu.memory_space<vmem>> -> memref<1x1024xf32, #tpu.memory_space<vmem>>
      %dma_wait3A_702 = tpu.memref_squeeze %dma_wait3A_701 : memref<1x1024xf32, #tpu.memory_space<vmem>> -> memref<1024xf32, #tpu.memory_space<vmem>>
      tpu.wait_dma2 semaphore(%run_scoped3A_687 : memref<!tpu.dma_semaphore, #tpu.memory_space<semaphore_mem>>) src(%dma_wait3A_702 : memref<1024xf32, #tpu.memory_space<vmem>>) dst(%dma_wait3A_699 : memref<1024xf32, #tpu.memory_space<hbm>>)
      tpu.yield
    }) : () -> ()
    %mul3A_647 = arith.constant 8 : i32
    %mul3A_648 = arith.muli %arg0, %mul3A_647 : i32
    %add3A_649 = arith.constant 3 : i32
    %add3A_650 = arith.addi %mul3A_648, %add3A_649 : i32
    %mul3A_651 = arith.constant 16384 : i32
    %mul3A_652 = arith.muli %add3A_650, %mul3A_651 : i32
    %add3A_653 = arith.addi %mul3A_652, %mul3A_0 : i32
    %run_scoped3A_654 = arith.constant 3 : i32
    "tpu.region"() ({
      %run_scoped3A_687 = tpu.sem_alloc : memref<!tpu.dma_semaphore, #tpu.memory_space<semaphore_mem>>
      %dma_start3A_688 = arith.constant 0 : i32
      %dma_start3A_689 = tpu.memref_slice %arg8[%run_scoped3A_654, %dma_start3A_688] : memref<8x1024xf32, #tpu.memory_space<vmem>> -> memref<1x1024xf32, #tpu.memory_space<vmem>>
      %dma_start3A_690 = tpu.memref_squeeze %dma_start3A_689 : memref<1x1024xf32, #tpu.memory_space<vmem>> -> memref<1024xf32, #tpu.memory_space<vmem>>
      %dma_start3A_691 = tpu.memref_slice %arg5[%add3A_653] : memref<262144xf32, #tpu.memory_space<hbm>> -> memref<1024xf32, #tpu.memory_space<hbm>>
      %dma_start3A_692 = tpu.memref_slice %arg5[%add3A_653] : memref<262144xf32, #tpu.memory_space<hbm>> -> memref<1024xf32, #tpu.memory_space<hbm>>
      %dma_start3A_693 = arith.constant 0 : i32
      %dma_start3A_694 = tpu.memref_slice %arg8[%run_scoped3A_654, %dma_start3A_693] : memref<8x1024xf32, #tpu.memory_space<vmem>> -> memref<1x1024xf32, #tpu.memory_space<vmem>>
      %dma_start3A_695 = tpu.memref_squeeze %dma_start3A_694 : memref<1x1024xf32, #tpu.memory_space<vmem>> -> memref<1024xf32, #tpu.memory_space<vmem>>
      tpu.enqueue_dma source(%dma_start3A_695 : memref<1024xf32, #tpu.memory_space<vmem>>) target(%dma_start3A_692 : memref<1024xf32, #tpu.memory_space<hbm>>) target_semaphore(%run_scoped3A_687 : memref<!tpu.dma_semaphore, #tpu.memory_space<semaphore_mem>>)
      %dma_wait3A = arith.constant 0 : i32
      %dma_wait3A_696 = tpu.memref_slice %arg8[%run_scoped3A_654, %dma_wait3A] : memref<8x1024xf32, #tpu.memory_space<vmem>> -> memref<1x1024xf32, #tpu.memory_space<vmem>>
      %dma_wait3A_697 = tpu.memref_squeeze %dma_wait3A_696 : memref<1x1024xf32, #tpu.memory_space<vmem>> -> memref<1024xf32, #tpu.memory_space<vmem>>
      %dma_wait3A_698 = tpu.memref_slice %arg5[%add3A_653] : memref<262144xf32, #tpu.memory_space<hbm>> -> memref<1024xf32, #tpu.memory_space<hbm>>
      %dma_wait3A_699 = tpu.memref_slice %arg5[%add3A_653] : memref<262144xf32, #tpu.memory_space<hbm>> -> memref<1024xf32, #tpu.memory_space<hbm>>
      %dma_wait3A_700 = arith.constant 0 : i32
      %dma_wait3A_701 = tpu.memref_slice %arg8[%run_scoped3A_654, %dma_wait3A_700] : memref<8x1024xf32, #tpu.memory_space<vmem>> -> memref<1x1024xf32, #tpu.memory_space<vmem>>
      %dma_wait3A_702 = tpu.memref_squeeze %dma_wait3A_701 : memref<1x1024xf32, #tpu.memory_space<vmem>> -> memref<1024xf32, #tpu.memory_space<vmem>>
      tpu.wait_dma2 semaphore(%run_scoped3A_687 : memref<!tpu.dma_semaphore, #tpu.memory_space<semaphore_mem>>) src(%dma_wait3A_702 : memref<1024xf32, #tpu.memory_space<vmem>>) dst(%dma_wait3A_699 : memref<1024xf32, #tpu.memory_space<hbm>>)
      tpu.yield
    }) : () -> ()
    %mul3A_655 = arith.constant 8 : i32
    %mul3A_656 = arith.muli %arg0, %mul3A_655 : i32
    %add3A_657 = arith.constant 4 : i32
    %add3A_658 = arith.addi %mul3A_656, %add3A_657 : i32
    %mul3A_659 = arith.constant 16384 : i32
    %mul3A_660 = arith.muli %add3A_658, %mul3A_659 : i32
    %add3A_661 = arith.addi %mul3A_660, %mul3A_0 : i32
    %run_scoped3A_662 = arith.constant 4 : i32
    "tpu.region"() ({
      %run_scoped3A_687 = tpu.sem_alloc : memref<!tpu.dma_semaphore, #tpu.memory_space<semaphore_mem>>
      %dma_start3A_688 = arith.constant 0 : i32
      %dma_start3A_689 = tpu.memref_slice %arg8[%run_scoped3A_662, %dma_start3A_688] : memref<8x1024xf32, #tpu.memory_space<vmem>> -> memref<1x1024xf32, #tpu.memory_space<vmem>>
      %dma_start3A_690 = tpu.memref_squeeze %dma_start3A_689 : memref<1x1024xf32, #tpu.memory_space<vmem>> -> memref<1024xf32, #tpu.memory_space<vmem>>
      %dma_start3A_691 = tpu.memref_slice %arg5[%add3A_661] : memref<262144xf32, #tpu.memory_space<hbm>> -> memref<1024xf32, #tpu.memory_space<hbm>>
      %dma_start3A_692 = tpu.memref_slice %arg5[%add3A_661] : memref<262144xf32, #tpu.memory_space<hbm>> -> memref<1024xf32, #tpu.memory_space<hbm>>
      %dma_start3A_693 = arith.constant 0 : i32
      %dma_start3A_694 = tpu.memref_slice %arg8[%run_scoped3A_662, %dma_start3A_693] : memref<8x1024xf32, #tpu.memory_space<vmem>> -> memref<1x1024xf32, #tpu.memory_space<vmem>>
      %dma_start3A_695 = tpu.memref_squeeze %dma_start3A_694 : memref<1x1024xf32, #tpu.memory_space<vmem>> -> memref<1024xf32, #tpu.memory_space<vmem>>
      tpu.enqueue_dma source(%dma_start3A_695 : memref<1024xf32, #tpu.memory_space<vmem>>) target(%dma_start3A_692 : memref<1024xf32, #tpu.memory_space<hbm>>) target_semaphore(%run_scoped3A_687 : memref<!tpu.dma_semaphore, #tpu.memory_space<semaphore_mem>>)
      %dma_wait3A = arith.constant 0 : i32
      %dma_wait3A_696 = tpu.memref_slice %arg8[%run_scoped3A_662, %dma_wait3A] : memref<8x1024xf32, #tpu.memory_space<vmem>> -> memref<1x1024xf32, #tpu.memory_space<vmem>>
      %dma_wait3A_697 = tpu.memref_squeeze %dma_wait3A_696 : memref<1x1024xf32, #tpu.memory_space<vmem>> -> memref<1024xf32, #tpu.memory_space<vmem>>
      %dma_wait3A_698 = tpu.memref_slice %arg5[%add3A_661] : memref<262144xf32, #tpu.memory_space<hbm>> -> memref<1024xf32, #tpu.memory_space<hbm>>
      %dma_wait3A_699 = tpu.memref_slice %arg5[%add3A_661] : memref<262144xf32, #tpu.memory_space<hbm>> -> memref<1024xf32, #tpu.memory_space<hbm>>
      %dma_wait3A_700 = arith.constant 0 : i32
      %dma_wait3A_701 = tpu.memref_slice %arg8[%run_scoped3A_662, %dma_wait3A_700] : memref<8x1024xf32, #tpu.memory_space<vmem>> -> memref<1x1024xf32, #tpu.memory_space<vmem>>
      %dma_wait3A_702 = tpu.memref_squeeze %dma_wait3A_701 : memref<1x1024xf32, #tpu.memory_space<vmem>> -> memref<1024xf32, #tpu.memory_space<vmem>>
      tpu.wait_dma2 semaphore(%run_scoped3A_687 : memref<!tpu.dma_semaphore, #tpu.memory_space<semaphore_mem>>) src(%dma_wait3A_702 : memref<1024xf32, #tpu.memory_space<vmem>>) dst(%dma_wait3A_699 : memref<1024xf32, #tpu.memory_space<hbm>>)
      tpu.yield
    }) : () -> ()
    %mul3A_663 = arith.constant 8 : i32
    %mul3A_664 = arith.muli %arg0, %mul3A_663 : i32
    %add3A_665 = arith.constant 5 : i32
    %add3A_666 = arith.addi %mul3A_664, %add3A_665 : i32
    %mul3A_667 = arith.constant 16384 : i32
    %mul3A_668 = arith.muli %add3A_666, %mul3A_667 : i32
    %add3A_669 = arith.addi %mul3A_668, %mul3A_0 : i32
    %run_scoped3A_670 = arith.constant 5 : i32
    "tpu.region"() ({
      %run_scoped3A_687 = tpu.sem_alloc : memref<!tpu.dma_semaphore, #tpu.memory_space<semaphore_mem>>
      %dma_start3A_688 = arith.constant 0 : i32
      %dma_start3A_689 = tpu.memref_slice %arg8[%run_scoped3A_670, %dma_start3A_688] : memref<8x1024xf32, #tpu.memory_space<vmem>> -> memref<1x1024xf32, #tpu.memory_space<vmem>>
      %dma_start3A_690 = tpu.memref_squeeze %dma_start3A_689 : memref<1x1024xf32, #tpu.memory_space<vmem>> -> memref<1024xf32, #tpu.memory_space<vmem>>
      %dma_start3A_691 = tpu.memref_slice %arg5[%add3A_669] : memref<262144xf32, #tpu.memory_space<hbm>> -> memref<1024xf32, #tpu.memory_space<hbm>>
      %dma_start3A_692 = tpu.memref_slice %arg5[%add3A_669] : memref<262144xf32, #tpu.memory_space<hbm>> -> memref<1024xf32, #tpu.memory_space<hbm>>
      %dma_start3A_693 = arith.constant 0 : i32
      %dma_start3A_694 = tpu.memref_slice %arg8[%run_scoped3A_670, %dma_start3A_693] : memref<8x1024xf32, #tpu.memory_space<vmem>> -> memref<1x1024xf32, #tpu.memory_space<vmem>>
      %dma_start3A_695 = tpu.memref_squeeze %dma_start3A_694 : memref<1x1024xf32, #tpu.memory_space<vmem>> -> memref<1024xf32, #tpu.memory_space<vmem>>
      tpu.enqueue_dma source(%dma_start3A_695 : memref<1024xf32, #tpu.memory_space<vmem>>) target(%dma_start3A_692 : memref<1024xf32, #tpu.memory_space<hbm>>) target_semaphore(%run_scoped3A_687 : memref<!tpu.dma_semaphore, #tpu.memory_space<semaphore_mem>>)
      %dma_wait3A = arith.constant 0 : i32
      %dma_wait3A_696 = tpu.memref_slice %arg8[%run_scoped3A_670, %dma_wait3A] : memref<8x1024xf32, #tpu.memory_space<vmem>> -> memref<1x1024xf32, #tpu.memory_space<vmem>>
      %dma_wait3A_697 = tpu.memref_squeeze %dma_wait3A_696 : memref<1x1024xf32, #tpu.memory_space<vmem>> -> memref<1024xf32, #tpu.memory_space<vmem>>
      %dma_wait3A_698 = tpu.memref_slice %arg5[%add3A_669] : memref<262144xf32, #tpu.memory_space<hbm>> -> memref<1024xf32, #tpu.memory_space<hbm>>
      %dma_wait3A_699 = tpu.memref_slice %arg5[%add3A_669] : memref<262144xf32, #tpu.memory_space<hbm>> -> memref<1024xf32, #tpu.memory_space<hbm>>
      %dma_wait3A_700 = arith.constant 0 : i32
      %dma_wait3A_701 = tpu.memref_slice %arg8[%run_scoped3A_670, %dma_wait3A_700] : memref<8x1024xf32, #tpu.memory_space<vmem>> -> memref<1x1024xf32, #tpu.memory_space<vmem>>
      %dma_wait3A_702 = tpu.memref_squeeze %dma_wait3A_701 : memref<1x1024xf32, #tpu.memory_space<vmem>> -> memref<1024xf32, #tpu.memory_space<vmem>>
      tpu.wait_dma2 semaphore(%run_scoped3A_687 : memref<!tpu.dma_semaphore, #tpu.memory_space<semaphore_mem>>) src(%dma_wait3A_702 : memref<1024xf32, #tpu.memory_space<vmem>>) dst(%dma_wait3A_699 : memref<1024xf32, #tpu.memory_space<hbm>>)
      tpu.yield
    }) : () -> ()
    %mul3A_671 = arith.constant 8 : i32
    %mul3A_672 = arith.muli %arg0, %mul3A_671 : i32
    %add3A_673 = arith.constant 6 : i32
    %add3A_674 = arith.addi %mul3A_672, %add3A_673 : i32
    %mul3A_675 = arith.constant 16384 : i32
    %mul3A_676 = arith.muli %add3A_674, %mul3A_675 : i32
    %add3A_677 = arith.addi %mul3A_676, %mul3A_0 : i32
    %run_scoped3A_678 = arith.constant 6 : i32
    "tpu.region"() ({
      %run_scoped3A_687 = tpu.sem_alloc : memref<!tpu.dma_semaphore, #tpu.memory_space<semaphore_mem>>
      %dma_start3A_688 = arith.constant 0 : i32
      %dma_start3A_689 = tpu.memref_slice %arg8[%run_scoped3A_678, %dma_start3A_688] : memref<8x1024xf32, #tpu.memory_space<vmem>> -> memref<1x1024xf32, #tpu.memory_space<vmem>>
      %dma_start3A_690 = tpu.memref_squeeze %dma_start3A_689 : memref<1x1024xf32, #tpu.memory_space<vmem>> -> memref<1024xf32, #tpu.memory_space<vmem>>
      %dma_start3A_691 = tpu.memref_slice %arg5[%add3A_677] : memref<262144xf32, #tpu.memory_space<hbm>> -> memref<1024xf32, #tpu.memory_space<hbm>>
      %dma_start3A_692 = tpu.memref_slice %arg5[%add3A_677] : memref<262144xf32, #tpu.memory_space<hbm>> -> memref<1024xf32, #tpu.memory_space<hbm>>
      %dma_start3A_693 = arith.constant 0 : i32
      %dma_start3A_694 = tpu.memref_slice %arg8[%run_scoped3A_678, %dma_start3A_693] : memref<8x1024xf32, #tpu.memory_space<vmem>> -> memref<1x1024xf32, #tpu.memory_space<vmem>>
      %dma_start3A_695 = tpu.memref_squeeze %dma_start3A_694 : memref<1x1024xf32, #tpu.memory_space<vmem>> -> memref<1024xf32, #tpu.memory_space<vmem>>
      tpu.enqueue_dma source(%dma_start3A_695 : memref<1024xf32, #tpu.memory_space<vmem>>) target(%dma_start3A_692 : memref<1024xf32, #tpu.memory_space<hbm>>) target_semaphore(%run_scoped3A_687 : memref<!tpu.dma_semaphore, #tpu.memory_space<semaphore_mem>>)
      %dma_wait3A = arith.constant 0 : i32
      %dma_wait3A_696 = tpu.memref_slice %arg8[%run_scoped3A_678, %dma_wait3A] : memref<8x1024xf32, #tpu.memory_space<vmem>> -> memref<1x1024xf32, #tpu.memory_space<vmem>>
      %dma_wait3A_697 = tpu.memref_squeeze %dma_wait3A_696 : memref<1x1024xf32, #tpu.memory_space<vmem>> -> memref<1024xf32, #tpu.memory_space<vmem>>
      %dma_wait3A_698 = tpu.memref_slice %arg5[%add3A_677] : memref<262144xf32, #tpu.memory_space<hbm>> -> memref<1024xf32, #tpu.memory_space<hbm>>
      %dma_wait3A_699 = tpu.memref_slice %arg5[%add3A_677] : memref<262144xf32, #tpu.memory_space<hbm>> -> memref<1024xf32, #tpu.memory_space<hbm>>
      %dma_wait3A_700 = arith.constant 0 : i32
      %dma_wait3A_701 = tpu.memref_slice %arg8[%run_scoped3A_678, %dma_wait3A_700] : memref<8x1024xf32, #tpu.memory_space<vmem>> -> memref<1x1024xf32, #tpu.memory_space<vmem>>
      %dma_wait3A_702 = tpu.memref_squeeze %dma_wait3A_701 : memref<1x1024xf32, #tpu.memory_space<vmem>> -> memref<1024xf32, #tpu.memory_space<vmem>>
      tpu.wait_dma2 semaphore(%run_scoped3A_687 : memref<!tpu.dma_semaphore, #tpu.memory_space<semaphore_mem>>) src(%dma_wait3A_702 : memref<1024xf32, #tpu.memory_space<vmem>>) dst(%dma_wait3A_699 : memref<1024xf32, #tpu.memory_space<hbm>>)
      tpu.yield
    }) : () -> ()
    %mul3A_679 = arith.constant 8 : i32
    %mul3A_680 = arith.muli %arg0, %mul3A_679 : i32
    %add3A_681 = arith.constant 7 : i32
    %add3A_682 = arith.addi %mul3A_680, %add3A_681 : i32
    %mul3A_683 = arith.constant 16384 : i32
    %mul3A_684 = arith.muli %add3A_682, %mul3A_683 : i32
    %add3A_685 = arith.addi %mul3A_684, %mul3A_0 : i32
    %run_scoped3A_686 = arith.constant 7 : i32
    "tpu.region"() ({
      %run_scoped3A_687 = tpu.sem_alloc : memref<!tpu.dma_semaphore, #tpu.memory_space<semaphore_mem>>
      %dma_start3A_688 = arith.constant 0 : i32
      %dma_start3A_689 = tpu.memref_slice %arg8[%run_scoped3A_686, %dma_start3A_688] : memref<8x1024xf32, #tpu.memory_space<vmem>> -> memref<1x1024xf32, #tpu.memory_space<vmem>>
      %dma_start3A_690 = tpu.memref_squeeze %dma_start3A_689 : memref<1x1024xf32, #tpu.memory_space<vmem>> -> memref<1024xf32, #tpu.memory_space<vmem>>
      %dma_start3A_691 = tpu.memref_slice %arg5[%add3A_685] : memref<262144xf32, #tpu.memory_space<hbm>> -> memref<1024xf32, #tpu.memory_space<hbm>>
      %dma_start3A_692 = tpu.memref_slice %arg5[%add3A_685] : memref<262144xf32, #tpu.memory_space<hbm>> -> memref<1024xf32, #tpu.memory_space<hbm>>
      %dma_start3A_693 = arith.constant 0 : i32
      %dma_start3A_694 = tpu.memref_slice %arg8[%run_scoped3A_686, %dma_start3A_693] : memref<8x1024xf32, #tpu.memory_space<vmem>> -> memref<1x1024xf32, #tpu.memory_space<vmem>>
      %dma_start3A_695 = tpu.memref_squeeze %dma_start3A_694 : memref<1x1024xf32, #tpu.memory_space<vmem>> -> memref<1024xf32, #tpu.memory_space<vmem>>
      tpu.enqueue_dma source(%dma_start3A_695 : memref<1024xf32, #tpu.memory_space<vmem>>) target(%dma_start3A_692 : memref<1024xf32, #tpu.memory_space<hbm>>) target_semaphore(%run_scoped3A_687 : memref<!tpu.dma_semaphore, #tpu.memory_space<semaphore_mem>>)
      %dma_wait3A = arith.constant 0 : i32
      %dma_wait3A_696 = tpu.memref_slice %arg8[%run_scoped3A_686, %dma_wait3A] : memref<8x1024xf32, #tpu.memory_space<vmem>> -> memref<1x1024xf32, #tpu.memory_space<vmem>>
      %dma_wait3A_697 = tpu.memref_squeeze %dma_wait3A_696 : memref<1x1024xf32, #tpu.memory_space<vmem>> -> memref<1024xf32, #tpu.memory_space<vmem>>
      %dma_wait3A_698 = tpu.memref_slice %arg5[%add3A_685] : memref<262144xf32, #tpu.memory_space<hbm>> -> memref<1024xf32, #tpu.memory_space<hbm>>
      %dma_wait3A_699 = tpu.memref_slice %arg5[%add3A_685] : memref<262144xf32, #tpu.memory_space<hbm>> -> memref<1024xf32, #tpu.memory_space<hbm>>
      %dma_wait3A_700 = arith.constant 0 : i32
      %dma_wait3A_701 = tpu.memref_slice %arg8[%run_scoped3A_686, %dma_wait3A_700] : memref<8x1024xf32, #tpu.memory_space<vmem>> -> memref<1x1024xf32, #tpu.memory_space<vmem>>
      %dma_wait3A_702 = tpu.memref_squeeze %dma_wait3A_701 : memref<1x1024xf32, #tpu.memory_space<vmem>> -> memref<1024xf32, #tpu.memory_space<vmem>>
      tpu.wait_dma2 semaphore(%run_scoped3A_687 : memref<!tpu.dma_semaphore, #tpu.memory_space<semaphore_mem>>) src(%dma_wait3A_702 : memref<1024xf32, #tpu.memory_space<vmem>>) dst(%dma_wait3A_699 : memref<1024xf32, #tpu.memory_space<hbm>>)
      tpu.yield
    }) : () -> ()
    return
  }
}

</mosaic_0001>

<sc_bundles>
// kernel: kernel.3.cloned.1.call-start
scs
__scs_entry_jumppad:
0x0: {  	(pc) =	sbr.rel $0x88, $3  }
0x1: {  	(tag) =	ssettag $0x0;
	lr =	simm.s32 $0x1  }
0x2: {  	[smem:$0x3F9F] =	sst lr;
	_ =	strace $0xD0000000  }
0x3: {  	_ = 	snop  }
0x4: {  	_ = 	snop  }
0x5: {  	_ = 	snop  }
0x6: {  	_ = 	snop  }
0x7: {  	_ = 	snop  }
__scs_overlays_trampoline_lowered:
0x8: {  	[smem:$0x3FAE] =	sst s0  }
0x9: {  	[smem:$0x3FAF] =	sst s1  }
0xa: {  	[smem:$0x3FB0] =	sst s2  }
0xb: {  	[smem:$0x3FB1] =	sst s3  }
0xc: {  	[smem:$0x3FB2] =	sst s4  }
0xd: {  	[smem:$0x3FB3] =	sst s5  }
0xe: {  	[smem:$0x3FB4] =	sst s6  }
0xf: {  	[smem:$0x3FB5] =	sst s7  }
0x10: {  	[smem:$0x3FB6] =	sst s8  }
0x11: {  	[smem:$0x3FB7] =	sst s9;
	s0 =	simm.s32 @!p0 $0x0  }
0x12: {  	s1 =	sld [smem:$0x3F9D];
	s0 =	simm.s32 @p0 $0x1  }
0x13: {  	[smem:$0x3FB8] =	sst s0;
	s0 =	simm.s32 @!p1 $0x0  }
0x14: {  	s2 =	sld [smem:$0x3F9C];
	s0 =	simm.s32 @p1 $0x1  }
0x15: {  	[smem:$0x3FB9] =	sst s0;
	s0 =	simm.s32 @!p2 $0x0  }
0x16: {  	s3 =	sld [smem:$0x3FDB];
	s0 =	simm.s32 @p2 $0x1  }
0x17: {  	s4 =	simm.s32 $0x1BF5;
	[smem:$0x3FBB] =	sst s0  }
0x18: {  	s0 =	sld [smem:$0x3F9E];
	_ =	swait.ge [sflag:s4], $0x0  }
0x19: {  	s7 =	sld [smem:$0x3F9F]  }
0x1a: {  	s8 =	sadd.s32 $0xFFFFE003, lr  }
0x1b: {  	s9 =	sadd.s32 $0xFFFFFEF7, lr;
	s5 =	simm.s32 $0xFFFFFFFF;
	p2 =	slt.u32 s8, $0xFFFFF086  }
0x1c: {  	p1 =	slt.u32 s9, $0xF7A;
	s5 =	simm.s32 @!p2 $0x0  }
0x1d: {  	s5 =	simm.s32 @p1 $0x1;
	p0 =	seq.s32 s7, s2  }
0x1e: {  	s7 =	smul.u32 @!p0 $0xF7A, s2;
	p2 =	seq.s32 @!p0 s5, $0x0  }
0x1f: {  	s9 =	smul.u32 $0xF7A, s1;
	s8 =	simm.s32 @!p0 $0x1BF5;
	p2 =	por !p2, p0  }
0x20: {  	[sflag:s8] =	ssyncset.s32 @!p0 $0xFFFFF086;
	s6 =	sadd.s32 @!p0 s3, s7;
	s7 =	simm.s32 @!p0 $0x108  }
0x21: {  	s3 =	sadd.s32 s3, s9;
	s6 =	sadd.s32 @!p0 $0x88, s6;
	s7 =	simm.s32 @p2 $0x1082  }
0x22: {  	[simem:s7], [sflag:s8] =	dma.local @!p0 [hbm:s6], $0xF7A  }
0x23: {  	s9 =	sor.u32 $0xD0000000, s2;
	s6 =	simm.s32 $0x108;
	_ =	swait.ge @!p0 [sflag:s8], $0x0  }
0x24: {  	s3 =	sadd.s32 $0x88, s3;
	s6 =	simm.s32 @!p1 $0x1082;
	[sflag:s4] =	ssyncset.s32 $0xFFFFF086  }
0x25: {  	[simem:s6], [sflag:s4] =	dma.local [hbm:s3], $0xF7A  }
0x26: {  	[smem:$0x3F9F] =	sst s1;
	(tag) =	ssettag s2;
	_ =	strace s9  }
0x27: {  	s1 =	sld [smem:$0x3FAF]  }
0x28: {  	s2 =	sld [smem:$0x3FB0]  }
0x29: {  	s4 =	sld [smem:$0x3FB2]  }
0x2a: {  	p0 =	seq.s32 s5, $0x0;
	s5 =	sld [smem:$0x3FB3]  }
0x2b: {  	s6 =	sld [smem:$0x3FB4]  }
0x2c: {  	s7 =	sld [smem:$0x3FB5]  }
0x2d: {  	s3 =	simm.s32 $0x108;
	s8 =	sld [smem:$0x3FB6]  }
0x2e: {  	s3 =	simm.s32 @!p0 $0x1082;
	s9 =	sld [smem:$0x3FB7]  }
0x2f: {  	lr =	sadd.s32 s0, s3;
	s0 =	sld [smem:$0x3FAE]  }
0x30: {  	s3 =	sld [smem:$0x3FB1]  }
0x31: {  	[smem:$0x3FBA] =	sst s10  }
0x32: {  	s10 =	sld [smem:$0x3FB8];
	_ =	sdelay $0x3  }
0x33: {  	p0 =	seq.s32 s10, $0x1;
	s10 =	sld [smem:$0x3FBA];
	_ =	sdelay $0x3  }
0x34: {  	[smem:$0x3FBA] =	sst s10  }
0x35: {  	s10 =	sld [smem:$0x3FB9];
	_ =	sdelay $0x3  }
0x36: {  	p1 =	seq.s32 s10, $0x1;
	s10 =	sld [smem:$0x3FBA];
	_ =	sdelay $0x3  }
0x37: {  	[smem:$0x3FBA] =	sst s10  }
0x38: {  	s10 =	sld [smem:$0x3FBB]  }
0x39: {  	_ = 	snop;
	(pc) =	sbr.ind lr, $3  }
0x3a: {  	_ = 	snop  }
0x3b: {  	_ = 	snop  }
0x3c: {  	p2 =	seq.s32 s10, $0x1;
	s10 =	sld [smem:$0x3FBA]  }
0x3d: {  	_ =	shalt  }
0x3e: {  	_ =	shalt  }
0x3f: {  	_ =	shalt  }
0x40: {  	_ =	shalt  }
0x41: {  	_ =	shalt  }
0x42: {  	_ =	shalt  }
0x43: {  	_ =	shalt  }
0x44: {  	_ =	shalt  }
0x45: {  	_ =	shalt  }
0x46: {  	_ =	shalt  }
0x47: {  	_ =	shalt  }
0x48: {  	_ =	shalt  }
0x49: {  	_ =	shalt  }
0x4a: {  	_ =	shalt  }
0x4b: {  	_ =	shalt  }
0x4c: {  	_ =	shalt  }
0x4d: {  	_ =	shalt  }
0x4e: {  	_ =	shalt  }
0x4f: {  	_ =	shalt  }
0x50: {  	_ =	shalt  }
0x51: {  	_ =	shalt  }
0x52: {  	_ =	shalt  }
0x53: {  	_ =	shalt  }
0x54: {  	_ =	shalt  }
0x55: {  	_ =	shalt  }
0x56: {  	_ =	shalt  }
0x57: {  	_ =	shalt  }
0x58: {  	_ =	shalt  }
0x59: {  	_ =	shalt  }
0x5a: {  	_ =	shalt  }
0x5b: {  	_ =	shalt  }
0x5c: {  	_ =	shalt  }
0x5d: {  	_ =	shalt  }
0x5e: {  	_ =	shalt  }
0x5f: {  	_ =	shalt  }
0x60: {  	_ =	shalt  }
0x61: {  	_ =	shalt  }
0x62: {  	_ =	shalt  }
0x63: {  	_ =	shalt  }
0x64: {  	_ =	shalt  }
0x65: {  	_ =	shalt  }
0x66: {  	_ =	shalt  }
0x67: {  	_ =	shalt  }
0x68: {  	_ =	shalt  }
0x69: {  	_ =	shalt  }
0x6a: {  	_ =	shalt  }
0x6b: {  	_ =	shalt  }
0x6c: {  	_ =	shalt  }
0x6d: {  	_ =	shalt  }
0x6e: {  	_ =	shalt  }
0x6f: {  	_ =	shalt  }
0x70: {  	_ =	shalt  }
0x71: {  	_ =	shalt  }
0x72: {  	_ =	shalt  }
0x73: {  	_ =	shalt  }
0x74: {  	_ =	shalt  }
0x75: {  	_ =	shalt  }
0x76: {  	_ =	shalt  }
0x77: {  	_ =	shalt  }
0x78: {  	_ =	shalt  }
0x79: {  	_ =	shalt  }
0x7a: {  	_ =	shalt  }
0x7b: {  	_ =	shalt  }
0x7c: {  	_ =	shalt  }
0x7d: {  	_ =	shalt  }
0x7e: {  	_ =	shalt  }
0x7f: {  	_ =	shalt  }
0x80: {  	_ =	shalt  }
0x81: {  	_ =	shalt  }
0x82: {  	_ =	shalt  }
0x83: {  	_ =	shalt  }
0x84: {  	_ =	shalt  }
0x85: {  	_ =	shalt  }
0x86: {  	_ =	shalt  }
0x87: {  	_ =	shalt  }
.Lfunc_end0:
.L_simem_size_0:
called_computation_lowered:
.L_overlay_start_0:
0x88: {  	s2 =	sld [smem:$0x3FD9]  }
0x89: {  	s3 =	sld [smem:$0x3FFE];
	_ =	sdelay $0x1  }
0x8a: {  	s1 =	srdreg.scid  }
0x8b: {  	s0 =	sand.u32 $0x1, s1  }
0x8c: {  	s17 =	sshll.u32 s0, $0xA;
	s2 =	sadd.s32 s3, s2  }
0x8d: {  	s2 =	sadd.s32 s2, s17  }
0x8e: {  	[smem:$0x3FC6] =	sst s2  }
0x8f: {  	_ = 	snop  }
0x90: {  	s2 =	sld [smem:$0x3FC9]  }
0x91: {  	s18 =	sld [smem:$0x3FC8]  }
0x92: {  	s4 =	sld [smem:$0x3FD0];
	(tm) =	ssettm $0x1  }
0x93: {  	s5 =	sld [smem:$0x3FFB];
	_ =	sdelay $0x3  }
0x94: {  	_ =	strace s5  }
0x95: {  	s5 =	sld [smem:$0x3FFC];
	_ =	sdelay $0x3  }
0x96: {  	_ =	strace s5  }
0x97: {  	s5 =	sld [smem:$0x3FFD];
	_ =	sdelay $0x3  }
0x98: {  	_ =	strace s5  }
0x99: {  	_ =	strace $0x8FFFFFFF  }
0x9a: {  	s19 =	sld [smem:$0x3FDB];
	_ =	sdelay $0x1  }
0x9b: {  	s6 =	simm.s32 $_scs_section_size  }
0x9c: {  	s7 =	simm.s32 $_size__tile_overlayer_lowered;
	s8 =	simm.s32 $_tile_overlayer_lowered  }
0x9d: {  	s22 =	simm.s32 $0x1BFF;
	s21 =	sshll.u32 s8, $0x1;
	s5 =	sadd.s32 s6, s19  }
0x9e: {  	s9 =	simm.s32 $0x0;
	s20 =	sshll.u32 s7, $0x1;
	s7 =	sadd.s32 s21, s5  }
0x9f: {  	[timem:s9], [sflag:s22] =	dma.local [hbm:s7], s20  }
0xa0: {  	_ =	swait.ge [sflag:s22], s20  }
0xa1: {  	s6 =	ssub.s32 $0x0, s20;
	[sflag:s22] =	ssyncset.done $0x0  }
0xa2: {  	[sflag:s22] =	ssyncadd.s32 s6;
	_ =	sdelay $0x1  }
0xa3: {  	s23 =	simm.s32 $0x1B8B  }
0xa4: {  	_ =	swait.ge [sflag:s23], $0x1  }
0xa5: {  	[sflag:s23] =	ssyncset.done $0x0  }
0xa6: {  	s25 =	simm.s32 $0x1B8E;
	s24 =	sld [smem:$0x3FFE];
	[sflag:s23] =	ssyncadd.s32 $0xFFFFFFFF  }
0xa7: {  	s26 =	simm.s32 $execute0_lowered;
	[smem:$0x3FD2] =	sst s25  }
0xa8: {  	s7 =	sshll.u32 s26, $0x1;
	_ =	strace $0x80000046;
	[dreg:$0x1] =	wrdreg $0xFFFFFFFF  }
0xa9: {  	s28 =	simm.s32 $_size_execute0_lowered;
	s5 =	sadd.s32 s5, s7;
	[dreg:$0x0] =	wrdreg $0x0  }
0xaa: {  	s7 =	sshll.u32 s28, $0x1;
	[dreg:$0x2] =	wrdreg s5  }
0xab: {  	[dreg:$0x3] =	wrdreg s7  }
0xac: {  	[dreg:$0x4] =	wrdreg $0xC0  }
0xad: {  	_ =	task [dreg:s9], $0x5FFFF  }
0xae: {  	[dreg:$0x1] =	wrdreg $0xFFFFFFFF  }
0xaf: {  	[dreg:$0x0] =	wrdreg $0x60  }
0xb0: {  	[dreg:$0x2] =	wrdreg s18  }
0xb1: {  	[dreg:$0x3] =	wrdreg s24  }
0xb2: {  	[dreg:$0x4] =	wrdreg s2  }
0xb3: {  	[dreg:$0x5] =	wrdreg s4  }
0xb4: {  	[dreg:$0x6] =	wrdreg $0x9  }
0xb5: {  	_ =	task.clear_ibuf [dreg:s9], $0x7FFFF;
	_ =	strace $0x90000046  }
0xb6: {  	s29 =	simm.s32 $0x9;
	_ =	strace $0x80000048  }
0xb7: {  	_ =	swait.ge [sflag:s29], $0x1  }
0xb8: {  	[sflag:s29] =	ssyncadd.s32 $0xFFFFFFFF  }
0xb9: {  	_ =	strace $0x90000048  }
0xba: {  	_ =	sfence  }
0xbb: {  	s30 =	sld [smem:$0x0];
	_ =	sdelay $0x2  }
0xbc: {  	s31 =	sshll.u32 s1, $0xD;
	s1 =	sshrl.u32 s1, $0x2  }
0xbd: {  	s3 =	sand.u32 $0x4000, s31;
	s1 =	sadd.s32 s1, s30  }
0xbe: {  	s0 =	sor.u32 s3, s0;
	s1 =	sshll.u32 s1, $0x11  }
0xbf: {  	s0 =	sor.u32 s1, s0  }
0xc0: {  	s0 =	sadd.s32 $0x8F2B, s0  }
0xc1: {  	[sflag:s0] =	ssyncadd.remote.s32 $0x1  }
0xc2: {  	_ =	sfence.sel $0xFFFF  }
0xc3: {  	[dreg:$0x0] =	wrdreg $0xFFFFFFFF;
	(pc) =	sbr.abs _section_cstart, $3  }
0xc4: {  	[dreg:$0x1] =	wrdreg $0xFFFFFFFF  }
0xc5: {  	_ =	task.clear_ibuf [dreg:s9], $0x2FFFF;
	_ =	strace $0x9FFFFFFF  }
0xc6: {  	(tm) =	ssettm $0x7FFFFFFF  }
0xc7: {  	_ =	shalt  }
tec
execute0_lowered:
.L_overlay_start_1:
0x0: {  	(tag) =	ssettag $0x1  }
0x1: {  	s0 =	rddreg [dreg:$0x0]  }
0x2: {  	s2 =	rddreg [dreg:$0x1]  }
0x3: {  	s3 =	rddreg [dreg:$0x2]  }
0x4: {  	s6 =	rddreg [dreg:$0x3];
	s1 =	simm.s32 $0x0;
	s4 =	srdreg.scid  }
0x5: {  	s8 =	stileid.u32;
	s15 =	simm.s32 $0x2;
	s17 =	simm.s32 $0x400  }
0x6: {  	s16 =	simm.s32 $0x1;
	s18 =	simm.s32 $0x8800;
	s19 =	simm.s32 $0x8F80  }
0x7: {  	s20 =	simm.s32 $0x9380;
	s21 =	simm.s32 $0x9780;
	s22 =	simm.s32 $0x9B80  }
0x8: {  	s23 =	simm.s32 $0x9F80;
	s24 =	simm.s32 $0xA380;
	s25 =	simm.s32 $0xA780  }
0x9: {  	s26 =	simm.s32 $0x0;
	[smem:$0x7FF] =	sst s1;
	s4 =	sand.u32 $0x1, s4  }
0xa: {  	s8 =	sshll.u32 s8, $0x7;
	_ =	strace $0x80000047;
	s5 =	sshll.u32 s4, $0x7  }
0xb: {  	s7 =	ssub.s32 $0x2, s4;
	s9 =	smul.u32 $0xF4280, s4;
	s4 =	sshll.u32 s4, $0xE  }
0xc: {  	s3 =	sadd.s32 s3, s8;
	s2 =	sadd.s32 s5, s2;
	s30 =	sshrl.u32 s7, $0x1  }
0xd: {  	s31 =	sor.u32 s8, s4;
	s14 =	ssub.s32 s7, s30;
	s4 =	sadd.s32 $0x400, s2  }
0xe: {  	s5 =	sadd.s32 s0, s9;
	s6 =	sadd.s32 s6, s31;
	s0 =	simm.s32 $0xA700  }
0xf: {  	v0 =	vlaneseq.u32;
	s2 =	simm.s32 $0x8B80;
	s7 =	sadd.s32 $0x800, s6;
	s8 =	sadd.s32 $0x1000, s6  }
0x10: {  	v2 =	vand.u32 $0x7, v0;
	s9 =	sadd.s32 $0x1800, s6;
	s10 =	sadd.s32 $0x2000, s6;
	s11 =	sadd.s32 $0x2800, s6  }
0x11: {  	v1 =	vor.u32 $0x10, v0;
	v2 =	vmul.u32 $0x80, v2;
	s12 =	sadd.s32 $0x3000, s6;
	s13 =	sadd.s32 $0x3800, s6;
	s14 =	smax.u32 s14, $0x1  }
.LBB2_1:
0x12: {  	[tilespmem:s1], [sflag:$0x2] =	stream.linear.gather [hbm4b:s3+s1], $0x400, $0x38;
	[tilespmem:$0xA800] =	vst v63  }
0x13: {  	_ =	swait.ge [sflag:s15], $0x400  }
0x14: {  	[sflag:s15] =	ssyncset.done $0x0  }
0x15: {  	s28 =	simm.s32 $0x8400;
	[sflag:s15] =	ssyncadd.s32 $0xFFFFFC00  }
0x16: {  	[tilespmem:s28], [sflag:$0x2] =	stream.linear.gather [hbm4b:s4+s1], $0x400, $0x38;
	[tilespmem:$0xA800] =	vst v63  }
0x17: {  	_ =	swait.ge [sflag:s15], $0x400  }
0x18: {  	[sflag:s15] =	ssyncset.done $0x0  }
0x19: {  	[sflag:s15] =	ssyncadd.s32 $0xFFFFFC00  }
0x1a: {  	v4 =	vld [tilespmem:$0x0];
	_ =	sdelay $0x4  }
0x1b: {  	v3 =	vshrl.u32 v4, $0x7  }
0x1c: {  	v3 =	vmin.u32 v3, $0x1E83  }
0x1d: {  	v3 =	vshll.u32 v3, $0x7  }
0x1e: {  	v5 =	vadd.s32 s5, v3  }
0x1f: {  	(v2sf) =	vpush v5, $0x0;
	_ =	sdelay $0x1  }
0x20: {  	(v2sf) =	vpush v5, $0x1;
	_ =	sdelay $0x1  }
0x21: {  	(v2sf) =	vpush v5, $0x2;
	_ =	sdelay $0x1  }
0x22: {  	(v2sf) =	vpush v5, $0x3;
	_ =	sdelay $0x1  }
0x23: {  	(v2sf) =	vpush v5, $0x4;
	_ =	sdelay $0x1  }
0x24: {  	(v2sf) =	vpush v5, $0x5;
	_ =	sdelay $0x1  }
0x25: {  	(v2sf) =	vpush v5, $0x6;
	_ =	sdelay $0x1  }
0x26: {  	(v2sf) =	vpush v5, $0x7  }
0x27: {  	s28 =	spop (v2sf)  }
0x28: {  	v6 =	vld [tilespmem:$0x10];
	(v2sf) =	vpush v5, $0x8;
	[tilespmem:s17], [sflag:$0x1] =	stream.linear.gather [hbm4b:s28+s1], $0x400, $0x38  }
0x29: {  	s29 =	simm.s32 $0x800;
	s28 =	spop (v2sf)  }
0x2a: {  	(v2sf) =	vpush v5, $0x9;
	[tilespmem:s29], [sflag:$0x1] =	stream.linear.gather [hbm4b:s28+s1], $0x400, $0x38;
	[tilespmem:$0xA800] =	vst v63  }
0x2b: {  	s30 =	simm.s32 $0xC00;
	s28 =	spop (v2sf)  }
0x2c: {  	(v2sf) =	vpush v5, $0xA;
	[tilespmem:s30], [sflag:$0x1] =	stream.linear.gather [hbm4b:s28+s1], $0x400, $0x38;
	[tilespmem:$0xA800] =	vst v63  }
0x2d: {  	s31 =	simm.s32 $0x1000;
	s28 =	spop (v2sf)  }
0x2e: {  	(v2sf) =	vpush v5, $0xB;
	[tilespmem:s31], [sflag:$0x1] =	stream.linear.gather [hbm4b:s28+s1], $0x400, $0x38;
	[tilespmem:$0xA800] =	vst v63  }
0x2f: {  	s30 =	simm.s32 $0x1400;
	s28 =	spop (v2sf)  }
0x30: {  	(v2sf) =	vpush v5, $0xC;
	[tilespmem:s30], [sflag:$0x1] =	stream.linear.gather [hbm4b:s28+s1], $0x400, $0x38;
	[tilespmem:$0xA800] =	vst v63  }
0x31: {  	s31 =	simm.s32 $0x1800;
	s28 =	spop (v2sf)  }
0x32: {  	(v2sf) =	vpush v5, $0xD;
	[tilespmem:s31], [sflag:$0x1] =	stream.linear.gather [hbm4b:s28+s1], $0x400, $0x38;
	[tilespmem:$0xA800] =	vst v63  }
0x33: {  	s30 =	simm.s32 $0x1C00;
	s28 =	spop (v2sf)  }
0x34: {  	v7 =	vshrl.u32 v6, $0x7;
	(v2sf) =	vpush v5, $0xE;
	[tilespmem:s30], [sflag:$0x1] =	stream.linear.gather [hbm4b:s28+s1], $0x400, $0x38;
	[tilespmem:$0xA800] =	vst v63  }
0x35: {  	v7 =	vmin.u32 v7, $0x1E83;
	s31 =	simm.s32 $0x2000;
	s28 =	spop (v2sf)  }
0x36: {  	v7 =	vshll.u32 v7, $0x7;
	(v2sf) =	vpush v5, $0xF;
	[tilespmem:s31], [sflag:$0x1] =	stream.linear.gather [hbm4b:s28+s1], $0x400, $0x38;
	[tilespmem:$0xA800] =	vst v63  }
0x37: {  	v5 =	vadd.s32 s5, v7;
	s30 =	simm.s32 $0x2400;
	s28 =	spop (v2sf)  }
0x38: {  	(v2sf) =	vpush v5, $0x0;
	[tilespmem:s30], [sflag:$0x1] =	stream.linear.gather [hbm4b:s28+s1], $0x400, $0x38;
	[tilespmem:$0xA800] =	vst v63  }
0x39: {  	s31 =	simm.s32 $0x2800;
	s28 =	spop (v2sf)  }
0x3a: {  	(v2sf) =	vpush v5, $0x1;
	[tilespmem:s31], [sflag:$0x1] =	stream.linear.gather [hbm4b:s28+s1], $0x400, $0x38;
	[tilespmem:$0xA800] =	vst v63  }
0x3b: {  	s30 =	simm.s32 $0x2C00;
	s28 =	spop (v2sf)  }
0x3c: {  	(v2sf) =	vpush v5, $0x2;
	[tilespmem:s30], [sflag:$0x1] =	stream.linear.gather [hbm4b:s28+s1], $0x400, $0x38;
	[tilespmem:$0xA800] =	vst v63  }
0x3d: {  	s31 =	simm.s32 $0x3000;
	s28 =	spop (v2sf)  }
0x3e: {  	(v2sf) =	vpush v5, $0x3;
	[tilespmem:s31], [sflag:$0x1] =	stream.linear.gather [hbm4b:s28+s1], $0x400, $0x38;
	[tilespmem:$0xA800] =	vst v63  }
0x3f: {  	s30 =	simm.s32 $0x3400;
	s28 =	spop (v2sf)  }
0x40: {  	(v2sf) =	vpush v5, $0x4;
	[tilespmem:s30], [sflag:$0x1] =	stream.linear.gather [hbm4b:s28+s1], $0x400, $0x38;
	[tilespmem:$0xA800] =	vst v63  }
0x41: {  	s31 =	simm.s32 $0x3800;
	s28 =	spop (v2sf)  }
0x42: {  	(v2sf) =	vpush v5, $0x5;
	[tilespmem:s31], [sflag:$0x1] =	stream.linear.gather [hbm4b:s28+s1], $0x400, $0x38;
	[tilespmem:$0xA800] =	vst v63  }
0x43: {  	s30 =	simm.s32 $0x3C00;
	s28 =	spop (v2sf)  }
0x44: {  	(v2sf) =	vpush v5, $0x6;
	[tilespmem:s30], [sflag:$0x1] =	stream.linear.gather [hbm4b:s28+s1], $0x400, $0x38;
	[tilespmem:$0xA800] =	vst v63  }
0x45: {  	s31 =	simm.s32 $0x4000;
	s28 =	spop (v2sf)  }
0x46: {  	(v2sf) =	vpush v5, $0x7;
	[tilespmem:s31], [sflag:$0x1] =	stream.linear.gather [hbm4b:s28+s1], $0x400, $0x38;
	[tilespmem:$0xA800] =	vst v63  }
0x47: {  	s30 =	simm.s32 $0x4400;
	s28 =	spop (v2sf)  }
0x48: {  	(v2sf) =	vpush v5, $0x8;
	[tilespmem:s30], [sflag:$0x1] =	stream.linear.gather [hbm4b:s28+s1], $0x400, $0x38;
	[tilespmem:$0xA800] =	vst v63  }
0x49: {  	s31 =	simm.s32 $0x4800;
	s28 =	spop (v2sf)  }
0x4a: {  	(v2sf) =	vpush v5, $0x9;
	[tilespmem:s31], [sflag:$0x1] =	stream.linear.gather [hbm4b:s28+s1], $0x400, $0x38;
	[tilespmem:$0xA800] =	vst v63  }
0x4b: {  	s30 =	simm.s32 $0x4C00;
	s28 =	spop (v2sf)  }
0x4c: {  	(v2sf) =	vpush v5, $0xA;
	[tilespmem:s30], [sflag:$0x1] =	stream.linear.gather [hbm4b:s28+s1], $0x400, $0x38;
	[tilespmem:$0xA800] =	vst v63  }
0x4d: {  	s31 =	simm.s32 $0x5000;
	s28 =	spop (v2sf)  }
0x4e: {  	(v2sf) =	vpush v5, $0xB;
	[tilespmem:s31], [sflag:$0x1] =	stream.linear.gather [hbm4b:s28+s1], $0x400, $0x38;
	[tilespmem:$0xA800] =	vst v63  }
0x4f: {  	s30 =	simm.s32 $0x5400;
	s28 =	spop (v2sf)  }
0x50: {  	(v2sf) =	vpush v5, $0xC;
	[tilespmem:s30], [sflag:$0x1] =	stream.linear.gather [hbm4b:s28+s1], $0x400, $0x38;
	[tilespmem:$0xA800] =	vst v63  }
0x51: {  	s31 =	simm.s32 $0x5800;
	s28 =	spop (v2sf)  }
0x52: {  	(v2sf) =	vpush v5, $0xD;
	[tilespmem:s31], [sflag:$0x1] =	stream.linear.gather [hbm4b:s28+s1], $0x400, $0x38;
	[tilespmem:$0xA800] =	vst v63  }
0x53: {  	s30 =	simm.s32 $0x5C00;
	s28 =	spop (v2sf)  }
0x54: {  	(v2sf) =	vpush v5, $0xE;
	[tilespmem:s30], [sflag:$0x1] =	stream.linear.gather [hbm4b:s28+s1], $0x400, $0x38;
	[tilespmem:$0xA800] =	vst v63  }
0x55: {  	s31 =	simm.s32 $0x6000;
	s28 =	spop (v2sf)  }
0x56: {  	(v2sf) =	vpush v5, $0xF;
	[tilespmem:s31], [sflag:$0x1] =	stream.linear.gather [hbm4b:s28+s1], $0x400, $0x38;
	[tilespmem:$0xA800] =	vst v63  }
0x57: {  	s30 =	simm.s32 $0x6400;
	s28 =	spop (v2sf)  }
0x58: {  	[tilespmem:s30], [sflag:$0x1] =	stream.linear.gather [hbm4b:s28+s1], $0x400, $0x38;
	[tilespmem:$0xA800] =	vst v63  }
0x59: {  	s31 =	simm.s32 $0x6800;
	s28 =	spop (v2sf)  }
0x5a: {  	[tilespmem:s31], [sflag:$0x1] =	stream.linear.gather [hbm4b:s28+s1], $0x400, $0x38;
	[tilespmem:$0xA800] =	vst v63  }
0x5b: {  	s30 =	simm.s32 $0x6C00;
	s28 =	spop (v2sf)  }
0x5c: {  	[tilespmem:s30], [sflag:$0x1] =	stream.linear.gather [hbm4b:s28+s1], $0x400, $0x38;
	[tilespmem:$0xA800] =	vst v63  }
0x5d: {  	s31 =	simm.s32 $0x7000;
	s28 =	spop (v2sf)  }
0x5e: {  	[tilespmem:s31], [sflag:$0x1] =	stream.linear.gather [hbm4b:s28+s1], $0x400, $0x38;
	[tilespmem:$0xA800] =	vst v63  }
0x5f: {  	s30 =	simm.s32 $0x7400;
	s28 =	spop (v2sf)  }
0x60: {  	[tilespmem:s30], [sflag:$0x1] =	stream.linear.gather [hbm4b:s28+s1], $0x400, $0x38;
	[tilespmem:$0xA800] =	vst v63  }
0x61: {  	s31 =	simm.s32 $0x7800;
	s28 =	spop (v2sf)  }
0x62: {  	[tilespmem:s31], [sflag:$0x1] =	stream.linear.gather [hbm4b:s28+s1], $0x400, $0x38;
	[tilespmem:$0xA800] =	vst v63  }
0x63: {  	s30 =	simm.s32 $0x7C00;
	s28 =	spop (v2sf)  }
0x64: {  	vm0 =	vgt.s32 v4, $0xF41FF;
	[tilespmem:s30], [sflag:$0x1] =	stream.linear.gather [hbm4b:s28+s1], $0x400, $0x38;
	[tilespmem:$0xA800] =	vst v63  }
0x65: {  	vm1 =	vgt.s32 v6, $0xF41FF;
	v3 =	vsub.s32 $0x0, v3;
	v5 =	vsub.s32 $0x0, v7;
	s31 =	simm.s32 $0x8000;
	s28 =	spop (v2sf)  }
0x66: {  	v7 =	vsel vm0, $0xFFF0BE00, v3;
	v3 =	vsel vm0, $0x20, v0;
	v5 =	vsel vm1, $0xFFF0BE00, v5;
	[tilespmem:s31], [sflag:$0x1] =	stream.linear.gather [hbm4b:s28+s1], $0x400, $0x38;
	[tilespmem:$0xA800] =	vst v63  }
0x67: {  	v4 =	vadd.s32 v4, v7;
	v7 =	vsel vm1, $0x20, v1;
	v6 =	vadd.s32 v6, v5;
	s28 =	simm.s32 $0x0  }
.LBB2_2:
0x68: {  	v3 =	vshll.u32 v3, $0xA  }
0x69: {  	v8 =	vadd.s32 v3, v4  }
0x6a: {  	v4 =	vbroadcast v8, $0x0  }
0x6b: {  	s29 =	sadd.s32 $0x20, s28  }
0x6c: {  	s29 =	smin.u32 s29, $0x3E0;
	v5 =	vadd.s32 v2, v4  }
0x6d: {  	v3 =	vld [tilespmem:s29+$0x0]  }
0x6e: {  	v4 =	vld [tilespmem:s29+$0x10];
	_ =	swait.ge [sflag:s16], $0x400  }
0x6f: {  	[sflag:s16] =	ssyncset.done $0x0  }
0x70: {  	[sflag:s16] =	ssyncadd.s32 $0xFFFFFC00  }
0x71: {  	v5 =	vld.idx.msk [tilespmem:v5+s17+$0x0], $0xffff;
	_ =	sdelay $0x4  }
0x72: {  	v5 =	vsub.f32 $0.0e+00, v5;
	_ =	sdelay $0x1  }
0x73: {  	v5 =	vmul.f32 $1.442695020e+00, v5;
	_ =	sdelay $0x1  }
0x74: {  	(erf) = vpow2.f32 v5;
	_ =	sdelay $0x2  }
0x75: {  	v5 =	vshrl.u32 v3, $0x7  }
0x76: {  	v5 =	vmin.u32 v5, $0x1E83  }
0x77: {  	p0 =	seq.s32 s28, $0x3E0;
	v5 =	vshll.u32 v5, $0x7  }
0x78: {  	(v2sf) =	vpush @!p0 v5, $0x0;
	_ =	sdelay $0x2  }
0x79: {  	v9 =	vpop (erf)  }
0x7a: {  	v9 =	vadd.f32 $1.000000000e+00, v9;
	_ =	sdelay $0x1  }
0x7b: {  	(erf) = vrcp.f32 v9  }
0x7c: {  	v51 =	vmov s28  }
0x7d: {  	v10 =	vshll.u32 v51, $0x3  }
0x7e: {  	v10 =	vand.u32 $0x1C00, v10;
	v9 =	vand.u32 $0x60, v51  }
0x7f: {  	v9 =	vor.u32 v10, v9  }
0x80: {  	v9 =	vor.u32 v2, v9;
	_ =	sdelay $0x2  }
0x81: {  	v52 =	vbroadcast v8, $0x1  }
0x82: {  	s29 =	spop @!p0 (v2sf);
	v11 =	vpop (erf)  }
0x83: {  	s31 =	simm.s32 @!p0 $0x400;
	v53 =	vadd.s32 v2, v52;
	s30 =	sadd.s32 @!p0 s29, s5;
	s29 =	simm.s32 @!p0 $0x0;
	[tilespmem:v9+s18+$0x0] =	vst.idx.msk $0xffff, v11  }
0x84: {  	[tilespmem:s31], [sflag:$0x1] =	stream.linear.gather @!p0 [hbm4b:s30+s29], $0x400, $0x38;
	[tilespmem:$0xA800] =	vst v63  }
0x85: {  	_ =	swait.ge [sflag:s16], $0x400  }
0x86: {  	[sflag:s16] =	ssyncset.done $0x0  }
0x87: {  	[sflag:s16] =	ssyncadd.s32 $0xFFFFFC00  }
0x88: {  	v9 =	vld.idx.msk [tilespmem:v53+s17+$0x0], $0xffff;
	_ =	sdelay $0x4  }
0x89: {  	v9 =	vsub.f32 $0.0e+00, v9;
	_ =	sdelay $0x1  }
0x8a: {  	v9 =	vmul.f32 $1.442695020e+00, v9;
	_ =	sdelay $0x1  }
0x8b: {  	(erf) = vpow2.f32 v9;
	_ =	sdelay $0x5  }
0x8c: {  	(v2sf) =	vpush @!p0 v5, $0x1;
	_ =	sdelay $0x2  }
0x8d: {  	v9 =	vpop (erf)  }
0x8e: {  	v9 =	vadd.f32 $1.000000000e+00, v9;
	_ =	sdelay $0x1  }
0x8f: {  	s31 =	sadd.s32 $0x1, s28;
	(erf) = vrcp.f32 v9  }
0x90: {  	v54 =	vmov s31  }
0x91: {  	v55 =	vshll.u32 v54, $0x3  }
0x92: {  	v10 =	vand.u32 $0x1C00, v55;
	v9 =	vand.u32 $0x61, v54  }
0x93: {  	v9 =	vor.u32 v10, v9  }
0x94: {  	v9 =	vor.u32 v2, v9;
	_ =	sdelay $0x2  }
0x95: {  	v56 =	vbroadcast v8, $0x2  }
0x96: {  	s30 =	spop @!p0 (v2sf);
	v57 =	vpop (erf)  }
0x97: {  	v58 =	vadd.s32 v2, v56;
	s31 =	simm.s32 @!p0 $0x800;
	s30 =	sadd.s32 @!p0 s30, s5;
	[tilespmem:v9+s18+$0x0] =	vst.idx.msk $0xffff, v57  }
0x98: {  	[tilespmem:s31], [sflag:$0x1] =	stream.linear.gather @!p0 [hbm4b:s30+s29], $0x400, $0x38;
	[tilespmem:$0xA800] =	vst v63  }
0x99: {  	_ =	swait.ge [sflag:s16], $0x400  }
0x9a: {  	[sflag:s16] =	ssyncset.done $0x0  }
0x9b: {  	[sflag:s16] =	ssyncadd.s32 $0xFFFFFC00  }
0x9c: {  	v9 =	vld.idx.msk [tilespmem:v58+s17+$0x0], $0xffff;
	_ =	sdelay $0x4  }
0x9d: {  	v9 =	vsub.f32 $0.0e+00, v9;
	_ =	sdelay $0x1  }
0x9e: {  	v9 =	vmul.f32 $1.442695020e+00, v9;
	_ =	sdelay $0x1  }
0x9f: {  	(erf) = vpow2.f32 v9;
	_ =	sdelay $0x5  }
0xa0: {  	(v2sf) =	vpush @!p0 v5, $0x2;
	_ =	sdelay $0x2  }
0xa1: {  	v9 =	vpop (erf)  }
0xa2: {  	v9 =	vadd.f32 $1.000000000e+00, v9;
	_ =	sdelay $0x1  }
0xa3: {  	s31 =	sadd.s32 $0x2, s28;
	(erf) = vrcp.f32 v9  }
0xa4: {  	v59 =	vmov s31  }
0xa5: {  	v60 =	vshll.u32 v59, $0x3  }
0xa6: {  	v10 =	vand.u32 $0x1C00, v60;
	v9 =	vand.u32 $0x62, v59  }
0xa7: {  	v9 =	vor.u32 v10, v9  }
0xa8: {  	v9 =	vor.u32 v2, v9;
	_ =	sdelay $0x2  }
0xa9: {  	v61 =	vbroadcast v8, $0x3  }
0xaa: {  	s30 =	spop @!p0 (v2sf);
	v62 =	vpop (erf)  }
0xab: {  	v63 =	vadd.s32 v2, v61;
	s31 =	simm.s32 @!p0 $0xC00;
	s30 =	sadd.s32 @!p0 s30, s5;
	[tilespmem:v9+s18+$0x0] =	vst.idx.msk $0xffff, v62  }
0xac: {  	[tilespmem:s31], [sflag:$0x1] =	stream.linear.gather @!p0 [hbm4b:s30+s29], $0x400, $0x38;
	[tilespmem:$0xA800] =	vst v63  }
0xad: {  	_ =	swait.ge [sflag:s16], $0x400  }
0xae: {  	[sflag:s16] =	ssyncset.done $0x0  }
0xaf: {  	[sflag:s16] =	ssyncadd.s32 $0xFFFFFC00  }
0xb0: {  	v9 =	vld.idx.msk [tilespmem:v63+s17+$0x0], $0xffff;
	_ =	sdelay $0x4  }
0xb1: {  	v9 =	vsub.f32 $0.0e+00, v9;
	_ =	sdelay $0x1  }
0xb2: {  	v9 =	vmul.f32 $1.442695020e+00, v9;
	_ =	sdelay $0x1  }
0xb3: {  	(erf) = vpow2.f32 v9;
	_ =	sdelay $0x5  }
0xb4: {  	(v2sf) =	vpush @!p0 v5, $0x3;
	_ =	sdelay $0x2  }
0xb5: {  	v9 =	vpop (erf)  }
0xb6: {  	v9 =	vadd.f32 $1.000000000e+00, v9;
	_ =	sdelay $0x1  }
0xb7: {  	s31 =	sadd.s32 $0x3, s28;
	(erf) = vrcp.f32 v9  }
0xb8: {  	v12 =	vmov s31  }
0xb9: {  	v13 =	vshll.u32 v12, $0x3  }
0xba: {  	v10 =	vand.u32 $0x1C00, v13;
	v9 =	vand.u32 $0x63, v12  }
0xbb: {  	v9 =	vor.u32 v10, v9  }
0xbc: {  	v9 =	vor.u32 v2, v9;
	_ =	sdelay $0x2  }
0xbd: {  	v14 =	vbroadcast v8, $0x4  }
0xbe: {  	s30 =	spop @!p0 (v2sf);
	v15 =	vpop (erf)  }
0xbf: {  	v16 =	vadd.s32 v2, v14;
	s31 =	simm.s32 @!p0 $0x1000;
	s30 =	sadd.s32 @!p0 s30, s5;
	[tilespmem:v9+s18+$0x0] =	vst.idx.msk $0xffff, v15  }
0xc0: {  	[tilespmem:s31], [sflag:$0x1] =	stream.linear.gather @!p0 [hbm4b:s30+s29], $0x400, $0x38;
	[tilespmem:$0xA800] =	vst v63  }
0xc1: {  	_ =	swait.ge [sflag:s16], $0x400  }
0xc2: {  	[sflag:s16] =	ssyncset.done $0x0  }
0xc3: {  	[sflag:s16] =	ssyncadd.s32 $0xFFFFFC00  }
0xc4: {  	v9 =	vld.idx.msk [tilespmem:v16+s17+$0x0], $0xffff;
	_ =	sdelay $0x4  }
0xc5: {  	v9 =	vsub.f32 $0.0e+00, v9;
	_ =	sdelay $0x1  }
0xc6: {  	v9 =	vmul.f32 $1.442695020e+00, v9;
	_ =	sdelay $0x1  }
0xc7: {  	(erf) = vpow2.f32 v9;
	_ =	sdelay $0x5  }
0xc8: {  	(v2sf) =	vpush @!p0 v5, $0x4;
	_ =	sdelay $0x2  }
0xc9: {  	v9 =	vpop (erf)  }
0xca: {  	v9 =	vadd.f32 $1.000000000e+00, v9;
	_ =	sdelay $0x1  }
0xcb: {  	s31 =	sadd.s32 $0x4, s28;
	(erf) = vrcp.f32 v9  }
0xcc: {  	v17 =	vmov s31  }
0xcd: {  	v18 =	vshll.u32 v17, $0x3  }
0xce: {  	v10 =	vand.u32 $0x1C00, v18;
	v9 =	vand.u32 $0x64, v17  }
0xcf: {  	v9 =	vor.u32 v10, v9  }
0xd0: {  	v9 =	vor.u32 v2, v9;
	_ =	sdelay $0x2  }
0xd1: {  	v19 =	vbroadcast v8, $0x5  }
0xd2: {  	s30 =	spop @!p0 (v2sf);
	v20 =	vpop (erf)  }
0xd3: {  	v21 =	vadd.s32 v2, v19;
	s31 =	simm.s32 @!p0 $0x1400;
	s30 =	sadd.s32 @!p0 s30, s5;
	[tilespmem:v9+s18+$0x0] =	vst.idx.msk $0xffff, v20  }
0xd4: {  	[tilespmem:s31], [sflag:$0x1] =	stream.linear.gather @!p0 [hbm4b:s30+s29], $0x400, $0x38;
	[tilespmem:$0xA800] =	vst v63  }
0xd5: {  	_ =	swait.ge [sflag:s16], $0x400  }
0xd6: {  	[sflag:s16] =	ssyncset.done $0x0  }
0xd7: {  	[sflag:s16] =	ssyncadd.s32 $0xFFFFFC00  }
0xd8: {  	v9 =	vld.idx.msk [tilespmem:v21+s17+$0x0], $0xffff;
	_ =	sdelay $0x4  }
0xd9: {  	v9 =	vsub.f32 $0.0e+00, v9;
	_ =	sdelay $0x1  }
0xda: {  	v9 =	vmul.f32 $1.442695020e+00, v9;
	_ =	sdelay $0x1  }
0xdb: {  	(erf) = vpow2.f32 v9;
	_ =	sdelay $0x5  }
0xdc: {  	(v2sf) =	vpush @!p0 v5, $0x5;
	_ =	sdelay $0x2  }
0xdd: {  	v9 =	vpop (erf)  }
0xde: {  	v9 =	vadd.f32 $1.000000000e+00, v9;
	_ =	sdelay $0x1  }
0xdf: {  	s31 =	sadd.s32 $0x5, s28;
	(erf) = vrcp.f32 v9  }
0xe0: {  	v22 =	vmov s31  }
0xe1: {  	v23 =	vshll.u32 v22, $0x3  }
0xe2: {  	v10 =	vand.u32 $0x1C00, v23;
	v9 =	vand.u32 $0x65, v22  }
0xe3: {  	v9 =	vor.u32 v10, v9  }
0xe4: {  	v9 =	vor.u32 v2, v9;
	_ =	sdelay $0x2  }
0xe5: {  	v24 =	vbroadcast v8, $0x6  }
0xe6: {  	s30 =	spop @!p0 (v2sf);
	v25 =	vpop (erf)  }
0xe7: {  	v26 =	vadd.s32 v2, v24;
	s31 =	simm.s32 @!p0 $0x1800;
	s30 =	sadd.s32 @!p0 s30, s5;
	[tilespmem:v9+s18+$0x0] =	vst.idx.msk $0xffff, v25  }
0xe8: {  	[tilespmem:s31], [sflag:$0x1] =	stream.linear.gather @!p0 [hbm4b:s30+s29], $0x400, $0x38;
	[tilespmem:$0xA800] =	vst v63  }
0xe9: {  	_ =	swait.ge [sflag:s16], $0x400  }
0xea: {  	[sflag:s16] =	ssyncset.done $0x0  }
0xeb: {  	[sflag:s16] =	ssyncadd.s32 $0xFFFFFC00  }
0xec: {  	v9 =	vld.idx.msk [tilespmem:v26+s17+$0x0], $0xffff;
	_ =	sdelay $0x4  }
0xed: {  	v9 =	vsub.f32 $0.0e+00, v9;
	_ =	sdelay $0x1  }
0xee: {  	v9 =	vmul.f32 $1.442695020e+00, v9;
	_ =	sdelay $0x1  }
0xef: {  	(erf) = vpow2.f32 v9;
	_ =	sdelay $0x5  }
0xf0: {  	(v2sf) =	vpush @!p0 v5, $0x6;
	_ =	sdelay $0x2  }
0xf1: {  	v9 =	vpop (erf)  }
0xf2: {  	v9 =	vadd.f32 $1.000000000e+00, v9;
	_ =	sdelay $0x1  }
0xf3: {  	s31 =	sadd.s32 $0x6, s28;
	(erf) = vrcp.f32 v9  }
0xf4: {  	v27 =	vmov s31  }
0xf5: {  	v28 =	vshll.u32 v27, $0x3  }
0xf6: {  	v10 =	vand.u32 $0x1C00, v28;
	v9 =	vand.u32 $0x66, v27  }
0xf7: {  	v9 =	vor.u32 v10, v9  }
0xf8: {  	v9 =	vor.u32 v2, v9;
	_ =	sdelay $0x2  }
0xf9: {  	v29 =	vbroadcast v8, $0x7  }
0xfa: {  	s30 =	spop @!p0 (v2sf);
	v30 =	vpop (erf)  }
0xfb: {  	v31 =	vadd.s32 v2, v29;
	s31 =	simm.s32 @!p0 $0x1C00;
	s30 =	sadd.s32 @!p0 s30, s5;
	[tilespmem:v9+s18+$0x0] =	vst.idx.msk $0xffff, v30  }
0xfc: {  	[tilespmem:s31], [sflag:$0x1] =	stream.linear.gather @!p0 [hbm4b:s30+s29], $0x400, $0x38;
	[tilespmem:$0xA800] =	vst v63  }
0xfd: {  	_ =	swait.ge [sflag:s16], $0x400  }
0xfe: {  	[sflag:s16] =	ssyncset.done $0x0  }
0xff: {  	[sflag:s16] =	ssyncadd.s32 $0xFFFFFC00  }
0x100: {  	v9 =	vld.idx.msk [tilespmem:v31+s17+$0x0], $0xffff;
	_ =	sdelay $0x4  }
0x101: {  	v9 =	vsub.f32 $0.0e+00, v9;
	_ =	sdelay $0x1  }
0x102: {  	v9 =	vmul.f32 $1.442695020e+00, v9;
	_ =	sdelay $0x1  }
0x103: {  	(erf) = vpow2.f32 v9;
	_ =	sdelay $0x5  }
0x104: {  	(v2sf) =	vpush @!p0 v5, $0x7;
	_ =	sdelay $0x2  }
0x105: {  	v9 =	vpop (erf)  }
0x106: {  	v9 =	vadd.f32 $1.000000000e+00, v9;
	_ =	sdelay $0x1  }
0x107: {  	s31 =	sadd.s32 $0x7, s28;
	(erf) = vrcp.f32 v9  }
0x108: {  	v32 =	vmov s31  }
0x109: {  	v33 =	vshll.u32 v32, $0x3  }
0x10a: {  	v10 =	vand.u32 $0x1C00, v33;
	v9 =	vand.u32 $0x67, v32  }
0x10b: {  	v9 =	vor.u32 v10, v9  }
0x10c: {  	v9 =	vor.u32 v2, v9;
	_ =	sdelay $0x2  }
0x10d: {  	v34 =	vbroadcast v8, $0x8  }
0x10e: {  	s30 =	spop @!p0 (v2sf);
	v35 =	vpop (erf)  }
0x10f: {  	v36 =	vadd.s32 v2, v34;
	s31 =	simm.s32 @!p0 $0x2000;
	s30 =	sadd.s32 @!p0 s30, s5;
	[tilespmem:v9+s18+$0x0] =	vst.idx.msk $0xffff, v35  }
0x110: {  	[tilespmem:s31], [sflag:$0x1] =	stream.linear.gather @!p0 [hbm4b:s30+s29], $0x400, $0x38;
	[tilespmem:$0xA800] =	vst v63  }
0x111: {  	_ =	swait.ge [sflag:s16], $0x400  }
0x112: {  	[sflag:s16] =	ssyncset.done $0x0  }
0x113: {  	[sflag:s16] =	ssyncadd.s32 $0xFFFFFC00  }
0x114: {  	v9 =	vld.idx.msk [tilespmem:v36+s17+$0x0], $0xffff;
	_ =	sdelay $0x4  }
0x115: {  	v9 =	vsub.f32 $0.0e+00, v9;
	_ =	sdelay $0x1  }
0x116: {  	v9 =	vmul.f32 $1.442695020e+00, v9;
	_ =	sdelay $0x1  }
0x117: {  	(erf) = vpow2.f32 v9;
	_ =	sdelay $0x5  }
0x118: {  	(v2sf) =	vpush @!p0 v5, $0x8;
	_ =	sdelay $0x2  }
0x119: {  	v9 =	vpop (erf)  }
0x11a: {  	v9 =	vadd.f32 $1.000000000e+00, v9;
	_ =	sdelay $0x1  }
0x11b: {  	s31 =	sadd.s32 $0x8, s28;
	(erf) = vrcp.f32 v9  }
0x11c: {  	v37 =	vmov s31  }
0x11d: {  	v38 =	vshll.u32 v37, $0x3  }
0x11e: {  	v10 =	vand.u32 $0x1C00, v38;
	v9 =	vand.u32 $0x68, v37  }
0x11f: {  	v9 =	vor.u32 v10, v9  }
0x120: {  	v9 =	vor.u32 v2, v9;
	_ =	sdelay $0x2  }
0x121: {  	v39 =	vbroadcast v8, $0x9  }
0x122: {  	s30 =	spop @!p0 (v2sf);
	v40 =	vpop (erf)  }
0x123: {  	v41 =	vadd.s32 v2, v39;
	s31 =	simm.s32 @!p0 $0x2400;
	s30 =	sadd.s32 @!p0 s30, s5;
	[tilespmem:v9+s18+$0x0] =	vst.idx.msk $0xffff, v40  }
0x124: {  	[tilespmem:s31], [sflag:$0x1] =	stream.linear.gather @!p0 [hbm4b:s30+s29], $0x400, $0x38;
	[tilespmem:$0xA800] =	vst v63  }
0x125: {  	_ =	swait.ge [sflag:s16], $0x400  }
0x126: {  	[sflag:s16] =	ssyncset.done $0x0  }
0x127: {  	[sflag:s16] =	ssyncadd.s32 $0xFFFFFC00  }
0x128: {  	v9 =	vld.idx.msk [tilespmem:v41+s17+$0x0], $0xffff;
	_ =	sdelay $0x4  }
0x129: {  	v9 =	vsub.f32 $0.0e+00, v9;
	_ =	sdelay $0x1  }
0x12a: {  	v9 =	vmul.f32 $1.442695020e+00, v9;
	_ =	sdelay $0x1  }
0x12b: {  	(erf) = vpow2.f32 v9;
	_ =	sdelay $0x5  }
0x12c: {  	(v2sf) =	vpush @!p0 v5, $0x9;
	_ =	sdelay $0x2  }
0x12d: {  	v9 =	vpop (erf)  }
0x12e: {  	v9 =	vadd.f32 $1.000000000e+00, v9;
	_ =	sdelay $0x1  }
0x12f: {  	s31 =	sadd.s32 $0x9, s28;
	(erf) = vrcp.f32 v9  }
0x130: {  	v42 =	vmov s31  }
0x131: {  	v43 =	vshll.u32 v42, $0x3  }
0x132: {  	v10 =	vand.u32 $0x1C00, v43;
	v9 =	vand.u32 $0x69, v42  }
0x133: {  	v9 =	vor.u32 v10, v9  }
0x134: {  	v9 =	vor.u32 v2, v9;
	_ =	sdelay $0x2  }
0x135: {  	v44 =	vbroadcast v8, $0xA  }
0x136: {  	s30 =	spop @!p0 (v2sf);
	v45 =	vpop (erf)  }
0x137: {  	v46 =	vadd.s32 v2, v44;
	s31 =	simm.s32 @!p0 $0x2800;
	s30 =	sadd.s32 @!p0 s30, s5;
	[tilespmem:v9+s18+$0x0] =	vst.idx.msk $0xffff, v45  }
0x138: {  	[tilespmem:s31], [sflag:$0x1] =	stream.linear.gather @!p0 [hbm4b:s30+s29], $0x400, $0x38;
	[tilespmem:$0xA800] =	vst v63  }
0x139: {  	_ =	swait.ge [sflag:s16], $0x400  }
0x13a: {  	[sflag:s16] =	ssyncset.done $0x0  }
0x13b: {  	[sflag:s16] =	ssyncadd.s32 $0xFFFFFC00  }
0x13c: {  	v9 =	vld.idx.msk [tilespmem:v46+s17+$0x0], $0xffff;
	_ =	sdelay $0x4  }
0x13d: {  	v9 =	vsub.f32 $0.0e+00, v9;
	_ =	sdelay $0x1  }
0x13e: {  	v9 =	vmul.f32 $1.442695020e+00, v9;
	_ =	sdelay $0x1  }
0x13f: {  	(erf) = vpow2.f32 v9;
	_ =	sdelay $0x5  }
0x140: {  	(v2sf) =	vpush @!p0 v5, $0xA;
	_ =	sdelay $0x2  }
0x141: {  	v9 =	vpop (erf)  }
0x142: {  	v9 =	vadd.f32 $1.000000000e+00, v9;
	_ =	sdelay $0x1  }
0x143: {  	s31 =	sadd.s32 $0xA, s28;
	(erf) = vrcp.f32 v9  }
0x144: {  	v47 =	vmov s31  }
0x145: {  	v48 =	vshll.u32 v47, $0x3  }
0x146: {  	v10 =	vand.u32 $0x1C00, v48;
	v9 =	vand.u32 $0x6A, v47  }
0x147: {  	v9 =	vor.u32 v10, v9  }
0x148: {  	v9 =	vor.u32 v2, v9;
	_ =	sdelay $0x2  }
0x149: {  	v49 =	vbroadcast v8, $0xB  }
0x14a: {  	s30 =	spop @!p0 (v2sf);
	v50 =	vpop (erf)  }
0x14b: {  	v51 =	vadd.s32 v2, v49;
	s31 =	simm.s32 @!p0 $0x2C00;
	s30 =	sadd.s32 @!p0 s30, s5;
	[tilespmem:v9+s18+$0x0] =	vst.idx.msk $0xffff, v50  }
0x14c: {  	[tilespmem:s31], [sflag:$0x1] =	stream.linear.gather @!p0 [hbm4b:s30+s29], $0x400, $0x38;
	[tilespmem:$0xA800] =	vst v63  }
0x14d: {  	_ =	swait.ge [sflag:s16], $0x400  }
0x14e: {  	[sflag:s16] =	ssyncset.done $0x0  }
0x14f: {  	[sflag:s16] =	ssyncadd.s32 $0xFFFFFC00  }
0x150: {  	v9 =	vld.idx.msk [tilespmem:v51+s17+$0x0], $0xffff;
	_ =	sdelay $0x4  }
0x151: {  	v9 =	vsub.f32 $0.0e+00, v9;
	_ =	sdelay $0x1  }
0x152: {  	v9 =	vmul.f32 $1.442695020e+00, v9;
	_ =	sdelay $0x1  }
0x153: {  	(erf) = vpow2.f32 v9;
	_ =	sdelay $0x5  }
0x154: {  	(v2sf) =	vpush @!p0 v5, $0xB;
	_ =	sdelay $0x2  }
0x155: {  	v9 =	vpop (erf)  }
0x156: {  	v9 =	vadd.f32 $1.000000000e+00, v9;
	_ =	sdelay $0x1  }
0x157: {  	s31 =	sadd.s32 $0xB, s28;
	(erf) = vrcp.f32 v9  }
0x158: {  	v52 =	vmov s31  }
0x159: {  	v53 =	vshll.u32 v52, $0x3  }
0x15a: {  	v10 =	vand.u32 $0x1C00, v53;
	v9 =	vand.u32 $0x6B, v52  }
0x15b: {  	v9 =	vor.u32 v10, v9  }
0x15c: {  	v9 =	vor.u32 v2, v9;
	_ =	sdelay $0x2  }
0x15d: {  	v54 =	vbroadcast v8, $0xC  }
0x15e: {  	s30 =	spop @!p0 (v2sf);
	v55 =	vpop (erf)  }
0x15f: {  	v56 =	vadd.s32 v2, v54;
	s31 =	simm.s32 @!p0 $0x3000;
	s30 =	sadd.s32 @!p0 s30, s5;
	[tilespmem:v9+s18+$0x0] =	vst.idx.msk $0xffff, v55  }
0x160: {  	[tilespmem:s31], [sflag:$0x1] =	stream.linear.gather @!p0 [hbm4b:s30+s29], $0x400, $0x38;
	[tilespmem:$0xA800] =	vst v63  }
0x161: {  	_ =	swait.ge [sflag:s16], $0x400  }
0x162: {  	[sflag:s16] =	ssyncset.done $0x0  }
0x163: {  	[sflag:s16] =	ssyncadd.s32 $0xFFFFFC00  }
0x164: {  	v9 =	vld.idx.msk [tilespmem:v56+s17+$0x0], $0xffff;
	_ =	sdelay $0x4  }
0x165: {  	v9 =	vsub.f32 $0.0e+00, v9;
	_ =	sdelay $0x1  }
0x166: {  	v9 =	vmul.f32 $1.442695020e+00, v9;
	_ =	sdelay $0x1  }
0x167: {  	(erf) = vpow2.f32 v9;
	_ =	sdelay $0x5  }
0x168: {  	(v2sf) =	vpush @!p0 v5, $0xC;
	_ =	sdelay $0x2  }
0x169: {  	v9 =	vpop (erf)  }
0x16a: {  	v9 =	vadd.f32 $1.000000000e+00, v9;
	_ =	sdelay $0x1  }
0x16b: {  	s31 =	sadd.s32 $0xC, s28;
	(erf) = vrcp.f32 v9  }
0x16c: {  	v57 =	vmov s31  }
0x16d: {  	v58 =	vshll.u32 v57, $0x3  }
0x16e: {  	v10 =	vand.u32 $0x1C00, v58;
	v9 =	vand.u32 $0x6C, v57  }
0x16f: {  	v9 =	vor.u32 v10, v9  }
0x170: {  	v9 =	vor.u32 v2, v9;
	_ =	sdelay $0x2  }
0x171: {  	v59 =	vbroadcast v8, $0xD  }
0x172: {  	s30 =	spop @!p0 (v2sf);
	v60 =	vpop (erf)  }
0x173: {  	v61 =	vadd.s32 v2, v59;
	s31 =	simm.s32 @!p0 $0x3400;
	s30 =	sadd.s32 @!p0 s30, s5;
	[tilespmem:v9+s18+$0x0] =	vst.idx.msk $0xffff, v60  }
0x174: {  	[tilespmem:s31], [sflag:$0x1] =	stream.linear.gather @!p0 [hbm4b:s30+s29], $0x400, $0x38;
	[tilespmem:$0xA800] =	vst v63  }
0x175: {  	_ =	swait.ge [sflag:s16], $0x400  }
0x176: {  	[sflag:s16] =	ssyncset.done $0x0  }
0x177: {  	[sflag:s16] =	ssyncadd.s32 $0xFFFFFC00  }
0x178: {  	v9 =	vld.idx.msk [tilespmem:v61+s17+$0x0], $0xffff;
	_ =	sdelay $0x4  }
0x179: {  	v9 =	vsub.f32 $0.0e+00, v9;
	_ =	sdelay $0x1  }
0x17a: {  	v9 =	vmul.f32 $1.442695020e+00, v9;
	_ =	sdelay $0x1  }
0x17b: {  	(erf) = vpow2.f32 v9;
	_ =	sdelay $0x5  }
0x17c: {  	(v2sf) =	vpush @!p0 v5, $0xD;
	_ =	sdelay $0x2  }
0x17d: {  	v9 =	vpop (erf)  }
0x17e: {  	v9 =	vadd.f32 $1.000000000e+00, v9;
	_ =	sdelay $0x1  }
0x17f: {  	s31 =	sadd.s32 $0xD, s28;
	(erf) = vrcp.f32 v9  }
0x180: {  	v62 =	vmov s31  }
0x181: {  	v63 =	vshll.u32 v62, $0x3  }
0x182: {  	v10 =	vand.u32 $0x1C00, v63;
	v9 =	vand.u32 $0x6D, v62  }
0x183: {  	v9 =	vor.u32 v10, v9  }
0x184: {  	v9 =	vor.u32 v2, v9;
	_ =	sdelay $0x2  }
0x185: {  	v12 =	vbroadcast v8, $0xE  }
0x186: {  	s30 =	spop @!p0 (v2sf);
	v13 =	vpop (erf)  }
0x187: {  	v14 =	vadd.s32 v2, v12;
	s31 =	simm.s32 @!p0 $0x3800;
	s30 =	sadd.s32 @!p0 s30, s5;
	[tilespmem:v9+s18+$0x0] =	vst.idx.msk $0xffff, v13  }
0x188: {  	[tilespmem:s31], [sflag:$0x1] =	stream.linear.gather @!p0 [hbm4b:s30+s29], $0x400, $0x38;
	[tilespmem:$0xA800] =	vst v63  }
0x189: {  	_ =	swait.ge [sflag:s16], $0x400  }
0x18a: {  	[sflag:s16] =	ssyncset.done $0x0  }
0x18b: {  	[sflag:s16] =	ssyncadd.s32 $0xFFFFFC00  }
0x18c: {  	v9 =	vld.idx.msk [tilespmem:v14+s17+$0x0], $0xffff;
	_ =	sdelay $0x4  }
0x18d: {  	v9 =	vsub.f32 $0.0e+00, v9;
	_ =	sdelay $0x1  }
0x18e: {  	v9 =	vmul.f32 $1.442695020e+00, v9;
	_ =	sdelay $0x1  }
0x18f: {  	(erf) = vpow2.f32 v9;
	_ =	sdelay $0x5  }
0x190: {  	(v2sf) =	vpush @!p0 v5, $0xE;
	_ =	sdelay $0x2  }
0x191: {  	v9 =	vpop (erf)  }
0x192: {  	v9 =	vadd.f32 $1.000000000e+00, v9;
	_ =	sdelay $0x1  }
0x193: {  	s31 =	sadd.s32 $0xE, s28;
	(erf) = vrcp.f32 v9  }
0x194: {  	v15 =	vmov s31  }
0x195: {  	v16 =	vshll.u32 v15, $0x3  }
0x196: {  	v10 =	vand.u32 $0x1C00, v16;
	v9 =	vand.u32 $0x6E, v15  }
0x197: {  	v9 =	vor.u32 v10, v9  }
0x198: {  	v9 =	vor.u32 v2, v9;
	_ =	sdelay $0x2  }
0x199: {  	v8 =	vbroadcast v8, $0xF  }
0x19a: {  	s30 =	spop @!p0 (v2sf);
	v17 =	vpop (erf)  }
0x19b: {  	v8 =	vadd.s32 v2, v8;
	s31 =	simm.s32 @!p0 $0x3C00;
	s30 =	sadd.s32 @!p0 s30, s5;
	[tilespmem:v9+s18+$0x0] =	vst.idx.msk $0xffff, v17  }
0x19c: {  	[tilespmem:s31], [sflag:$0x1] =	stream.linear.gather @!p0 [hbm4b:s30+s29], $0x400, $0x38;
	[tilespmem:$0xA800] =	vst v63  }
0x19d: {  	_ =	swait.ge [sflag:s16], $0x400  }
0x19e: {  	[sflag:s16] =	ssyncset.done $0x0  }
0x19f: {  	[sflag:s16] =	ssyncadd.s32 $0xFFFFFC00  }
0x1a0: {  	v8 =	vld.idx.msk [tilespmem:v8+s17+$0x0], $0xffff;
	_ =	sdelay $0x4  }
0x1a1: {  	v8 =	vsub.f32 $0.0e+00, v8;
	_ =	sdelay $0x1  }
0x1a2: {  	v8 =	vmul.f32 $1.442695020e+00, v8;
	_ =	sdelay $0x1  }
0x1a3: {  	(erf) = vpow2.f32 v8;
	_ =	sdelay $0x5  }
0x1a4: {  	(v2sf) =	vpush @!p0 v5, $0xF;
	_ =	sdelay $0x2  }
0x1a5: {  	v8 =	vpop (erf)  }
0x1a6: {  	v8 =	vadd.f32 $1.000000000e+00, v8;
	_ =	sdelay $0x1  }
0x1a7: {  	s31 =	sadd.s32 $0xF, s28;
	(erf) = vrcp.f32 v8  }
0x1a8: {  	v8 =	vmov s31  }
0x1a9: {  	v18 =	vshll.u32 v8, $0x3  }
0x1aa: {  	v8 =	vand.u32 $0x6F, v8;
	v9 =	vand.u32 $0x1C00, v18  }
0x1ab: {  	v8 =	vor.u32 v9, v8  }
0x1ac: {  	v8 =	vor.u32 v2, v8  }
0x1ad: {  	v7 =	vshll.u32 v7, $0xA  }
0x1ae: {  	v7 =	vadd.s32 v7, v6  }
0x1af: {  	v6 =	vbroadcast v7, $0x0  }
0x1b0: {  	s30 =	spop @!p0 (v2sf);
	v19 =	vpop (erf)  }
0x1b1: {  	v6 =	vadd.s32 v2, v6;
	s30 =	sadd.s32 @!p0 s30, s5;
	s31 =	simm.s32 @!p0 $0x4000;
	[tilespmem:v8+s18+$0x0] =	vst.idx.msk $0xffff, v19  }
0x1b2: {  	[tilespmem:s31], [sflag:$0x1] =	stream.linear.gather @!p0 [hbm4b:s30+s29], $0x400, $0x38;
	[tilespmem:$0xA800] =	vst v63  }
0x1b3: {  	_ =	swait.ge [sflag:s16], $0x400  }
0x1b4: {  	[sflag:s16] =	ssyncset.done $0x0  }
0x1b5: {  	[sflag:s16] =	ssyncadd.s32 $0xFFFFFC00  }
0x1b6: {  	v6 =	vld.idx.msk [tilespmem:v6+s17+$0x0], $0xffff;
	_ =	sdelay $0x4  }
0x1b7: {  	v6 =	vsub.f32 $0.0e+00, v6;
	_ =	sdelay $0x1  }
0x1b8: {  	v6 =	vmul.f32 $1.442695020e+00, v6;
	_ =	sdelay $0x1  }
0x1b9: {  	(erf) = vpow2.f32 v6;
	_ =	sdelay $0x2  }
0x1ba: {  	v6 =	vshrl.u32 v4, $0x7  }
0x1bb: {  	v6 =	vmin.u32 v6, $0x1E83  }
0x1bc: {  	v6 =	vshll.u32 v6, $0x7  }
0x1bd: {  	(v2sf) =	vpush @!p0 v6, $0x0;
	_ =	sdelay $0x2  }
0x1be: {  	v8 =	vpop (erf)  }
0x1bf: {  	v8 =	vadd.f32 $1.000000000e+00, v8;
	_ =	sdelay $0x1  }
0x1c0: {  	s31 =	sadd.s32 $0x10, s28;
	(erf) = vrcp.f32 v8  }
0x1c1: {  	v8 =	vmov s31  }
0x1c2: {  	v20 =	vshll.u32 v8, $0x3  }
0x1c3: {  	v8 =	vand.u32 $0x70, v8;
	v9 =	vand.u32 $0x1C00, v20  }
0x1c4: {  	v8 =	vor.u32 v9, v8  }
0x1c5: {  	v8 =	vor.u32 v2, v8;
	_ =	sdelay $0x2  }
0x1c6: {  	v21 =	vbroadcast v7, $0x1  }
0x1c7: {  	s30 =	spop @!p0 (v2sf);
	v22 =	vpop (erf)  }
0x1c8: {  	s31 =	simm.s32 @!p0 $0x4400;
	s30 =	sadd.s32 @!p0 s30, s5;
	[tilespmem:v8+s18+$0x0] =	vst.idx.msk $0xffff, v22;
	v8 =	vadd.s32 v2, v21  }
0x1c9: {  	[tilespmem:s31], [sflag:$0x1] =	stream.linear.gather @!p0 [hbm4b:s30+s29], $0x400, $0x38;
	[tilespmem:$0xA800] =	vst v63  }
0x1ca: {  	_ =	swait.ge [sflag:s16], $0x400  }
0x1cb: {  	[sflag:s16] =	ssyncset.done $0x0  }
0x1cc: {  	[sflag:s16] =	ssyncadd.s32 $0xFFFFFC00  }
0x1cd: {  	v8 =	vld.idx.msk [tilespmem:v8+s17+$0x0], $0xffff;
	_ =	sdelay $0x4  }
0x1ce: {  	v8 =	vsub.f32 $0.0e+00, v8;
	_ =	sdelay $0x1  }
0x1cf: {  	v8 =	vmul.f32 $1.442695020e+00, v8;
	_ =	sdelay $0x1  }
0x1d0: {  	(erf) = vpow2.f32 v8;
	_ =	sdelay $0x5  }
0x1d1: {  	(v2sf) =	vpush @!p0 v6, $0x1;
	_ =	sdelay $0x2  }
0x1d2: {  	v8 =	vpop (erf)  }
0x1d3: {  	v8 =	vadd.f32 $1.000000000e+00, v8;
	_ =	sdelay $0x1  }
0x1d4: {  	s31 =	sadd.s32 $0x11, s28;
	(erf) = vrcp.f32 v8  }
0x1d5: {  	v8 =	vmov s31  }
0x1d6: {  	v23 =	vshll.u32 v8, $0x3  }
0x1d7: {  	v8 =	vand.u32 $0x71, v8;
	v9 =	vand.u32 $0x1C00, v23  }
0x1d8: {  	v8 =	vor.u32 v9, v8  }
0x1d9: {  	v8 =	vor.u32 v2, v8;
	_ =	sdelay $0x2  }
0x1da: {  	v24 =	vbroadcast v7, $0x2  }
0x1db: {  	s30 =	spop @!p0 (v2sf);
	v25 =	vpop (erf)  }
0x1dc: {  	s30 =	sadd.s32 @!p0 s30, s5;
	s31 =	simm.s32 @!p0 $0x4800;
	[tilespmem:v8+s18+$0x0] =	vst.idx.msk $0xffff, v25;
	v8 =	vadd.s32 v2, v24  }
0x1dd: {  	[tilespmem:s31], [sflag:$0x1] =	stream.linear.gather @!p0 [hbm4b:s30+s29], $0x400, $0x38;
	[tilespmem:$0xA800] =	vst v63  }
0x1de: {  	_ =	swait.ge [sflag:s16], $0x400  }
0x1df: {  	[sflag:s16] =	ssyncset.done $0x0  }
0x1e0: {  	[sflag:s16] =	ssyncadd.s32 $0xFFFFFC00  }
0x1e1: {  	v8 =	vld.idx.msk [tilespmem:v8+s17+$0x0], $0xffff;
	_ =	sdelay $0x4  }
0x1e2: {  	v8 =	vsub.f32 $0.0e+00, v8;
	_ =	sdelay $0x1  }
0x1e3: {  	v8 =	vmul.f32 $1.442695020e+00, v8;
	_ =	sdelay $0x1  }
0x1e4: {  	(erf) = vpow2.f32 v8;
	_ =	sdelay $0x5  }
0x1e5: {  	(v2sf) =	vpush @!p0 v6, $0x2;
	_ =	sdelay $0x2  }
0x1e6: {  	v8 =	vpop (erf)  }
0x1e7: {  	v8 =	vadd.f32 $1.000000000e+00, v8;
	_ =	sdelay $0x1  }
0x1e8: {  	s31 =	sadd.s32 $0x12, s28;
	(erf) = vrcp.f32 v8  }
0x1e9: {  	v8 =	vmov s31  }
0x1ea: {  	v26 =	vshll.u32 v8, $0x3  }
0x1eb: {  	v8 =	vand.u32 $0x72, v8;
	v9 =	vand.u32 $0x1C00, v26  }
0x1ec: {  	v8 =	vor.u32 v9, v8  }
0x1ed: {  	v8 =	vor.u32 v2, v8;
	_ =	sdelay $0x2  }
0x1ee: {  	v27 =	vbroadcast v7, $0x3  }
0x1ef: {  	s30 =	spop @!p0 (v2sf);
	v28 =	vpop (erf)  }
0x1f0: {  	s30 =	sadd.s32 @!p0 s30, s5;
	s31 =	simm.s32 @!p0 $0x4C00;
	[tilespmem:v8+s18+$0x0] =	vst.idx.msk $0xffff, v28;
	v8 =	vadd.s32 v2, v27  }
0x1f1: {  	[tilespmem:s31], [sflag:$0x1] =	stream.linear.gather @!p0 [hbm4b:s30+s29], $0x400, $0x38;
	[tilespmem:$0xA800] =	vst v63  }
0x1f2: {  	_ =	swait.ge [sflag:s16], $0x400  }
0x1f3: {  	[sflag:s16] =	ssyncset.done $0x0  }
0x1f4: {  	[sflag:s16] =	ssyncadd.s32 $0xFFFFFC00  }
0x1f5: {  	v8 =	vld.idx.msk [tilespmem:v8+s17+$0x0], $0xffff;
	_ =	sdelay $0x4  }
0x1f6: {  	v8 =	vsub.f32 $0.0e+00, v8;
	_ =	sdelay $0x1  }
0x1f7: {  	v8 =	vmul.f32 $1.442695020e+00, v8;
	_ =	sdelay $0x1  }
0x1f8: {  	(erf) = vpow2.f32 v8;
	_ =	sdelay $0x5  }
0x1f9: {  	(v2sf) =	vpush @!p0 v6, $0x3;
	_ =	sdelay $0x2  }
0x1fa: {  	v8 =	vpop (erf)  }
0x1fb: {  	v8 =	vadd.f32 $1.000000000e+00, v8;
	_ =	sdelay $0x1  }
0x1fc: {  	s31 =	sadd.s32 $0x13, s28;
	(erf) = vrcp.f32 v8  }
0x1fd: {  	v8 =	vmov s31  }
0x1fe: {  	v29 =	vshll.u32 v8, $0x3  }
0x1ff: {  	v8 =	vand.u32 $0x73, v8;
	v9 =	vand.u32 $0x1C00, v29  }
0x200: {  	v8 =	vor.u32 v9, v8  }
0x201: {  	v8 =	vor.u32 v2, v8;
	_ =	sdelay $0x2  }
0x202: {  	v30 =	vbroadcast v7, $0x4  }
0x203: {  	s30 =	spop @!p0 (v2sf);
	v31 =	vpop (erf)  }
0x204: {  	s30 =	sadd.s32 @!p0 s30, s5;
	s31 =	simm.s32 @!p0 $0x5000;
	[tilespmem:v8+s18+$0x0] =	vst.idx.msk $0xffff, v31;
	v8 =	vadd.s32 v2, v30  }
0x205: {  	[tilespmem:s31], [sflag:$0x1] =	stream.linear.gather @!p0 [hbm4b:s30+s29], $0x400, $0x38;
	[tilespmem:$0xA800] =	vst v63  }
0x206: {  	_ =	swait.ge [sflag:s16], $0x400  }
0x207: {  	[sflag:s16] =	ssyncset.done $0x0  }
0x208: {  	[sflag:s16] =	ssyncadd.s32 $0xFFFFFC00  }
0x209: {  	v8 =	vld.idx.msk [tilespmem:v8+s17+$0x0], $0xffff;
	_ =	sdelay $0x4  }
0x20a: {  	v8 =	vsub.f32 $0.0e+00, v8;
	_ =	sdelay $0x1  }
0x20b: {  	v8 =	vmul.f32 $1.442695020e+00, v8;
	_ =	sdelay $0x1  }
0x20c: {  	(erf) = vpow2.f32 v8;
	_ =	sdelay $0x5  }
0x20d: {  	(v2sf) =	vpush @!p0 v6, $0x4;
	_ =	sdelay $0x2  }
0x20e: {  	v8 =	vpop (erf)  }
0x20f: {  	v8 =	vadd.f32 $1.000000000e+00, v8;
	_ =	sdelay $0x1  }
0x210: {  	s31 =	sadd.s32 $0x14, s28;
	(erf) = vrcp.f32 v8  }
0x211: {  	v8 =	vmov s31  }
0x212: {  	v32 =	vshll.u32 v8, $0x3  }
0x213: {  	v8 =	vand.u32 $0x74, v8;
	v9 =	vand.u32 $0x1C00, v32  }
0x214: {  	v8 =	vor.u32 v9, v8  }
0x215: {  	v8 =	vor.u32 v2, v8;
	_ =	sdelay $0x2  }
0x216: {  	v33 =	vbroadcast v7, $0x5  }
0x217: {  	s30 =	spop @!p0 (v2sf);
	v34 =	vpop (erf)  }
0x218: {  	s30 =	sadd.s32 @!p0 s30, s5;
	s31 =	simm.s32 @!p0 $0x5400;
	[tilespmem:v8+s18+$0x0] =	vst.idx.msk $0xffff, v34;
	v8 =	vadd.s32 v2, v33  }
0x219: {  	[tilespmem:s31], [sflag:$0x1] =	stream.linear.gather @!p0 [hbm4b:s30+s29], $0x400, $0x38;
	[tilespmem:$0xA800] =	vst v63  }
0x21a: {  	_ =	swait.ge [sflag:s16], $0x400  }
0x21b: {  	[sflag:s16] =	ssyncset.done $0x0  }
0x21c: {  	[sflag:s16] =	ssyncadd.s32 $0xFFFFFC00  }
0x21d: {  	v8 =	vld.idx.msk [tilespmem:v8+s17+$0x0], $0xffff;
	_ =	sdelay $0x4  }
0x21e: {  	v8 =	vsub.f32 $0.0e+00, v8;
	_ =	sdelay $0x1  }
0x21f: {  	v8 =	vmul.f32 $1.442695020e+00, v8;
	_ =	sdelay $0x1  }
0x220: {  	(erf) = vpow2.f32 v8;
	_ =	sdelay $0x5  }
0x221: {  	(v2sf) =	vpush @!p0 v6, $0x5;
	_ =	sdelay $0x2  }
0x222: {  	v8 =	vpop (erf)  }
0x223: {  	v8 =	vadd.f32 $1.000000000e+00, v8;
	_ =	sdelay $0x1  }
0x224: {  	s31 =	sadd.s32 $0x15, s28;
	(erf) = vrcp.f32 v8  }
0x225: {  	v8 =	vmov s31  }
0x226: {  	v35 =	vshll.u32 v8, $0x3  }
0x227: {  	v8 =	vand.u32 $0x75, v8;
	v9 =	vand.u32 $0x1C00, v35  }
0x228: {  	v8 =	vor.u32 v9, v8  }
0x229: {  	v8 =	vor.u32 v2, v8;
	_ =	sdelay $0x2  }
0x22a: {  	v36 =	vbroadcast v7, $0x6  }
0x22b: {  	s30 =	spop @!p0 (v2sf);
	v37 =	vpop (erf)  }
0x22c: {  	s30 =	sadd.s32 @!p0 s30, s5;
	s31 =	simm.s32 @!p0 $0x5800;
	[tilespmem:v8+s18+$0x0] =	vst.idx.msk $0xffff, v37;
	v8 =	vadd.s32 v2, v36  }
0x22d: {  	[tilespmem:s31], [sflag:$0x1] =	stream.linear.gather @!p0 [hbm4b:s30+s29], $0x400, $0x38;
	[tilespmem:$0xA800] =	vst v63  }
0x22e: {  	_ =	swait.ge [sflag:s16], $0x400  }
0x22f: {  	[sflag:s16] =	ssyncset.done $0x0  }
0x230: {  	[sflag:s16] =	ssyncadd.s32 $0xFFFFFC00  }
0x231: {  	v8 =	vld.idx.msk [tilespmem:v8+s17+$0x0], $0xffff;
	_ =	sdelay $0x4  }
0x232: {  	v8 =	vsub.f32 $0.0e+00, v8;
	_ =	sdelay $0x1  }
0x233: {  	v8 =	vmul.f32 $1.442695020e+00, v8;
	_ =	sdelay $0x1  }
0x234: {  	(erf) = vpow2.f32 v8;
	_ =	sdelay $0x5  }
0x235: {  	(v2sf) =	vpush @!p0 v6, $0x6;
	_ =	sdelay $0x2  }
0x236: {  	v8 =	vpop (erf)  }
0x237: {  	v8 =	vadd.f32 $1.000000000e+00, v8;
	_ =	sdelay $0x1  }
0x238: {  	s31 =	sadd.s32 $0x16, s28;
	(erf) = vrcp.f32 v8  }
0x239: {  	v8 =	vmov s31  }
0x23a: {  	v38 =	vshll.u32 v8, $0x3  }
0x23b: {  	v8 =	vand.u32 $0x76, v8;
	v9 =	vand.u32 $0x1C00, v38  }
0x23c: {  	v8 =	vor.u32 v9, v8  }
0x23d: {  	v8 =	vor.u32 v2, v8;
	_ =	sdelay $0x2  }
0x23e: {  	v39 =	vbroadcast v7, $0x7  }
0x23f: {  	s30 =	spop @!p0 (v2sf);
	v40 =	vpop (erf)  }
0x240: {  	s30 =	sadd.s32 @!p0 s30, s5;
	s31 =	simm.s32 @!p0 $0x5C00;
	[tilespmem:v8+s18+$0x0] =	vst.idx.msk $0xffff, v40;
	v8 =	vadd.s32 v2, v39  }
0x241: {  	[tilespmem:s31], [sflag:$0x1] =	stream.linear.gather @!p0 [hbm4b:s30+s29], $0x400, $0x38;
	[tilespmem:$0xA800] =	vst v63  }
0x242: {  	_ =	swait.ge [sflag:s16], $0x400  }
0x243: {  	[sflag:s16] =	ssyncset.done $0x0  }
0x244: {  	[sflag:s16] =	ssyncadd.s32 $0xFFFFFC00  }
0x245: {  	v8 =	vld.idx.msk [tilespmem:v8+s17+$0x0], $0xffff;
	_ =	sdelay $0x4  }
0x246: {  	v8 =	vsub.f32 $0.0e+00, v8;
	_ =	sdelay $0x1  }
0x247: {  	v8 =	vmul.f32 $1.442695020e+00, v8;
	_ =	sdelay $0x1  }
0x248: {  	(erf) = vpow2.f32 v8;
	_ =	sdelay $0x5  }
0x249: {  	(v2sf) =	vpush @!p0 v6, $0x7;
	_ =	sdelay $0x2  }
0x24a: {  	v8 =	vpop (erf)  }
0x24b: {  	v8 =	vadd.f32 $1.000000000e+00, v8;
	_ =	sdelay $0x1  }
0x24c: {  	s31 =	sadd.s32 $0x17, s28;
	(erf) = vrcp.f32 v8  }
0x24d: {  	v8 =	vmov s31  }
0x24e: {  	v41 =	vshll.u32 v8, $0x3  }
0x24f: {  	v8 =	vand.u32 $0x77, v8;
	v9 =	vand.u32 $0x1C00, v41  }
0x250: {  	v8 =	vor.u32 v9, v8  }
0x251: {  	v8 =	vor.u32 v2, v8;
	_ =	sdelay $0x2  }
0x252: {  	v42 =	vbroadcast v7, $0x8  }
0x253: {  	s30 =	spop @!p0 (v2sf);
	v43 =	vpop (erf)  }
0x254: {  	s30 =	sadd.s32 @!p0 s30, s5;
	s31 =	simm.s32 @!p0 $0x6000;
	[tilespmem:v8+s18+$0x0] =	vst.idx.msk $0xffff, v43;
	v8 =	vadd.s32 v2, v42  }
0x255: {  	[tilespmem:s31], [sflag:$0x1] =	stream.linear.gather @!p0 [hbm4b:s30+s29], $0x400, $0x38;
	[tilespmem:$0xA800] =	vst v63  }
0x256: {  	_ =	swait.ge [sflag:s16], $0x400  }
0x257: {  	[sflag:s16] =	ssyncset.done $0x0  }
0x258: {  	[sflag:s16] =	ssyncadd.s32 $0xFFFFFC00  }
0x259: {  	v8 =	vld.idx.msk [tilespmem:v8+s17+$0x0], $0xffff;
	_ =	sdelay $0x4  }
0x25a: {  	v8 =	vsub.f32 $0.0e+00, v8;
	_ =	sdelay $0x1  }
0x25b: {  	v8 =	vmul.f32 $1.442695020e+00, v8;
	_ =	sdelay $0x1  }
0x25c: {  	(erf) = vpow2.f32 v8;
	_ =	sdelay $0x5  }
0x25d: {  	(v2sf) =	vpush @!p0 v6, $0x8;
	_ =	sdelay $0x2  }
0x25e: {  	v8 =	vpop (erf)  }
0x25f: {  	v8 =	vadd.f32 $1.000000000e+00, v8;
	_ =	sdelay $0x1  }
0x260: {  	s31 =	sadd.s32 $0x18, s28;
	(erf) = vrcp.f32 v8  }
0x261: {  	v8 =	vmov s31  }
0x262: {  	v44 =	vshll.u32 v8, $0x3  }
0x263: {  	v8 =	vand.u32 $0x78, v8;
	v9 =	vand.u32 $0x1C00, v44  }
0x264: {  	v8 =	vor.u32 v9, v8  }
0x265: {  	v8 =	vor.u32 v2, v8;
	_ =	sdelay $0x2  }
0x266: {  	v45 =	vbroadcast v7, $0x9  }
0x267: {  	s30 =	spop @!p0 (v2sf);
	v46 =	vpop (erf)  }
0x268: {  	s30 =	sadd.s32 @!p0 s30, s5;
	s31 =	simm.s32 @!p0 $0x6400;
	[tilespmem:v8+s18+$0x0] =	vst.idx.msk $0xffff, v46;
	v8 =	vadd.s32 v2, v45  }
0x269: {  	[tilespmem:s31], [sflag:$0x1] =	stream.linear.gather @!p0 [hbm4b:s30+s29], $0x400, $0x38;
	[tilespmem:$0xA800] =	vst v63  }
0x26a: {  	_ =	swait.ge [sflag:s16], $0x400  }
0x26b: {  	[sflag:s16] =	ssyncset.done $0x0  }
0x26c: {  	[sflag:s16] =	ssyncadd.s32 $0xFFFFFC00  }
0x26d: {  	v8 =	vld.idx.msk [tilespmem:v8+s17+$0x0], $0xffff;
	_ =	sdelay $0x4  }
0x26e: {  	v8 =	vsub.f32 $0.0e+00, v8;
	_ =	sdelay $0x1  }
0x26f: {  	v8 =	vmul.f32 $1.442695020e+00, v8;
	_ =	sdelay $0x1  }
0x270: {  	(erf) = vpow2.f32 v8;
	_ =	sdelay $0x5  }
0x271: {  	(v2sf) =	vpush @!p0 v6, $0x9;
	_ =	sdelay $0x2  }
0x272: {  	v8 =	vpop (erf)  }
0x273: {  	v8 =	vadd.f32 $1.000000000e+00, v8;
	_ =	sdelay $0x1  }
0x274: {  	s31 =	sadd.s32 $0x19, s28;
	(erf) = vrcp.f32 v8  }
0x275: {  	v8 =	vmov s31  }
0x276: {  	v47 =	vshll.u32 v8, $0x3  }
0x277: {  	v8 =	vand.u32 $0x79, v8;
	v9 =	vand.u32 $0x1C00, v47  }
0x278: {  	v8 =	vor.u32 v9, v8  }
0x279: {  	v8 =	vor.u32 v2, v8;
	_ =	sdelay $0x2  }
0x27a: {  	v48 =	vbroadcast v7, $0xA  }
0x27b: {  	s30 =	spop @!p0 (v2sf);
	v49 =	vpop (erf)  }
0x27c: {  	s30 =	sadd.s32 @!p0 s30, s5;
	s31 =	simm.s32 @!p0 $0x6800;
	[tilespmem:v8+s18+$0x0] =	vst.idx.msk $0xffff, v49;
	v8 =	vadd.s32 v2, v48  }
0x27d: {  	[tilespmem:s31], [sflag:$0x1] =	stream.linear.gather @!p0 [hbm4b:s30+s29], $0x400, $0x38;
	[tilespmem:$0xA800] =	vst v63  }
0x27e: {  	_ =	swait.ge [sflag:s16], $0x400  }
0x27f: {  	[sflag:s16] =	ssyncset.done $0x0  }
0x280: {  	[sflag:s16] =	ssyncadd.s32 $0xFFFFFC00  }
0x281: {  	v8 =	vld.idx.msk [tilespmem:v8+s17+$0x0], $0xffff;
	_ =	sdelay $0x4  }
0x282: {  	v8 =	vsub.f32 $0.0e+00, v8;
	_ =	sdelay $0x1  }
0x283: {  	v8 =	vmul.f32 $1.442695020e+00, v8;
	_ =	sdelay $0x1  }
0x284: {  	(erf) = vpow2.f32 v8;
	_ =	sdelay $0x5  }
0x285: {  	(v2sf) =	vpush @!p0 v6, $0xA;
	_ =	sdelay $0x2  }
0x286: {  	v8 =	vpop (erf)  }
0x287: {  	v8 =	vadd.f32 $1.000000000e+00, v8;
	_ =	sdelay $0x1  }
0x288: {  	s31 =	sadd.s32 $0x1A, s28;
	(erf) = vrcp.f32 v8  }
0x289: {  	v8 =	vmov s31  }
0x28a: {  	v50 =	vshll.u32 v8, $0x3  }
0x28b: {  	v8 =	vand.u32 $0x7A, v8;
	v9 =	vand.u32 $0x1C00, v50  }
0x28c: {  	v8 =	vor.u32 v9, v8  }
0x28d: {  	v8 =	vor.u32 v2, v8;
	_ =	sdelay $0x2  }
0x28e: {  	v51 =	vbroadcast v7, $0xB  }
0x28f: {  	s30 =	spop @!p0 (v2sf);
	v52 =	vpop (erf)  }
0x290: {  	s30 =	sadd.s32 @!p0 s30, s5;
	s31 =	simm.s32 @!p0 $0x6C00;
	[tilespmem:v8+s18+$0x0] =	vst.idx.msk $0xffff, v52;
	v8 =	vadd.s32 v2, v51  }
0x291: {  	[tilespmem:s31], [sflag:$0x1] =	stream.linear.gather @!p0 [hbm4b:s30+s29], $0x400, $0x38;
	[tilespmem:$0xA800] =	vst v63  }
0x292: {  	_ =	swait.ge [sflag:s16], $0x400  }
0x293: {  	[sflag:s16] =	ssyncset.done $0x0  }
0x294: {  	[sflag:s16] =	ssyncadd.s32 $0xFFFFFC00  }
0x295: {  	v8 =	vld.idx.msk [tilespmem:v8+s17+$0x0], $0xffff;
	_ =	sdelay $0x4  }
0x296: {  	v8 =	vsub.f32 $0.0e+00, v8;
	_ =	sdelay $0x1  }
0x297: {  	v8 =	vmul.f32 $1.442695020e+00, v8;
	_ =	sdelay $0x1  }
0x298: {  	(erf) = vpow2.f32 v8;
	_ =	sdelay $0x5  }
0x299: {  	(v2sf) =	vpush @!p0 v6, $0xB;
	_ =	sdelay $0x2  }
0x29a: {  	v8 =	vpop (erf)  }
0x29b: {  	v8 =	vadd.f32 $1.000000000e+00, v8;
	_ =	sdelay $0x1  }
0x29c: {  	s31 =	sadd.s32 $0x1B, s28;
	(erf) = vrcp.f32 v8  }
0x29d: {  	v8 =	vmov s31  }
0x29e: {  	v53 =	vshll.u32 v8, $0x3  }
0x29f: {  	v8 =	vand.u32 $0x7B, v8;
	v9 =	vand.u32 $0x1C00, v53  }
0x2a0: {  	v8 =	vor.u32 v9, v8  }
0x2a1: {  	v8 =	vor.u32 v2, v8;
	_ =	sdelay $0x2  }
0x2a2: {  	v54 =	vbroadcast v7, $0xC  }
0x2a3: {  	s30 =	spop @!p0 (v2sf);
	v55 =	vpop (erf)  }
0x2a4: {  	s30 =	sadd.s32 @!p0 s30, s5;
	s31 =	simm.s32 @!p0 $0x7000;
	[tilespmem:v8+s18+$0x0] =	vst.idx.msk $0xffff, v55;
	v8 =	vadd.s32 v2, v54  }
0x2a5: {  	[tilespmem:s31], [sflag:$0x1] =	stream.linear.gather @!p0 [hbm4b:s30+s29], $0x400, $0x38;
	[tilespmem:$0xA800] =	vst v63  }
0x2a6: {  	_ =	swait.ge [sflag:s16], $0x400  }
0x2a7: {  	[sflag:s16] =	ssyncset.done $0x0  }
0x2a8: {  	[sflag:s16] =	ssyncadd.s32 $0xFFFFFC00  }
0x2a9: {  	v8 =	vld.idx.msk [tilespmem:v8+s17+$0x0], $0xffff;
	_ =	sdelay $0x4  }
0x2aa: {  	v8 =	vsub.f32 $0.0e+00, v8;
	_ =	sdelay $0x1  }
0x2ab: {  	v8 =	vmul.f32 $1.442695020e+00, v8;
	_ =	sdelay $0x1  }
0x2ac: {  	(erf) = vpow2.f32 v8;
	_ =	sdelay $0x5  }
0x2ad: {  	(v2sf) =	vpush @!p0 v6, $0xC;
	_ =	sdelay $0x2  }
0x2ae: {  	v8 =	vpop (erf)  }
0x2af: {  	v8 =	vadd.f32 $1.000000000e+00, v8;
	_ =	sdelay $0x1  }
0x2b0: {  	s31 =	sadd.s32 $0x1C, s28;
	(erf) = vrcp.f32 v8  }
0x2b1: {  	v8 =	vmov s31  }
0x2b2: {  	v56 =	vshll.u32 v8, $0x3  }
0x2b3: {  	v8 =	vand.u32 $0x7C, v8;
	v9 =	vand.u32 $0x1C00, v56  }
0x2b4: {  	v8 =	vor.u32 v9, v8  }
0x2b5: {  	v8 =	vor.u32 v2, v8;
	_ =	sdelay $0x2  }
0x2b6: {  	v57 =	vbroadcast v7, $0xD  }
0x2b7: {  	s30 =	spop @!p0 (v2sf);
	v58 =	vpop (erf)  }
0x2b8: {  	s30 =	sadd.s32 @!p0 s30, s5;
	s31 =	simm.s32 @!p0 $0x7400;
	[tilespmem:v8+s18+$0x0] =	vst.idx.msk $0xffff, v58;
	v8 =	vadd.s32 v2, v57  }
0x2b9: {  	[tilespmem:s31], [sflag:$0x1] =	stream.linear.gather @!p0 [hbm4b:s30+s29], $0x400, $0x38;
	[tilespmem:$0xA800] =	vst v63  }
0x2ba: {  	_ =	swait.ge [sflag:s16], $0x400  }
0x2bb: {  	[sflag:s16] =	ssyncset.done $0x0  }
0x2bc: {  	[sflag:s16] =	ssyncadd.s32 $0xFFFFFC00  }
0x2bd: {  	v8 =	vld.idx.msk [tilespmem:v8+s17+$0x0], $0xffff;
	_ =	sdelay $0x4  }
0x2be: {  	v8 =	vsub.f32 $0.0e+00, v8;
	_ =	sdelay $0x1  }
0x2bf: {  	v8 =	vmul.f32 $1.442695020e+00, v8;
	_ =	sdelay $0x1  }
0x2c0: {  	(erf) = vpow2.f32 v8;
	_ =	sdelay $0x5  }
0x2c1: {  	(v2sf) =	vpush @!p0 v6, $0xD;
	_ =	sdelay $0x2  }
0x2c2: {  	v8 =	vpop (erf)  }
0x2c3: {  	v8 =	vadd.f32 $1.000000000e+00, v8;
	_ =	sdelay $0x1  }
0x2c4: {  	s31 =	sadd.s32 $0x1D, s28;
	(erf) = vrcp.f32 v8  }
0x2c5: {  	v8 =	vmov s31  }
0x2c6: {  	v59 =	vshll.u32 v8, $0x3  }
0x2c7: {  	v8 =	vand.u32 $0x7D, v8;
	v9 =	vand.u32 $0x1C00, v59  }
0x2c8: {  	v8 =	vor.u32 v9, v8  }
0x2c9: {  	v8 =	vor.u32 v2, v8;
	_ =	sdelay $0x2  }
0x2ca: {  	v60 =	vbroadcast v7, $0xE  }
0x2cb: {  	s30 =	spop @!p0 (v2sf);
	v61 =	vpop (erf)  }
0x2cc: {  	s30 =	sadd.s32 @!p0 s30, s5;
	s31 =	simm.s32 @!p0 $0x7800;
	[tilespmem:v8+s18+$0x0] =	vst.idx.msk $0xffff, v61;
	v8 =	vadd.s32 v2, v60  }
0x2cd: {  	[tilespmem:s31], [sflag:$0x1] =	stream.linear.gather @!p0 [hbm4b:s30+s29], $0x400, $0x38;
	[tilespmem:$0xA800] =	vst v63  }
0x2ce: {  	_ =	swait.ge [sflag:s16], $0x400  }
0x2cf: {  	[sflag:s16] =	ssyncset.done $0x0  }
0x2d0: {  	[sflag:s16] =	ssyncadd.s32 $0xFFFFFC00  }
0x2d1: {  	v8 =	vld.idx.msk [tilespmem:v8+s17+$0x0], $0xffff;
	_ =	sdelay $0x4  }
0x2d2: {  	v8 =	vsub.f32 $0.0e+00, v8;
	_ =	sdelay $0x1  }
0x2d3: {  	v8 =	vmul.f32 $1.442695020e+00, v8;
	_ =	sdelay $0x1  }
0x2d4: {  	(erf) = vpow2.f32 v8;
	_ =	sdelay $0x5  }
0x2d5: {  	(v2sf) =	vpush @!p0 v6, $0xE;
	_ =	sdelay $0x2  }
0x2d6: {  	v8 =	vpop (erf)  }
0x2d7: {  	v8 =	vadd.f32 $1.000000000e+00, v8;
	_ =	sdelay $0x1  }
0x2d8: {  	s31 =	sadd.s32 $0x1E, s28;
	(erf) = vrcp.f32 v8  }
0x2d9: {  	v8 =	vmov s31  }
0x2da: {  	v62 =	vshll.u32 v8, $0x3  }
0x2db: {  	v8 =	vand.u32 $0x7E, v8;
	v9 =	vand.u32 $0x1C00, v62  }
0x2dc: {  	v8 =	vor.u32 v9, v8  }
0x2dd: {  	v8 =	vor.u32 v2, v8;
	_ =	sdelay $0x2  }
0x2de: {  	v7 =	vbroadcast v7, $0xF  }
0x2df: {  	s30 =	spop @!p0 (v2sf);
	v63 =	vpop (erf)  }
0x2e0: {  	v7 =	vadd.s32 v2, v7;
	s30 =	sadd.s32 @!p0 s30, s5;
	s31 =	simm.s32 @!p0 $0x7C00;
	[tilespmem:v8+s18+$0x0] =	vst.idx.msk $0xffff, v63  }
0x2e1: {  	[tilespmem:s31], [sflag:$0x1] =	stream.linear.gather @!p0 [hbm4b:s30+s29], $0x400, $0x38;
	[tilespmem:$0xA800] =	vst v63  }
0x2e2: {  	_ =	swait.ge [sflag:s16], $0x400  }
0x2e3: {  	[sflag:s16] =	ssyncset.done $0x0  }
0x2e4: {  	[sflag:s16] =	ssyncadd.s32 $0xFFFFFC00  }
0x2e5: {  	v7 =	vld.idx.msk [tilespmem:v7+s17+$0x0], $0xffff;
	_ =	sdelay $0x4  }
0x2e6: {  	v7 =	vsub.f32 $0.0e+00, v7;
	_ =	sdelay $0x1  }
0x2e7: {  	v7 =	vmul.f32 $1.442695020e+00, v7;
	_ =	sdelay $0x1  }
0x2e8: {  	(erf) = vpow2.f32 v7;
	_ =	sdelay $0x5  }
0x2e9: {  	(v2sf) =	vpush @!p0 v6, $0xF;
	_ =	sdelay $0x2  }
0x2ea: {  	v7 =	vpop (erf)  }
0x2eb: {  	v7 =	vadd.f32 $1.000000000e+00, v7;
	_ =	sdelay $0x1  }
0x2ec: {  	s31 =	sadd.s32 $0x1F, s28;
	(erf) = vrcp.f32 v7  }
0x2ed: {  	v7 =	vmov s31  }
0x2ee: {  	v8 =	vshll.u32 v7, $0x3  }
0x2ef: {  	v7 =	vand.u32 $0x7F, v7;
	v8 =	vand.u32 $0x1C00, v8  }
0x2f0: {  	v7 =	vor.u32 v8, v7  }
0x2f1: {  	v7 =	vor.u32 v2, v7;
	_ =	sdelay $0x3  }
0x2f2: {  	s28 =	sadd.s32 @!p0 $0x20, s28;
	s30 =	spop @!p0 (v2sf);
	v8 =	vpop (erf)  }
0x2f3: {  	p1 =	sne.s32 @!p0 s28, $0x400;
	s30 =	sadd.s32 @!p0 s30, s5;
	s31 =	simm.s32 @!p0 $0x8000;
	[tilespmem:v7+s18+$0x0] =	vst.idx.msk $0xffff, v8  }
0x2f4: {  	[tilespmem:s31], [sflag:$0x1] =	stream.linear.gather @!p0 [hbm4b:s30+s29], $0x400, $0x38;
	[tilespmem:$0xA800] =	vst v63  }
0x2f5: {  	p0 =	por p0, !p1  }
.Ltmp0:
0x2f6: {  	_ = 	snop;
	(pc) =	sbr.rel @!p0 .LBB2_2-.Ltmp0, $4  }
0x2f7: {  	vm0 =	vgt.s32 v3, $0xF41FF;
	v5 =	vsub.s32 $0x0, v5  }
0x2f8: {  	vm1 =	vgt.s32 v4, $0xF41FF;
	v5 =	vsel vm0, $0xFFF0BE00, v5;
	v6 =	vsub.s32 $0x0, v6  }
0x2f9: {  	v5 =	vadd.s32 v3, v5;
	v6 =	vsel vm1, $0xFFF0BE00, v6;
	v8 =	vsel vm0, $0x20, v0  }
0x2fa: {  	v6 =	vadd.s32 v4, v6;
	v4 =	vmovc v5;
	v7 =	vsel vm1, $0x20, v1;
	v3 =	vmov v8  }
0x2fb: {  	[hbm4b:s6+s1] =	stream.linear.scatter [tilespmem:s18], [sflag:$0x2], $0x80, $0x38;
	[tilespmem:$0xA800] =	vst v63  }
0x2fc: {  	s28 =	sadd.s32 $0x10, s6;
	s29 =	simm.s32 $0x8C00  }
0x2fd: {  	[hbm4b:s28+s1] =	stream.linear.scatter [tilespmem:s29], [sflag:$0x2], $0x80, $0x38;
	[tilespmem:$0xA800] =	vst v63  }
0x2fe: {  	s30 =	sadd.s32 $0x20, s6;
	s31 =	simm.s32 $0x9000  }
0x2ff: {  	[hbm4b:s30+s1] =	stream.linear.scatter [tilespmem:s31], [sflag:$0x2], $0x80, $0x38;
	[tilespmem:$0xA800] =	vst v63  }
0x300: {  	s30 =	sadd.s32 $0x30, s6;
	s31 =	simm.s32 $0x9400  }
0x301: {  	[hbm4b:s30+s1] =	stream.linear.scatter [tilespmem:s31], [sflag:$0x2], $0x80, $0x38;
	[tilespmem:$0xA800] =	vst v63  }
0x302: {  	s30 =	sadd.s32 $0x40, s6;
	s31 =	simm.s32 $0x9800  }
0x303: {  	[hbm4b:s30+s1] =	stream.linear.scatter [tilespmem:s31], [sflag:$0x2], $0x80, $0x38;
	[tilespmem:$0xA800] =	vst v63  }
0x304: {  	s30 =	sadd.s32 $0x50, s6;
	s31 =	simm.s32 $0x9C00  }
0x305: {  	[hbm4b:s30+s1] =	stream.linear.scatter [tilespmem:s31], [sflag:$0x2], $0x80, $0x38;
	[tilespmem:$0xA800] =	vst v63  }
0x306: {  	s30 =	sadd.s32 $0x60, s6;
	s31 =	simm.s32 $0xA000  }
0x307: {  	[hbm4b:s30+s1] =	stream.linear.scatter [tilespmem:s31], [sflag:$0x2], $0x80, $0x38;
	[tilespmem:$0xA800] =	vst v63  }
0x308: {  	s30 =	sadd.s32 $0x70, s6;
	s31 =	simm.s32 $0xA400  }
0x309: {  	[hbm4b:s30+s1] =	stream.linear.scatter [tilespmem:s31], [sflag:$0x2], $0x80, $0x38;
	[tilespmem:$0xA800] =	vst v63  }
0x30a: {  	_ =	swait.ge [sflag:s15], $0x400  }
0x30b: {  	[sflag:s15] =	ssyncset.done $0x0  }
0x30c: {  	s29 =	simm.s32 $0x8880;
	[sflag:s15] =	ssyncadd.s32 $0xFFFFFC00  }
0x30d: {  	[hbm4b:s7+s1] =	stream.linear.scatter [tilespmem:s29], [sflag:$0x2], $0x80, $0x38;
	[tilespmem:$0xA800] =	vst v63  }
0x30e: {  	s30 =	sadd.s32 $0x10, s7;
	s31 =	simm.s32 $0x8C80  }
0x30f: {  	[hbm4b:s30+s1] =	stream.linear.scatter [tilespmem:s31], [sflag:$0x2], $0x80, $0x38;
	[tilespmem:$0xA800] =	vst v63  }
0x310: {  	s30 =	sadd.s32 $0x20, s7;
	s31 =	simm.s32 $0x9080  }
0x311: {  	[hbm4b:s30+s1] =	stream.linear.scatter [tilespmem:s31], [sflag:$0x2], $0x80, $0x38;
	[tilespmem:$0xA800] =	vst v63  }
0x312: {  	s30 =	sadd.s32 $0x30, s7;
	s31 =	simm.s32 $0x9480  }
0x313: {  	[hbm4b:s30+s1] =	stream.linear.scatter [tilespmem:s31], [sflag:$0x2], $0x80, $0x38;
	[tilespmem:$0xA800] =	vst v63  }
0x314: {  	s30 =	sadd.s32 $0x40, s7;
	s31 =	simm.s32 $0x9880  }
0x315: {  	[hbm4b:s30+s1] =	stream.linear.scatter [tilespmem:s31], [sflag:$0x2], $0x80, $0x38;
	[tilespmem:$0xA800] =	vst v63  }
0x316: {  	s30 =	sadd.s32 $0x50, s7;
	s31 =	simm.s32 $0x9C80  }
0x317: {  	[hbm4b:s30+s1] =	stream.linear.scatter [tilespmem:s31], [sflag:$0x2], $0x80, $0x38;
	[tilespmem:$0xA800] =	vst v63  }
0x318: {  	s30 =	sadd.s32 $0x60, s7;
	s31 =	simm.s32 $0xA080  }
0x319: {  	[hbm4b:s30+s1] =	stream.linear.scatter [tilespmem:s31], [sflag:$0x2], $0x80, $0x38;
	[tilespmem:$0xA800] =	vst v63  }
0x31a: {  	s30 =	sadd.s32 $0x70, s7;
	s31 =	simm.s32 $0xA480  }
0x31b: {  	[hbm4b:s30+s1] =	stream.linear.scatter [tilespmem:s31], [sflag:$0x2], $0x80, $0x38;
	[tilespmem:$0xA800] =	vst v63  }
0x31c: {  	_ =	swait.ge [sflag:s15], $0x400  }
0x31d: {  	[sflag:s15] =	ssyncset.done $0x0  }
0x31e: {  	s29 =	simm.s32 $0x8900;
	[sflag:s15] =	ssyncadd.s32 $0xFFFFFC00  }
0x31f: {  	[hbm4b:s8+s1] =	stream.linear.scatter [tilespmem:s29], [sflag:$0x2], $0x80, $0x38;
	[tilespmem:$0xA800] =	vst v63  }
0x320: {  	s30 =	sadd.s32 $0x10, s8;
	s31 =	simm.s32 $0x8D00  }
0x321: {  	[hbm4b:s30+s1] =	stream.linear.scatter [tilespmem:s31], [sflag:$0x2], $0x80, $0x38;
	[tilespmem:$0xA800] =	vst v63  }
0x322: {  	s30 =	sadd.s32 $0x20, s8;
	s31 =	simm.s32 $0x9100  }
0x323: {  	[hbm4b:s30+s1] =	stream.linear.scatter [tilespmem:s31], [sflag:$0x2], $0x80, $0x38;
	[tilespmem:$0xA800] =	vst v63  }
0x324: {  	s30 =	sadd.s32 $0x30, s8;
	s31 =	simm.s32 $0x9500  }
0x325: {  	[hbm4b:s30+s1] =	stream.linear.scatter [tilespmem:s31], [sflag:$0x2], $0x80, $0x38;
	[tilespmem:$0xA800] =	vst v63  }
0x326: {  	s30 =	sadd.s32 $0x40, s8;
	s31 =	simm.s32 $0x9900  }
0x327: {  	[hbm4b:s30+s1] =	stream.linear.scatter [tilespmem:s31], [sflag:$0x2], $0x80, $0x38;
	[tilespmem:$0xA800] =	vst v63  }
0x328: {  	s30 =	sadd.s32 $0x50, s8;
	s31 =	simm.s32 $0x9D00  }
0x329: {  	[hbm4b:s30+s1] =	stream.linear.scatter [tilespmem:s31], [sflag:$0x2], $0x80, $0x38;
	[tilespmem:$0xA800] =	vst v63  }
0x32a: {  	s30 =	sadd.s32 $0x60, s8;
	s31 =	simm.s32 $0xA100  }
0x32b: {  	[hbm4b:s30+s1] =	stream.linear.scatter [tilespmem:s31], [sflag:$0x2], $0x80, $0x38;
	[tilespmem:$0xA800] =	vst v63  }
0x32c: {  	s30 =	sadd.s32 $0x70, s8;
	s31 =	simm.s32 $0xA500  }
0x32d: {  	[hbm4b:s30+s1] =	stream.linear.scatter [tilespmem:s31], [sflag:$0x2], $0x80, $0x38;
	[tilespmem:$0xA800] =	vst v63  }
0x32e: {  	_ =	swait.ge [sflag:s15], $0x400  }
0x32f: {  	[sflag:s15] =	ssyncset.done $0x0  }
0x330: {  	s29 =	simm.s32 $0x8980;
	[sflag:s15] =	ssyncadd.s32 $0xFFFFFC00  }
0x331: {  	[hbm4b:s9+s1] =	stream.linear.scatter [tilespmem:s29], [sflag:$0x2], $0x80, $0x38;
	[tilespmem:$0xA800] =	vst v63  }
0x332: {  	s30 =	sadd.s32 $0x10, s9;
	s31 =	simm.s32 $0x8D80  }
0x333: {  	[hbm4b:s30+s1] =	stream.linear.scatter [tilespmem:s31], [sflag:$0x2], $0x80, $0x38;
	[tilespmem:$0xA800] =	vst v63  }
0x334: {  	s30 =	sadd.s32 $0x20, s9;
	s31 =	simm.s32 $0x9180  }
0x335: {  	[hbm4b:s30+s1] =	stream.linear.scatter [tilespmem:s31], [sflag:$0x2], $0x80, $0x38;
	[tilespmem:$0xA800] =	vst v63  }
0x336: {  	s30 =	sadd.s32 $0x30, s9;
	s31 =	simm.s32 $0x9580  }
0x337: {  	[hbm4b:s30+s1] =	stream.linear.scatter [tilespmem:s31], [sflag:$0x2], $0x80, $0x38;
	[tilespmem:$0xA800] =	vst v63  }
0x338: {  	s30 =	sadd.s32 $0x40, s9;
	s31 =	simm.s32 $0x9980  }
0x339: {  	[hbm4b:s30+s1] =	stream.linear.scatter [tilespmem:s31], [sflag:$0x2], $0x80, $0x38;
	[tilespmem:$0xA800] =	vst v63  }
0x33a: {  	s30 =	sadd.s32 $0x50, s9;
	s31 =	simm.s32 $0x9D80  }
0x33b: {  	[hbm4b:s30+s1] =	stream.linear.scatter [tilespmem:s31], [sflag:$0x2], $0x80, $0x38;
	[tilespmem:$0xA800] =	vst v63  }
0x33c: {  	s30 =	sadd.s32 $0x60, s9;
	s31 =	simm.s32 $0xA180  }
0x33d: {  	[hbm4b:s30+s1] =	stream.linear.scatter [tilespmem:s31], [sflag:$0x2], $0x80, $0x38;
	[tilespmem:$0xA800] =	vst v63  }
0x33e: {  	s30 =	sadd.s32 $0x70, s9;
	s31 =	simm.s32 $0xA580  }
0x33f: {  	[hbm4b:s30+s1] =	stream.linear.scatter [tilespmem:s31], [sflag:$0x2], $0x80, $0x38;
	[tilespmem:$0xA800] =	vst v63  }
0x340: {  	_ =	swait.ge [sflag:s15], $0x400  }
0x341: {  	[sflag:s15] =	ssyncset.done $0x0  }
0x342: {  	s29 =	simm.s32 $0x8A00;
	[sflag:s15] =	ssyncadd.s32 $0xFFFFFC00  }
0x343: {  	[hbm4b:s10+s1] =	stream.linear.scatter [tilespmem:s29], [sflag:$0x2], $0x80, $0x38;
	[tilespmem:$0xA800] =	vst v63  }
0x344: {  	s30 =	sadd.s32 $0x10, s10;
	s31 =	simm.s32 $0x8E00  }
0x345: {  	[hbm4b:s30+s1] =	stream.linear.scatter [tilespmem:s31], [sflag:$0x2], $0x80, $0x38;
	[tilespmem:$0xA800] =	vst v63  }
0x346: {  	s30 =	sadd.s32 $0x20, s10;
	s31 =	simm.s32 $0x9200  }
0x347: {  	[hbm4b:s30+s1] =	stream.linear.scatter [tilespmem:s31], [sflag:$0x2], $0x80, $0x38;
	[tilespmem:$0xA800] =	vst v63  }
0x348: {  	s30 =	sadd.s32 $0x30, s10;
	s31 =	simm.s32 $0x9600  }
0x349: {  	[hbm4b:s30+s1] =	stream.linear.scatter [tilespmem:s31], [sflag:$0x2], $0x80, $0x38;
	[tilespmem:$0xA800] =	vst v63  }
0x34a: {  	s30 =	sadd.s32 $0x40, s10;
	s31 =	simm.s32 $0x9A00  }
0x34b: {  	[hbm4b:s30+s1] =	stream.linear.scatter [tilespmem:s31], [sflag:$0x2], $0x80, $0x38;
	[tilespmem:$0xA800] =	vst v63  }
0x34c: {  	s30 =	sadd.s32 $0x50, s10;
	s31 =	simm.s32 $0x9E00  }
0x34d: {  	[hbm4b:s30+s1] =	stream.linear.scatter [tilespmem:s31], [sflag:$0x2], $0x80, $0x38;
	[tilespmem:$0xA800] =	vst v63  }
0x34e: {  	s30 =	sadd.s32 $0x60, s10;
	s31 =	simm.s32 $0xA200  }
0x34f: {  	[hbm4b:s30+s1] =	stream.linear.scatter [tilespmem:s31], [sflag:$0x2], $0x80, $0x38;
	[tilespmem:$0xA800] =	vst v63  }
0x350: {  	s30 =	sadd.s32 $0x70, s10;
	s31 =	simm.s32 $0xA600  }
0x351: {  	[hbm4b:s30+s1] =	stream.linear.scatter [tilespmem:s31], [sflag:$0x2], $0x80, $0x38;
	[tilespmem:$0xA800] =	vst v63  }
0x352: {  	_ =	swait.ge [sflag:s15], $0x400  }
0x353: {  	[sflag:s15] =	ssyncset.done $0x0  }
0x354: {  	s29 =	simm.s32 $0x8A80;
	[sflag:s15] =	ssyncadd.s32 $0xFFFFFC00  }
0x355: {  	[hbm4b:s11+s1] =	stream.linear.scatter [tilespmem:s29], [sflag:$0x2], $0x80, $0x38;
	[tilespmem:$0xA800] =	vst v63  }
0x356: {  	s30 =	sadd.s32 $0x10, s11;
	s31 =	simm.s32 $0x8E80  }
0x357: {  	[hbm4b:s30+s1] =	stream.linear.scatter [tilespmem:s31], [sflag:$0x2], $0x80, $0x38;
	[tilespmem:$0xA800] =	vst v63  }
0x358: {  	s30 =	sadd.s32 $0x20, s11;
	s31 =	simm.s32 $0x9280  }
0x359: {  	[hbm4b:s30+s1] =	stream.linear.scatter [tilespmem:s31], [sflag:$0x2], $0x80, $0x38;
	[tilespmem:$0xA800] =	vst v63  }
0x35a: {  	s30 =	sadd.s32 $0x30, s11;
	s31 =	simm.s32 $0x9680  }
0x35b: {  	[hbm4b:s30+s1] =	stream.linear.scatter [tilespmem:s31], [sflag:$0x2], $0x80, $0x38;
	[tilespmem:$0xA800] =	vst v63  }
0x35c: {  	s30 =	sadd.s32 $0x40, s11;
	s31 =	simm.s32 $0x9A80  }
0x35d: {  	[hbm4b:s30+s1] =	stream.linear.scatter [tilespmem:s31], [sflag:$0x2], $0x80, $0x38;
	[tilespmem:$0xA800] =	vst v63  }
0x35e: {  	s30 =	sadd.s32 $0x50, s11;
	s31 =	simm.s32 $0x9E80  }
0x35f: {  	[hbm4b:s30+s1] =	stream.linear.scatter [tilespmem:s31], [sflag:$0x2], $0x80, $0x38;
	[tilespmem:$0xA800] =	vst v63  }
0x360: {  	s30 =	sadd.s32 $0x60, s11;
	s31 =	simm.s32 $0xA280  }
0x361: {  	[hbm4b:s30+s1] =	stream.linear.scatter [tilespmem:s31], [sflag:$0x2], $0x80, $0x38;
	[tilespmem:$0xA800] =	vst v63  }
0x362: {  	s30 =	sadd.s32 $0x70, s11;
	s31 =	simm.s32 $0xA680  }
0x363: {  	[hbm4b:s30+s1] =	stream.linear.scatter [tilespmem:s31], [sflag:$0x2], $0x80, $0x38;
	[tilespmem:$0xA800] =	vst v63  }
0x364: {  	_ =	swait.ge [sflag:s15], $0x400  }
0x365: {  	[sflag:s15] =	ssyncset.done $0x0  }
0x366: {  	s29 =	simm.s32 $0x8B00;
	[sflag:s15] =	ssyncadd.s32 $0xFFFFFC00  }
0x367: {  	[hbm4b:s12+s1] =	stream.linear.scatter [tilespmem:s29], [sflag:$0x2], $0x80, $0x38;
	[tilespmem:$0xA800] =	vst v63  }
0x368: {  	s30 =	sadd.s32 $0x10, s12;
	s31 =	simm.s32 $0x8F00  }
0x369: {  	[hbm4b:s30+s1] =	stream.linear.scatter [tilespmem:s31], [sflag:$0x2], $0x80, $0x38;
	[tilespmem:$0xA800] =	vst v63  }
0x36a: {  	s30 =	sadd.s32 $0x20, s12;
	s31 =	simm.s32 $0x9300  }
0x36b: {  	[hbm4b:s30+s1] =	stream.linear.scatter [tilespmem:s31], [sflag:$0x2], $0x80, $0x38;
	[tilespmem:$0xA800] =	vst v63  }
0x36c: {  	s30 =	sadd.s32 $0x30, s12;
	s31 =	simm.s32 $0x9700  }
0x36d: {  	[hbm4b:s30+s1] =	stream.linear.scatter [tilespmem:s31], [sflag:$0x2], $0x80, $0x38;
	[tilespmem:$0xA800] =	vst v63  }
0x36e: {  	s30 =	sadd.s32 $0x40, s12;
	s31 =	simm.s32 $0x9B00  }
0x36f: {  	[hbm4b:s30+s1] =	stream.linear.scatter [tilespmem:s31], [sflag:$0x2], $0x80, $0x38;
	[tilespmem:$0xA800] =	vst v63  }
0x370: {  	s30 =	sadd.s32 $0x50, s12;
	s31 =	simm.s32 $0x9F00  }
0x371: {  	[hbm4b:s30+s1] =	stream.linear.scatter [tilespmem:s31], [sflag:$0x2], $0x80, $0x38;
	[tilespmem:$0xA800] =	vst v63  }
0x372: {  	s30 =	sadd.s32 $0x60, s12;
	s31 =	simm.s32 $0xA300  }
0x373: {  	[hbm4b:s30+s1] =	stream.linear.scatter [tilespmem:s31], [sflag:$0x2], $0x80, $0x38;
	[tilespmem:$0xA800] =	vst v63  }
0x374: {  	s30 =	sadd.s32 $0x70, s12  }
0x375: {  	[hbm4b:s30+s1] =	stream.linear.scatter [tilespmem:s0], [sflag:$0x2], $0x80, $0x38;
	[tilespmem:$0xA800] =	vst v63  }
0x376: {  	_ =	swait.ge [sflag:s15], $0x400  }
0x377: {  	[sflag:s15] =	ssyncset.done $0x0  }
0x378: {  	[sflag:s15] =	ssyncadd.s32 $0xFFFFFC00  }
0x379: {  	[hbm4b:s13+s1] =	stream.linear.scatter [tilespmem:s2], [sflag:$0x2], $0x80, $0x38;
	[tilespmem:$0xA800] =	vst v63  }
0x37a: {  	s31 =	sadd.s32 $0x10, s13  }
0x37b: {  	[hbm4b:s31+s1] =	stream.linear.scatter [tilespmem:s19], [sflag:$0x2], $0x80, $0x38;
	[tilespmem:$0xA800] =	vst v63  }
0x37c: {  	s29 =	sadd.s32 $0x20, s13  }
0x37d: {  	[hbm4b:s29+s1] =	stream.linear.scatter [tilespmem:s20], [sflag:$0x2], $0x80, $0x38;
	[tilespmem:$0xA800] =	vst v63  }
0x37e: {  	s30 =	sadd.s32 $0x30, s13  }
0x37f: {  	[hbm4b:s30+s1] =	stream.linear.scatter [tilespmem:s21], [sflag:$0x2], $0x80, $0x38;
	[tilespmem:$0xA800] =	vst v63  }
0x380: {  	s31 =	sadd.s32 $0x40, s13  }
0x381: {  	[hbm4b:s31+s1] =	stream.linear.scatter [tilespmem:s22], [sflag:$0x2], $0x80, $0x38;
	[tilespmem:$0xA800] =	vst v63  }
0x382: {  	s26 =	sadd.s32 $0x1, s26;
	s29 =	sadd.s32 $0x50, s13  }
0x383: {  	[hbm4b:s29+s1] =	stream.linear.scatter [tilespmem:s23], [sflag:$0x2], $0x80, $0x38;
	[tilespmem:$0xA800] =	vst v63  }
0x384: {  	p0 =	sne.s32 s26, s14;
	s30 =	sadd.s32 $0x60, s13  }
0x385: {  	[hbm4b:s30+s1] =	stream.linear.scatter [tilespmem:s24], [sflag:$0x2], $0x80, $0x38;
	[tilespmem:$0xA800] =	vst v63  }
.Ltmp1:
0x386: {  	s31 =	sadd.s32 $0x70, s13;
	(pc) =	sbr.rel @p0 .LBB2_1-.Ltmp1, $4  }
0x387: {  	[hbm4b:s31+s1] =	stream.linear.scatter [tilespmem:s25], [sflag:$0x2], $0x80, $0x38;
	[tilespmem:$0xA800] =	vst v63  }
0x388: {  	_ =	swait.ge [sflag:s15], $0x400  }
0x389: {  	[sflag:s15] =	ssyncset.done $0x0  }
0x38a: {  	[sflag:s15] =	ssyncadd.s32 $0xFFFFFC00  }
0x38b: {  	_ =	sfence.sel $0x180000  }
0x38c: {  	[bflag:$0x0] =	sbarrier.arrive $0xFFFF  }
0x38d: {  	_ =	strace $0x90000047  }
0x38e: {  	s0 =	stileid.u32;
	[bflag:$0x2] =	sbarrier.arrive $0xFFFF  }
0x38f: {  	p0 =	sne.s32 s0, $0x0;
	s0 =	rddreg [dreg:$0x4]  }
0x390: {  	s0 =	sadd.s32 @!p0 $0x100000, s0  }
0x391: {  	[sflag:s0] =	ssyncadd.tile.s32 @!p0 $0x1;
	_ =	shalt  }
.Lfunc_end2:
_tile_overlayer_lowered:
.L_overlay_start_2:
0x392: {  	(tag) =	ssettag $0x2  }
0x393: {  	s0 =	rddreg [dreg:$0x0];
	s2 =	stileid.u32  }
0x394: {  	s1 =	rddreg [dreg:$0x1];
	p0 =	sne.s32 s2, $0x0  }
0x395: {  	s3 =	rddreg [dreg:$0x2];
	[bflag:$0x3] =	sbarrier.arrive $0xFFFF;
	s2 =	simm.s32 @!p0 $0x1C02  }
0x396: {  	[timem:s3], [sflag:s2] =	dma.local @!p0 [hbm:s0], s1  }
0x397: {  	s0 =	simm.s32 @!p0 $0x2  }
0x398: {  	_ =	swait.ge @!p0 [sflag:s0], s1  }
0x399: {  	s1 =	ssub.s32 @!p0 $0x0, s1;
	[sflag:s0] =	ssyncset.done @!p0 $0x0  }
0x39a: {  	[sflag:s0] =	ssyncadd.s32 @!p0 s1  }
0x39b: {  	[bflag:$0x3] =	sbarrier.arrive $0xFFFF  }
0x39c: {  	_ =	shalt  }

</sc_bundles>
